<compile_context>
chip_gen: v7x
topology: tpu7x:2x2x1
jax: 0.10.2.dev20260603
libtpu: 0.0.44.dev20260713+nightly
codegen_flags: <defaults>
</compile_context>

<pallas_src>
import functools

import jax
import jax.numpy as jnp
from jax import lax
from jax.experimental import pallas as pl
from jax.experimental.pallas import tpu as pltpu
from jax.experimental.pallas import tpu_sc as plsc

HIDDEN = 64
OUT_DIM = 64
EPS = 1e-12

_Q = 256000
_AC = 5120
_NQB = _Q // _AC

_NC = 2
_NS = 16
_NW = _NC * _NS

_GSTEP = 640


def _table_g_body(x0_ref, x1_ref, x2_ref, x3_ref, wl_ref, blr_ref, o_ref):
    wl = wl_ref[...]
    blr = blr_ref[...]

    def gbits(x):
        u = jnp.mean(x, axis=0, keepdims=True)
        d = x - u
        s = jnp.mean(d * d, axis=0, keepdims=True)
        xn = d * lax.rsqrt(s + EPS)
        y = lax.dot_general(
            xn, wl, (((0,), (1,)), ((), ())),
            preferred_element_type=jnp.float32,
        ) + blr
        t = lax.bitcast_convert_type(y, jnp.int32)
        t = t + 0x7FFF + ((t >> 16) & 1)
        return (t >> 16) & 0xFFFF

    o_ref[:, 0:HIDDEN] = gbits(x0_ref[...]) | (gbits(x2_ref[...]) << 16)
    o_ref[:, HIDDEN:2 * HIDDEN] = gbits(x1_ref[...]) | (gbits(x3_ref[...]) << 16)


def _table_g(tableT, wl, bl):
    h, vocab = tableT.shape
    n3_last = (vocab - 3 * _Q - 1) // _AC
    return pl.pallas_call(
        _table_g_body,
        grid=(_NQB,),
        in_specs=[
            pl.BlockSpec((h, _AC), lambda i: (0, i)),
            pl.BlockSpec((h, _AC), lambda i: (0, _NQB + i)),
            pl.BlockSpec((h, _AC), lambda i: (0, 2 * _NQB + i)),
            pl.BlockSpec((h, _AC),
                         lambda i: (0, 3 * _NQB + jnp.minimum(i, n3_last))),
            pl.BlockSpec((h, h), lambda i: (0, 0)),
            pl.BlockSpec((1, h), lambda i: (0, 0)),
        ],
        out_specs=pl.BlockSpec((_AC, 2 * h), lambda i: (i, 0)),
        out_shape=jax.ShapeDtypeStruct((_Q, 2 * h), jnp.int32),
        compiler_params=pltpu.CompilerParams(fuse_transposed_lhs_in_matmul=True),
    )(tableT, tableT, tableT, tableT, wl, bl)


def _make_sc_gather(n_tok):
    per_w = n_tok // _NW
    step = _GSTEP
    n_outer = per_w // step
    assert per_w % step == 0
    mesh = plsc.VectorSubcoreMesh(core_axis_name="c", subcore_axis_name="s")

    half = step // 2

    @functools.partial(
        pl.kernel,
        mesh=mesh,
        out_type=jax.ShapeDtypeStruct((n_tok, HIDDEN), jnp.int32),
        scratch_types=[
            pltpu.VMEM((half,), jnp.int32),
            pltpu.VMEM((half,), jnp.int32),
            pltpu.VMEM((step,), jnp.int32),
            pltpu.VMEM((step,), jnp.int32),
            pltpu.VMEM((step, HIDDEN), jnp.int32),
            pltpu.VMEM((step, HIDDEN), jnp.int32),
            pltpu.SemaphoreType.DMA,
            pltpu.SemaphoreType.DMA,
        ],
        compiler_params=pltpu.CompilerParams(
            use_tc_tiling_on_sc=False, needs_layout_passes=False),
    )
    def sc_gather(g_hbm, ilo_hbm, ihi_hbm, out_hbm, lo_v, hi_v,
                  int_v0, int_v1, rows_v0, rows_v1, gsem, ssem):
        wid = lax.axis_index("s") * _NC + lax.axis_index("c")
        base = wid * per_w
        int_bufs = (int_v0, int_v1)
        row_bufs = (rows_v0, rows_v1)
        lanes = lax.iota(jnp.int32, 16)
        pending = [None, None]
        for it in range(n_outer):
            p = it % 2
            off = base + it * step
            hoff = wid * (per_w // 2) + it * half
            pltpu.sync_copy(ilo_hbm.at[pl.ds(hoff, half)], lo_v)
            pltpu.sync_copy(ihi_hbm.at[pl.ds(hoff, half)], hi_v)
            for v in range(half // 16):
                dst = 2 * (v * 16 + lanes)
                plsc.store_scatter(int_bufs[p], [dst],
                                   lo_v[pl.ds(v * 16, 16)])
                plsc.store_scatter(int_bufs[p], [dst + 1],
                                   hi_v[pl.ds(v * 16, 16)])
            if pending[p] is not None:
                pending[p].wait()
            pltpu.async_copy(g_hbm.at[int_bufs[p]], row_bufs[p], gsem).wait()
            pending[p] = pltpu.async_copy(
                row_bufs[p], out_hbm.at[pl.ds(off, step)], ssem)
        pending[0].wait()
        pending[1].wait()

    return sc_gather


def _sel_t_body(e_ref, q_ref, o_ref):
    e = e_ref[...]
    q = q_ref[...]
    lh = e.shape[0]

    def half(w, qh):
        qh3 = qh[:, :, None] >= 2
        bits = jnp.where(qh3, w & jnp.int32(-65536), w << 16)
        x = lax.bitcast_convert_type(bits, jnp.float32)
        return jnp.transpose(x, (0, 2, 1))

    lo = half(e[:, :, 0:HIDDEN], q[0:lh])
    hi = half(e[:, :, HIDDEN:2 * HIDDEN], q[lh:2 * lh])
    o_ref[...] = jnp.concatenate([lo, hi], axis=0)


def _sel_transpose(e4, q2, bb=256):
    lh, b, w = e4.shape
    l = 2 * lh
    assert b % bb == 0
    return pl.pallas_call(
        _sel_t_body,
        grid=(b // bb,),
        in_specs=[
            pl.BlockSpec((lh, bb, w), lambda i: (0, i, 0)),
            pl.BlockSpec((l, bb), lambda i: (0, i)),
        ],
        out_specs=pl.BlockSpec((l, OUT_DIM, bb), lambda i: (0, 0, i)),
        out_shape=jax.ShapeDtypeStruct((l, OUT_DIM, b), jnp.float32),
    )(e4, q2)


def kernel(flat_input_ids, tag_table, ln_weight, ln_bias, fc_w, fc_b):
    b, l = flat_input_ids.shape
    vocab, h = tag_table.shape
    n_tok = b * l

    ids = flat_input_ids.astype(jnp.int32)
    qt = (ids // _Q).T
    ridx = (2 * (ids % _Q) + ((ids // _Q) & 1)).T
    lh = l // 2
    ilo = ridx[0:lh].reshape(-1)
    ihi = ridx[lh:l].reshape(-1)

    wl = fc_w * ln_weight[None, :]
    bl = (fc_w @ ln_bias + fc_b).reshape(1, h)

    g = _table_g(tag_table.T, wl, bl)
    g4 = g.reshape(2 * _Q, h)
    e_g = _make_sc_gather(n_tok)(g4, ilo, ihi)
    e4 = e_g.reshape(lh, b, 128)
    out_t = _sel_transpose(e4, qt)
    return out_t.transpose(2, 0, 1)

# --- scband reference (transcript-rebuilt; emitter-appended) ---
"""Pipeline reference for scband-tag-emebedding-55198919688715 (READ-ONLY COPY).

The authoritative reference and input builder live on the scoring server;
editing this copy changes nothing except your own understanding.
"""

import jax, jax.numpy as jnp
import numpy as np

VOCAB = 1000000
HIDDEN = 64
OUT_DIM = 64
B = 4096
L = 50
EPS = 1e-12

def setup_inputs(seed: int = 0) -> dict:
    key = jax.random.key(seed)
    k_idx, k_tab, k_fcw, k_fcb = jax.random.split(key, 4)
    flat_input_ids = jax.random.randint(k_idx, (B, L), 0, VOCAB, dtype=jnp.int64 if jax.config.read('jax_enable_x64') else jnp.int32)
    tag_table = jax.random.normal(k_tab, (VOCAB, HIDDEN), dtype=jnp.float32)
    tag_table = tag_table.at[0].set(0.0)  # padding_idx=0
    ln_weight = jnp.ones((HIDDEN,), dtype=jnp.float32)
    ln_bias = jnp.zeros((HIDDEN,), dtype=jnp.float32)
    fc_w = jax.random.normal(k_fcw, (OUT_DIM, HIDDEN), dtype=jnp.float32) * (1.0 / np.sqrt(HIDDEN))
    fc_b = jax.random.normal(k_fcb, (OUT_DIM,), dtype=jnp.float32) * 0.01
    return {"flat_input_ids": flat_input_ids, "tag_table": tag_table, "ln_weight": ln_weight, "ln_bias": ln_bias, "fc_w": fc_w, "fc_b": fc_b}

def reference(flat_input_ids, tag_table, ln_weight, ln_bias, fc_w, fc_b):
    # embedding lookup (gather)
    e = jnp.take(tag_table, flat_input_ids, axis=0)  # [B, L, H]
    # TF-style LayerNorm
    u = jnp.mean(e, axis=-1, keepdims=True)
    s = jnp.mean((e - u) ** 2, axis=-1, keepdims=True)
    x = (e - u) / jnp.sqrt(s + EPS)
    x = ln_weight * x + ln_bias
    # dropout is identity in eval mode
    x = x.reshape(-1, flat_input_ids.shape[1], HIDDEN)
    logit = jnp.einsum('blh,oh->blo', x, fc_w) + fc_b
    return logit

if __name__ == "__main__":
    import jax
    _d = setup_inputs()
    print(jax.jit(kernel)(*tuple(_d.values())))

</pallas_src>

<mosaic_0001>
#map = affine_map<(d0, d1) -> (0, 0)>
#map1 = affine_map<(d0, d1) -> (0)>
module attributes {stable_mosaic.version = 14 : i64} {
  func.func @sc_gather(%arg0: i32, %arg1: i32, %arg2: memref<512000x64xi32, #tpu.memory_space<hbm>>, %arg3: memref<102400xi32, #tpu.memory_space<hbm>>, %arg4: memref<102400xi32, #tpu.memory_space<hbm>>, %arg5: memref<204800x64xi32, #tpu.memory_space<hbm>>, %arg6: memref<320xi32, #tpu.memory_space<vmem>>, %arg7: memref<320xi32, #tpu.memory_space<vmem>>, %arg8: memref<640xi32, #tpu.memory_space<vmem>>, %arg9: memref<640xi32, #tpu.memory_space<vmem>>, %arg10: memref<640x64xi32, #tpu.memory_space<vmem>>, %arg11: memref<640x64xi32, #tpu.memory_space<vmem>>, %arg12: memref<!tpu.dma_semaphore, #tpu.memory_space<semaphore_mem>>, %arg13: memref<!tpu.dma_semaphore, #tpu.memory_space<semaphore_mem>>) attributes {dimension_semantics = [#tpu.dimension_semantics<core_parallel>, #tpu.dimension_semantics<subcore_parallel>], iteration_bounds = array<i64: 2, 16>, scalar_prefetch = 0 : i64, scratch_operands = 8 : i64, tpu.core_type = #tpu.core_type<sc_vector_subcore>, window_params = [{transform_indices = #map}, {transform_indices = #map1}, {transform_indices = #map1}, {transform_indices = #map}]} {
    %mul3A = arith.constant 2 : i32
    %mul3A_0 = arith.muli %arg1, %mul3A : i32
    %add3A = arith.addi %mul3A_0, %arg0 : i32
    %mul3A_1 = arith.constant 6400 : i32
    %mul3A_2 = arith.muli %add3A, %mul3A_1 : i32
    %iota3A = tpu.iota {dimensions = array<i32: 0>} : vector<16xi32>
    %add3A_3 = arith.constant 0 : i32
    %add3A_4 = arith.addi %mul3A_2, %add3A_3 : i32
    %mul3A_5 = arith.constant 3200 : i32
    %mul3A_6 = arith.muli %add3A, %mul3A_5 : i32
    %add3A_7 = arith.constant 0 : i32
    %add3A_8 = arith.addi %mul3A_6, %add3A_7 : i32
    "tpu.region"() ({
      %run_scoped3A = tpu.sem_alloc : memref<!tpu.dma_semaphore, #tpu.memory_space<semaphore_mem>>
      %dma_start3A_2800 = tpu.memref_slice %arg3[%add3A_8] : memref<102400xi32, #tpu.memory_space<hbm>> -> memref<320xi32, #tpu.memory_space<hbm>>
      %dma_start3A_2801 = tpu.memref_slice %arg3[%add3A_8] : memref<102400xi32, #tpu.memory_space<hbm>> -> memref<320xi32, #tpu.memory_space<hbm>>
      tpu.enqueue_dma source(%dma_start3A_2801 : memref<320xi32, #tpu.memory_space<hbm>>) target(%arg6 : memref<320xi32, #tpu.memory_space<vmem>>) target_semaphore(%run_scoped3A : memref<!tpu.dma_semaphore, #tpu.memory_space<semaphore_mem>>)
      %dma_wait3A_2802 = tpu.memref_slice %arg3[%add3A_8] : memref<102400xi32, #tpu.memory_space<hbm>> -> memref<320xi32, #tpu.memory_space<hbm>>
      %dma_wait3A_2803 = tpu.memref_slice %arg3[%add3A_8] : memref<102400xi32, #tpu.memory_space<hbm>> -> memref<320xi32, #tpu.memory_space<hbm>>
      tpu.wait_dma2 semaphore(%run_scoped3A : memref<!tpu.dma_semaphore, #tpu.memory_space<semaphore_mem>>) src(%dma_wait3A_2803 : memref<320xi32, #tpu.memory_space<hbm>>) dst(%arg6 : memref<320xi32, #tpu.memory_space<vmem>>)
      tpu.yield
    }) : () -> ()
    "tpu.region"() ({
      %run_scoped3A = tpu.sem_alloc : memref<!tpu.dma_semaphore, #tpu.memory_space<semaphore_mem>>
      %dma_start3A_2800 = tpu.memref_slice %arg4[%add3A_8] : memref<102400xi32, #tpu.memory_space<hbm>> -> memref<320xi32, #tpu.memory_space<hbm>>
      %dma_start3A_2801 = tpu.memref_slice %arg4[%add3A_8] : memref<102400xi32, #tpu.memory_space<hbm>> -> memref<320xi32, #tpu.memory_space<hbm>>
      tpu.enqueue_dma source(%dma_start3A_2801 : memref<320xi32, #tpu.memory_space<hbm>>) target(%arg7 : memref<320xi32, #tpu.memory_space<vmem>>) target_semaphore(%run_scoped3A : memref<!tpu.dma_semaphore, #tpu.memory_space<semaphore_mem>>)
      %dma_wait3A_2802 = tpu.memref_slice %arg4[%add3A_8] : memref<102400xi32, #tpu.memory_space<hbm>> -> memref<320xi32, #tpu.memory_space<hbm>>
      %dma_wait3A_2803 = tpu.memref_slice %arg4[%add3A_8] : memref<102400xi32, #tpu.memory_space<hbm>> -> memref<320xi32, #tpu.memory_space<hbm>>
      tpu.wait_dma2 semaphore(%run_scoped3A : memref<!tpu.dma_semaphore, #tpu.memory_space<semaphore_mem>>) src(%dma_wait3A_2803 : memref<320xi32, #tpu.memory_space<hbm>>) dst(%arg7 : memref<320xi32, #tpu.memory_space<vmem>>)
      tpu.yield
    }) : () -> ()
    %add3A_9 = arith.constant 0 : i32
    %add3A_10 = vector.broadcast %add3A_9 : i32 to vector<16xi32>
    %add3A_11 = arith.addi %add3A_10, %iota3A : vector<16xi32>
    %mul3A_12 = arith.constant 2 : i32
    %mul3A_13 = vector.broadcast %mul3A_12 : i32 to vector<16xi32>
    %mul3A_14 = arith.muli %mul3A_13, %add3A_11 : vector<16xi32>
    %get3A = arith.constant 0 : index
    %get3A_15 = tpu.vector_load %arg6[%get3A] {strides = array<i32>} : memref<320xi32, #tpu.memory_space<vmem>>, vector<16xi32>,
    tpu.vector_store_idx %arg8[%mul3A_14], %get3A_15 : memref<640xi32, #tpu.memory_space<vmem>>[vector<16xi32>], vector<16xi32>,
    %add3A_16 = arith.constant 1 : i32
    %add3A_17 = vector.broadcast %add3A_16 : i32 to vector<16xi32>
    %add3A_18 = arith.addi %mul3A_14, %add3A_17 : vector<16xi32>
    %get3A_19 = arith.constant 0 : index
    %get3A_20 = tpu.vector_load %arg7[%get3A_19] {strides = array<i32>} : memref<320xi32, #tpu.memory_space<vmem>>, vector<16xi32>,
    tpu.vector_store_idx %arg8[%add3A_18], %get3A_20 : memref<640xi32, #tpu.memory_space<vmem>>[vector<16xi32>], vector<16xi32>,
    %add3A_21 = arith.constant 16 : i32
    %add3A_22 = vector.broadcast %add3A_21 : i32 to vector<16xi32>
    %add3A_23 = arith.addi %add3A_22, %iota3A : vector<16xi32>
    %mul3A_24 = arith.constant 2 : i32
    %mul3A_25 = vector.broadcast %mul3A_24 : i32 to vector<16xi32>
    %mul3A_26 = arith.muli %mul3A_25, %add3A_23 : vector<16xi32>
    %get3A_27 = arith.constant 16 : index
    %get3A_28 = tpu.vector_load %arg6[%get3A_27] {strides = array<i32>} : memref<320xi32, #tpu.memory_space<vmem>>, vector<16xi32>,
    tpu.vector_store_idx %arg8[%mul3A_26], %get3A_28 : memref<640xi32, #tpu.memory_space<vmem>>[vector<16xi32>], vector<16xi32>,
    %add3A_29 = arith.constant 1 : i32
    %add3A_30 = vector.broadcast %add3A_29 : i32 to vector<16xi32>
    %add3A_31 = arith.addi %mul3A_26, %add3A_30 : vector<16xi32>
    %get3A_32 = arith.constant 16 : index
    %get3A_33 = tpu.vector_load %arg7[%get3A_32] {strides = array<i32>} : memref<320xi32, #tpu.memory_space<vmem>>, vector<16xi32>,
    tpu.vector_store_idx %arg8[%add3A_31], %get3A_33 : memref<640xi32, #tpu.memory_space<vmem>>[vector<16xi32>], vector<16xi32>,
    %add3A_34 = arith.constant 32 : i32
    %add3A_35 = vector.broadcast %add3A_34 : i32 to vector<16xi32>
    %add3A_36 = arith.addi %add3A_35, %iota3A : vector<16xi32>
    %mul3A_37 = arith.constant 2 : i32
    %mul3A_38 = vector.broadcast %mul3A_37 : i32 to vector<16xi32>
    %mul3A_39 = arith.muli %mul3A_38, %add3A_36 : vector<16xi32>
    %get3A_40 = arith.constant 32 : index
    %get3A_41 = tpu.vector_load %arg6[%get3A_40] {strides = array<i32>} : memref<320xi32, #tpu.memory_space<vmem>>, vector<16xi32>,
    tpu.vector_store_idx %arg8[%mul3A_39], %get3A_41 : memref<640xi32, #tpu.memory_space<vmem>>[vector<16xi32>], vector<16xi32>,
    %add3A_42 = arith.constant 1 : i32
    %add3A_43 = vector.broadcast %add3A_42 : i32 to vector<16xi32>
    %add3A_44 = arith.addi %mul3A_39, %add3A_43 : vector<16xi32>
    %get3A_45 = arith.constant 32 : index
    %get3A_46 = tpu.vector_load %arg7[%get3A_45] {strides = array<i32>} : memref<320xi32, #tpu.memory_space<vmem>>, vector<16xi32>,
    tpu.vector_store_idx %arg8[%add3A_44], %get3A_46 : memref<640xi32, #tpu.memory_space<vmem>>[vector<16xi32>], vector<16xi32>,
    %add3A_47 = arith.constant 48 : i32
    %add3A_48 = vector.broadcast %add3A_47 : i32 to vector<16xi32>
    %add3A_49 = arith.addi %add3A_48, %iota3A : vector<16xi32>
    %mul3A_50 = arith.constant 2 : i32
    %mul3A_51 = vector.broadcast %mul3A_50 : i32 to vector<16xi32>
    %mul3A_52 = arith.muli %mul3A_51, %add3A_49 : vector<16xi32>
    %get3A_53 = arith.constant 48 : index
    %get3A_54 = tpu.vector_load %arg6[%get3A_53] {strides = array<i32>} : memref<320xi32, #tpu.memory_space<vmem>>, vector<16xi32>,
    tpu.vector_store_idx %arg8[%mul3A_52], %get3A_54 : memref<640xi32, #tpu.memory_space<vmem>>[vector<16xi32>], vector<16xi32>,
    %add3A_55 = arith.constant 1 : i32
    %add3A_56 = vector.broadcast %add3A_55 : i32 to vector<16xi32>
    %add3A_57 = arith.addi %mul3A_52, %add3A_56 : vector<16xi32>
    %get3A_58 = arith.constant 48 : index
    %get3A_59 = tpu.vector_load %arg7[%get3A_58] {strides = array<i32>} : memref<320xi32, #tpu.memory_space<vmem>>, vector<16xi32>,
    tpu.vector_store_idx %arg8[%add3A_57], %get3A_59 : memref<640xi32, #tpu.memory_space<vmem>>[vector<16xi32>], vector<16xi32>,
    %add3A_60 = arith.constant 64 : i32
    %add3A_61 = vector.broadcast %add3A_60 : i32 to vector<16xi32>
    %add3A_62 = arith.addi %add3A_61, %iota3A : vector<16xi32>
    %mul3A_63 = arith.constant 2 : i32
    %mul3A_64 = vector.broadcast %mul3A_63 : i32 to vector<16xi32>
    %mul3A_65 = arith.muli %mul3A_64, %add3A_62 : vector<16xi32>
    %get3A_66 = arith.constant 64 : index
    %get3A_67 = tpu.vector_load %arg6[%get3A_66] {strides = array<i32>} : memref<320xi32, #tpu.memory_space<vmem>>, vector<16xi32>,
    tpu.vector_store_idx %arg8[%mul3A_65], %get3A_67 : memref<640xi32, #tpu.memory_space<vmem>>[vector<16xi32>], vector<16xi32>,
    %add3A_68 = arith.constant 1 : i32
    %add3A_69 = vector.broadcast %add3A_68 : i32 to vector<16xi32>
    %add3A_70 = arith.addi %mul3A_65, %add3A_69 : vector<16xi32>
    %get3A_71 = arith.constant 64 : index
    %get3A_72 = tpu.vector_load %arg7[%get3A_71] {strides = array<i32>} : memref<320xi32, #tpu.memory_space<vmem>>, vector<16xi32>,
    tpu.vector_store_idx %arg8[%add3A_70], %get3A_72 : memref<640xi32, #tpu.memory_space<vmem>>[vector<16xi32>], vector<16xi32>,
    %add3A_73 = arith.constant 80 : i32
    %add3A_74 = vector.broadcast %add3A_73 : i32 to vector<16xi32>
    %add3A_75 = arith.addi %add3A_74, %iota3A : vector<16xi32>
    %mul3A_76 = arith.constant 2 : i32
    %mul3A_77 = vector.broadcast %mul3A_76 : i32 to vector<16xi32>
    %mul3A_78 = arith.muli %mul3A_77, %add3A_75 : vector<16xi32>
    %get3A_79 = arith.constant 80 : index
    %get3A_80 = tpu.vector_load %arg6[%get3A_79] {strides = array<i32>} : memref<320xi32, #tpu.memory_space<vmem>>, vector<16xi32>,
    tpu.vector_store_idx %arg8[%mul3A_78], %get3A_80 : memref<640xi32, #tpu.memory_space<vmem>>[vector<16xi32>], vector<16xi32>,
    %add3A_81 = arith.constant 1 : i32
    %add3A_82 = vector.broadcast %add3A_81 : i32 to vector<16xi32>
    %add3A_83 = arith.addi %mul3A_78, %add3A_82 : vector<16xi32>
    %get3A_84 = arith.constant 80 : index
    %get3A_85 = tpu.vector_load %arg7[%get3A_84] {strides = array<i32>} : memref<320xi32, #tpu.memory_space<vmem>>, vector<16xi32>,
    tpu.vector_store_idx %arg8[%add3A_83], %get3A_85 : memref<640xi32, #tpu.memory_space<vmem>>[vector<16xi32>], vector<16xi32>,
    %add3A_86 = arith.constant 96 : i32
    %add3A_87 = vector.broadcast %add3A_86 : i32 to vector<16xi32>
    %add3A_88 = arith.addi %add3A_87, %iota3A : vector<16xi32>
    %mul3A_89 = arith.constant 2 : i32
    %mul3A_90 = vector.broadcast %mul3A_89 : i32 to vector<16xi32>
    %mul3A_91 = arith.muli %mul3A_90, %add3A_88 : vector<16xi32>
    %get3A_92 = arith.constant 96 : index
    %get3A_93 = tpu.vector_load %arg6[%get3A_92] {strides = array<i32>} : memref<320xi32, #tpu.memory_space<vmem>>, vector<16xi32>,
    tpu.vector_store_idx %arg8[%mul3A_91], %get3A_93 : memref<640xi32, #tpu.memory_space<vmem>>[vector<16xi32>], vector<16xi32>,
    %add3A_94 = arith.constant 1 : i32
    %add3A_95 = vector.broadcast %add3A_94 : i32 to vector<16xi32>
    %add3A_96 = arith.addi %mul3A_91, %add3A_95 : vector<16xi32>
    %get3A_97 = arith.constant 96 : index
    %get3A_98 = tpu.vector_load %arg7[%get3A_97] {strides = array<i32>} : memref<320xi32, #tpu.memory_space<vmem>>, vector<16xi32>,
    tpu.vector_store_idx %arg8[%add3A_96], %get3A_98 : memref<640xi32, #tpu.memory_space<vmem>>[vector<16xi32>], vector<16xi32>,
    %add3A_99 = arith.constant 112 : i32
    %add3A_100 = vector.broadcast %add3A_99 : i32 to vector<16xi32>
    %add3A_101 = arith.addi %add3A_100, %iota3A : vector<16xi32>
    %mul3A_102 = arith.constant 2 : i32
    %mul3A_103 = vector.broadcast %mul3A_102 : i32 to vector<16xi32>
    %mul3A_104 = arith.muli %mul3A_103, %add3A_101 : vector<16xi32>
    %get3A_105 = arith.constant 112 : index
    %get3A_106 = tpu.vector_load %arg6[%get3A_105] {strides = array<i32>} : memref<320xi32, #tpu.memory_space<vmem>>, vector<16xi32>,
    tpu.vector_store_idx %arg8[%mul3A_104], %get3A_106 : memref<640xi32, #tpu.memory_space<vmem>>[vector<16xi32>], vector<16xi32>,
    %add3A_107 = arith.constant 1 : i32
    %add3A_108 = vector.broadcast %add3A_107 : i32 to vector<16xi32>
    %add3A_109 = arith.addi %mul3A_104, %add3A_108 : vector<16xi32>
    %get3A_110 = arith.constant 112 : index
    %get3A_111 = tpu.vector_load %arg7[%get3A_110] {strides = array<i32>} : memref<320xi32, #tpu.memory_space<vmem>>, vector<16xi32>,
    tpu.vector_store_idx %arg8[%add3A_109], %get3A_111 : memref<640xi32, #tpu.memory_space<vmem>>[vector<16xi32>], vector<16xi32>,
    %add3A_112 = arith.constant 128 : i32
    %add3A_113 = vector.broadcast %add3A_112 : i32 to vector<16xi32>
    %add3A_114 = arith.addi %add3A_113, %iota3A : vector<16xi32>
    %mul3A_115 = arith.constant 2 : i32
    %mul3A_116 = vector.broadcast %mul3A_115 : i32 to vector<16xi32>
    %mul3A_117 = arith.muli %mul3A_116, %add3A_114 : vector<16xi32>
    %get3A_118 = arith.constant 128 : index
    %get3A_119 = tpu.vector_load %arg6[%get3A_118] {strides = array<i32>} : memref<320xi32, #tpu.memory_space<vmem>>, vector<16xi32>,
    tpu.vector_store_idx %arg8[%mul3A_117], %get3A_119 : memref<640xi32, #tpu.memory_space<vmem>>[vector<16xi32>], vector<16xi32>,
    %add3A_120 = arith.constant 1 : i32
    %add3A_121 = vector.broadcast %add3A_120 : i32 to vector<16xi32>
    %add3A_122 = arith.addi %mul3A_117, %add3A_121 : vector<16xi32>
    %get3A_123 = arith.constant 128 : index
    %get3A_124 = tpu.vector_load %arg7[%get3A_123] {strides = array<i32>} : memref<320xi32, #tpu.memory_space<vmem>>, vector<16xi32>,
    tpu.vector_store_idx %arg8[%add3A_122], %get3A_124 : memref<640xi32, #tpu.memory_space<vmem>>[vector<16xi32>], vector<16xi32>,
    %add3A_125 = arith.constant 144 : i32
    %add3A_126 = vector.broadcast %add3A_125 : i32 to vector<16xi32>
    %add3A_127 = arith.addi %add3A_126, %iota3A : vector<16xi32>
    %mul3A_128 = arith.constant 2 : i32
    %mul3A_129 = vector.broadcast %mul3A_128 : i32 to vector<16xi32>
    %mul3A_130 = arith.muli %mul3A_129, %add3A_127 : vector<16xi32>
    %get3A_131 = arith.constant 144 : index
    %get3A_132 = tpu.vector_load %arg6[%get3A_131] {strides = array<i32>} : memref<320xi32, #tpu.memory_space<vmem>>, vector<16xi32>,
    tpu.vector_store_idx %arg8[%mul3A_130], %get3A_132 : memref<640xi32, #tpu.memory_space<vmem>>[vector<16xi32>], vector<16xi32>,
    %add3A_133 = arith.constant 1 : i32
    %add3A_134 = vector.broadcast %add3A_133 : i32 to vector<16xi32>
    %add3A_135 = arith.addi %mul3A_130, %add3A_134 : vector<16xi32>
    %get3A_136 = arith.constant 144 : index
    %get3A_137 = tpu.vector_load %arg7[%get3A_136] {strides = array<i32>} : memref<320xi32, #tpu.memory_space<vmem>>, vector<16xi32>,
    tpu.vector_store_idx %arg8[%add3A_135], %get3A_137 : memref<640xi32, #tpu.memory_space<vmem>>[vector<16xi32>], vector<16xi32>,
    %add3A_138 = arith.constant 160 : i32
    %add3A_139 = vector.broadcast %add3A_138 : i32 to vector<16xi32>
    %add3A_140 = arith.addi %add3A_139, %iota3A : vector<16xi32>
    %mul3A_141 = arith.constant 2 : i32
    %mul3A_142 = vector.broadcast %mul3A_141 : i32 to vector<16xi32>
    %mul3A_143 = arith.muli %mul3A_142, %add3A_140 : vector<16xi32>
    %get3A_144 = arith.constant 160 : index
    %get3A_145 = tpu.vector_load %arg6[%get3A_144] {strides = array<i32>} : memref<320xi32, #tpu.memory_space<vmem>>, vector<16xi32>,
    tpu.vector_store_idx %arg8[%mul3A_143], %get3A_145 : memref<640xi32, #tpu.memory_space<vmem>>[vector<16xi32>], vector<16xi32>,
    %add3A_146 = arith.constant 1 : i32
    %add3A_147 = vector.broadcast %add3A_146 : i32 to vector<16xi32>
    %add3A_148 = arith.addi %mul3A_143, %add3A_147 : vector<16xi32>
    %get3A_149 = arith.constant 160 : index
    %get3A_150 = tpu.vector_load %arg7[%get3A_149] {strides = array<i32>} : memref<320xi32, #tpu.memory_space<vmem>>, vector<16xi32>,
    tpu.vector_store_idx %arg8[%add3A_148], %get3A_150 : memref<640xi32, #tpu.memory_space<vmem>>[vector<16xi32>], vector<16xi32>,
    %add3A_151 = arith.constant 176 : i32
    %add3A_152 = vector.broadcast %add3A_151 : i32 to vector<16xi32>
    %add3A_153 = arith.addi %add3A_152, %iota3A : vector<16xi32>
    %mul3A_154 = arith.constant 2 : i32
    %mul3A_155 = vector.broadcast %mul3A_154 : i32 to vector<16xi32>
    %mul3A_156 = arith.muli %mul3A_155, %add3A_153 : vector<16xi32>
    %get3A_157 = arith.constant 176 : index
    %get3A_158 = tpu.vector_load %arg6[%get3A_157] {strides = array<i32>} : memref<320xi32, #tpu.memory_space<vmem>>, vector<16xi32>,
    tpu.vector_store_idx %arg8[%mul3A_156], %get3A_158 : memref<640xi32, #tpu.memory_space<vmem>>[vector<16xi32>], vector<16xi32>,
    %add3A_159 = arith.constant 1 : i32
    %add3A_160 = vector.broadcast %add3A_159 : i32 to vector<16xi32>
    %add3A_161 = arith.addi %mul3A_156, %add3A_160 : vector<16xi32>
    %get3A_162 = arith.constant 176 : index
    %get3A_163 = tpu.vector_load %arg7[%get3A_162] {strides = array<i32>} : memref<320xi32, #tpu.memory_space<vmem>>, vector<16xi32>,
    tpu.vector_store_idx %arg8[%add3A_161], %get3A_163 : memref<640xi32, #tpu.memory_space<vmem>>[vector<16xi32>], vector<16xi32>,
    %add3A_164 = arith.constant 192 : i32
    %add3A_165 = vector.broadcast %add3A_164 : i32 to vector<16xi32>
    %add3A_166 = arith.addi %add3A_165, %iota3A : vector<16xi32>
    %mul3A_167 = arith.constant 2 : i32
    %mul3A_168 = vector.broadcast %mul3A_167 : i32 to vector<16xi32>
    %mul3A_169 = arith.muli %mul3A_168, %add3A_166 : vector<16xi32>
    %get3A_170 = arith.constant 192 : index
    %get3A_171 = tpu.vector_load %arg6[%get3A_170] {strides = array<i32>} : memref<320xi32, #tpu.memory_space<vmem>>, vector<16xi32>,
    tpu.vector_store_idx %arg8[%mul3A_169], %get3A_171 : memref<640xi32, #tpu.memory_space<vmem>>[vector<16xi32>], vector<16xi32>,
    %add3A_172 = arith.constant 1 : i32
    %add3A_173 = vector.broadcast %add3A_172 : i32 to vector<16xi32>
    %add3A_174 = arith.addi %mul3A_169, %add3A_173 : vector<16xi32>
    %get3A_175 = arith.constant 192 : index
    %get3A_176 = tpu.vector_load %arg7[%get3A_175] {strides = array<i32>} : memref<320xi32, #tpu.memory_space<vmem>>, vector<16xi32>,
    tpu.vector_store_idx %arg8[%add3A_174], %get3A_176 : memref<640xi32, #tpu.memory_space<vmem>>[vector<16xi32>], vector<16xi32>,
    %add3A_177 = arith.constant 208 : i32
    %add3A_178 = vector.broadcast %add3A_177 : i32 to vector<16xi32>
    %add3A_179 = arith.addi %add3A_178, %iota3A : vector<16xi32>
    %mul3A_180 = arith.constant 2 : i32
    %mul3A_181 = vector.broadcast %mul3A_180 : i32 to vector<16xi32>
    %mul3A_182 = arith.muli %mul3A_181, %add3A_179 : vector<16xi32>
    %get3A_183 = arith.constant 208 : index
    %get3A_184 = tpu.vector_load %arg6[%get3A_183] {strides = array<i32>} : memref<320xi32, #tpu.memory_space<vmem>>, vector<16xi32>,
    tpu.vector_store_idx %arg8[%mul3A_182], %get3A_184 : memref<640xi32, #tpu.memory_space<vmem>>[vector<16xi32>], vector<16xi32>,
    %add3A_185 = arith.constant 1 : i32
    %add3A_186 = vector.broadcast %add3A_185 : i32 to vector<16xi32>
    %add3A_187 = arith.addi %mul3A_182, %add3A_186 : vector<16xi32>
    %get3A_188 = arith.constant 208 : index
    %get3A_189 = tpu.vector_load %arg7[%get3A_188] {strides = array<i32>} : memref<320xi32, #tpu.memory_space<vmem>>, vector<16xi32>,
    tpu.vector_store_idx %arg8[%add3A_187], %get3A_189 : memref<640xi32, #tpu.memory_space<vmem>>[vector<16xi32>], vector<16xi32>,
    %add3A_190 = arith.constant 224 : i32
    %add3A_191 = vector.broadcast %add3A_190 : i32 to vector<16xi32>
    %add3A_192 = arith.addi %add3A_191, %iota3A : vector<16xi32>
    %mul3A_193 = arith.constant 2 : i32
    %mul3A_194 = vector.broadcast %mul3A_193 : i32 to vector<16xi32>
    %mul3A_195 = arith.muli %mul3A_194, %add3A_192 : vector<16xi32>
    %get3A_196 = arith.constant 224 : index
    %get3A_197 = tpu.vector_load %arg6[%get3A_196] {strides = array<i32>} : memref<320xi32, #tpu.memory_space<vmem>>, vector<16xi32>,
    tpu.vector_store_idx %arg8[%mul3A_195], %get3A_197 : memref<640xi32, #tpu.memory_space<vmem>>[vector<16xi32>], vector<16xi32>,
    %add3A_198 = arith.constant 1 : i32
    %add3A_199 = vector.broadcast %add3A_198 : i32 to vector<16xi32>
    %add3A_200 = arith.addi %mul3A_195, %add3A_199 : vector<16xi32>
    %get3A_201 = arith.constant 224 : index
    %get3A_202 = tpu.vector_load %arg7[%get3A_201] {strides = array<i32>} : memref<320xi32, #tpu.memory_space<vmem>>, vector<16xi32>,
    tpu.vector_store_idx %arg8[%add3A_200], %get3A_202 : memref<640xi32, #tpu.memory_space<vmem>>[vector<16xi32>], vector<16xi32>,
    %add3A_203 = arith.constant 240 : i32
    %add3A_204 = vector.broadcast %add3A_203 : i32 to vector<16xi32>
    %add3A_205 = arith.addi %add3A_204, %iota3A : vector<16xi32>
    %mul3A_206 = arith.constant 2 : i32
    %mul3A_207 = vector.broadcast %mul3A_206 : i32 to vector<16xi32>
    %mul3A_208 = arith.muli %mul3A_207, %add3A_205 : vector<16xi32>
    %get3A_209 = arith.constant 240 : index
    %get3A_210 = tpu.vector_load %arg6[%get3A_209] {strides = array<i32>} : memref<320xi32, #tpu.memory_space<vmem>>, vector<16xi32>,
    tpu.vector_store_idx %arg8[%mul3A_208], %get3A_210 : memref<640xi32, #tpu.memory_space<vmem>>[vector<16xi32>], vector<16xi32>,
    %add3A_211 = arith.constant 1 : i32
    %add3A_212 = vector.broadcast %add3A_211 : i32 to vector<16xi32>
    %add3A_213 = arith.addi %mul3A_208, %add3A_212 : vector<16xi32>
    %get3A_214 = arith.constant 240 : index
    %get3A_215 = tpu.vector_load %arg7[%get3A_214] {strides = array<i32>} : memref<320xi32, #tpu.memory_space<vmem>>, vector<16xi32>,
    tpu.vector_store_idx %arg8[%add3A_213], %get3A_215 : memref<640xi32, #tpu.memory_space<vmem>>[vector<16xi32>], vector<16xi32>,
    %add3A_216 = arith.constant 256 : i32
    %add3A_217 = vector.broadcast %add3A_216 : i32 to vector<16xi32>
    %add3A_218 = arith.addi %add3A_217, %iota3A : vector<16xi32>
    %mul3A_219 = arith.constant 2 : i32
    %mul3A_220 = vector.broadcast %mul3A_219 : i32 to vector<16xi32>
    %mul3A_221 = arith.muli %mul3A_220, %add3A_218 : vector<16xi32>
    %get3A_222 = arith.constant 256 : index
    %get3A_223 = tpu.vector_load %arg6[%get3A_222] {strides = array<i32>} : memref<320xi32, #tpu.memory_space<vmem>>, vector<16xi32>,
    tpu.vector_store_idx %arg8[%mul3A_221], %get3A_223 : memref<640xi32, #tpu.memory_space<vmem>>[vector<16xi32>], vector<16xi32>,
    %add3A_224 = arith.constant 1 : i32
    %add3A_225 = vector.broadcast %add3A_224 : i32 to vector<16xi32>
    %add3A_226 = arith.addi %mul3A_221, %add3A_225 : vector<16xi32>
    %get3A_227 = arith.constant 256 : index
    %get3A_228 = tpu.vector_load %arg7[%get3A_227] {strides = array<i32>} : memref<320xi32, #tpu.memory_space<vmem>>, vector<16xi32>,
    tpu.vector_store_idx %arg8[%add3A_226], %get3A_228 : memref<640xi32, #tpu.memory_space<vmem>>[vector<16xi32>], vector<16xi32>,
    %add3A_229 = arith.constant 272 : i32
    %add3A_230 = vector.broadcast %add3A_229 : i32 to vector<16xi32>
    %add3A_231 = arith.addi %add3A_230, %iota3A : vector<16xi32>
    %mul3A_232 = arith.constant 2 : i32
    %mul3A_233 = vector.broadcast %mul3A_232 : i32 to vector<16xi32>
    %mul3A_234 = arith.muli %mul3A_233, %add3A_231 : vector<16xi32>
    %get3A_235 = arith.constant 272 : index
    %get3A_236 = tpu.vector_load %arg6[%get3A_235] {strides = array<i32>} : memref<320xi32, #tpu.memory_space<vmem>>, vector<16xi32>,
    tpu.vector_store_idx %arg8[%mul3A_234], %get3A_236 : memref<640xi32, #tpu.memory_space<vmem>>[vector<16xi32>], vector<16xi32>,
    %add3A_237 = arith.constant 1 : i32
    %add3A_238 = vector.broadcast %add3A_237 : i32 to vector<16xi32>
    %add3A_239 = arith.addi %mul3A_234, %add3A_238 : vector<16xi32>
    %get3A_240 = arith.constant 272 : index
    %get3A_241 = tpu.vector_load %arg7[%get3A_240] {strides = array<i32>} : memref<320xi32, #tpu.memory_space<vmem>>, vector<16xi32>,
    tpu.vector_store_idx %arg8[%add3A_239], %get3A_241 : memref<640xi32, #tpu.memory_space<vmem>>[vector<16xi32>], vector<16xi32>,
    %add3A_242 = arith.constant 288 : i32
    %add3A_243 = vector.broadcast %add3A_242 : i32 to vector<16xi32>
    %add3A_244 = arith.addi %add3A_243, %iota3A : vector<16xi32>
    %mul3A_245 = arith.constant 2 : i32
    %mul3A_246 = vector.broadcast %mul3A_245 : i32 to vector<16xi32>
    %mul3A_247 = arith.muli %mul3A_246, %add3A_244 : vector<16xi32>
    %get3A_248 = arith.constant 288 : index
    %get3A_249 = tpu.vector_load %arg6[%get3A_248] {strides = array<i32>} : memref<320xi32, #tpu.memory_space<vmem>>, vector<16xi32>,
    tpu.vector_store_idx %arg8[%mul3A_247], %get3A_249 : memref<640xi32, #tpu.memory_space<vmem>>[vector<16xi32>], vector<16xi32>,
    %add3A_250 = arith.constant 1 : i32
    %add3A_251 = vector.broadcast %add3A_250 : i32 to vector<16xi32>
    %add3A_252 = arith.addi %mul3A_247, %add3A_251 : vector<16xi32>
    %get3A_253 = arith.constant 288 : index
    %get3A_254 = tpu.vector_load %arg7[%get3A_253] {strides = array<i32>} : memref<320xi32, #tpu.memory_space<vmem>>, vector<16xi32>,
    tpu.vector_store_idx %arg8[%add3A_252], %get3A_254 : memref<640xi32, #tpu.memory_space<vmem>>[vector<16xi32>], vector<16xi32>,
    %add3A_255 = arith.constant 304 : i32
    %add3A_256 = vector.broadcast %add3A_255 : i32 to vector<16xi32>
    %add3A_257 = arith.addi %add3A_256, %iota3A : vector<16xi32>
    %mul3A_258 = arith.constant 2 : i32
    %mul3A_259 = vector.broadcast %mul3A_258 : i32 to vector<16xi32>
    %mul3A_260 = arith.muli %mul3A_259, %add3A_257 : vector<16xi32>
    %get3A_261 = arith.constant 304 : index
    %get3A_262 = tpu.vector_load %arg6[%get3A_261] {strides = array<i32>} : memref<320xi32, #tpu.memory_space<vmem>>, vector<16xi32>,
    tpu.vector_store_idx %arg8[%mul3A_260], %get3A_262 : memref<640xi32, #tpu.memory_space<vmem>>[vector<16xi32>], vector<16xi32>,
    %add3A_263 = arith.constant 1 : i32
    %add3A_264 = vector.broadcast %add3A_263 : i32 to vector<16xi32>
    %add3A_265 = arith.addi %mul3A_260, %add3A_264 : vector<16xi32>
    %get3A_266 = arith.constant 304 : index
    %get3A_267 = tpu.vector_load %arg7[%get3A_266] {strides = array<i32>} : memref<320xi32, #tpu.memory_space<vmem>>, vector<16xi32>,
    tpu.vector_store_idx %arg8[%add3A_265], %get3A_267 : memref<640xi32, #tpu.memory_space<vmem>>[vector<16xi32>], vector<16xi32>,
    %dma_start3A = arith.constant 0 : i32
    %dma_start3A_268 = arith.constant 0 : i32
    %dma_start3A_269 = tpu.memref_slice %arg2[%dma_start3A, %dma_start3A_268] : memref<512000x64xi32, #tpu.memory_space<hbm>> -> memref<512000x64xi32, #tpu.memory_space<hbm>>
    tpu.enqueue_indirect_dma source(%dma_start3A_269 : memref<512000x64xi32, #tpu.memory_space<hbm>>) target(%arg10 : memref<640x64xi32, #tpu.memory_space<vmem>>) offsets(%arg8 : memref<640xi32, #tpu.memory_space<vmem>>) semaphore(%arg12 : memref<!tpu.dma_semaphore, #tpu.memory_space<semaphore_mem>>)
    %dma_wait3A = arith.constant 0 : i32
    %dma_wait3A_270 = arith.constant 0 : i32
    %dma_wait3A_271 = tpu.memref_slice %arg2[%dma_wait3A, %dma_wait3A_270] : memref<512000x64xi32, #tpu.memory_space<hbm>> -> memref<512000x64xi32, #tpu.memory_space<hbm>>
    tpu.wait_indirect_dma semaphore(%arg12 : memref<!tpu.dma_semaphore, #tpu.memory_space<semaphore_mem>>) src(%dma_wait3A_271 : memref<512000x64xi32, #tpu.memory_space<hbm>>) dst(%arg10 : memref<640x64xi32, #tpu.memory_space<vmem>>)
    %dma_start3A_272 = arith.constant 0 : i32
    %dma_start3A_273 = tpu.memref_slice %arg5[%add3A_4, %dma_start3A_272] : memref<204800x64xi32, #tpu.memory_space<hbm>> -> memref<640x64xi32, #tpu.memory_space<hbm>>
    %dma_start3A_274 = arith.constant 0 : i32
    %dma_start3A_275 = tpu.memref_slice %arg5[%add3A_4, %dma_start3A_274] : memref<204800x64xi32, #tpu.memory_space<hbm>> -> memref<640x64xi32, #tpu.memory_space<hbm>>
    tpu.enqueue_dma source(%arg10 : memref<640x64xi32, #tpu.memory_space<vmem>>) target(%dma_start3A_275 : memref<640x64xi32, #tpu.memory_space<hbm>>) target_semaphore(%arg13 : memref<!tpu.dma_semaphore, #tpu.memory_space<semaphore_mem>>)
    %add3A_276 = arith.constant 640 : i32
    %add3A_277 = arith.addi %mul3A_2, %add3A_276 : i32
    %mul3A_278 = arith.constant 3200 : i32
    %mul3A_279 = arith.muli %add3A, %mul3A_278 : i32
    %add3A_280 = arith.constant 320 : i32
    %add3A_281 = arith.addi %mul3A_279, %add3A_280 : i32
    "tpu.region"() ({
      %run_scoped3A = tpu.sem_alloc : memref<!tpu.dma_semaphore, #tpu.memory_space<semaphore_mem>>
      %dma_start3A_2800 = tpu.memref_slice %arg3[%add3A_281] : memref<102400xi32, #tpu.memory_space<hbm>> -> memref<320xi32, #tpu.memory_space<hbm>>
      %dma_start3A_2801 = tpu.memref_slice %arg3[%add3A_281] : memref<102400xi32, #tpu.memory_space<hbm>> -> memref<320xi32, #tpu.memory_space<hbm>>
      tpu.enqueue_dma source(%dma_start3A_2801 : memref<320xi32, #tpu.memory_space<hbm>>) target(%arg6 : memref<320xi32, #tpu.memory_space<vmem>>) target_semaphore(%run_scoped3A : memref<!tpu.dma_semaphore, #tpu.memory_space<semaphore_mem>>)
      %dma_wait3A_2802 = tpu.memref_slice %arg3[%add3A_281] : memref<102400xi32, #tpu.memory_space<hbm>> -> memref<320xi32, #tpu.memory_space<hbm>>
      %dma_wait3A_2803 = tpu.memref_slice %arg3[%add3A_281] : memref<102400xi32, #tpu.memory_space<hbm>> -> memref<320xi32, #tpu.memory_space<hbm>>
      tpu.wait_dma2 semaphore(%run_scoped3A : memref<!tpu.dma_semaphore, #tpu.memory_space<semaphore_mem>>) src(%dma_wait3A_2803 : memref<320xi32, #tpu.memory_space<hbm>>) dst(%arg6 : memref<320xi32, #tpu.memory_space<vmem>>)
      tpu.yield
    }) : () -> ()
    "tpu.region"() ({
      %run_scoped3A = tpu.sem_alloc : memref<!tpu.dma_semaphore, #tpu.memory_space<semaphore_mem>>
      %dma_start3A_2800 = tpu.memref_slice %arg4[%add3A_281] : memref<102400xi32, #tpu.memory_space<hbm>> -> memref<320xi32, #tpu.memory_space<hbm>>
      %dma_start3A_2801 = tpu.memref_slice %arg4[%add3A_281] : memref<102400xi32, #tpu.memory_space<hbm>> -> memref<320xi32, #tpu.memory_space<hbm>>
      tpu.enqueue_dma source(%dma_start3A_2801 : memref<320xi32, #tpu.memory_space<hbm>>) target(%arg7 : memref<320xi32, #tpu.memory_space<vmem>>) target_semaphore(%run_scoped3A : memref<!tpu.dma_semaphore, #tpu.memory_space<semaphore_mem>>)
      %dma_wait3A_2802 = tpu.memref_slice %arg4[%add3A_281] : memref<102400xi32, #tpu.memory_space<hbm>> -> memref<320xi32, #tpu.memory_space<hbm>>
      %dma_wait3A_2803 = tpu.memref_slice %arg4[%add3A_281] : memref<102400xi32, #tpu.memory_space<hbm>> -> memref<320xi32, #tpu.memory_space<hbm>>
      tpu.wait_dma2 semaphore(%run_scoped3A : memref<!tpu.dma_semaphore, #tpu.memory_space<semaphore_mem>>) src(%dma_wait3A_2803 : memref<320xi32, #tpu.memory_space<hbm>>) dst(%arg7 : memref<320xi32, #tpu.memory_space<vmem>>)
      tpu.yield
    }) : () -> ()
    %add3A_282 = arith.constant 0 : i32
    %add3A_283 = vector.broadcast %add3A_282 : i32 to vector<16xi32>
    %add3A_284 = arith.addi %add3A_283, %iota3A : vector<16xi32>
    %mul3A_285 = arith.constant 2 : i32
    %mul3A_286 = vector.broadcast %mul3A_285 : i32 to vector<16xi32>
    %mul3A_287 = arith.muli %mul3A_286, %add3A_284 : vector<16xi32>
    %get3A_288 = arith.constant 0 : index
    %get3A_289 = tpu.vector_load %arg6[%get3A_288] {strides = array<i32>} : memref<320xi32, #tpu.memory_space<vmem>>, vector<16xi32>,
    tpu.vector_store_idx %arg9[%mul3A_287], %get3A_289 : memref<640xi32, #tpu.memory_space<vmem>>[vector<16xi32>], vector<16xi32>,
    %add3A_290 = arith.constant 1 : i32
    %add3A_291 = vector.broadcast %add3A_290 : i32 to vector<16xi32>
    %add3A_292 = arith.addi %mul3A_287, %add3A_291 : vector<16xi32>
    %get3A_293 = arith.constant 0 : index
    %get3A_294 = tpu.vector_load %arg7[%get3A_293] {strides = array<i32>} : memref<320xi32, #tpu.memory_space<vmem>>, vector<16xi32>,
    tpu.vector_store_idx %arg9[%add3A_292], %get3A_294 : memref<640xi32, #tpu.memory_space<vmem>>[vector<16xi32>], vector<16xi32>,
    %add3A_295 = arith.constant 16 : i32
    %add3A_296 = vector.broadcast %add3A_295 : i32 to vector<16xi32>
    %add3A_297 = arith.addi %add3A_296, %iota3A : vector<16xi32>
    %mul3A_298 = arith.constant 2 : i32
    %mul3A_299 = vector.broadcast %mul3A_298 : i32 to vector<16xi32>
    %mul3A_300 = arith.muli %mul3A_299, %add3A_297 : vector<16xi32>
    %get3A_301 = arith.constant 16 : index
    %get3A_302 = tpu.vector_load %arg6[%get3A_301] {strides = array<i32>} : memref<320xi32, #tpu.memory_space<vmem>>, vector<16xi32>,
    tpu.vector_store_idx %arg9[%mul3A_300], %get3A_302 : memref<640xi32, #tpu.memory_space<vmem>>[vector<16xi32>], vector<16xi32>,
    %add3A_303 = arith.constant 1 : i32
    %add3A_304 = vector.broadcast %add3A_303 : i32 to vector<16xi32>
    %add3A_305 = arith.addi %mul3A_300, %add3A_304 : vector<16xi32>
    %get3A_306 = arith.constant 16 : index
    %get3A_307 = tpu.vector_load %arg7[%get3A_306] {strides = array<i32>} : memref<320xi32, #tpu.memory_space<vmem>>, vector<16xi32>,
    tpu.vector_store_idx %arg9[%add3A_305], %get3A_307 : memref<640xi32, #tpu.memory_space<vmem>>[vector<16xi32>], vector<16xi32>,
    %add3A_308 = arith.constant 32 : i32
    %add3A_309 = vector.broadcast %add3A_308 : i32 to vector<16xi32>
    %add3A_310 = arith.addi %add3A_309, %iota3A : vector<16xi32>
    %mul3A_311 = arith.constant 2 : i32
    %mul3A_312 = vector.broadcast %mul3A_311 : i32 to vector<16xi32>
    %mul3A_313 = arith.muli %mul3A_312, %add3A_310 : vector<16xi32>
    %get3A_314 = arith.constant 32 : index
    %get3A_315 = tpu.vector_load %arg6[%get3A_314] {strides = array<i32>} : memref<320xi32, #tpu.memory_space<vmem>>, vector<16xi32>,
    tpu.vector_store_idx %arg9[%mul3A_313], %get3A_315 : memref<640xi32, #tpu.memory_space<vmem>>[vector<16xi32>], vector<16xi32>,
    %add3A_316 = arith.constant 1 : i32
    %add3A_317 = vector.broadcast %add3A_316 : i32 to vector<16xi32>
    %add3A_318 = arith.addi %mul3A_313, %add3A_317 : vector<16xi32>
    %get3A_319 = arith.constant 32 : index
    %get3A_320 = tpu.vector_load %arg7[%get3A_319] {strides = array<i32>} : memref<320xi32, #tpu.memory_space<vmem>>, vector<16xi32>,
    tpu.vector_store_idx %arg9[%add3A_318], %get3A_320 : memref<640xi32, #tpu.memory_space<vmem>>[vector<16xi32>], vector<16xi32>,
    %add3A_321 = arith.constant 48 : i32
    %add3A_322 = vector.broadcast %add3A_321 : i32 to vector<16xi32>
    %add3A_323 = arith.addi %add3A_322, %iota3A : vector<16xi32>
    %mul3A_324 = arith.constant 2 : i32
    %mul3A_325 = vector.broadcast %mul3A_324 : i32 to vector<16xi32>
    %mul3A_326 = arith.muli %mul3A_325, %add3A_323 : vector<16xi32>
    %get3A_327 = arith.constant 48 : index
    %get3A_328 = tpu.vector_load %arg6[%get3A_327] {strides = array<i32>} : memref<320xi32, #tpu.memory_space<vmem>>, vector<16xi32>,
    tpu.vector_store_idx %arg9[%mul3A_326], %get3A_328 : memref<640xi32, #tpu.memory_space<vmem>>[vector<16xi32>], vector<16xi32>,
    %add3A_329 = arith.constant 1 : i32
    %add3A_330 = vector.broadcast %add3A_329 : i32 to vector<16xi32>
    %add3A_331 = arith.addi %mul3A_326, %add3A_330 : vector<16xi32>
    %get3A_332 = arith.constant 48 : index
    %get3A_333 = tpu.vector_load %arg7[%get3A_332] {strides = array<i32>} : memref<320xi32, #tpu.memory_space<vmem>>, vector<16xi32>,
    tpu.vector_store_idx %arg9[%add3A_331], %get3A_333 : memref<640xi32, #tpu.memory_space<vmem>>[vector<16xi32>], vector<16xi32>,
    %add3A_334 = arith.constant 64 : i32
    %add3A_335 = vector.broadcast %add3A_334 : i32 to vector<16xi32>
    %add3A_336 = arith.addi %add3A_335, %iota3A : vector<16xi32>
    %mul3A_337 = arith.constant 2 : i32
    %mul3A_338 = vector.broadcast %mul3A_337 : i32 to vector<16xi32>
    %mul3A_339 = arith.muli %mul3A_338, %add3A_336 : vector<16xi32>
    %get3A_340 = arith.constant 64 : index
    %get3A_341 = tpu.vector_load %arg6[%get3A_340] {strides = array<i32>} : memref<320xi32, #tpu.memory_space<vmem>>, vector<16xi32>,
    tpu.vector_store_idx %arg9[%mul3A_339], %get3A_341 : memref<640xi32, #tpu.memory_space<vmem>>[vector<16xi32>], vector<16xi32>,
    %add3A_342 = arith.constant 1 : i32
    %add3A_343 = vector.broadcast %add3A_342 : i32 to vector<16xi32>
    %add3A_344 = arith.addi %mul3A_339, %add3A_343 : vector<16xi32>
    %get3A_345 = arith.constant 64 : index
    %get3A_346 = tpu.vector_load %arg7[%get3A_345] {strides = array<i32>} : memref<320xi32, #tpu.memory_space<vmem>>, vector<16xi32>,
    tpu.vector_store_idx %arg9[%add3A_344], %get3A_346 : memref<640xi32, #tpu.memory_space<vmem>>[vector<16xi32>], vector<16xi32>,
    %add3A_347 = arith.constant 80 : i32
    %add3A_348 = vector.broadcast %add3A_347 : i32 to vector<16xi32>
    %add3A_349 = arith.addi %add3A_348, %iota3A : vector<16xi32>
    %mul3A_350 = arith.constant 2 : i32
    %mul3A_351 = vector.broadcast %mul3A_350 : i32 to vector<16xi32>
    %mul3A_352 = arith.muli %mul3A_351, %add3A_349 : vector<16xi32>
    %get3A_353 = arith.constant 80 : index
    %get3A_354 = tpu.vector_load %arg6[%get3A_353] {strides = array<i32>} : memref<320xi32, #tpu.memory_space<vmem>>, vector<16xi32>,
    tpu.vector_store_idx %arg9[%mul3A_352], %get3A_354 : memref<640xi32, #tpu.memory_space<vmem>>[vector<16xi32>], vector<16xi32>,
    %add3A_355 = arith.constant 1 : i32
    %add3A_356 = vector.broadcast %add3A_355 : i32 to vector<16xi32>
    %add3A_357 = arith.addi %mul3A_352, %add3A_356 : vector<16xi32>
    %get3A_358 = arith.constant 80 : index
    %get3A_359 = tpu.vector_load %arg7[%get3A_358] {strides = array<i32>} : memref<320xi32, #tpu.memory_space<vmem>>, vector<16xi32>,
    tpu.vector_store_idx %arg9[%add3A_357], %get3A_359 : memref<640xi32, #tpu.memory_space<vmem>>[vector<16xi32>], vector<16xi32>,
    %add3A_360 = arith.constant 96 : i32
    %add3A_361 = vector.broadcast %add3A_360 : i32 to vector<16xi32>
    %add3A_362 = arith.addi %add3A_361, %iota3A : vector<16xi32>
    %mul3A_363 = arith.constant 2 : i32
    %mul3A_364 = vector.broadcast %mul3A_363 : i32 to vector<16xi32>
    %mul3A_365 = arith.muli %mul3A_364, %add3A_362 : vector<16xi32>
    %get3A_366 = arith.constant 96 : index
    %get3A_367 = tpu.vector_load %arg6[%get3A_366] {strides = array<i32>} : memref<320xi32, #tpu.memory_space<vmem>>, vector<16xi32>,
    tpu.vector_store_idx %arg9[%mul3A_365], %get3A_367 : memref<640xi32, #tpu.memory_space<vmem>>[vector<16xi32>], vector<16xi32>,
    %add3A_368 = arith.constant 1 : i32
    %add3A_369 = vector.broadcast %add3A_368 : i32 to vector<16xi32>
    %add3A_370 = arith.addi %mul3A_365, %add3A_369 : vector<16xi32>
    %get3A_371 = arith.constant 96 : index
    %get3A_372 = tpu.vector_load %arg7[%get3A_371] {strides = array<i32>} : memref<320xi32, #tpu.memory_space<vmem>>, vector<16xi32>,
    tpu.vector_store_idx %arg9[%add3A_370], %get3A_372 : memref<640xi32, #tpu.memory_space<vmem>>[vector<16xi32>], vector<16xi32>,
    %add3A_373 = arith.constant 112 : i32
    %add3A_374 = vector.broadcast %add3A_373 : i32 to vector<16xi32>
    %add3A_375 = arith.addi %add3A_374, %iota3A : vector<16xi32>
    %mul3A_376 = arith.constant 2 : i32
    %mul3A_377 = vector.broadcast %mul3A_376 : i32 to vector<16xi32>
    %mul3A_378 = arith.muli %mul3A_377, %add3A_375 : vector<16xi32>
    %get3A_379 = arith.constant 112 : index
    %get3A_380 = tpu.vector_load %arg6[%get3A_379] {strides = array<i32>} : memref<320xi32, #tpu.memory_space<vmem>>, vector<16xi32>,
    tpu.vector_store_idx %arg9[%mul3A_378], %get3A_380 : memref<640xi32, #tpu.memory_space<vmem>>[vector<16xi32>], vector<16xi32>,
    %add3A_381 = arith.constant 1 : i32
    %add3A_382 = vector.broadcast %add3A_381 : i32 to vector<16xi32>
    %add3A_383 = arith.addi %mul3A_378, %add3A_382 : vector<16xi32>
    %get3A_384 = arith.constant 112 : index
    %get3A_385 = tpu.vector_load %arg7[%get3A_384] {strides = array<i32>} : memref<320xi32, #tpu.memory_space<vmem>>, vector<16xi32>,
    tpu.vector_store_idx %arg9[%add3A_383], %get3A_385 : memref<640xi32, #tpu.memory_space<vmem>>[vector<16xi32>], vector<16xi32>,
    %add3A_386 = arith.constant 128 : i32
    %add3A_387 = vector.broadcast %add3A_386 : i32 to vector<16xi32>
    %add3A_388 = arith.addi %add3A_387, %iota3A : vector<16xi32>
    %mul3A_389 = arith.constant 2 : i32
    %mul3A_390 = vector.broadcast %mul3A_389 : i32 to vector<16xi32>
    %mul3A_391 = arith.muli %mul3A_390, %add3A_388 : vector<16xi32>
    %get3A_392 = arith.constant 128 : index
    %get3A_393 = tpu.vector_load %arg6[%get3A_392] {strides = array<i32>} : memref<320xi32, #tpu.memory_space<vmem>>, vector<16xi32>,
    tpu.vector_store_idx %arg9[%mul3A_391], %get3A_393 : memref<640xi32, #tpu.memory_space<vmem>>[vector<16xi32>], vector<16xi32>,
    %add3A_394 = arith.constant 1 : i32
    %add3A_395 = vector.broadcast %add3A_394 : i32 to vector<16xi32>
    %add3A_396 = arith.addi %mul3A_391, %add3A_395 : vector<16xi32>
    %get3A_397 = arith.constant 128 : index
    %get3A_398 = tpu.vector_load %arg7[%get3A_397] {strides = array<i32>} : memref<320xi32, #tpu.memory_space<vmem>>, vector<16xi32>,
    tpu.vector_store_idx %arg9[%add3A_396], %get3A_398 : memref<640xi32, #tpu.memory_space<vmem>>[vector<16xi32>], vector<16xi32>,
    %add3A_399 = arith.constant 144 : i32
    %add3A_400 = vector.broadcast %add3A_399 : i32 to vector<16xi32>
    %add3A_401 = arith.addi %add3A_400, %iota3A : vector<16xi32>
    %mul3A_402 = arith.constant 2 : i32
    %mul3A_403 = vector.broadcast %mul3A_402 : i32 to vector<16xi32>
    %mul3A_404 = arith.muli %mul3A_403, %add3A_401 : vector<16xi32>
    %get3A_405 = arith.constant 144 : index
    %get3A_406 = tpu.vector_load %arg6[%get3A_405] {strides = array<i32>} : memref<320xi32, #tpu.memory_space<vmem>>, vector<16xi32>,
    tpu.vector_store_idx %arg9[%mul3A_404], %get3A_406 : memref<640xi32, #tpu.memory_space<vmem>>[vector<16xi32>], vector<16xi32>,
    %add3A_407 = arith.constant 1 : i32
    %add3A_408 = vector.broadcast %add3A_407 : i32 to vector<16xi32>
    %add3A_409 = arith.addi %mul3A_404, %add3A_408 : vector<16xi32>
    %get3A_410 = arith.constant 144 : index
    %get3A_411 = tpu.vector_load %arg7[%get3A_410] {strides = array<i32>} : memref<320xi32, #tpu.memory_space<vmem>>, vector<16xi32>,
    tpu.vector_store_idx %arg9[%add3A_409], %get3A_411 : memref<640xi32, #tpu.memory_space<vmem>>[vector<16xi32>], vector<16xi32>,
    %add3A_412 = arith.constant 160 : i32
    %add3A_413 = vector.broadcast %add3A_412 : i32 to vector<16xi32>
    %add3A_414 = arith.addi %add3A_413, %iota3A : vector<16xi32>
    %mul3A_415 = arith.constant 2 : i32
    %mul3A_416 = vector.broadcast %mul3A_415 : i32 to vector<16xi32>
    %mul3A_417 = arith.muli %mul3A_416, %add3A_414 : vector<16xi32>
    %get3A_418 = arith.constant 160 : index
    %get3A_419 = tpu.vector_load %arg6[%get3A_418] {strides = array<i32>} : memref<320xi32, #tpu.memory_space<vmem>>, vector<16xi32>,
    tpu.vector_store_idx %arg9[%mul3A_417], %get3A_419 : memref<640xi32, #tpu.memory_space<vmem>>[vector<16xi32>], vector<16xi32>,
    %add3A_420 = arith.constant 1 : i32
    %add3A_421 = vector.broadcast %add3A_420 : i32 to vector<16xi32>
    %add3A_422 = arith.addi %mul3A_417, %add3A_421 : vector<16xi32>
    %get3A_423 = arith.constant 160 : index
    %get3A_424 = tpu.vector_load %arg7[%get3A_423] {strides = array<i32>} : memref<320xi32, #tpu.memory_space<vmem>>, vector<16xi32>,
    tpu.vector_store_idx %arg9[%add3A_422], %get3A_424 : memref<640xi32, #tpu.memory_space<vmem>>[vector<16xi32>], vector<16xi32>,
    %add3A_425 = arith.constant 176 : i32
    %add3A_426 = vector.broadcast %add3A_425 : i32 to vector<16xi32>
    %add3A_427 = arith.addi %add3A_426, %iota3A : vector<16xi32>
    %mul3A_428 = arith.constant 2 : i32
    %mul3A_429 = vector.broadcast %mul3A_428 : i32 to vector<16xi32>
    %mul3A_430 = arith.muli %mul3A_429, %add3A_427 : vector<16xi32>
    %get3A_431 = arith.constant 176 : index
    %get3A_432 = tpu.vector_load %arg6[%get3A_431] {strides = array<i32>} : memref<320xi32, #tpu.memory_space<vmem>>, vector<16xi32>,
    tpu.vector_store_idx %arg9[%mul3A_430], %get3A_432 : memref<640xi32, #tpu.memory_space<vmem>>[vector<16xi32>], vector<16xi32>,
    %add3A_433 = arith.constant 1 : i32
    %add3A_434 = vector.broadcast %add3A_433 : i32 to vector<16xi32>
    %add3A_435 = arith.addi %mul3A_430, %add3A_434 : vector<16xi32>
    %get3A_436 = arith.constant 176 : index
    %get3A_437 = tpu.vector_load %arg7[%get3A_436] {strides = array<i32>} : memref<320xi32, #tpu.memory_space<vmem>>, vector<16xi32>,
    tpu.vector_store_idx %arg9[%add3A_435], %get3A_437 : memref<640xi32, #tpu.memory_space<vmem>>[vector<16xi32>], vector<16xi32>,
    %add3A_438 = arith.constant 192 : i32
    %add3A_439 = vector.broadcast %add3A_438 : i32 to vector<16xi32>
    %add3A_440 = arith.addi %add3A_439, %iota3A : vector<16xi32>
    %mul3A_441 = arith.constant 2 : i32
    %mul3A_442 = vector.broadcast %mul3A_441 : i32 to vector<16xi32>
    %mul3A_443 = arith.muli %mul3A_442, %add3A_440 : vector<16xi32>
    %get3A_444 = arith.constant 192 : index
    %get3A_445 = tpu.vector_load %arg6[%get3A_444] {strides = array<i32>} : memref<320xi32, #tpu.memory_space<vmem>>, vector<16xi32>,
    tpu.vector_store_idx %arg9[%mul3A_443], %get3A_445 : memref<640xi32, #tpu.memory_space<vmem>>[vector<16xi32>], vector<16xi32>,
    %add3A_446 = arith.constant 1 : i32
    %add3A_447 = vector.broadcast %add3A_446 : i32 to vector<16xi32>
    %add3A_448 = arith.addi %mul3A_443, %add3A_447 : vector<16xi32>
    %get3A_449 = arith.constant 192 : index
    %get3A_450 = tpu.vector_load %arg7[%get3A_449] {strides = array<i32>} : memref<320xi32, #tpu.memory_space<vmem>>, vector<16xi32>,
    tpu.vector_store_idx %arg9[%add3A_448], %get3A_450 : memref<640xi32, #tpu.memory_space<vmem>>[vector<16xi32>], vector<16xi32>,
    %add3A_451 = arith.constant 208 : i32
    %add3A_452 = vector.broadcast %add3A_451 : i32 to vector<16xi32>
    %add3A_453 = arith.addi %add3A_452, %iota3A : vector<16xi32>
    %mul3A_454 = arith.constant 2 : i32
    %mul3A_455 = vector.broadcast %mul3A_454 : i32 to vector<16xi32>
    %mul3A_456 = arith.muli %mul3A_455, %add3A_453 : vector<16xi32>
    %get3A_457 = arith.constant 208 : index
    %get3A_458 = tpu.vector_load %arg6[%get3A_457] {strides = array<i32>} : memref<320xi32, #tpu.memory_space<vmem>>, vector<16xi32>,
    tpu.vector_store_idx %arg9[%mul3A_456], %get3A_458 : memref<640xi32, #tpu.memory_space<vmem>>[vector<16xi32>], vector<16xi32>,
    %add3A_459 = arith.constant 1 : i32
    %add3A_460 = vector.broadcast %add3A_459 : i32 to vector<16xi32>
    %add3A_461 = arith.addi %mul3A_456, %add3A_460 : vector<16xi32>
    %get3A_462 = arith.constant 208 : index
    %get3A_463 = tpu.vector_load %arg7[%get3A_462] {strides = array<i32>} : memref<320xi32, #tpu.memory_space<vmem>>, vector<16xi32>,
    tpu.vector_store_idx %arg9[%add3A_461], %get3A_463 : memref<640xi32, #tpu.memory_space<vmem>>[vector<16xi32>], vector<16xi32>,
    %add3A_464 = arith.constant 224 : i32
    %add3A_465 = vector.broadcast %add3A_464 : i32 to vector<16xi32>
    %add3A_466 = arith.addi %add3A_465, %iota3A : vector<16xi32>
    %mul3A_467 = arith.constant 2 : i32
    %mul3A_468 = vector.broadcast %mul3A_467 : i32 to vector<16xi32>
    %mul3A_469 = arith.muli %mul3A_468, %add3A_466 : vector<16xi32>
    %get3A_470 = arith.constant 224 : index
    %get3A_471 = tpu.vector_load %arg6[%get3A_470] {strides = array<i32>} : memref<320xi32, #tpu.memory_space<vmem>>, vector<16xi32>,
    tpu.vector_store_idx %arg9[%mul3A_469], %get3A_471 : memref<640xi32, #tpu.memory_space<vmem>>[vector<16xi32>], vector<16xi32>,
    %add3A_472 = arith.constant 1 : i32
    %add3A_473 = vector.broadcast %add3A_472 : i32 to vector<16xi32>
    %add3A_474 = arith.addi %mul3A_469, %add3A_473 : vector<16xi32>
    %get3A_475 = arith.constant 224 : index
    %get3A_476 = tpu.vector_load %arg7[%get3A_475] {strides = array<i32>} : memref<320xi32, #tpu.memory_space<vmem>>, vector<16xi32>,
    tpu.vector_store_idx %arg9[%add3A_474], %get3A_476 : memref<640xi32, #tpu.memory_space<vmem>>[vector<16xi32>], vector<16xi32>,
    %add3A_477 = arith.constant 240 : i32
    %add3A_478 = vector.broadcast %add3A_477 : i32 to vector<16xi32>
    %add3A_479 = arith.addi %add3A_478, %iota3A : vector<16xi32>
    %mul3A_480 = arith.constant 2 : i32
    %mul3A_481 = vector.broadcast %mul3A_480 : i32 to vector<16xi32>
    %mul3A_482 = arith.muli %mul3A_481, %add3A_479 : vector<16xi32>
    %get3A_483 = arith.constant 240 : index
    %get3A_484 = tpu.vector_load %arg6[%get3A_483] {strides = array<i32>} : memref<320xi32, #tpu.memory_space<vmem>>, vector<16xi32>,
    tpu.vector_store_idx %arg9[%mul3A_482], %get3A_484 : memref<640xi32, #tpu.memory_space<vmem>>[vector<16xi32>], vector<16xi32>,
    %add3A_485 = arith.constant 1 : i32
    %add3A_486 = vector.broadcast %add3A_485 : i32 to vector<16xi32>
    %add3A_487 = arith.addi %mul3A_482, %add3A_486 : vector<16xi32>
    %get3A_488 = arith.constant 240 : index
    %get3A_489 = tpu.vector_load %arg7[%get3A_488] {strides = array<i32>} : memref<320xi32, #tpu.memory_space<vmem>>, vector<16xi32>,
    tpu.vector_store_idx %arg9[%add3A_487], %get3A_489 : memref<640xi32, #tpu.memory_space<vmem>>[vector<16xi32>], vector<16xi32>,
    %add3A_490 = arith.constant 256 : i32
    %add3A_491 = vector.broadcast %add3A_490 : i32 to vector<16xi32>
    %add3A_492 = arith.addi %add3A_491, %iota3A : vector<16xi32>
    %mul3A_493 = arith.constant 2 : i32
    %mul3A_494 = vector.broadcast %mul3A_493 : i32 to vector<16xi32>
    %mul3A_495 = arith.muli %mul3A_494, %add3A_492 : vector<16xi32>
    %get3A_496 = arith.constant 256 : index
    %get3A_497 = tpu.vector_load %arg6[%get3A_496] {strides = array<i32>} : memref<320xi32, #tpu.memory_space<vmem>>, vector<16xi32>,
    tpu.vector_store_idx %arg9[%mul3A_495], %get3A_497 : memref<640xi32, #tpu.memory_space<vmem>>[vector<16xi32>], vector<16xi32>,
    %add3A_498 = arith.constant 1 : i32
    %add3A_499 = vector.broadcast %add3A_498 : i32 to vector<16xi32>
    %add3A_500 = arith.addi %mul3A_495, %add3A_499 : vector<16xi32>
    %get3A_501 = arith.constant 256 : index
    %get3A_502 = tpu.vector_load %arg7[%get3A_501] {strides = array<i32>} : memref<320xi32, #tpu.memory_space<vmem>>, vector<16xi32>,
    tpu.vector_store_idx %arg9[%add3A_500], %get3A_502 : memref<640xi32, #tpu.memory_space<vmem>>[vector<16xi32>], vector<16xi32>,
    %add3A_503 = arith.constant 272 : i32
    %add3A_504 = vector.broadcast %add3A_503 : i32 to vector<16xi32>
    %add3A_505 = arith.addi %add3A_504, %iota3A : vector<16xi32>
    %mul3A_506 = arith.constant 2 : i32
    %mul3A_507 = vector.broadcast %mul3A_506 : i32 to vector<16xi32>
    %mul3A_508 = arith.muli %mul3A_507, %add3A_505 : vector<16xi32>
    %get3A_509 = arith.constant 272 : index
    %get3A_510 = tpu.vector_load %arg6[%get3A_509] {strides = array<i32>} : memref<320xi32, #tpu.memory_space<vmem>>, vector<16xi32>,
    tpu.vector_store_idx %arg9[%mul3A_508], %get3A_510 : memref<640xi32, #tpu.memory_space<vmem>>[vector<16xi32>], vector<16xi32>,
    %add3A_511 = arith.constant 1 : i32
    %add3A_512 = vector.broadcast %add3A_511 : i32 to vector<16xi32>
    %add3A_513 = arith.addi %mul3A_508, %add3A_512 : vector<16xi32>
    %get3A_514 = arith.constant 272 : index
    %get3A_515 = tpu.vector_load %arg7[%get3A_514] {strides = array<i32>} : memref<320xi32, #tpu.memory_space<vmem>>, vector<16xi32>,
    tpu.vector_store_idx %arg9[%add3A_513], %get3A_515 : memref<640xi32, #tpu.memory_space<vmem>>[vector<16xi32>], vector<16xi32>,
    %add3A_516 = arith.constant 288 : i32
    %add3A_517 = vector.broadcast %add3A_516 : i32 to vector<16xi32>
    %add3A_518 = arith.addi %add3A_517, %iota3A : vector<16xi32>
    %mul3A_519 = arith.constant 2 : i32
    %mul3A_520 = vector.broadcast %mul3A_519 : i32 to vector<16xi32>
    %mul3A_521 = arith.muli %mul3A_520, %add3A_518 : vector<16xi32>
    %get3A_522 = arith.constant 288 : index
    %get3A_523 = tpu.vector_load %arg6[%get3A_522] {strides = array<i32>} : memref<320xi32, #tpu.memory_space<vmem>>, vector<16xi32>,
    tpu.vector_store_idx %arg9[%mul3A_521], %get3A_523 : memref<640xi32, #tpu.memory_space<vmem>>[vector<16xi32>], vector<16xi32>,
    %add3A_524 = arith.constant 1 : i32
    %add3A_525 = vector.broadcast %add3A_524 : i32 to vector<16xi32>
    %add3A_526 = arith.addi %mul3A_521, %add3A_525 : vector<16xi32>
    %get3A_527 = arith.constant 288 : index
    %get3A_528 = tpu.vector_load %arg7[%get3A_527] {strides = array<i32>} : memref<320xi32, #tpu.memory_space<vmem>>, vector<16xi32>,
    tpu.vector_store_idx %arg9[%add3A_526], %get3A_528 : memref<640xi32, #tpu.memory_space<vmem>>[vector<16xi32>], vector<16xi32>,
    %add3A_529 = arith.constant 304 : i32
    %add3A_530 = vector.broadcast %add3A_529 : i32 to vector<16xi32>
    %add3A_531 = arith.addi %add3A_530, %iota3A : vector<16xi32>
    %mul3A_532 = arith.constant 2 : i32
    %mul3A_533 = vector.broadcast %mul3A_532 : i32 to vector<16xi32>
    %mul3A_534 = arith.muli %mul3A_533, %add3A_531 : vector<16xi32>
    %get3A_535 = arith.constant 304 : index
    %get3A_536 = tpu.vector_load %arg6[%get3A_535] {strides = array<i32>} : memref<320xi32, #tpu.memory_space<vmem>>, vector<16xi32>,
    tpu.vector_store_idx %arg9[%mul3A_534], %get3A_536 : memref<640xi32, #tpu.memory_space<vmem>>[vector<16xi32>], vector<16xi32>,
    %add3A_537 = arith.constant 1 : i32
    %add3A_538 = vector.broadcast %add3A_537 : i32 to vector<16xi32>
    %add3A_539 = arith.addi %mul3A_534, %add3A_538 : vector<16xi32>
    %get3A_540 = arith.constant 304 : index
    %get3A_541 = tpu.vector_load %arg7[%get3A_540] {strides = array<i32>} : memref<320xi32, #tpu.memory_space<vmem>>, vector<16xi32>,
    tpu.vector_store_idx %arg9[%add3A_539], %get3A_541 : memref<640xi32, #tpu.memory_space<vmem>>[vector<16xi32>], vector<16xi32>,
    %dma_start3A_542 = arith.constant 0 : i32
    %dma_start3A_543 = arith.constant 0 : i32
    %dma_start3A_544 = tpu.memref_slice %arg2[%dma_start3A_542, %dma_start3A_543] : memref<512000x64xi32, #tpu.memory_space<hbm>> -> memref<512000x64xi32, #tpu.memory_space<hbm>>
    tpu.enqueue_indirect_dma source(%dma_start3A_544 : memref<512000x64xi32, #tpu.memory_space<hbm>>) target(%arg11 : memref<640x64xi32, #tpu.memory_space<vmem>>) offsets(%arg9 : memref<640xi32, #tpu.memory_space<vmem>>) semaphore(%arg12 : memref<!tpu.dma_semaphore, #tpu.memory_space<semaphore_mem>>)
    %dma_wait3A_545 = arith.constant 0 : i32
    %dma_wait3A_546 = arith.constant 0 : i32
    %dma_wait3A_547 = tpu.memref_slice %arg2[%dma_wait3A_545, %dma_wait3A_546] : memref<512000x64xi32, #tpu.memory_space<hbm>> -> memref<512000x64xi32, #tpu.memory_space<hbm>>
    tpu.wait_indirect_dma semaphore(%arg12 : memref<!tpu.dma_semaphore, #tpu.memory_space<semaphore_mem>>) src(%dma_wait3A_547 : memref<512000x64xi32, #tpu.memory_space<hbm>>) dst(%arg11 : memref<640x64xi32, #tpu.memory_space<vmem>>)
    %dma_start3A_548 = arith.constant 0 : i32
    %dma_start3A_549 = tpu.memref_slice %arg5[%add3A_277, %dma_start3A_548] : memref<204800x64xi32, #tpu.memory_space<hbm>> -> memref<640x64xi32, #tpu.memory_space<hbm>>
    %dma_start3A_550 = arith.constant 0 : i32
    %dma_start3A_551 = tpu.memref_slice %arg5[%add3A_277, %dma_start3A_550] : memref<204800x64xi32, #tpu.memory_space<hbm>> -> memref<640x64xi32, #tpu.memory_space<hbm>>
    tpu.enqueue_dma source(%arg11 : memref<640x64xi32, #tpu.memory_space<vmem>>) target(%dma_start3A_551 : memref<640x64xi32, #tpu.memory_space<hbm>>) target_semaphore(%arg13 : memref<!tpu.dma_semaphore, #tpu.memory_space<semaphore_mem>>)
    %add3A_552 = arith.constant 1280 : i32
    %add3A_553 = arith.addi %mul3A_2, %add3A_552 : i32
    %mul3A_554 = arith.constant 3200 : i32
    %mul3A_555 = arith.muli %add3A, %mul3A_554 : i32
    %add3A_556 = arith.constant 640 : i32
    %add3A_557 = arith.addi %mul3A_555, %add3A_556 : i32
    "tpu.region"() ({
      %run_scoped3A = tpu.sem_alloc : memref<!tpu.dma_semaphore, #tpu.memory_space<semaphore_mem>>
      %dma_start3A_2800 = tpu.memref_slice %arg3[%add3A_557] : memref<102400xi32, #tpu.memory_space<hbm>> -> memref<320xi32, #tpu.memory_space<hbm>>
      %dma_start3A_2801 = tpu.memref_slice %arg3[%add3A_557] : memref<102400xi32, #tpu.memory_space<hbm>> -> memref<320xi32, #tpu.memory_space<hbm>>
      tpu.enqueue_dma source(%dma_start3A_2801 : memref<320xi32, #tpu.memory_space<hbm>>) target(%arg6 : memref<320xi32, #tpu.memory_space<vmem>>) target_semaphore(%run_scoped3A : memref<!tpu.dma_semaphore, #tpu.memory_space<semaphore_mem>>)
      %dma_wait3A_2802 = tpu.memref_slice %arg3[%add3A_557] : memref<102400xi32, #tpu.memory_space<hbm>> -> memref<320xi32, #tpu.memory_space<hbm>>
      %dma_wait3A_2803 = tpu.memref_slice %arg3[%add3A_557] : memref<102400xi32, #tpu.memory_space<hbm>> -> memref<320xi32, #tpu.memory_space<hbm>>
      tpu.wait_dma2 semaphore(%run_scoped3A : memref<!tpu.dma_semaphore, #tpu.memory_space<semaphore_mem>>) src(%dma_wait3A_2803 : memref<320xi32, #tpu.memory_space<hbm>>) dst(%arg6 : memref<320xi32, #tpu.memory_space<vmem>>)
      tpu.yield
    }) : () -> ()
    "tpu.region"() ({
      %run_scoped3A = tpu.sem_alloc : memref<!tpu.dma_semaphore, #tpu.memory_space<semaphore_mem>>
      %dma_start3A_2800 = tpu.memref_slice %arg4[%add3A_557] : memref<102400xi32, #tpu.memory_space<hbm>> -> memref<320xi32, #tpu.memory_space<hbm>>
      %dma_start3A_2801 = tpu.memref_slice %arg4[%add3A_557] : memref<102400xi32, #tpu.memory_space<hbm>> -> memref<320xi32, #tpu.memory_space<hbm>>
      tpu.enqueue_dma source(%dma_start3A_2801 : memref<320xi32, #tpu.memory_space<hbm>>) target(%arg7 : memref<320xi32, #tpu.memory_space<vmem>>) target_semaphore(%run_scoped3A : memref<!tpu.dma_semaphore, #tpu.memory_space<semaphore_mem>>)
      %dma_wait3A_2802 = tpu.memref_slice %arg4[%add3A_557] : memref<102400xi32, #tpu.memory_space<hbm>> -> memref<320xi32, #tpu.memory_space<hbm>>
      %dma_wait3A_2803 = tpu.memref_slice %arg4[%add3A_557] : memref<102400xi32, #tpu.memory_space<hbm>> -> memref<320xi32, #tpu.memory_space<hbm>>
      tpu.wait_dma2 semaphore(%run_scoped3A : memref<!tpu.dma_semaphore, #tpu.memory_space<semaphore_mem>>) src(%dma_wait3A_2803 : memref<320xi32, #tpu.memory_space<hbm>>) dst(%arg7 : memref<320xi32, #tpu.memory_space<vmem>>)
      tpu.yield
    }) : () -> ()
    %add3A_558 = arith.constant 0 : i32
    %add3A_559 = vector.broadcast %add3A_558 : i32 to vector<16xi32>
    %add3A_560 = arith.addi %add3A_559, %iota3A : vector<16xi32>
    %mul3A_561 = arith.constant 2 : i32
    %mul3A_562 = vector.broadcast %mul3A_561 : i32 to vector<16xi32>
    %mul3A_563 = arith.muli %mul3A_562, %add3A_560 : vector<16xi32>
    %get3A_564 = arith.constant 0 : index
    %get3A_565 = tpu.vector_load %arg6[%get3A_564] {strides = array<i32>} : memref<320xi32, #tpu.memory_space<vmem>>, vector<16xi32>,
    tpu.vector_store_idx %arg8[%mul3A_563], %get3A_565 : memref<640xi32, #tpu.memory_space<vmem>>[vector<16xi32>], vector<16xi32>,
    %add3A_566 = arith.constant 1 : i32
    %add3A_567 = vector.broadcast %add3A_566 : i32 to vector<16xi32>
    %add3A_568 = arith.addi %mul3A_563, %add3A_567 : vector<16xi32>
    %get3A_569 = arith.constant 0 : index
    %get3A_570 = tpu.vector_load %arg7[%get3A_569] {strides = array<i32>} : memref<320xi32, #tpu.memory_space<vmem>>, vector<16xi32>,
    tpu.vector_store_idx %arg8[%add3A_568], %get3A_570 : memref<640xi32, #tpu.memory_space<vmem>>[vector<16xi32>], vector<16xi32>,
    %add3A_571 = arith.constant 16 : i32
    %add3A_572 = vector.broadcast %add3A_571 : i32 to vector<16xi32>
    %add3A_573 = arith.addi %add3A_572, %iota3A : vector<16xi32>
    %mul3A_574 = arith.constant 2 : i32
    %mul3A_575 = vector.broadcast %mul3A_574 : i32 to vector<16xi32>
    %mul3A_576 = arith.muli %mul3A_575, %add3A_573 : vector<16xi32>
    %get3A_577 = arith.constant 16 : index
    %get3A_578 = tpu.vector_load %arg6[%get3A_577] {strides = array<i32>} : memref<320xi32, #tpu.memory_space<vmem>>, vector<16xi32>,
    tpu.vector_store_idx %arg8[%mul3A_576], %get3A_578 : memref<640xi32, #tpu.memory_space<vmem>>[vector<16xi32>], vector<16xi32>,
    %add3A_579 = arith.constant 1 : i32
    %add3A_580 = vector.broadcast %add3A_579 : i32 to vector<16xi32>
    %add3A_581 = arith.addi %mul3A_576, %add3A_580 : vector<16xi32>
    %get3A_582 = arith.constant 16 : index
    %get3A_583 = tpu.vector_load %arg7[%get3A_582] {strides = array<i32>} : memref<320xi32, #tpu.memory_space<vmem>>, vector<16xi32>,
    tpu.vector_store_idx %arg8[%add3A_581], %get3A_583 : memref<640xi32, #tpu.memory_space<vmem>>[vector<16xi32>], vector<16xi32>,
    %add3A_584 = arith.constant 32 : i32
    %add3A_585 = vector.broadcast %add3A_584 : i32 to vector<16xi32>
    %add3A_586 = arith.addi %add3A_585, %iota3A : vector<16xi32>
    %mul3A_587 = arith.constant 2 : i32
    %mul3A_588 = vector.broadcast %mul3A_587 : i32 to vector<16xi32>
    %mul3A_589 = arith.muli %mul3A_588, %add3A_586 : vector<16xi32>
    %get3A_590 = arith.constant 32 : index
    %get3A_591 = tpu.vector_load %arg6[%get3A_590] {strides = array<i32>} : memref<320xi32, #tpu.memory_space<vmem>>, vector<16xi32>,
    tpu.vector_store_idx %arg8[%mul3A_589], %get3A_591 : memref<640xi32, #tpu.memory_space<vmem>>[vector<16xi32>], vector<16xi32>,
    %add3A_592 = arith.constant 1 : i32
    %add3A_593 = vector.broadcast %add3A_592 : i32 to vector<16xi32>
    %add3A_594 = arith.addi %mul3A_589, %add3A_593 : vector<16xi32>
    %get3A_595 = arith.constant 32 : index
    %get3A_596 = tpu.vector_load %arg7[%get3A_595] {strides = array<i32>} : memref<320xi32, #tpu.memory_space<vmem>>, vector<16xi32>,
    tpu.vector_store_idx %arg8[%add3A_594], %get3A_596 : memref<640xi32, #tpu.memory_space<vmem>>[vector<16xi32>], vector<16xi32>,
    %add3A_597 = arith.constant 48 : i32
    %add3A_598 = vector.broadcast %add3A_597 : i32 to vector<16xi32>
    %add3A_599 = arith.addi %add3A_598, %iota3A : vector<16xi32>
    %mul3A_600 = arith.constant 2 : i32
    %mul3A_601 = vector.broadcast %mul3A_600 : i32 to vector<16xi32>
    %mul3A_602 = arith.muli %mul3A_601, %add3A_599 : vector<16xi32>
    %get3A_603 = arith.constant 48 : index
    %get3A_604 = tpu.vector_load %arg6[%get3A_603] {strides = array<i32>} : memref<320xi32, #tpu.memory_space<vmem>>, vector<16xi32>,
    tpu.vector_store_idx %arg8[%mul3A_602], %get3A_604 : memref<640xi32, #tpu.memory_space<vmem>>[vector<16xi32>], vector<16xi32>,
    %add3A_605 = arith.constant 1 : i32
    %add3A_606 = vector.broadcast %add3A_605 : i32 to vector<16xi32>
    %add3A_607 = arith.addi %mul3A_602, %add3A_606 : vector<16xi32>
    %get3A_608 = arith.constant 48 : index
    %get3A_609 = tpu.vector_load %arg7[%get3A_608] {strides = array<i32>} : memref<320xi32, #tpu.memory_space<vmem>>, vector<16xi32>,
    tpu.vector_store_idx %arg8[%add3A_607], %get3A_609 : memref<640xi32, #tpu.memory_space<vmem>>[vector<16xi32>], vector<16xi32>,
    %add3A_610 = arith.constant 64 : i32
    %add3A_611 = vector.broadcast %add3A_610 : i32 to vector<16xi32>
    %add3A_612 = arith.addi %add3A_611, %iota3A : vector<16xi32>
    %mul3A_613 = arith.constant 2 : i32
    %mul3A_614 = vector.broadcast %mul3A_613 : i32 to vector<16xi32>
    %mul3A_615 = arith.muli %mul3A_614, %add3A_612 : vector<16xi32>
    %get3A_616 = arith.constant 64 : index
    %get3A_617 = tpu.vector_load %arg6[%get3A_616] {strides = array<i32>} : memref<320xi32, #tpu.memory_space<vmem>>, vector<16xi32>,
    tpu.vector_store_idx %arg8[%mul3A_615], %get3A_617 : memref<640xi32, #tpu.memory_space<vmem>>[vector<16xi32>], vector<16xi32>,
    %add3A_618 = arith.constant 1 : i32
    %add3A_619 = vector.broadcast %add3A_618 : i32 to vector<16xi32>
    %add3A_620 = arith.addi %mul3A_615, %add3A_619 : vector<16xi32>
    %get3A_621 = arith.constant 64 : index
    %get3A_622 = tpu.vector_load %arg7[%get3A_621] {strides = array<i32>} : memref<320xi32, #tpu.memory_space<vmem>>, vector<16xi32>,
    tpu.vector_store_idx %arg8[%add3A_620], %get3A_622 : memref<640xi32, #tpu.memory_space<vmem>>[vector<16xi32>], vector<16xi32>,
    %add3A_623 = arith.constant 80 : i32
    %add3A_624 = vector.broadcast %add3A_623 : i32 to vector<16xi32>
    %add3A_625 = arith.addi %add3A_624, %iota3A : vector<16xi32>
    %mul3A_626 = arith.constant 2 : i32
    %mul3A_627 = vector.broadcast %mul3A_626 : i32 to vector<16xi32>
    %mul3A_628 = arith.muli %mul3A_627, %add3A_625 : vector<16xi32>
    %get3A_629 = arith.constant 80 : index
    %get3A_630 = tpu.vector_load %arg6[%get3A_629] {strides = array<i32>} : memref<320xi32, #tpu.memory_space<vmem>>, vector<16xi32>,
    tpu.vector_store_idx %arg8[%mul3A_628], %get3A_630 : memref<640xi32, #tpu.memory_space<vmem>>[vector<16xi32>], vector<16xi32>,
    %add3A_631 = arith.constant 1 : i32
    %add3A_632 = vector.broadcast %add3A_631 : i32 to vector<16xi32>
    %add3A_633 = arith.addi %mul3A_628, %add3A_632 : vector<16xi32>
    %get3A_634 = arith.constant 80 : index
    %get3A_635 = tpu.vector_load %arg7[%get3A_634] {strides = array<i32>} : memref<320xi32, #tpu.memory_space<vmem>>, vector<16xi32>,
    tpu.vector_store_idx %arg8[%add3A_633], %get3A_635 : memref<640xi32, #tpu.memory_space<vmem>>[vector<16xi32>], vector<16xi32>,
    %add3A_636 = arith.constant 96 : i32
    %add3A_637 = vector.broadcast %add3A_636 : i32 to vector<16xi32>
    %add3A_638 = arith.addi %add3A_637, %iota3A : vector<16xi32>
    %mul3A_639 = arith.constant 2 : i32
    %mul3A_640 = vector.broadcast %mul3A_639 : i32 to vector<16xi32>
    %mul3A_641 = arith.muli %mul3A_640, %add3A_638 : vector<16xi32>
    %get3A_642 = arith.constant 96 : index
    %get3A_643 = tpu.vector_load %arg6[%get3A_642] {strides = array<i32>} : memref<320xi32, #tpu.memory_space<vmem>>, vector<16xi32>,
    tpu.vector_store_idx %arg8[%mul3A_641], %get3A_643 : memref<640xi32, #tpu.memory_space<vmem>>[vector<16xi32>], vector<16xi32>,
    %add3A_644 = arith.constant 1 : i32
    %add3A_645 = vector.broadcast %add3A_644 : i32 to vector<16xi32>
    %add3A_646 = arith.addi %mul3A_641, %add3A_645 : vector<16xi32>
    %get3A_647 = arith.constant 96 : index
    %get3A_648 = tpu.vector_load %arg7[%get3A_647] {strides = array<i32>} : memref<320xi32, #tpu.memory_space<vmem>>, vector<16xi32>,
    tpu.vector_store_idx %arg8[%add3A_646], %get3A_648 : memref<640xi32, #tpu.memory_space<vmem>>[vector<16xi32>], vector<16xi32>,
    %add3A_649 = arith.constant 112 : i32
    %add3A_650 = vector.broadcast %add3A_649 : i32 to vector<16xi32>
    %add3A_651 = arith.addi %add3A_650, %iota3A : vector<16xi32>
    %mul3A_652 = arith.constant 2 : i32
    %mul3A_653 = vector.broadcast %mul3A_652 : i32 to vector<16xi32>
    %mul3A_654 = arith.muli %mul3A_653, %add3A_651 : vector<16xi32>
    %get3A_655 = arith.constant 112 : index
    %get3A_656 = tpu.vector_load %arg6[%get3A_655] {strides = array<i32>} : memref<320xi32, #tpu.memory_space<vmem>>, vector<16xi32>,
    tpu.vector_store_idx %arg8[%mul3A_654], %get3A_656 : memref<640xi32, #tpu.memory_space<vmem>>[vector<16xi32>], vector<16xi32>,
    %add3A_657 = arith.constant 1 : i32
    %add3A_658 = vector.broadcast %add3A_657 : i32 to vector<16xi32>
    %add3A_659 = arith.addi %mul3A_654, %add3A_658 : vector<16xi32>
    %get3A_660 = arith.constant 112 : index
    %get3A_661 = tpu.vector_load %arg7[%get3A_660] {strides = array<i32>} : memref<320xi32, #tpu.memory_space<vmem>>, vector<16xi32>,
    tpu.vector_store_idx %arg8[%add3A_659], %get3A_661 : memref<640xi32, #tpu.memory_space<vmem>>[vector<16xi32>], vector<16xi32>,
    %add3A_662 = arith.constant 128 : i32
    %add3A_663 = vector.broadcast %add3A_662 : i32 to vector<16xi32>
    %add3A_664 = arith.addi %add3A_663, %iota3A : vector<16xi32>
    %mul3A_665 = arith.constant 2 : i32
    %mul3A_666 = vector.broadcast %mul3A_665 : i32 to vector<16xi32>
    %mul3A_667 = arith.muli %mul3A_666, %add3A_664 : vector<16xi32>
    %get3A_668 = arith.constant 128 : index
    %get3A_669 = tpu.vector_load %arg6[%get3A_668] {strides = array<i32>} : memref<320xi32, #tpu.memory_space<vmem>>, vector<16xi32>,
    tpu.vector_store_idx %arg8[%mul3A_667], %get3A_669 : memref<640xi32, #tpu.memory_space<vmem>>[vector<16xi32>], vector<16xi32>,
    %add3A_670 = arith.constant 1 : i32
    %add3A_671 = vector.broadcast %add3A_670 : i32 to vector<16xi32>
    %add3A_672 = arith.addi %mul3A_667, %add3A_671 : vector<16xi32>
    %get3A_673 = arith.constant 128 : index
    %get3A_674 = tpu.vector_load %arg7[%get3A_673] {strides = array<i32>} : memref<320xi32, #tpu.memory_space<vmem>>, vector<16xi32>,
    tpu.vector_store_idx %arg8[%add3A_672], %get3A_674 : memref<640xi32, #tpu.memory_space<vmem>>[vector<16xi32>], vector<16xi32>,
    %add3A_675 = arith.constant 144 : i32
    %add3A_676 = vector.broadcast %add3A_675 : i32 to vector<16xi32>
    %add3A_677 = arith.addi %add3A_676, %iota3A : vector<16xi32>
    %mul3A_678 = arith.constant 2 : i32
    %mul3A_679 = vector.broadcast %mul3A_678 : i32 to vector<16xi32>
    %mul3A_680 = arith.muli %mul3A_679, %add3A_677 : vector<16xi32>
    %get3A_681 = arith.constant 144 : index
    %get3A_682 = tpu.vector_load %arg6[%get3A_681] {strides = array<i32>} : memref<320xi32, #tpu.memory_space<vmem>>, vector<16xi32>,
    tpu.vector_store_idx %arg8[%mul3A_680], %get3A_682 : memref<640xi32, #tpu.memory_space<vmem>>[vector<16xi32>], vector<16xi32>,
    %add3A_683 = arith.constant 1 : i32
    %add3A_684 = vector.broadcast %add3A_683 : i32 to vector<16xi32>
    %add3A_685 = arith.addi %mul3A_680, %add3A_684 : vector<16xi32>
    %get3A_686 = arith.constant 144 : index
    %get3A_687 = tpu.vector_load %arg7[%get3A_686] {strides = array<i32>} : memref<320xi32, #tpu.memory_space<vmem>>, vector<16xi32>,
    tpu.vector_store_idx %arg8[%add3A_685], %get3A_687 : memref<640xi32, #tpu.memory_space<vmem>>[vector<16xi32>], vector<16xi32>,
    %add3A_688 = arith.constant 160 : i32
    %add3A_689 = vector.broadcast %add3A_688 : i32 to vector<16xi32>
    %add3A_690 = arith.addi %add3A_689, %iota3A : vector<16xi32>
    %mul3A_691 = arith.constant 2 : i32
    %mul3A_692 = vector.broadcast %mul3A_691 : i32 to vector<16xi32>
    %mul3A_693 = arith.muli %mul3A_692, %add3A_690 : vector<16xi32>
    %get3A_694 = arith.constant 160 : index
    %get3A_695 = tpu.vector_load %arg6[%get3A_694] {strides = array<i32>} : memref<320xi32, #tpu.memory_space<vmem>>, vector<16xi32>,
    tpu.vector_store_idx %arg8[%mul3A_693], %get3A_695 : memref<640xi32, #tpu.memory_space<vmem>>[vector<16xi32>], vector<16xi32>,
    %add3A_696 = arith.constant 1 : i32
    %add3A_697 = vector.broadcast %add3A_696 : i32 to vector<16xi32>
    %add3A_698 = arith.addi %mul3A_693, %add3A_697 : vector<16xi32>
    %get3A_699 = arith.constant 160 : index
    %get3A_700 = tpu.vector_load %arg7[%get3A_699] {strides = array<i32>} : memref<320xi32, #tpu.memory_space<vmem>>, vector<16xi32>,
    tpu.vector_store_idx %arg8[%add3A_698], %get3A_700 : memref<640xi32, #tpu.memory_space<vmem>>[vector<16xi32>], vector<16xi32>,
    %add3A_701 = arith.constant 176 : i32
    %add3A_702 = vector.broadcast %add3A_701 : i32 to vector<16xi32>
    %add3A_703 = arith.addi %add3A_702, %iota3A : vector<16xi32>
    %mul3A_704 = arith.constant 2 : i32
    %mul3A_705 = vector.broadcast %mul3A_704 : i32 to vector<16xi32>
    %mul3A_706 = arith.muli %mul3A_705, %add3A_703 : vector<16xi32>
    %get3A_707 = arith.constant 176 : index
    %get3A_708 = tpu.vector_load %arg6[%get3A_707] {strides = array<i32>} : memref<320xi32, #tpu.memory_space<vmem>>, vector<16xi32>,
    tpu.vector_store_idx %arg8[%mul3A_706], %get3A_708 : memref<640xi32, #tpu.memory_space<vmem>>[vector<16xi32>], vector<16xi32>,
    %add3A_709 = arith.constant 1 : i32
    %add3A_710 = vector.broadcast %add3A_709 : i32 to vector<16xi32>
    %add3A_711 = arith.addi %mul3A_706, %add3A_710 : vector<16xi32>
    %get3A_712 = arith.constant 176 : index
    %get3A_713 = tpu.vector_load %arg7[%get3A_712] {strides = array<i32>} : memref<320xi32, #tpu.memory_space<vmem>>, vector<16xi32>,
    tpu.vector_store_idx %arg8[%add3A_711], %get3A_713 : memref<640xi32, #tpu.memory_space<vmem>>[vector<16xi32>], vector<16xi32>,
    %add3A_714 = arith.constant 192 : i32
    %add3A_715 = vector.broadcast %add3A_714 : i32 to vector<16xi32>
    %add3A_716 = arith.addi %add3A_715, %iota3A : vector<16xi32>
    %mul3A_717 = arith.constant 2 : i32
    %mul3A_718 = vector.broadcast %mul3A_717 : i32 to vector<16xi32>
    %mul3A_719 = arith.muli %mul3A_718, %add3A_716 : vector<16xi32>
    %get3A_720 = arith.constant 192 : index
    %get3A_721 = tpu.vector_load %arg6[%get3A_720] {strides = array<i32>} : memref<320xi32, #tpu.memory_space<vmem>>, vector<16xi32>,
    tpu.vector_store_idx %arg8[%mul3A_719], %get3A_721 : memref<640xi32, #tpu.memory_space<vmem>>[vector<16xi32>], vector<16xi32>,
    %add3A_722 = arith.constant 1 : i32
    %add3A_723 = vector.broadcast %add3A_722 : i32 to vector<16xi32>
    %add3A_724 = arith.addi %mul3A_719, %add3A_723 : vector<16xi32>
    %get3A_725 = arith.constant 192 : index
    %get3A_726 = tpu.vector_load %arg7[%get3A_725] {strides = array<i32>} : memref<320xi32, #tpu.memory_space<vmem>>, vector<16xi32>,
    tpu.vector_store_idx %arg8[%add3A_724], %get3A_726 : memref<640xi32, #tpu.memory_space<vmem>>[vector<16xi32>], vector<16xi32>,
    %add3A_727 = arith.constant 208 : i32
    %add3A_728 = vector.broadcast %add3A_727 : i32 to vector<16xi32>
    %add3A_729 = arith.addi %add3A_728, %iota3A : vector<16xi32>
    %mul3A_730 = arith.constant 2 : i32
    %mul3A_731 = vector.broadcast %mul3A_730 : i32 to vector<16xi32>
    %mul3A_732 = arith.muli %mul3A_731, %add3A_729 : vector<16xi32>
    %get3A_733 = arith.constant 208 : index
    %get3A_734 = tpu.vector_load %arg6[%get3A_733] {strides = array<i32>} : memref<320xi32, #tpu.memory_space<vmem>>, vector<16xi32>,
    tpu.vector_store_idx %arg8[%mul3A_732], %get3A_734 : memref<640xi32, #tpu.memory_space<vmem>>[vector<16xi32>], vector<16xi32>,
    %add3A_735 = arith.constant 1 : i32
    %add3A_736 = vector.broadcast %add3A_735 : i32 to vector<16xi32>
    %add3A_737 = arith.addi %mul3A_732, %add3A_736 : vector<16xi32>
    %get3A_738 = arith.constant 208 : index
    %get3A_739 = tpu.vector_load %arg7[%get3A_738] {strides = array<i32>} : memref<320xi32, #tpu.memory_space<vmem>>, vector<16xi32>,
    tpu.vector_store_idx %arg8[%add3A_737], %get3A_739 : memref<640xi32, #tpu.memory_space<vmem>>[vector<16xi32>], vector<16xi32>,
    %add3A_740 = arith.constant 224 : i32
    %add3A_741 = vector.broadcast %add3A_740 : i32 to vector<16xi32>
    %add3A_742 = arith.addi %add3A_741, %iota3A : vector<16xi32>
    %mul3A_743 = arith.constant 2 : i32
    %mul3A_744 = vector.broadcast %mul3A_743 : i32 to vector<16xi32>
    %mul3A_745 = arith.muli %mul3A_744, %add3A_742 : vector<16xi32>
    %get3A_746 = arith.constant 224 : index
    %get3A_747 = tpu.vector_load %arg6[%get3A_746] {strides = array<i32>} : memref<320xi32, #tpu.memory_space<vmem>>, vector<16xi32>,
    tpu.vector_store_idx %arg8[%mul3A_745], %get3A_747 : memref<640xi32, #tpu.memory_space<vmem>>[vector<16xi32>], vector<16xi32>,
    %add3A_748 = arith.constant 1 : i32
    %add3A_749 = vector.broadcast %add3A_748 : i32 to vector<16xi32>
    %add3A_750 = arith.addi %mul3A_745, %add3A_749 : vector<16xi32>
    %get3A_751 = arith.constant 224 : index
    %get3A_752 = tpu.vector_load %arg7[%get3A_751] {strides = array<i32>} : memref<320xi32, #tpu.memory_space<vmem>>, vector<16xi32>,
    tpu.vector_store_idx %arg8[%add3A_750], %get3A_752 : memref<640xi32, #tpu.memory_space<vmem>>[vector<16xi32>], vector<16xi32>,
    %add3A_753 = arith.constant 240 : i32
    %add3A_754 = vector.broadcast %add3A_753 : i32 to vector<16xi32>
    %add3A_755 = arith.addi %add3A_754, %iota3A : vector<16xi32>
    %mul3A_756 = arith.constant 2 : i32
    %mul3A_757 = vector.broadcast %mul3A_756 : i32 to vector<16xi32>
    %mul3A_758 = arith.muli %mul3A_757, %add3A_755 : vector<16xi32>
    %get3A_759 = arith.constant 240 : index
    %get3A_760 = tpu.vector_load %arg6[%get3A_759] {strides = array<i32>} : memref<320xi32, #tpu.memory_space<vmem>>, vector<16xi32>,
    tpu.vector_store_idx %arg8[%mul3A_758], %get3A_760 : memref<640xi32, #tpu.memory_space<vmem>>[vector<16xi32>], vector<16xi32>,
    %add3A_761 = arith.constant 1 : i32
    %add3A_762 = vector.broadcast %add3A_761 : i32 to vector<16xi32>
    %add3A_763 = arith.addi %mul3A_758, %add3A_762 : vector<16xi32>
    %get3A_764 = arith.constant 240 : index
    %get3A_765 = tpu.vector_load %arg7[%get3A_764] {strides = array<i32>} : memref<320xi32, #tpu.memory_space<vmem>>, vector<16xi32>,
    tpu.vector_store_idx %arg8[%add3A_763], %get3A_765 : memref<640xi32, #tpu.memory_space<vmem>>[vector<16xi32>], vector<16xi32>,
    %add3A_766 = arith.constant 256 : i32
    %add3A_767 = vector.broadcast %add3A_766 : i32 to vector<16xi32>
    %add3A_768 = arith.addi %add3A_767, %iota3A : vector<16xi32>
    %mul3A_769 = arith.constant 2 : i32
    %mul3A_770 = vector.broadcast %mul3A_769 : i32 to vector<16xi32>
    %mul3A_771 = arith.muli %mul3A_770, %add3A_768 : vector<16xi32>
    %get3A_772 = arith.constant 256 : index
    %get3A_773 = tpu.vector_load %arg6[%get3A_772] {strides = array<i32>} : memref<320xi32, #tpu.memory_space<vmem>>, vector<16xi32>,
    tpu.vector_store_idx %arg8[%mul3A_771], %get3A_773 : memref<640xi32, #tpu.memory_space<vmem>>[vector<16xi32>], vector<16xi32>,
    %add3A_774 = arith.constant 1 : i32
    %add3A_775 = vector.broadcast %add3A_774 : i32 to vector<16xi32>
    %add3A_776 = arith.addi %mul3A_771, %add3A_775 : vector<16xi32>
    %get3A_777 = arith.constant 256 : index
    %get3A_778 = tpu.vector_load %arg7[%get3A_777] {strides = array<i32>} : memref<320xi32, #tpu.memory_space<vmem>>, vector<16xi32>,
    tpu.vector_store_idx %arg8[%add3A_776], %get3A_778 : memref<640xi32, #tpu.memory_space<vmem>>[vector<16xi32>], vector<16xi32>,
    %add3A_779 = arith.constant 272 : i32
    %add3A_780 = vector.broadcast %add3A_779 : i32 to vector<16xi32>
    %add3A_781 = arith.addi %add3A_780, %iota3A : vector<16xi32>
    %mul3A_782 = arith.constant 2 : i32
    %mul3A_783 = vector.broadcast %mul3A_782 : i32 to vector<16xi32>
    %mul3A_784 = arith.muli %mul3A_783, %add3A_781 : vector<16xi32>
    %get3A_785 = arith.constant 272 : index
    %get3A_786 = tpu.vector_load %arg6[%get3A_785] {strides = array<i32>} : memref<320xi32, #tpu.memory_space<vmem>>, vector<16xi32>,
    tpu.vector_store_idx %arg8[%mul3A_784], %get3A_786 : memref<640xi32, #tpu.memory_space<vmem>>[vector<16xi32>], vector<16xi32>,
    %add3A_787 = arith.constant 1 : i32
    %add3A_788 = vector.broadcast %add3A_787 : i32 to vector<16xi32>
    %add3A_789 = arith.addi %mul3A_784, %add3A_788 : vector<16xi32>
    %get3A_790 = arith.constant 272 : index
    %get3A_791 = tpu.vector_load %arg7[%get3A_790] {strides = array<i32>} : memref<320xi32, #tpu.memory_space<vmem>>, vector<16xi32>,
    tpu.vector_store_idx %arg8[%add3A_789], %get3A_791 : memref<640xi32, #tpu.memory_space<vmem>>[vector<16xi32>], vector<16xi32>,
    %add3A_792 = arith.constant 288 : i32
    %add3A_793 = vector.broadcast %add3A_792 : i32 to vector<16xi32>
    %add3A_794 = arith.addi %add3A_793, %iota3A : vector<16xi32>
    %mul3A_795 = arith.constant 2 : i32
    %mul3A_796 = vector.broadcast %mul3A_795 : i32 to vector<16xi32>
    %mul3A_797 = arith.muli %mul3A_796, %add3A_794 : vector<16xi32>
    %get3A_798 = arith.constant 288 : index
    %get3A_799 = tpu.vector_load %arg6[%get3A_798] {strides = array<i32>} : memref<320xi32, #tpu.memory_space<vmem>>, vector<16xi32>,
    tpu.vector_store_idx %arg8[%mul3A_797], %get3A_799 : memref<640xi32, #tpu.memory_space<vmem>>[vector<16xi32>], vector<16xi32>,
    %add3A_800 = arith.constant 1 : i32
    %add3A_801 = vector.broadcast %add3A_800 : i32 to vector<16xi32>
    %add3A_802 = arith.addi %mul3A_797, %add3A_801 : vector<16xi32>
    %get3A_803 = arith.constant 288 : index
    %get3A_804 = tpu.vector_load %arg7[%get3A_803] {strides = array<i32>} : memref<320xi32, #tpu.memory_space<vmem>>, vector<16xi32>,
    tpu.vector_store_idx %arg8[%add3A_802], %get3A_804 : memref<640xi32, #tpu.memory_space<vmem>>[vector<16xi32>], vector<16xi32>,
    %add3A_805 = arith.constant 304 : i32
    %add3A_806 = vector.broadcast %add3A_805 : i32 to vector<16xi32>
    %add3A_807 = arith.addi %add3A_806, %iota3A : vector<16xi32>
    %mul3A_808 = arith.constant 2 : i32
    %mul3A_809 = vector.broadcast %mul3A_808 : i32 to vector<16xi32>
    %mul3A_810 = arith.muli %mul3A_809, %add3A_807 : vector<16xi32>
    %get3A_811 = arith.constant 304 : index
    %get3A_812 = tpu.vector_load %arg6[%get3A_811] {strides = array<i32>} : memref<320xi32, #tpu.memory_space<vmem>>, vector<16xi32>,
    tpu.vector_store_idx %arg8[%mul3A_810], %get3A_812 : memref<640xi32, #tpu.memory_space<vmem>>[vector<16xi32>], vector<16xi32>,
    %add3A_813 = arith.constant 1 : i32
    %add3A_814 = vector.broadcast %add3A_813 : i32 to vector<16xi32>
    %add3A_815 = arith.addi %mul3A_810, %add3A_814 : vector<16xi32>
    %get3A_816 = arith.constant 304 : index
    %get3A_817 = tpu.vector_load %arg7[%get3A_816] {strides = array<i32>} : memref<320xi32, #tpu.memory_space<vmem>>, vector<16xi32>,
    tpu.vector_store_idx %arg8[%add3A_815], %get3A_817 : memref<640xi32, #tpu.memory_space<vmem>>[vector<16xi32>], vector<16xi32>,
    %dma_wait3A_818 = arith.constant 0 : i32
    %dma_wait3A_819 = tpu.memref_slice %arg5[%add3A_4, %dma_wait3A_818] : memref<204800x64xi32, #tpu.memory_space<hbm>> -> memref<640x64xi32, #tpu.memory_space<hbm>>
    %dma_wait3A_820 = arith.constant 0 : i32
    %dma_wait3A_821 = tpu.memref_slice %arg5[%add3A_4, %dma_wait3A_820] : memref<204800x64xi32, #tpu.memory_space<hbm>> -> memref<640x64xi32, #tpu.memory_space<hbm>>
    tpu.wait_dma2 semaphore(%arg13 : memref<!tpu.dma_semaphore, #tpu.memory_space<semaphore_mem>>) src(%arg10 : memref<640x64xi32, #tpu.memory_space<vmem>>) dst(%dma_wait3A_821 : memref<640x64xi32, #tpu.memory_space<hbm>>)
    %dma_start3A_822 = arith.constant 0 : i32
    %dma_start3A_823 = arith.constant 0 : i32
    %dma_start3A_824 = tpu.memref_slice %arg2[%dma_start3A_822, %dma_start3A_823] : memref<512000x64xi32, #tpu.memory_space<hbm>> -> memref<512000x64xi32, #tpu.memory_space<hbm>>
    tpu.enqueue_indirect_dma source(%dma_start3A_824 : memref<512000x64xi32, #tpu.memory_space<hbm>>) target(%arg10 : memref<640x64xi32, #tpu.memory_space<vmem>>) offsets(%arg8 : memref<640xi32, #tpu.memory_space<vmem>>) semaphore(%arg12 : memref<!tpu.dma_semaphore, #tpu.memory_space<semaphore_mem>>)
    %dma_wait3A_825 = arith.constant 0 : i32
    %dma_wait3A_826 = arith.constant 0 : i32
    %dma_wait3A_827 = tpu.memref_slice %arg2[%dma_wait3A_825, %dma_wait3A_826] : memref<512000x64xi32, #tpu.memory_space<hbm>> -> memref<512000x64xi32, #tpu.memory_space<hbm>>
    tpu.wait_indirect_dma semaphore(%arg12 : memref<!tpu.dma_semaphore, #tpu.memory_space<semaphore_mem>>) src(%dma_wait3A_827 : memref<512000x64xi32, #tpu.memory_space<hbm>>) dst(%arg10 : memref<640x64xi32, #tpu.memory_space<vmem>>)
    %dma_start3A_828 = arith.constant 0 : i32
    %dma_start3A_829 = tpu.memref_slice %arg5[%add3A_553, %dma_start3A_828] : memref<204800x64xi32, #tpu.memory_space<hbm>> -> memref<640x64xi32, #tpu.memory_space<hbm>>
    %dma_start3A_830 = arith.constant 0 : i32
    %dma_start3A_831 = tpu.memref_slice %arg5[%add3A_553, %dma_start3A_830] : memref<204800x64xi32, #tpu.memory_space<hbm>> -> memref<640x64xi32, #tpu.memory_space<hbm>>
    tpu.enqueue_dma source(%arg10 : memref<640x64xi32, #tpu.memory_space<vmem>>) target(%dma_start3A_831 : memref<640x64xi32, #tpu.memory_space<hbm>>) target_semaphore(%arg13 : memref<!tpu.dma_semaphore, #tpu.memory_space<semaphore_mem>>)
    %add3A_832 = arith.constant 1920 : i32
    %add3A_833 = arith.addi %mul3A_2, %add3A_832 : i32
    %mul3A_834 = arith.constant 3200 : i32
    %mul3A_835 = arith.muli %add3A, %mul3A_834 : i32
    %add3A_836 = arith.constant 960 : i32
    %add3A_837 = arith.addi %mul3A_835, %add3A_836 : i32
    "tpu.region"() ({
      %run_scoped3A = tpu.sem_alloc : memref<!tpu.dma_semaphore, #tpu.memory_space<semaphore_mem>>
      %dma_start3A_2800 = tpu.memref_slice %arg3[%add3A_837] : memref<102400xi32, #tpu.memory_space<hbm>> -> memref<320xi32, #tpu.memory_space<hbm>>
      %dma_start3A_2801 = tpu.memref_slice %arg3[%add3A_837] : memref<102400xi32, #tpu.memory_space<hbm>> -> memref<320xi32, #tpu.memory_space<hbm>>
      tpu.enqueue_dma source(%dma_start3A_2801 : memref<320xi32, #tpu.memory_space<hbm>>) target(%arg6 : memref<320xi32, #tpu.memory_space<vmem>>) target_semaphore(%run_scoped3A : memref<!tpu.dma_semaphore, #tpu.memory_space<semaphore_mem>>)
      %dma_wait3A_2802 = tpu.memref_slice %arg3[%add3A_837] : memref<102400xi32, #tpu.memory_space<hbm>> -> memref<320xi32, #tpu.memory_space<hbm>>
      %dma_wait3A_2803 = tpu.memref_slice %arg3[%add3A_837] : memref<102400xi32, #tpu.memory_space<hbm>> -> memref<320xi32, #tpu.memory_space<hbm>>
      tpu.wait_dma2 semaphore(%run_scoped3A : memref<!tpu.dma_semaphore, #tpu.memory_space<semaphore_mem>>) src(%dma_wait3A_2803 : memref<320xi32, #tpu.memory_space<hbm>>) dst(%arg6 : memref<320xi32, #tpu.memory_space<vmem>>)
      tpu.yield
    }) : () -> ()
    "tpu.region"() ({
      %run_scoped3A = tpu.sem_alloc : memref<!tpu.dma_semaphore, #tpu.memory_space<semaphore_mem>>
      %dma_start3A_2800 = tpu.memref_slice %arg4[%add3A_837] : memref<102400xi32, #tpu.memory_space<hbm>> -> memref<320xi32, #tpu.memory_space<hbm>>
      %dma_start3A_2801 = tpu.memref_slice %arg4[%add3A_837] : memref<102400xi32, #tpu.memory_space<hbm>> -> memref<320xi32, #tpu.memory_space<hbm>>
      tpu.enqueue_dma source(%dma_start3A_2801 : memref<320xi32, #tpu.memory_space<hbm>>) target(%arg7 : memref<320xi32, #tpu.memory_space<vmem>>) target_semaphore(%run_scoped3A : memref<!tpu.dma_semaphore, #tpu.memory_space<semaphore_mem>>)
      %dma_wait3A_2802 = tpu.memref_slice %arg4[%add3A_837] : memref<102400xi32, #tpu.memory_space<hbm>> -> memref<320xi32, #tpu.memory_space<hbm>>
      %dma_wait3A_2803 = tpu.memref_slice %arg4[%add3A_837] : memref<102400xi32, #tpu.memory_space<hbm>> -> memref<320xi32, #tpu.memory_space<hbm>>
      tpu.wait_dma2 semaphore(%run_scoped3A : memref<!tpu.dma_semaphore, #tpu.memory_space<semaphore_mem>>) src(%dma_wait3A_2803 : memref<320xi32, #tpu.memory_space<hbm>>) dst(%arg7 : memref<320xi32, #tpu.memory_space<vmem>>)
      tpu.yield
    }) : () -> ()
    %add3A_838 = arith.constant 0 : i32
    %add3A_839 = vector.broadcast %add3A_838 : i32 to vector<16xi32>
    %add3A_840 = arith.addi %add3A_839, %iota3A : vector<16xi32>
    %mul3A_841 = arith.constant 2 : i32
    %mul3A_842 = vector.broadcast %mul3A_841 : i32 to vector<16xi32>
    %mul3A_843 = arith.muli %mul3A_842, %add3A_840 : vector<16xi32>
    %get3A_844 = arith.constant 0 : index
    %get3A_845 = tpu.vector_load %arg6[%get3A_844] {strides = array<i32>} : memref<320xi32, #tpu.memory_space<vmem>>, vector<16xi32>,
    tpu.vector_store_idx %arg9[%mul3A_843], %get3A_845 : memref<640xi32, #tpu.memory_space<vmem>>[vector<16xi32>], vector<16xi32>,
    %add3A_846 = arith.constant 1 : i32
    %add3A_847 = vector.broadcast %add3A_846 : i32 to vector<16xi32>
    %add3A_848 = arith.addi %mul3A_843, %add3A_847 : vector<16xi32>
    %get3A_849 = arith.constant 0 : index
    %get3A_850 = tpu.vector_load %arg7[%get3A_849] {strides = array<i32>} : memref<320xi32, #tpu.memory_space<vmem>>, vector<16xi32>,
    tpu.vector_store_idx %arg9[%add3A_848], %get3A_850 : memref<640xi32, #tpu.memory_space<vmem>>[vector<16xi32>], vector<16xi32>,
    %add3A_851 = arith.constant 16 : i32
    %add3A_852 = vector.broadcast %add3A_851 : i32 to vector<16xi32>
    %add3A_853 = arith.addi %add3A_852, %iota3A : vector<16xi32>
    %mul3A_854 = arith.constant 2 : i32
    %mul3A_855 = vector.broadcast %mul3A_854 : i32 to vector<16xi32>
    %mul3A_856 = arith.muli %mul3A_855, %add3A_853 : vector<16xi32>
    %get3A_857 = arith.constant 16 : index
    %get3A_858 = tpu.vector_load %arg6[%get3A_857] {strides = array<i32>} : memref<320xi32, #tpu.memory_space<vmem>>, vector<16xi32>,
    tpu.vector_store_idx %arg9[%mul3A_856], %get3A_858 : memref<640xi32, #tpu.memory_space<vmem>>[vector<16xi32>], vector<16xi32>,
    %add3A_859 = arith.constant 1 : i32
    %add3A_860 = vector.broadcast %add3A_859 : i32 to vector<16xi32>
    %add3A_861 = arith.addi %mul3A_856, %add3A_860 : vector<16xi32>
    %get3A_862 = arith.constant 16 : index
    %get3A_863 = tpu.vector_load %arg7[%get3A_862] {strides = array<i32>} : memref<320xi32, #tpu.memory_space<vmem>>, vector<16xi32>,
    tpu.vector_store_idx %arg9[%add3A_861], %get3A_863 : memref<640xi32, #tpu.memory_space<vmem>>[vector<16xi32>], vector<16xi32>,
    %add3A_864 = arith.constant 32 : i32
    %add3A_865 = vector.broadcast %add3A_864 : i32 to vector<16xi32>
    %add3A_866 = arith.addi %add3A_865, %iota3A : vector<16xi32>
    %mul3A_867 = arith.constant 2 : i32
    %mul3A_868 = vector.broadcast %mul3A_867 : i32 to vector<16xi32>
    %mul3A_869 = arith.muli %mul3A_868, %add3A_866 : vector<16xi32>
    %get3A_870 = arith.constant 32 : index
    %get3A_871 = tpu.vector_load %arg6[%get3A_870] {strides = array<i32>} : memref<320xi32, #tpu.memory_space<vmem>>, vector<16xi32>,
    tpu.vector_store_idx %arg9[%mul3A_869], %get3A_871 : memref<640xi32, #tpu.memory_space<vmem>>[vector<16xi32>], vector<16xi32>,
    %add3A_872 = arith.constant 1 : i32
    %add3A_873 = vector.broadcast %add3A_872 : i32 to vector<16xi32>
    %add3A_874 = arith.addi %mul3A_869, %add3A_873 : vector<16xi32>
    %get3A_875 = arith.constant 32 : index
    %get3A_876 = tpu.vector_load %arg7[%get3A_875] {strides = array<i32>} : memref<320xi32, #tpu.memory_space<vmem>>, vector<16xi32>,
    tpu.vector_store_idx %arg9[%add3A_874], %get3A_876 : memref<640xi32, #tpu.memory_space<vmem>>[vector<16xi32>], vector<16xi32>,
    %add3A_877 = arith.constant 48 : i32
    %add3A_878 = vector.broadcast %add3A_877 : i32 to vector<16xi32>
    %add3A_879 = arith.addi %add3A_878, %iota3A : vector<16xi32>
    %mul3A_880 = arith.constant 2 : i32
    %mul3A_881 = vector.broadcast %mul3A_880 : i32 to vector<16xi32>
    %mul3A_882 = arith.muli %mul3A_881, %add3A_879 : vector<16xi32>
    %get3A_883 = arith.constant 48 : index
    %get3A_884 = tpu.vector_load %arg6[%get3A_883] {strides = array<i32>} : memref<320xi32, #tpu.memory_space<vmem>>, vector<16xi32>,
    tpu.vector_store_idx %arg9[%mul3A_882], %get3A_884 : memref<640xi32, #tpu.memory_space<vmem>>[vector<16xi32>], vector<16xi32>,
    %add3A_885 = arith.constant 1 : i32
    %add3A_886 = vector.broadcast %add3A_885 : i32 to vector<16xi32>
    %add3A_887 = arith.addi %mul3A_882, %add3A_886 : vector<16xi32>
    %get3A_888 = arith.constant 48 : index
    %get3A_889 = tpu.vector_load %arg7[%get3A_888] {strides = array<i32>} : memref<320xi32, #tpu.memory_space<vmem>>, vector<16xi32>,
    tpu.vector_store_idx %arg9[%add3A_887], %get3A_889 : memref<640xi32, #tpu.memory_space<vmem>>[vector<16xi32>], vector<16xi32>,
    %add3A_890 = arith.constant 64 : i32
    %add3A_891 = vector.broadcast %add3A_890 : i32 to vector<16xi32>
    %add3A_892 = arith.addi %add3A_891, %iota3A : vector<16xi32>
    %mul3A_893 = arith.constant 2 : i32
    %mul3A_894 = vector.broadcast %mul3A_893 : i32 to vector<16xi32>
    %mul3A_895 = arith.muli %mul3A_894, %add3A_892 : vector<16xi32>
    %get3A_896 = arith.constant 64 : index
    %get3A_897 = tpu.vector_load %arg6[%get3A_896] {strides = array<i32>} : memref<320xi32, #tpu.memory_space<vmem>>, vector<16xi32>,
    tpu.vector_store_idx %arg9[%mul3A_895], %get3A_897 : memref<640xi32, #tpu.memory_space<vmem>>[vector<16xi32>], vector<16xi32>,
    %add3A_898 = arith.constant 1 : i32
    %add3A_899 = vector.broadcast %add3A_898 : i32 to vector<16xi32>
    %add3A_900 = arith.addi %mul3A_895, %add3A_899 : vector<16xi32>
    %get3A_901 = arith.constant 64 : index
    %get3A_902 = tpu.vector_load %arg7[%get3A_901] {strides = array<i32>} : memref<320xi32, #tpu.memory_space<vmem>>, vector<16xi32>,
    tpu.vector_store_idx %arg9[%add3A_900], %get3A_902 : memref<640xi32, #tpu.memory_space<vmem>>[vector<16xi32>], vector<16xi32>,
    %add3A_903 = arith.constant 80 : i32
    %add3A_904 = vector.broadcast %add3A_903 : i32 to vector<16xi32>
    %add3A_905 = arith.addi %add3A_904, %iota3A : vector<16xi32>
    %mul3A_906 = arith.constant 2 : i32
    %mul3A_907 = vector.broadcast %mul3A_906 : i32 to vector<16xi32>
    %mul3A_908 = arith.muli %mul3A_907, %add3A_905 : vector<16xi32>
    %get3A_909 = arith.constant 80 : index
    %get3A_910 = tpu.vector_load %arg6[%get3A_909] {strides = array<i32>} : memref<320xi32, #tpu.memory_space<vmem>>, vector<16xi32>,
    tpu.vector_store_idx %arg9[%mul3A_908], %get3A_910 : memref<640xi32, #tpu.memory_space<vmem>>[vector<16xi32>], vector<16xi32>,
    %add3A_911 = arith.constant 1 : i32
    %add3A_912 = vector.broadcast %add3A_911 : i32 to vector<16xi32>
    %add3A_913 = arith.addi %mul3A_908, %add3A_912 : vector<16xi32>
    %get3A_914 = arith.constant 80 : index
    %get3A_915 = tpu.vector_load %arg7[%get3A_914] {strides = array<i32>} : memref<320xi32, #tpu.memory_space<vmem>>, vector<16xi32>,
    tpu.vector_store_idx %arg9[%add3A_913], %get3A_915 : memref<640xi32, #tpu.memory_space<vmem>>[vector<16xi32>], vector<16xi32>,
    %add3A_916 = arith.constant 96 : i32
    %add3A_917 = vector.broadcast %add3A_916 : i32 to vector<16xi32>
    %add3A_918 = arith.addi %add3A_917, %iota3A : vector<16xi32>
    %mul3A_919 = arith.constant 2 : i32
    %mul3A_920 = vector.broadcast %mul3A_919 : i32 to vector<16xi32>
    %mul3A_921 = arith.muli %mul3A_920, %add3A_918 : vector<16xi32>
    %get3A_922 = arith.constant 96 : index
    %get3A_923 = tpu.vector_load %arg6[%get3A_922] {strides = array<i32>} : memref<320xi32, #tpu.memory_space<vmem>>, vector<16xi32>,
    tpu.vector_store_idx %arg9[%mul3A_921], %get3A_923 : memref<640xi32, #tpu.memory_space<vmem>>[vector<16xi32>], vector<16xi32>,
    %add3A_924 = arith.constant 1 : i32
    %add3A_925 = vector.broadcast %add3A_924 : i32 to vector<16xi32>
    %add3A_926 = arith.addi %mul3A_921, %add3A_925 : vector<16xi32>
    %get3A_927 = arith.constant 96 : index
    %get3A_928 = tpu.vector_load %arg7[%get3A_927] {strides = array<i32>} : memref<320xi32, #tpu.memory_space<vmem>>, vector<16xi32>,
    tpu.vector_store_idx %arg9[%add3A_926], %get3A_928 : memref<640xi32, #tpu.memory_space<vmem>>[vector<16xi32>], vector<16xi32>,
    %add3A_929 = arith.constant 112 : i32
    %add3A_930 = vector.broadcast %add3A_929 : i32 to vector<16xi32>
    %add3A_931 = arith.addi %add3A_930, %iota3A : vector<16xi32>
    %mul3A_932 = arith.constant 2 : i32
    %mul3A_933 = vector.broadcast %mul3A_932 : i32 to vector<16xi32>
    %mul3A_934 = arith.muli %mul3A_933, %add3A_931 : vector<16xi32>
    %get3A_935 = arith.constant 112 : index
    %get3A_936 = tpu.vector_load %arg6[%get3A_935] {strides = array<i32>} : memref<320xi32, #tpu.memory_space<vmem>>, vector<16xi32>,
    tpu.vector_store_idx %arg9[%mul3A_934], %get3A_936 : memref<640xi32, #tpu.memory_space<vmem>>[vector<16xi32>], vector<16xi32>,
    %add3A_937 = arith.constant 1 : i32
    %add3A_938 = vector.broadcast %add3A_937 : i32 to vector<16xi32>
    %add3A_939 = arith.addi %mul3A_934, %add3A_938 : vector<16xi32>
    %get3A_940 = arith.constant 112 : index
    %get3A_941 = tpu.vector_load %arg7[%get3A_940] {strides = array<i32>} : memref<320xi32, #tpu.memory_space<vmem>>, vector<16xi32>,
    tpu.vector_store_idx %arg9[%add3A_939], %get3A_941 : memref<640xi32, #tpu.memory_space<vmem>>[vector<16xi32>], vector<16xi32>,
    %add3A_942 = arith.constant 128 : i32
    %add3A_943 = vector.broadcast %add3A_942 : i32 to vector<16xi32>
    %add3A_944 = arith.addi %add3A_943, %iota3A : vector<16xi32>
    %mul3A_945 = arith.constant 2 : i32
    %mul3A_946 = vector.broadcast %mul3A_945 : i32 to vector<16xi32>
    %mul3A_947 = arith.muli %mul3A_946, %add3A_944 : vector<16xi32>
    %get3A_948 = arith.constant 128 : index
    %get3A_949 = tpu.vector_load %arg6[%get3A_948] {strides = array<i32>} : memref<320xi32, #tpu.memory_space<vmem>>, vector<16xi32>,
    tpu.vector_store_idx %arg9[%mul3A_947], %get3A_949 : memref<640xi32, #tpu.memory_space<vmem>>[vector<16xi32>], vector<16xi32>,
    %add3A_950 = arith.constant 1 : i32
    %add3A_951 = vector.broadcast %add3A_950 : i32 to vector<16xi32>
    %add3A_952 = arith.addi %mul3A_947, %add3A_951 : vector<16xi32>
    %get3A_953 = arith.constant 128 : index
    %get3A_954 = tpu.vector_load %arg7[%get3A_953] {strides = array<i32>} : memref<320xi32, #tpu.memory_space<vmem>>, vector<16xi32>,
    tpu.vector_store_idx %arg9[%add3A_952], %get3A_954 : memref<640xi32, #tpu.memory_space<vmem>>[vector<16xi32>], vector<16xi32>,
    %add3A_955 = arith.constant 144 : i32
    %add3A_956 = vector.broadcast %add3A_955 : i32 to vector<16xi32>
    %add3A_957 = arith.addi %add3A_956, %iota3A : vector<16xi32>
    %mul3A_958 = arith.constant 2 : i32
    %mul3A_959 = vector.broadcast %mul3A_958 : i32 to vector<16xi32>
    %mul3A_960 = arith.muli %mul3A_959, %add3A_957 : vector<16xi32>
    %get3A_961 = arith.constant 144 : index
    %get3A_962 = tpu.vector_load %arg6[%get3A_961] {strides = array<i32>} : memref<320xi32, #tpu.memory_space<vmem>>, vector<16xi32>,
    tpu.vector_store_idx %arg9[%mul3A_960], %get3A_962 : memref<640xi32, #tpu.memory_space<vmem>>[vector<16xi32>], vector<16xi32>,
    %add3A_963 = arith.constant 1 : i32
    %add3A_964 = vector.broadcast %add3A_963 : i32 to vector<16xi32>
    %add3A_965 = arith.addi %mul3A_960, %add3A_964 : vector<16xi32>
    %get3A_966 = arith.constant 144 : index
    %get3A_967 = tpu.vector_load %arg7[%get3A_966] {strides = array<i32>} : memref<320xi32, #tpu.memory_space<vmem>>, vector<16xi32>,
    tpu.vector_store_idx %arg9[%add3A_965], %get3A_967 : memref<640xi32, #tpu.memory_space<vmem>>[vector<16xi32>], vector<16xi32>,
    %add3A_968 = arith.constant 160 : i32
    %add3A_969 = vector.broadcast %add3A_968 : i32 to vector<16xi32>
    %add3A_970 = arith.addi %add3A_969, %iota3A : vector<16xi32>
    %mul3A_971 = arith.constant 2 : i32
    %mul3A_972 = vector.broadcast %mul3A_971 : i32 to vector<16xi32>
    %mul3A_973 = arith.muli %mul3A_972, %add3A_970 : vector<16xi32>
    %get3A_974 = arith.constant 160 : index
    %get3A_975 = tpu.vector_load %arg6[%get3A_974] {strides = array<i32>} : memref<320xi32, #tpu.memory_space<vmem>>, vector<16xi32>,
    tpu.vector_store_idx %arg9[%mul3A_973], %get3A_975 : memref<640xi32, #tpu.memory_space<vmem>>[vector<16xi32>], vector<16xi32>,
    %add3A_976 = arith.constant 1 : i32
    %add3A_977 = vector.broadcast %add3A_976 : i32 to vector<16xi32>
    %add3A_978 = arith.addi %mul3A_973, %add3A_977 : vector<16xi32>
    %get3A_979 = arith.constant 160 : index
    %get3A_980 = tpu.vector_load %arg7[%get3A_979] {strides = array<i32>} : memref<320xi32, #tpu.memory_space<vmem>>, vector<16xi32>,
    tpu.vector_store_idx %arg9[%add3A_978], %get3A_980 : memref<640xi32, #tpu.memory_space<vmem>>[vector<16xi32>], vector<16xi32>,
    %add3A_981 = arith.constant 176 : i32
    %add3A_982 = vector.broadcast %add3A_981 : i32 to vector<16xi32>
    %add3A_983 = arith.addi %add3A_982, %iota3A : vector<16xi32>
    %mul3A_984 = arith.constant 2 : i32
    %mul3A_985 = vector.broadcast %mul3A_984 : i32 to vector<16xi32>
    %mul3A_986 = arith.muli %mul3A_985, %add3A_983 : vector<16xi32>
    %get3A_987 = arith.constant 176 : index
    %get3A_988 = tpu.vector_load %arg6[%get3A_987] {strides = array<i32>} : memref<320xi32, #tpu.memory_space<vmem>>, vector<16xi32>,
    tpu.vector_store_idx %arg9[%mul3A_986], %get3A_988 : memref<640xi32, #tpu.memory_space<vmem>>[vector<16xi32>], vector<16xi32>,
    %add3A_989 = arith.constant 1 : i32
    %add3A_990 = vector.broadcast %add3A_989 : i32 to vector<16xi32>
    %add3A_991 = arith.addi %mul3A_986, %add3A_990 : vector<16xi32>
    %get3A_992 = arith.constant 176 : index
    %get3A_993 = tpu.vector_load %arg7[%get3A_992] {strides = array<i32>} : memref<320xi32, #tpu.memory_space<vmem>>, vector<16xi32>,
    tpu.vector_store_idx %arg9[%add3A_991], %get3A_993 : memref<640xi32, #tpu.memory_space<vmem>>[vector<16xi32>], vector<16xi32>,
    %add3A_994 = arith.constant 192 : i32
    %add3A_995 = vector.broadcast %add3A_994 : i32 to vector<16xi32>
    %add3A_996 = arith.addi %add3A_995, %iota3A : vector<16xi32>
    %mul3A_997 = arith.constant 2 : i32
    %mul3A_998 = vector.broadcast %mul3A_997 : i32 to vector<16xi32>
    %mul3A_999 = arith.muli %mul3A_998, %add3A_996 : vector<16xi32>
    %get3A_1000 = arith.constant 192 : index
    %get3A_1001 = tpu.vector_load %arg6[%get3A_1000] {strides = array<i32>} : memref<320xi32, #tpu.memory_space<vmem>>, vector<16xi32>,
    tpu.vector_store_idx %arg9[%mul3A_999], %get3A_1001 : memref<640xi32, #tpu.memory_space<vmem>>[vector<16xi32>], vector<16xi32>,
    %add3A_1002 = arith.constant 1 : i32
    %add3A_1003 = vector.broadcast %add3A_1002 : i32 to vector<16xi32>
    %add3A_1004 = arith.addi %mul3A_999, %add3A_1003 : vector<16xi32>
    %get3A_1005 = arith.constant 192 : index
    %get3A_1006 = tpu.vector_load %arg7[%get3A_1005] {strides = array<i32>} : memref<320xi32, #tpu.memory_space<vmem>>, vector<16xi32>,
    tpu.vector_store_idx %arg9[%add3A_1004], %get3A_1006 : memref<640xi32, #tpu.memory_space<vmem>>[vector<16xi32>], vector<16xi32>,
    %add3A_1007 = arith.constant 208 : i32
    %add3A_1008 = vector.broadcast %add3A_1007 : i32 to vector<16xi32>
    %add3A_1009 = arith.addi %add3A_1008, %iota3A : vector<16xi32>
    %mul3A_1010 = arith.constant 2 : i32
    %mul3A_1011 = vector.broadcast %mul3A_1010 : i32 to vector<16xi32>
    %mul3A_1012 = arith.muli %mul3A_1011, %add3A_1009 : vector<16xi32>
    %get3A_1013 = arith.constant 208 : index
    %get3A_1014 = tpu.vector_load %arg6[%get3A_1013] {strides = array<i32>} : memref<320xi32, #tpu.memory_space<vmem>>, vector<16xi32>,
    tpu.vector_store_idx %arg9[%mul3A_1012], %get3A_1014 : memref<640xi32, #tpu.memory_space<vmem>>[vector<16xi32>], vector<16xi32>,
    %add3A_1015 = arith.constant 1 : i32
    %add3A_1016 = vector.broadcast %add3A_1015 : i32 to vector<16xi32>
    %add3A_1017 = arith.addi %mul3A_1012, %add3A_1016 : vector<16xi32>
    %get3A_1018 = arith.constant 208 : index
    %get3A_1019 = tpu.vector_load %arg7[%get3A_1018] {strides = array<i32>} : memref<320xi32, #tpu.memory_space<vmem>>, vector<16xi32>,
    tpu.vector_store_idx %arg9[%add3A_1017], %get3A_1019 : memref<640xi32, #tpu.memory_space<vmem>>[vector<16xi32>], vector<16xi32>,
    %add3A_1020 = arith.constant 224 : i32
    %add3A_1021 = vector.broadcast %add3A_1020 : i32 to vector<16xi32>
    %add3A_1022 = arith.addi %add3A_1021, %iota3A : vector<16xi32>
    %mul3A_1023 = arith.constant 2 : i32
    %mul3A_1024 = vector.broadcast %mul3A_1023 : i32 to vector<16xi32>
    %mul3A_1025 = arith.muli %mul3A_1024, %add3A_1022 : vector<16xi32>
    %get3A_1026 = arith.constant 224 : index
    %get3A_1027 = tpu.vector_load %arg6[%get3A_1026] {strides = array<i32>} : memref<320xi32, #tpu.memory_space<vmem>>, vector<16xi32>,
    tpu.vector_store_idx %arg9[%mul3A_1025], %get3A_1027 : memref<640xi32, #tpu.memory_space<vmem>>[vector<16xi32>], vector<16xi32>,
    %add3A_1028 = arith.constant 1 : i32
    %add3A_1029 = vector.broadcast %add3A_1028 : i32 to vector<16xi32>
    %add3A_1030 = arith.addi %mul3A_1025, %add3A_1029 : vector<16xi32>
    %get3A_1031 = arith.constant 224 : index
    %get3A_1032 = tpu.vector_load %arg7[%get3A_1031] {strides = array<i32>} : memref<320xi32, #tpu.memory_space<vmem>>, vector<16xi32>,
    tpu.vector_store_idx %arg9[%add3A_1030], %get3A_1032 : memref<640xi32, #tpu.memory_space<vmem>>[vector<16xi32>], vector<16xi32>,
    %add3A_1033 = arith.constant 240 : i32
    %add3A_1034 = vector.broadcast %add3A_1033 : i32 to vector<16xi32>
    %add3A_1035 = arith.addi %add3A_1034, %iota3A : vector<16xi32>
    %mul3A_1036 = arith.constant 2 : i32
    %mul3A_1037 = vector.broadcast %mul3A_1036 : i32 to vector<16xi32>
    %mul3A_1038 = arith.muli %mul3A_1037, %add3A_1035 : vector<16xi32>
    %get3A_1039 = arith.constant 240 : index
    %get3A_1040 = tpu.vector_load %arg6[%get3A_1039] {strides = array<i32>} : memref<320xi32, #tpu.memory_space<vmem>>, vector<16xi32>,
    tpu.vector_store_idx %arg9[%mul3A_1038], %get3A_1040 : memref<640xi32, #tpu.memory_space<vmem>>[vector<16xi32>], vector<16xi32>,
    %add3A_1041 = arith.constant 1 : i32
    %add3A_1042 = vector.broadcast %add3A_1041 : i32 to vector<16xi32>
    %add3A_1043 = arith.addi %mul3A_1038, %add3A_1042 : vector<16xi32>
    %get3A_1044 = arith.constant 240 : index
    %get3A_1045 = tpu.vector_load %arg7[%get3A_1044] {strides = array<i32>} : memref<320xi32, #tpu.memory_space<vmem>>, vector<16xi32>,
    tpu.vector_store_idx %arg9[%add3A_1043], %get3A_1045 : memref<640xi32, #tpu.memory_space<vmem>>[vector<16xi32>], vector<16xi32>,
    %add3A_1046 = arith.constant 256 : i32
    %add3A_1047 = vector.broadcast %add3A_1046 : i32 to vector<16xi32>
    %add3A_1048 = arith.addi %add3A_1047, %iota3A : vector<16xi32>
    %mul3A_1049 = arith.constant 2 : i32
    %mul3A_1050 = vector.broadcast %mul3A_1049 : i32 to vector<16xi32>
    %mul3A_1051 = arith.muli %mul3A_1050, %add3A_1048 : vector<16xi32>
    %get3A_1052 = arith.constant 256 : index
    %get3A_1053 = tpu.vector_load %arg6[%get3A_1052] {strides = array<i32>} : memref<320xi32, #tpu.memory_space<vmem>>, vector<16xi32>,
    tpu.vector_store_idx %arg9[%mul3A_1051], %get3A_1053 : memref<640xi32, #tpu.memory_space<vmem>>[vector<16xi32>], vector<16xi32>,
    %add3A_1054 = arith.constant 1 : i32
    %add3A_1055 = vector.broadcast %add3A_1054 : i32 to vector<16xi32>
    %add3A_1056 = arith.addi %mul3A_1051, %add3A_1055 : vector<16xi32>
    %get3A_1057 = arith.constant 256 : index
    %get3A_1058 = tpu.vector_load %arg7[%get3A_1057] {strides = array<i32>} : memref<320xi32, #tpu.memory_space<vmem>>, vector<16xi32>,
    tpu.vector_store_idx %arg9[%add3A_1056], %get3A_1058 : memref<640xi32, #tpu.memory_space<vmem>>[vector<16xi32>], vector<16xi32>,
    %add3A_1059 = arith.constant 272 : i32
    %add3A_1060 = vector.broadcast %add3A_1059 : i32 to vector<16xi32>
    %add3A_1061 = arith.addi %add3A_1060, %iota3A : vector<16xi32>
    %mul3A_1062 = arith.constant 2 : i32
    %mul3A_1063 = vector.broadcast %mul3A_1062 : i32 to vector<16xi32>
    %mul3A_1064 = arith.muli %mul3A_1063, %add3A_1061 : vector<16xi32>
    %get3A_1065 = arith.constant 272 : index
    %get3A_1066 = tpu.vector_load %arg6[%get3A_1065] {strides = array<i32>} : memref<320xi32, #tpu.memory_space<vmem>>, vector<16xi32>,
    tpu.vector_store_idx %arg9[%mul3A_1064], %get3A_1066 : memref<640xi32, #tpu.memory_space<vmem>>[vector<16xi32>], vector<16xi32>,
    %add3A_1067 = arith.constant 1 : i32
    %add3A_1068 = vector.broadcast %add3A_1067 : i32 to vector<16xi32>
    %add3A_1069 = arith.addi %mul3A_1064, %add3A_1068 : vector<16xi32>
    %get3A_1070 = arith.constant 272 : index
    %get3A_1071 = tpu.vector_load %arg7[%get3A_1070] {strides = array<i32>} : memref<320xi32, #tpu.memory_space<vmem>>, vector<16xi32>,
    tpu.vector_store_idx %arg9[%add3A_1069], %get3A_1071 : memref<640xi32, #tpu.memory_space<vmem>>[vector<16xi32>], vector<16xi32>,
    %add3A_1072 = arith.constant 288 : i32
    %add3A_1073 = vector.broadcast %add3A_1072 : i32 to vector<16xi32>
    %add3A_1074 = arith.addi %add3A_1073, %iota3A : vector<16xi32>
    %mul3A_1075 = arith.constant 2 : i32
    %mul3A_1076 = vector.broadcast %mul3A_1075 : i32 to vector<16xi32>
    %mul3A_1077 = arith.muli %mul3A_1076, %add3A_1074 : vector<16xi32>
    %get3A_1078 = arith.constant 288 : index
    %get3A_1079 = tpu.vector_load %arg6[%get3A_1078] {strides = array<i32>} : memref<320xi32, #tpu.memory_space<vmem>>, vector<16xi32>,
    tpu.vector_store_idx %arg9[%mul3A_1077], %get3A_1079 : memref<640xi32, #tpu.memory_space<vmem>>[vector<16xi32>], vector<16xi32>,
    %add3A_1080 = arith.constant 1 : i32
    %add3A_1081 = vector.broadcast %add3A_1080 : i32 to vector<16xi32>
    %add3A_1082 = arith.addi %mul3A_1077, %add3A_1081 : vector<16xi32>
    %get3A_1083 = arith.constant 288 : index
    %get3A_1084 = tpu.vector_load %arg7[%get3A_1083] {strides = array<i32>} : memref<320xi32, #tpu.memory_space<vmem>>, vector<16xi32>,
    tpu.vector_store_idx %arg9[%add3A_1082], %get3A_1084 : memref<640xi32, #tpu.memory_space<vmem>>[vector<16xi32>], vector<16xi32>,
    %add3A_1085 = arith.constant 304 : i32
    %add3A_1086 = vector.broadcast %add3A_1085 : i32 to vector<16xi32>
    %add3A_1087 = arith.addi %add3A_1086, %iota3A : vector<16xi32>
    %mul3A_1088 = arith.constant 2 : i32
    %mul3A_1089 = vector.broadcast %mul3A_1088 : i32 to vector<16xi32>
    %mul3A_1090 = arith.muli %mul3A_1089, %add3A_1087 : vector<16xi32>
    %get3A_1091 = arith.constant 304 : index
    %get3A_1092 = tpu.vector_load %arg6[%get3A_1091] {strides = array<i32>} : memref<320xi32, #tpu.memory_space<vmem>>, vector<16xi32>,
    tpu.vector_store_idx %arg9[%mul3A_1090], %get3A_1092 : memref<640xi32, #tpu.memory_space<vmem>>[vector<16xi32>], vector<16xi32>,
    %add3A_1093 = arith.constant 1 : i32
    %add3A_1094 = vector.broadcast %add3A_1093 : i32 to vector<16xi32>
    %add3A_1095 = arith.addi %mul3A_1090, %add3A_1094 : vector<16xi32>
    %get3A_1096 = arith.constant 304 : index
    %get3A_1097 = tpu.vector_load %arg7[%get3A_1096] {strides = array<i32>} : memref<320xi32, #tpu.memory_space<vmem>>, vector<16xi32>,
    tpu.vector_store_idx %arg9[%add3A_1095], %get3A_1097 : memref<640xi32, #tpu.memory_space<vmem>>[vector<16xi32>], vector<16xi32>,
    %dma_wait3A_1098 = arith.constant 0 : i32
    %dma_wait3A_1099 = tpu.memref_slice %arg5[%add3A_277, %dma_wait3A_1098] : memref<204800x64xi32, #tpu.memory_space<hbm>> -> memref<640x64xi32, #tpu.memory_space<hbm>>
    %dma_wait3A_1100 = arith.constant 0 : i32
    %dma_wait3A_1101 = tpu.memref_slice %arg5[%add3A_277, %dma_wait3A_1100] : memref<204800x64xi32, #tpu.memory_space<hbm>> -> memref<640x64xi32, #tpu.memory_space<hbm>>
    tpu.wait_dma2 semaphore(%arg13 : memref<!tpu.dma_semaphore, #tpu.memory_space<semaphore_mem>>) src(%arg11 : memref<640x64xi32, #tpu.memory_space<vmem>>) dst(%dma_wait3A_1101 : memref<640x64xi32, #tpu.memory_space<hbm>>)
    %dma_start3A_1102 = arith.constant 0 : i32
    %dma_start3A_1103 = arith.constant 0 : i32
    %dma_start3A_1104 = tpu.memref_slice %arg2[%dma_start3A_1102, %dma_start3A_1103] : memref<512000x64xi32, #tpu.memory_space<hbm>> -> memref<512000x64xi32, #tpu.memory_space<hbm>>
    tpu.enqueue_indirect_dma source(%dma_start3A_1104 : memref<512000x64xi32, #tpu.memory_space<hbm>>) target(%arg11 : memref<640x64xi32, #tpu.memory_space<vmem>>) offsets(%arg9 : memref<640xi32, #tpu.memory_space<vmem>>) semaphore(%arg12 : memref<!tpu.dma_semaphore, #tpu.memory_space<semaphore_mem>>)
    %dma_wait3A_1105 = arith.constant 0 : i32
    %dma_wait3A_1106 = arith.constant 0 : i32
    %dma_wait3A_1107 = tpu.memref_slice %arg2[%dma_wait3A_1105, %dma_wait3A_1106] : memref<512000x64xi32, #tpu.memory_space<hbm>> -> memref<512000x64xi32, #tpu.memory_space<hbm>>
    tpu.wait_indirect_dma semaphore(%arg12 : memref<!tpu.dma_semaphore, #tpu.memory_space<semaphore_mem>>) src(%dma_wait3A_1107 : memref<512000x64xi32, #tpu.memory_space<hbm>>) dst(%arg11 : memref<640x64xi32, #tpu.memory_space<vmem>>)
    %dma_start3A_1108 = arith.constant 0 : i32
    %dma_start3A_1109 = tpu.memref_slice %arg5[%add3A_833, %dma_start3A_1108] : memref<204800x64xi32, #tpu.memory_space<hbm>> -> memref<640x64xi32, #tpu.memory_space<hbm>>
    %dma_start3A_1110 = arith.constant 0 : i32
    %dma_start3A_1111 = tpu.memref_slice %arg5[%add3A_833, %dma_start3A_1110] : memref<204800x64xi32, #tpu.memory_space<hbm>> -> memref<640x64xi32, #tpu.memory_space<hbm>>
    tpu.enqueue_dma source(%arg11 : memref<640x64xi32, #tpu.memory_space<vmem>>) target(%dma_start3A_1111 : memref<640x64xi32, #tpu.memory_space<hbm>>) target_semaphore(%arg13 : memref<!tpu.dma_semaphore, #tpu.memory_space<semaphore_mem>>)
    %add3A_1112 = arith.constant 2560 : i32
    %add3A_1113 = arith.addi %mul3A_2, %add3A_1112 : i32
    %mul3A_1114 = arith.constant 3200 : i32
    %mul3A_1115 = arith.muli %add3A, %mul3A_1114 : i32
    %add3A_1116 = arith.constant 1280 : i32
    %add3A_1117 = arith.addi %mul3A_1115, %add3A_1116 : i32
    "tpu.region"() ({
      %run_scoped3A = tpu.sem_alloc : memref<!tpu.dma_semaphore, #tpu.memory_space<semaphore_mem>>
      %dma_start3A_2800 = tpu.memref_slice %arg3[%add3A_1117] : memref<102400xi32, #tpu.memory_space<hbm>> -> memref<320xi32, #tpu.memory_space<hbm>>
      %dma_start3A_2801 = tpu.memref_slice %arg3[%add3A_1117] : memref<102400xi32, #tpu.memory_space<hbm>> -> memref<320xi32, #tpu.memory_space<hbm>>
      tpu.enqueue_dma source(%dma_start3A_2801 : memref<320xi32, #tpu.memory_space<hbm>>) target(%arg6 : memref<320xi32, #tpu.memory_space<vmem>>) target_semaphore(%run_scoped3A : memref<!tpu.dma_semaphore, #tpu.memory_space<semaphore_mem>>)
      %dma_wait3A_2802 = tpu.memref_slice %arg3[%add3A_1117] : memref<102400xi32, #tpu.memory_space<hbm>> -> memref<320xi32, #tpu.memory_space<hbm>>
      %dma_wait3A_2803 = tpu.memref_slice %arg3[%add3A_1117] : memref<102400xi32, #tpu.memory_space<hbm>> -> memref<320xi32, #tpu.memory_space<hbm>>
      tpu.wait_dma2 semaphore(%run_scoped3A : memref<!tpu.dma_semaphore, #tpu.memory_space<semaphore_mem>>) src(%dma_wait3A_2803 : memref<320xi32, #tpu.memory_space<hbm>>) dst(%arg6 : memref<320xi32, #tpu.memory_space<vmem>>)
      tpu.yield
    }) : () -> ()
    "tpu.region"() ({
      %run_scoped3A = tpu.sem_alloc : memref<!tpu.dma_semaphore, #tpu.memory_space<semaphore_mem>>
      %dma_start3A_2800 = tpu.memref_slice %arg4[%add3A_1117] : memref<102400xi32, #tpu.memory_space<hbm>> -> memref<320xi32, #tpu.memory_space<hbm>>
      %dma_start3A_2801 = tpu.memref_slice %arg4[%add3A_1117] : memref<102400xi32, #tpu.memory_space<hbm>> -> memref<320xi32, #tpu.memory_space<hbm>>
      tpu.enqueue_dma source(%dma_start3A_2801 : memref<320xi32, #tpu.memory_space<hbm>>) target(%arg7 : memref<320xi32, #tpu.memory_space<vmem>>) target_semaphore(%run_scoped3A : memref<!tpu.dma_semaphore, #tpu.memory_space<semaphore_mem>>)
      %dma_wait3A_2802 = tpu.memref_slice %arg4[%add3A_1117] : memref<102400xi32, #tpu.memory_space<hbm>> -> memref<320xi32, #tpu.memory_space<hbm>>
      %dma_wait3A_2803 = tpu.memref_slice %arg4[%add3A_1117] : memref<102400xi32, #tpu.memory_space<hbm>> -> memref<320xi32, #tpu.memory_space<hbm>>
      tpu.wait_dma2 semaphore(%run_scoped3A : memref<!tpu.dma_semaphore, #tpu.memory_space<semaphore_mem>>) src(%dma_wait3A_2803 : memref<320xi32, #tpu.memory_space<hbm>>) dst(%arg7 : memref<320xi32, #tpu.memory_space<vmem>>)
      tpu.yield
    }) : () -> ()
    %add3A_1118 = arith.constant 0 : i32
    %add3A_1119 = vector.broadcast %add3A_1118 : i32 to vector<16xi32>
    %add3A_1120 = arith.addi %add3A_1119, %iota3A : vector<16xi32>
    %mul3A_1121 = arith.constant 2 : i32
    %mul3A_1122 = vector.broadcast %mul3A_1121 : i32 to vector<16xi32>
    %mul3A_1123 = arith.muli %mul3A_1122, %add3A_1120 : vector<16xi32>
    %get3A_1124 = arith.constant 0 : index
    %get3A_1125 = tpu.vector_load %arg6[%get3A_1124] {strides = array<i32>} : memref<320xi32, #tpu.memory_space<vmem>>, vector<16xi32>,
    tpu.vector_store_idx %arg8[%mul3A_1123], %get3A_1125 : memref<640xi32, #tpu.memory_space<vmem>>[vector<16xi32>], vector<16xi32>,
    %add3A_1126 = arith.constant 1 : i32
    %add3A_1127 = vector.broadcast %add3A_1126 : i32 to vector<16xi32>
    %add3A_1128 = arith.addi %mul3A_1123, %add3A_1127 : vector<16xi32>
    %get3A_1129 = arith.constant 0 : index
    %get3A_1130 = tpu.vector_load %arg7[%get3A_1129] {strides = array<i32>} : memref<320xi32, #tpu.memory_space<vmem>>, vector<16xi32>,
    tpu.vector_store_idx %arg8[%add3A_1128], %get3A_1130 : memref<640xi32, #tpu.memory_space<vmem>>[vector<16xi32>], vector<16xi32>,
    %add3A_1131 = arith.constant 16 : i32
    %add3A_1132 = vector.broadcast %add3A_1131 : i32 to vector<16xi32>
    %add3A_1133 = arith.addi %add3A_1132, %iota3A : vector<16xi32>
    %mul3A_1134 = arith.constant 2 : i32
    %mul3A_1135 = vector.broadcast %mul3A_1134 : i32 to vector<16xi32>
    %mul3A_1136 = arith.muli %mul3A_1135, %add3A_1133 : vector<16xi32>
    %get3A_1137 = arith.constant 16 : index
    %get3A_1138 = tpu.vector_load %arg6[%get3A_1137] {strides = array<i32>} : memref<320xi32, #tpu.memory_space<vmem>>, vector<16xi32>,
    tpu.vector_store_idx %arg8[%mul3A_1136], %get3A_1138 : memref<640xi32, #tpu.memory_space<vmem>>[vector<16xi32>], vector<16xi32>,
    %add3A_1139 = arith.constant 1 : i32
    %add3A_1140 = vector.broadcast %add3A_1139 : i32 to vector<16xi32>
    %add3A_1141 = arith.addi %mul3A_1136, %add3A_1140 : vector<16xi32>
    %get3A_1142 = arith.constant 16 : index
    %get3A_1143 = tpu.vector_load %arg7[%get3A_1142] {strides = array<i32>} : memref<320xi32, #tpu.memory_space<vmem>>, vector<16xi32>,
    tpu.vector_store_idx %arg8[%add3A_1141], %get3A_1143 : memref<640xi32, #tpu.memory_space<vmem>>[vector<16xi32>], vector<16xi32>,
    %add3A_1144 = arith.constant 32 : i32
    %add3A_1145 = vector.broadcast %add3A_1144 : i32 to vector<16xi32>
    %add3A_1146 = arith.addi %add3A_1145, %iota3A : vector<16xi32>
    %mul3A_1147 = arith.constant 2 : i32
    %mul3A_1148 = vector.broadcast %mul3A_1147 : i32 to vector<16xi32>
    %mul3A_1149 = arith.muli %mul3A_1148, %add3A_1146 : vector<16xi32>
    %get3A_1150 = arith.constant 32 : index
    %get3A_1151 = tpu.vector_load %arg6[%get3A_1150] {strides = array<i32>} : memref<320xi32, #tpu.memory_space<vmem>>, vector<16xi32>,
    tpu.vector_store_idx %arg8[%mul3A_1149], %get3A_1151 : memref<640xi32, #tpu.memory_space<vmem>>[vector<16xi32>], vector<16xi32>,
    %add3A_1152 = arith.constant 1 : i32
    %add3A_1153 = vector.broadcast %add3A_1152 : i32 to vector<16xi32>
    %add3A_1154 = arith.addi %mul3A_1149, %add3A_1153 : vector<16xi32>
    %get3A_1155 = arith.constant 32 : index
    %get3A_1156 = tpu.vector_load %arg7[%get3A_1155] {strides = array<i32>} : memref<320xi32, #tpu.memory_space<vmem>>, vector<16xi32>,
    tpu.vector_store_idx %arg8[%add3A_1154], %get3A_1156 : memref<640xi32, #tpu.memory_space<vmem>>[vector<16xi32>], vector<16xi32>,
    %add3A_1157 = arith.constant 48 : i32
    %add3A_1158 = vector.broadcast %add3A_1157 : i32 to vector<16xi32>
    %add3A_1159 = arith.addi %add3A_1158, %iota3A : vector<16xi32>
    %mul3A_1160 = arith.constant 2 : i32
    %mul3A_1161 = vector.broadcast %mul3A_1160 : i32 to vector<16xi32>
    %mul3A_1162 = arith.muli %mul3A_1161, %add3A_1159 : vector<16xi32>
    %get3A_1163 = arith.constant 48 : index
    %get3A_1164 = tpu.vector_load %arg6[%get3A_1163] {strides = array<i32>} : memref<320xi32, #tpu.memory_space<vmem>>, vector<16xi32>,
    tpu.vector_store_idx %arg8[%mul3A_1162], %get3A_1164 : memref<640xi32, #tpu.memory_space<vmem>>[vector<16xi32>], vector<16xi32>,
    %add3A_1165 = arith.constant 1 : i32
    %add3A_1166 = vector.broadcast %add3A_1165 : i32 to vector<16xi32>
    %add3A_1167 = arith.addi %mul3A_1162, %add3A_1166 : vector<16xi32>
    %get3A_1168 = arith.constant 48 : index
    %get3A_1169 = tpu.vector_load %arg7[%get3A_1168] {strides = array<i32>} : memref<320xi32, #tpu.memory_space<vmem>>, vector<16xi32>,
    tpu.vector_store_idx %arg8[%add3A_1167], %get3A_1169 : memref<640xi32, #tpu.memory_space<vmem>>[vector<16xi32>], vector<16xi32>,
    %add3A_1170 = arith.constant 64 : i32
    %add3A_1171 = vector.broadcast %add3A_1170 : i32 to vector<16xi32>
    %add3A_1172 = arith.addi %add3A_1171, %iota3A : vector<16xi32>
    %mul3A_1173 = arith.constant 2 : i32
    %mul3A_1174 = vector.broadcast %mul3A_1173 : i32 to vector<16xi32>
    %mul3A_1175 = arith.muli %mul3A_1174, %add3A_1172 : vector<16xi32>
    %get3A_1176 = arith.constant 64 : index
    %get3A_1177 = tpu.vector_load %arg6[%get3A_1176] {strides = array<i32>} : memref<320xi32, #tpu.memory_space<vmem>>, vector<16xi32>,
    tpu.vector_store_idx %arg8[%mul3A_1175], %get3A_1177 : memref<640xi32, #tpu.memory_space<vmem>>[vector<16xi32>], vector<16xi32>,
    %add3A_1178 = arith.constant 1 : i32
    %add3A_1179 = vector.broadcast %add3A_1178 : i32 to vector<16xi32>
    %add3A_1180 = arith.addi %mul3A_1175, %add3A_1179 : vector<16xi32>
    %get3A_1181 = arith.constant 64 : index
    %get3A_1182 = tpu.vector_load %arg7[%get3A_1181] {strides = array<i32>} : memref<320xi32, #tpu.memory_space<vmem>>, vector<16xi32>,
    tpu.vector_store_idx %arg8[%add3A_1180], %get3A_1182 : memref<640xi32, #tpu.memory_space<vmem>>[vector<16xi32>], vector<16xi32>,
    %add3A_1183 = arith.constant 80 : i32
    %add3A_1184 = vector.broadcast %add3A_1183 : i32 to vector<16xi32>
    %add3A_1185 = arith.addi %add3A_1184, %iota3A : vector<16xi32>
    %mul3A_1186 = arith.constant 2 : i32
    %mul3A_1187 = vector.broadcast %mul3A_1186 : i32 to vector<16xi32>
    %mul3A_1188 = arith.muli %mul3A_1187, %add3A_1185 : vector<16xi32>
    %get3A_1189 = arith.constant 80 : index
    %get3A_1190 = tpu.vector_load %arg6[%get3A_1189] {strides = array<i32>} : memref<320xi32, #tpu.memory_space<vmem>>, vector<16xi32>,
    tpu.vector_store_idx %arg8[%mul3A_1188], %get3A_1190 : memref<640xi32, #tpu.memory_space<vmem>>[vector<16xi32>], vector<16xi32>,
    %add3A_1191 = arith.constant 1 : i32
    %add3A_1192 = vector.broadcast %add3A_1191 : i32 to vector<16xi32>
    %add3A_1193 = arith.addi %mul3A_1188, %add3A_1192 : vector<16xi32>
    %get3A_1194 = arith.constant 80 : index
    %get3A_1195 = tpu.vector_load %arg7[%get3A_1194] {strides = array<i32>} : memref<320xi32, #tpu.memory_space<vmem>>, vector<16xi32>,
    tpu.vector_store_idx %arg8[%add3A_1193], %get3A_1195 : memref<640xi32, #tpu.memory_space<vmem>>[vector<16xi32>], vector<16xi32>,
    %add3A_1196 = arith.constant 96 : i32
    %add3A_1197 = vector.broadcast %add3A_1196 : i32 to vector<16xi32>
    %add3A_1198 = arith.addi %add3A_1197, %iota3A : vector<16xi32>
    %mul3A_1199 = arith.constant 2 : i32
    %mul3A_1200 = vector.broadcast %mul3A_1199 : i32 to vector<16xi32>
    %mul3A_1201 = arith.muli %mul3A_1200, %add3A_1198 : vector<16xi32>
    %get3A_1202 = arith.constant 96 : index
    %get3A_1203 = tpu.vector_load %arg6[%get3A_1202] {strides = array<i32>} : memref<320xi32, #tpu.memory_space<vmem>>, vector<16xi32>,
    tpu.vector_store_idx %arg8[%mul3A_1201], %get3A_1203 : memref<640xi32, #tpu.memory_space<vmem>>[vector<16xi32>], vector<16xi32>,
    %add3A_1204 = arith.constant 1 : i32
    %add3A_1205 = vector.broadcast %add3A_1204 : i32 to vector<16xi32>
    %add3A_1206 = arith.addi %mul3A_1201, %add3A_1205 : vector<16xi32>
    %get3A_1207 = arith.constant 96 : index
    %get3A_1208 = tpu.vector_load %arg7[%get3A_1207] {strides = array<i32>} : memref<320xi32, #tpu.memory_space<vmem>>, vector<16xi32>,
    tpu.vector_store_idx %arg8[%add3A_1206], %get3A_1208 : memref<640xi32, #tpu.memory_space<vmem>>[vector<16xi32>], vector<16xi32>,
    %add3A_1209 = arith.constant 112 : i32
    %add3A_1210 = vector.broadcast %add3A_1209 : i32 to vector<16xi32>
    %add3A_1211 = arith.addi %add3A_1210, %iota3A : vector<16xi32>
    %mul3A_1212 = arith.constant 2 : i32
    %mul3A_1213 = vector.broadcast %mul3A_1212 : i32 to vector<16xi32>
    %mul3A_1214 = arith.muli %mul3A_1213, %add3A_1211 : vector<16xi32>
    %get3A_1215 = arith.constant 112 : index
    %get3A_1216 = tpu.vector_load %arg6[%get3A_1215] {strides = array<i32>} : memref<320xi32, #tpu.memory_space<vmem>>, vector<16xi32>,
    tpu.vector_store_idx %arg8[%mul3A_1214], %get3A_1216 : memref<640xi32, #tpu.memory_space<vmem>>[vector<16xi32>], vector<16xi32>,
    %add3A_1217 = arith.constant 1 : i32
    %add3A_1218 = vector.broadcast %add3A_1217 : i32 to vector<16xi32>
    %add3A_1219 = arith.addi %mul3A_1214, %add3A_1218 : vector<16xi32>
    %get3A_1220 = arith.constant 112 : index
    %get3A_1221 = tpu.vector_load %arg7[%get3A_1220] {strides = array<i32>} : memref<320xi32, #tpu.memory_space<vmem>>, vector<16xi32>,
    tpu.vector_store_idx %arg8[%add3A_1219], %get3A_1221 : memref<640xi32, #tpu.memory_space<vmem>>[vector<16xi32>], vector<16xi32>,
    %add3A_1222 = arith.constant 128 : i32
    %add3A_1223 = vector.broadcast %add3A_1222 : i32 to vector<16xi32>
    %add3A_1224 = arith.addi %add3A_1223, %iota3A : vector<16xi32>
    %mul3A_1225 = arith.constant 2 : i32
    %mul3A_1226 = vector.broadcast %mul3A_1225 : i32 to vector<16xi32>
    %mul3A_1227 = arith.muli %mul3A_1226, %add3A_1224 : vector<16xi32>
    %get3A_1228 = arith.constant 128 : index
    %get3A_1229 = tpu.vector_load %arg6[%get3A_1228] {strides = array<i32>} : memref<320xi32, #tpu.memory_space<vmem>>, vector<16xi32>,
    tpu.vector_store_idx %arg8[%mul3A_1227], %get3A_1229 : memref<640xi32, #tpu.memory_space<vmem>>[vector<16xi32>], vector<16xi32>,
    %add3A_1230 = arith.constant 1 : i32
    %add3A_1231 = vector.broadcast %add3A_1230 : i32 to vector<16xi32>
    %add3A_1232 = arith.addi %mul3A_1227, %add3A_1231 : vector<16xi32>
    %get3A_1233 = arith.constant 128 : index
    %get3A_1234 = tpu.vector_load %arg7[%get3A_1233] {strides = array<i32>} : memref<320xi32, #tpu.memory_space<vmem>>, vector<16xi32>,
    tpu.vector_store_idx %arg8[%add3A_1232], %get3A_1234 : memref<640xi32, #tpu.memory_space<vmem>>[vector<16xi32>], vector<16xi32>,
    %add3A_1235 = arith.constant 144 : i32
    %add3A_1236 = vector.broadcast %add3A_1235 : i32 to vector<16xi32>
    %add3A_1237 = arith.addi %add3A_1236, %iota3A : vector<16xi32>
    %mul3A_1238 = arith.constant 2 : i32
    %mul3A_1239 = vector.broadcast %mul3A_1238 : i32 to vector<16xi32>
    %mul3A_1240 = arith.muli %mul3A_1239, %add3A_1237 : vector<16xi32>
    %get3A_1241 = arith.constant 144 : index
    %get3A_1242 = tpu.vector_load %arg6[%get3A_1241] {strides = array<i32>} : memref<320xi32, #tpu.memory_space<vmem>>, vector<16xi32>,
    tpu.vector_store_idx %arg8[%mul3A_1240], %get3A_1242 : memref<640xi32, #tpu.memory_space<vmem>>[vector<16xi32>], vector<16xi32>,
    %add3A_1243 = arith.constant 1 : i32
    %add3A_1244 = vector.broadcast %add3A_1243 : i32 to vector<16xi32>
    %add3A_1245 = arith.addi %mul3A_1240, %add3A_1244 : vector<16xi32>
    %get3A_1246 = arith.constant 144 : index
    %get3A_1247 = tpu.vector_load %arg7[%get3A_1246] {strides = array<i32>} : memref<320xi32, #tpu.memory_space<vmem>>, vector<16xi32>,
    tpu.vector_store_idx %arg8[%add3A_1245], %get3A_1247 : memref<640xi32, #tpu.memory_space<vmem>>[vector<16xi32>], vector<16xi32>,
    %add3A_1248 = arith.constant 160 : i32
    %add3A_1249 = vector.broadcast %add3A_1248 : i32 to vector<16xi32>
    %add3A_1250 = arith.addi %add3A_1249, %iota3A : vector<16xi32>
    %mul3A_1251 = arith.constant 2 : i32
    %mul3A_1252 = vector.broadcast %mul3A_1251 : i32 to vector<16xi32>
    %mul3A_1253 = arith.muli %mul3A_1252, %add3A_1250 : vector<16xi32>
    %get3A_1254 = arith.constant 160 : index
    %get3A_1255 = tpu.vector_load %arg6[%get3A_1254] {strides = array<i32>} : memref<320xi32, #tpu.memory_space<vmem>>, vector<16xi32>,
    tpu.vector_store_idx %arg8[%mul3A_1253], %get3A_1255 : memref<640xi32, #tpu.memory_space<vmem>>[vector<16xi32>], vector<16xi32>,
    %add3A_1256 = arith.constant 1 : i32
    %add3A_1257 = vector.broadcast %add3A_1256 : i32 to vector<16xi32>
    %add3A_1258 = arith.addi %mul3A_1253, %add3A_1257 : vector<16xi32>
    %get3A_1259 = arith.constant 160 : index
    %get3A_1260 = tpu.vector_load %arg7[%get3A_1259] {strides = array<i32>} : memref<320xi32, #tpu.memory_space<vmem>>, vector<16xi32>,
    tpu.vector_store_idx %arg8[%add3A_1258], %get3A_1260 : memref<640xi32, #tpu.memory_space<vmem>>[vector<16xi32>], vector<16xi32>,
    %add3A_1261 = arith.constant 176 : i32
    %add3A_1262 = vector.broadcast %add3A_1261 : i32 to vector<16xi32>
    %add3A_1263 = arith.addi %add3A_1262, %iota3A : vector<16xi32>
    %mul3A_1264 = arith.constant 2 : i32
    %mul3A_1265 = vector.broadcast %mul3A_1264 : i32 to vector<16xi32>
    %mul3A_1266 = arith.muli %mul3A_1265, %add3A_1263 : vector<16xi32>
    %get3A_1267 = arith.constant 176 : index
    %get3A_1268 = tpu.vector_load %arg6[%get3A_1267] {strides = array<i32>} : memref<320xi32, #tpu.memory_space<vmem>>, vector<16xi32>,
    tpu.vector_store_idx %arg8[%mul3A_1266], %get3A_1268 : memref<640xi32, #tpu.memory_space<vmem>>[vector<16xi32>], vector<16xi32>,
    %add3A_1269 = arith.constant 1 : i32
    %add3A_1270 = vector.broadcast %add3A_1269 : i32 to vector<16xi32>
    %add3A_1271 = arith.addi %mul3A_1266, %add3A_1270 : vector<16xi32>
    %get3A_1272 = arith.constant 176 : index
    %get3A_1273 = tpu.vector_load %arg7[%get3A_1272] {strides = array<i32>} : memref<320xi32, #tpu.memory_space<vmem>>, vector<16xi32>,
    tpu.vector_store_idx %arg8[%add3A_1271], %get3A_1273 : memref<640xi32, #tpu.memory_space<vmem>>[vector<16xi32>], vector<16xi32>,
    %add3A_1274 = arith.constant 192 : i32
    %add3A_1275 = vector.broadcast %add3A_1274 : i32 to vector<16xi32>
    %add3A_1276 = arith.addi %add3A_1275, %iota3A : vector<16xi32>
    %mul3A_1277 = arith.constant 2 : i32
    %mul3A_1278 = vector.broadcast %mul3A_1277 : i32 to vector<16xi32>
    %mul3A_1279 = arith.muli %mul3A_1278, %add3A_1276 : vector<16xi32>
    %get3A_1280 = arith.constant 192 : index
    %get3A_1281 = tpu.vector_load %arg6[%get3A_1280] {strides = array<i32>} : memref<320xi32, #tpu.memory_space<vmem>>, vector<16xi32>,
    tpu.vector_store_idx %arg8[%mul3A_1279], %get3A_1281 : memref<640xi32, #tpu.memory_space<vmem>>[vector<16xi32>], vector<16xi32>,
    %add3A_1282 = arith.constant 1 : i32
    %add3A_1283 = vector.broadcast %add3A_1282 : i32 to vector<16xi32>
    %add3A_1284 = arith.addi %mul3A_1279, %add3A_1283 : vector<16xi32>
    %get3A_1285 = arith.constant 192 : index
    %get3A_1286 = tpu.vector_load %arg7[%get3A_1285] {strides = array<i32>} : memref<320xi32, #tpu.memory_space<vmem>>, vector<16xi32>,
    tpu.vector_store_idx %arg8[%add3A_1284], %get3A_1286 : memref<640xi32, #tpu.memory_space<vmem>>[vector<16xi32>], vector<16xi32>,
    %add3A_1287 = arith.constant 208 : i32
    %add3A_1288 = vector.broadcast %add3A_1287 : i32 to vector<16xi32>
    %add3A_1289 = arith.addi %add3A_1288, %iota3A : vector<16xi32>
    %mul3A_1290 = arith.constant 2 : i32
    %mul3A_1291 = vector.broadcast %mul3A_1290 : i32 to vector<16xi32>
    %mul3A_1292 = arith.muli %mul3A_1291, %add3A_1289 : vector<16xi32>
    %get3A_1293 = arith.constant 208 : index
    %get3A_1294 = tpu.vector_load %arg6[%get3A_1293] {strides = array<i32>} : memref<320xi32, #tpu.memory_space<vmem>>, vector<16xi32>,
    tpu.vector_store_idx %arg8[%mul3A_1292], %get3A_1294 : memref<640xi32, #tpu.memory_space<vmem>>[vector<16xi32>], vector<16xi32>,
    %add3A_1295 = arith.constant 1 : i32
    %add3A_1296 = vector.broadcast %add3A_1295 : i32 to vector<16xi32>
    %add3A_1297 = arith.addi %mul3A_1292, %add3A_1296 : vector<16xi32>
    %get3A_1298 = arith.constant 208 : index
    %get3A_1299 = tpu.vector_load %arg7[%get3A_1298] {strides = array<i32>} : memref<320xi32, #tpu.memory_space<vmem>>, vector<16xi32>,
    tpu.vector_store_idx %arg8[%add3A_1297], %get3A_1299 : memref<640xi32, #tpu.memory_space<vmem>>[vector<16xi32>], vector<16xi32>,
    %add3A_1300 = arith.constant 224 : i32
    %add3A_1301 = vector.broadcast %add3A_1300 : i32 to vector<16xi32>
    %add3A_1302 = arith.addi %add3A_1301, %iota3A : vector<16xi32>
    %mul3A_1303 = arith.constant 2 : i32
    %mul3A_1304 = vector.broadcast %mul3A_1303 : i32 to vector<16xi32>
    %mul3A_1305 = arith.muli %mul3A_1304, %add3A_1302 : vector<16xi32>
    %get3A_1306 = arith.constant 224 : index
    %get3A_1307 = tpu.vector_load %arg6[%get3A_1306] {strides = array<i32>} : memref<320xi32, #tpu.memory_space<vmem>>, vector<16xi32>,
    tpu.vector_store_idx %arg8[%mul3A_1305], %get3A_1307 : memref<640xi32, #tpu.memory_space<vmem>>[vector<16xi32>], vector<16xi32>,
    %add3A_1308 = arith.constant 1 : i32
    %add3A_1309 = vector.broadcast %add3A_1308 : i32 to vector<16xi32>
    %add3A_1310 = arith.addi %mul3A_1305, %add3A_1309 : vector<16xi32>
    %get3A_1311 = arith.constant 224 : index
    %get3A_1312 = tpu.vector_load %arg7[%get3A_1311] {strides = array<i32>} : memref<320xi32, #tpu.memory_space<vmem>>, vector<16xi32>,
    tpu.vector_store_idx %arg8[%add3A_1310], %get3A_1312 : memref<640xi32, #tpu.memory_space<vmem>>[vector<16xi32>], vector<16xi32>,
    %add3A_1313 = arith.constant 240 : i32
    %add3A_1314 = vector.broadcast %add3A_1313 : i32 to vector<16xi32>
    %add3A_1315 = arith.addi %add3A_1314, %iota3A : vector<16xi32>
    %mul3A_1316 = arith.constant 2 : i32
    %mul3A_1317 = vector.broadcast %mul3A_1316 : i32 to vector<16xi32>
    %mul3A_1318 = arith.muli %mul3A_1317, %add3A_1315 : vector<16xi32>
    %get3A_1319 = arith.constant 240 : index
    %get3A_1320 = tpu.vector_load %arg6[%get3A_1319] {strides = array<i32>} : memref<320xi32, #tpu.memory_space<vmem>>, vector<16xi32>,
    tpu.vector_store_idx %arg8[%mul3A_1318], %get3A_1320 : memref<640xi32, #tpu.memory_space<vmem>>[vector<16xi32>], vector<16xi32>,
    %add3A_1321 = arith.constant 1 : i32
    %add3A_1322 = vector.broadcast %add3A_1321 : i32 to vector<16xi32>
    %add3A_1323 = arith.addi %mul3A_1318, %add3A_1322 : vector<16xi32>
    %get3A_1324 = arith.constant 240 : index
    %get3A_1325 = tpu.vector_load %arg7[%get3A_1324] {strides = array<i32>} : memref<320xi32, #tpu.memory_space<vmem>>, vector<16xi32>,
    tpu.vector_store_idx %arg8[%add3A_1323], %get3A_1325 : memref<640xi32, #tpu.memory_space<vmem>>[vector<16xi32>], vector<16xi32>,
    %add3A_1326 = arith.constant 256 : i32
    %add3A_1327 = vector.broadcast %add3A_1326 : i32 to vector<16xi32>
    %add3A_1328 = arith.addi %add3A_1327, %iota3A : vector<16xi32>
    %mul3A_1329 = arith.constant 2 : i32
    %mul3A_1330 = vector.broadcast %mul3A_1329 : i32 to vector<16xi32>
    %mul3A_1331 = arith.muli %mul3A_1330, %add3A_1328 : vector<16xi32>
    %get3A_1332 = arith.constant 256 : index
    %get3A_1333 = tpu.vector_load %arg6[%get3A_1332] {strides = array<i32>} : memref<320xi32, #tpu.memory_space<vmem>>, vector<16xi32>,
    tpu.vector_store_idx %arg8[%mul3A_1331], %get3A_1333 : memref<640xi32, #tpu.memory_space<vmem>>[vector<16xi32>], vector<16xi32>,
    %add3A_1334 = arith.constant 1 : i32
    %add3A_1335 = vector.broadcast %add3A_1334 : i32 to vector<16xi32>
    %add3A_1336 = arith.addi %mul3A_1331, %add3A_1335 : vector<16xi32>
    %get3A_1337 = arith.constant 256 : index
    %get3A_1338 = tpu.vector_load %arg7[%get3A_1337] {strides = array<i32>} : memref<320xi32, #tpu.memory_space<vmem>>, vector<16xi32>,
    tpu.vector_store_idx %arg8[%add3A_1336], %get3A_1338 : memref<640xi32, #tpu.memory_space<vmem>>[vector<16xi32>], vector<16xi32>,
    %add3A_1339 = arith.constant 272 : i32
    %add3A_1340 = vector.broadcast %add3A_1339 : i32 to vector<16xi32>
    %add3A_1341 = arith.addi %add3A_1340, %iota3A : vector<16xi32>
    %mul3A_1342 = arith.constant 2 : i32
    %mul3A_1343 = vector.broadcast %mul3A_1342 : i32 to vector<16xi32>
    %mul3A_1344 = arith.muli %mul3A_1343, %add3A_1341 : vector<16xi32>
    %get3A_1345 = arith.constant 272 : index
    %get3A_1346 = tpu.vector_load %arg6[%get3A_1345] {strides = array<i32>} : memref<320xi32, #tpu.memory_space<vmem>>, vector<16xi32>,
    tpu.vector_store_idx %arg8[%mul3A_1344], %get3A_1346 : memref<640xi32, #tpu.memory_space<vmem>>[vector<16xi32>], vector<16xi32>,
    %add3A_1347 = arith.constant 1 : i32
    %add3A_1348 = vector.broadcast %add3A_1347 : i32 to vector<16xi32>
    %add3A_1349 = arith.addi %mul3A_1344, %add3A_1348 : vector<16xi32>
    %get3A_1350 = arith.constant 272 : index
    %get3A_1351 = tpu.vector_load %arg7[%get3A_1350] {strides = array<i32>} : memref<320xi32, #tpu.memory_space<vmem>>, vector<16xi32>,
    tpu.vector_store_idx %arg8[%add3A_1349], %get3A_1351 : memref<640xi32, #tpu.memory_space<vmem>>[vector<16xi32>], vector<16xi32>,
    %add3A_1352 = arith.constant 288 : i32
    %add3A_1353 = vector.broadcast %add3A_1352 : i32 to vector<16xi32>
    %add3A_1354 = arith.addi %add3A_1353, %iota3A : vector<16xi32>
    %mul3A_1355 = arith.constant 2 : i32
    %mul3A_1356 = vector.broadcast %mul3A_1355 : i32 to vector<16xi32>
    %mul3A_1357 = arith.muli %mul3A_1356, %add3A_1354 : vector<16xi32>
    %get3A_1358 = arith.constant 288 : index
    %get3A_1359 = tpu.vector_load %arg6[%get3A_1358] {strides = array<i32>} : memref<320xi32, #tpu.memory_space<vmem>>, vector<16xi32>,
    tpu.vector_store_idx %arg8[%mul3A_1357], %get3A_1359 : memref<640xi32, #tpu.memory_space<vmem>>[vector<16xi32>], vector<16xi32>,
    %add3A_1360 = arith.constant 1 : i32
    %add3A_1361 = vector.broadcast %add3A_1360 : i32 to vector<16xi32>
    %add3A_1362 = arith.addi %mul3A_1357, %add3A_1361 : vector<16xi32>
    %get3A_1363 = arith.constant 288 : index
    %get3A_1364 = tpu.vector_load %arg7[%get3A_1363] {strides = array<i32>} : memref<320xi32, #tpu.memory_space<vmem>>, vector<16xi32>,
    tpu.vector_store_idx %arg8[%add3A_1362], %get3A_1364 : memref<640xi32, #tpu.memory_space<vmem>>[vector<16xi32>], vector<16xi32>,
    %add3A_1365 = arith.constant 304 : i32
    %add3A_1366 = vector.broadcast %add3A_1365 : i32 to vector<16xi32>
    %add3A_1367 = arith.addi %add3A_1366, %iota3A : vector<16xi32>
    %mul3A_1368 = arith.constant 2 : i32
    %mul3A_1369 = vector.broadcast %mul3A_1368 : i32 to vector<16xi32>
    %mul3A_1370 = arith.muli %mul3A_1369, %add3A_1367 : vector<16xi32>
    %get3A_1371 = arith.constant 304 : index
    %get3A_1372 = tpu.vector_load %arg6[%get3A_1371] {strides = array<i32>} : memref<320xi32, #tpu.memory_space<vmem>>, vector<16xi32>,
    tpu.vector_store_idx %arg8[%mul3A_1370], %get3A_1372 : memref<640xi32, #tpu.memory_space<vmem>>[vector<16xi32>], vector<16xi32>,
    %add3A_1373 = arith.constant 1 : i32
    %add3A_1374 = vector.broadcast %add3A_1373 : i32 to vector<16xi32>
    %add3A_1375 = arith.addi %mul3A_1370, %add3A_1374 : vector<16xi32>
    %get3A_1376 = arith.constant 304 : index
    %get3A_1377 = tpu.vector_load %arg7[%get3A_1376] {strides = array<i32>} : memref<320xi32, #tpu.memory_space<vmem>>, vector<16xi32>,
    tpu.vector_store_idx %arg8[%add3A_1375], %get3A_1377 : memref<640xi32, #tpu.memory_space<vmem>>[vector<16xi32>], vector<16xi32>,
    %dma_wait3A_1378 = arith.constant 0 : i32
    %dma_wait3A_1379 = tpu.memref_slice %arg5[%add3A_553, %dma_wait3A_1378] : memref<204800x64xi32, #tpu.memory_space<hbm>> -> memref<640x64xi32, #tpu.memory_space<hbm>>
    %dma_wait3A_1380 = arith.constant 0 : i32
    %dma_wait3A_1381 = tpu.memref_slice %arg5[%add3A_553, %dma_wait3A_1380] : memref<204800x64xi32, #tpu.memory_space<hbm>> -> memref<640x64xi32, #tpu.memory_space<hbm>>
    tpu.wait_dma2 semaphore(%arg13 : memref<!tpu.dma_semaphore, #tpu.memory_space<semaphore_mem>>) src(%arg10 : memref<640x64xi32, #tpu.memory_space<vmem>>) dst(%dma_wait3A_1381 : memref<640x64xi32, #tpu.memory_space<hbm>>)
    %dma_start3A_1382 = arith.constant 0 : i32
    %dma_start3A_1383 = arith.constant 0 : i32
    %dma_start3A_1384 = tpu.memref_slice %arg2[%dma_start3A_1382, %dma_start3A_1383] : memref<512000x64xi32, #tpu.memory_space<hbm>> -> memref<512000x64xi32, #tpu.memory_space<hbm>>
    tpu.enqueue_indirect_dma source(%dma_start3A_1384 : memref<512000x64xi32, #tpu.memory_space<hbm>>) target(%arg10 : memref<640x64xi32, #tpu.memory_space<vmem>>) offsets(%arg8 : memref<640xi32, #tpu.memory_space<vmem>>) semaphore(%arg12 : memref<!tpu.dma_semaphore, #tpu.memory_space<semaphore_mem>>)
    %dma_wait3A_1385 = arith.constant 0 : i32
    %dma_wait3A_1386 = arith.constant 0 : i32
    %dma_wait3A_1387 = tpu.memref_slice %arg2[%dma_wait3A_1385, %dma_wait3A_1386] : memref<512000x64xi32, #tpu.memory_space<hbm>> -> memref<512000x64xi32, #tpu.memory_space<hbm>>
    tpu.wait_indirect_dma semaphore(%arg12 : memref<!tpu.dma_semaphore, #tpu.memory_space<semaphore_mem>>) src(%dma_wait3A_1387 : memref<512000x64xi32, #tpu.memory_space<hbm>>) dst(%arg10 : memref<640x64xi32, #tpu.memory_space<vmem>>)
    %dma_start3A_1388 = arith.constant 0 : i32
    %dma_start3A_1389 = tpu.memref_slice %arg5[%add3A_1113, %dma_start3A_1388] : memref<204800x64xi32, #tpu.memory_space<hbm>> -> memref<640x64xi32, #tpu.memory_space<hbm>>
    %dma_start3A_1390 = arith.constant 0 : i32
    %dma_start3A_1391 = tpu.memref_slice %arg5[%add3A_1113, %dma_start3A_1390] : memref<204800x64xi32, #tpu.memory_space<hbm>> -> memref<640x64xi32, #tpu.memory_space<hbm>>
    tpu.enqueue_dma source(%arg10 : memref<640x64xi32, #tpu.memory_space<vmem>>) target(%dma_start3A_1391 : memref<640x64xi32, #tpu.memory_space<hbm>>) target_semaphore(%arg13 : memref<!tpu.dma_semaphore, #tpu.memory_space<semaphore_mem>>)
    %add3A_1392 = arith.constant 3200 : i32
    %add3A_1393 = arith.addi %mul3A_2, %add3A_1392 : i32
    %mul3A_1394 = arith.constant 3200 : i32
    %mul3A_1395 = arith.muli %add3A, %mul3A_1394 : i32
    %add3A_1396 = arith.constant 1600 : i32
    %add3A_1397 = arith.addi %mul3A_1395, %add3A_1396 : i32
    "tpu.region"() ({
      %run_scoped3A = tpu.sem_alloc : memref<!tpu.dma_semaphore, #tpu.memory_space<semaphore_mem>>
      %dma_start3A_2800 = tpu.memref_slice %arg3[%add3A_1397] : memref<102400xi32, #tpu.memory_space<hbm>> -> memref<320xi32, #tpu.memory_space<hbm>>
      %dma_start3A_2801 = tpu.memref_slice %arg3[%add3A_1397] : memref<102400xi32, #tpu.memory_space<hbm>> -> memref<320xi32, #tpu.memory_space<hbm>>
      tpu.enqueue_dma source(%dma_start3A_2801 : memref<320xi32, #tpu.memory_space<hbm>>) target(%arg6 : memref<320xi32, #tpu.memory_space<vmem>>) target_semaphore(%run_scoped3A : memref<!tpu.dma_semaphore, #tpu.memory_space<semaphore_mem>>)
      %dma_wait3A_2802 = tpu.memref_slice %arg3[%add3A_1397] : memref<102400xi32, #tpu.memory_space<hbm>> -> memref<320xi32, #tpu.memory_space<hbm>>
      %dma_wait3A_2803 = tpu.memref_slice %arg3[%add3A_1397] : memref<102400xi32, #tpu.memory_space<hbm>> -> memref<320xi32, #tpu.memory_space<hbm>>
      tpu.wait_dma2 semaphore(%run_scoped3A : memref<!tpu.dma_semaphore, #tpu.memory_space<semaphore_mem>>) src(%dma_wait3A_2803 : memref<320xi32, #tpu.memory_space<hbm>>) dst(%arg6 : memref<320xi32, #tpu.memory_space<vmem>>)
      tpu.yield
    }) : () -> ()
    "tpu.region"() ({
      %run_scoped3A = tpu.sem_alloc : memref<!tpu.dma_semaphore, #tpu.memory_space<semaphore_mem>>
      %dma_start3A_2800 = tpu.memref_slice %arg4[%add3A_1397] : memref<102400xi32, #tpu.memory_space<hbm>> -> memref<320xi32, #tpu.memory_space<hbm>>
      %dma_start3A_2801 = tpu.memref_slice %arg4[%add3A_1397] : memref<102400xi32, #tpu.memory_space<hbm>> -> memref<320xi32, #tpu.memory_space<hbm>>
      tpu.enqueue_dma source(%dma_start3A_2801 : memref<320xi32, #tpu.memory_space<hbm>>) target(%arg7 : memref<320xi32, #tpu.memory_space<vmem>>) target_semaphore(%run_scoped3A : memref<!tpu.dma_semaphore, #tpu.memory_space<semaphore_mem>>)
      %dma_wait3A_2802 = tpu.memref_slice %arg4[%add3A_1397] : memref<102400xi32, #tpu.memory_space<hbm>> -> memref<320xi32, #tpu.memory_space<hbm>>
      %dma_wait3A_2803 = tpu.memref_slice %arg4[%add3A_1397] : memref<102400xi32, #tpu.memory_space<hbm>> -> memref<320xi32, #tpu.memory_space<hbm>>
      tpu.wait_dma2 semaphore(%run_scoped3A : memref<!tpu.dma_semaphore, #tpu.memory_space<semaphore_mem>>) src(%dma_wait3A_2803 : memref<320xi32, #tpu.memory_space<hbm>>) dst(%arg7 : memref<320xi32, #tpu.memory_space<vmem>>)
      tpu.yield
    }) : () -> ()
    %add3A_1398 = arith.constant 0 : i32
    %add3A_1399 = vector.broadcast %add3A_1398 : i32 to vector<16xi32>
    %add3A_1400 = arith.addi %add3A_1399, %iota3A : vector<16xi32>
    %mul3A_1401 = arith.constant 2 : i32
    %mul3A_1402 = vector.broadcast %mul3A_1401 : i32 to vector<16xi32>
    %mul3A_1403 = arith.muli %mul3A_1402, %add3A_1400 : vector<16xi32>
    %get3A_1404 = arith.constant 0 : index
    %get3A_1405 = tpu.vector_load %arg6[%get3A_1404] {strides = array<i32>} : memref<320xi32, #tpu.memory_space<vmem>>, vector<16xi32>,
    tpu.vector_store_idx %arg9[%mul3A_1403], %get3A_1405 : memref<640xi32, #tpu.memory_space<vmem>>[vector<16xi32>], vector<16xi32>,
    %add3A_1406 = arith.constant 1 : i32
    %add3A_1407 = vector.broadcast %add3A_1406 : i32 to vector<16xi32>
    %add3A_1408 = arith.addi %mul3A_1403, %add3A_1407 : vector<16xi32>
    %get3A_1409 = arith.constant 0 : index
    %get3A_1410 = tpu.vector_load %arg7[%get3A_1409] {strides = array<i32>} : memref<320xi32, #tpu.memory_space<vmem>>, vector<16xi32>,
    tpu.vector_store_idx %arg9[%add3A_1408], %get3A_1410 : memref<640xi32, #tpu.memory_space<vmem>>[vector<16xi32>], vector<16xi32>,
    %add3A_1411 = arith.constant 16 : i32
    %add3A_1412 = vector.broadcast %add3A_1411 : i32 to vector<16xi32>
    %add3A_1413 = arith.addi %add3A_1412, %iota3A : vector<16xi32>
    %mul3A_1414 = arith.constant 2 : i32
    %mul3A_1415 = vector.broadcast %mul3A_1414 : i32 to vector<16xi32>
    %mul3A_1416 = arith.muli %mul3A_1415, %add3A_1413 : vector<16xi32>
    %get3A_1417 = arith.constant 16 : index
    %get3A_1418 = tpu.vector_load %arg6[%get3A_1417] {strides = array<i32>} : memref<320xi32, #tpu.memory_space<vmem>>, vector<16xi32>,
    tpu.vector_store_idx %arg9[%mul3A_1416], %get3A_1418 : memref<640xi32, #tpu.memory_space<vmem>>[vector<16xi32>], vector<16xi32>,
    %add3A_1419 = arith.constant 1 : i32
    %add3A_1420 = vector.broadcast %add3A_1419 : i32 to vector<16xi32>
    %add3A_1421 = arith.addi %mul3A_1416, %add3A_1420 : vector<16xi32>
    %get3A_1422 = arith.constant 16 : index
    %get3A_1423 = tpu.vector_load %arg7[%get3A_1422] {strides = array<i32>} : memref<320xi32, #tpu.memory_space<vmem>>, vector<16xi32>,
    tpu.vector_store_idx %arg9[%add3A_1421], %get3A_1423 : memref<640xi32, #tpu.memory_space<vmem>>[vector<16xi32>], vector<16xi32>,
    %add3A_1424 = arith.constant 32 : i32
    %add3A_1425 = vector.broadcast %add3A_1424 : i32 to vector<16xi32>
    %add3A_1426 = arith.addi %add3A_1425, %iota3A : vector<16xi32>
    %mul3A_1427 = arith.constant 2 : i32
    %mul3A_1428 = vector.broadcast %mul3A_1427 : i32 to vector<16xi32>
    %mul3A_1429 = arith.muli %mul3A_1428, %add3A_1426 : vector<16xi32>
    %get3A_1430 = arith.constant 32 : index
    %get3A_1431 = tpu.vector_load %arg6[%get3A_1430] {strides = array<i32>} : memref<320xi32, #tpu.memory_space<vmem>>, vector<16xi32>,
    tpu.vector_store_idx %arg9[%mul3A_1429], %get3A_1431 : memref<640xi32, #tpu.memory_space<vmem>>[vector<16xi32>], vector<16xi32>,
    %add3A_1432 = arith.constant 1 : i32
    %add3A_1433 = vector.broadcast %add3A_1432 : i32 to vector<16xi32>
    %add3A_1434 = arith.addi %mul3A_1429, %add3A_1433 : vector<16xi32>
    %get3A_1435 = arith.constant 32 : index
    %get3A_1436 = tpu.vector_load %arg7[%get3A_1435] {strides = array<i32>} : memref<320xi32, #tpu.memory_space<vmem>>, vector<16xi32>,
    tpu.vector_store_idx %arg9[%add3A_1434], %get3A_1436 : memref<640xi32, #tpu.memory_space<vmem>>[vector<16xi32>], vector<16xi32>,
    %add3A_1437 = arith.constant 48 : i32
    %add3A_1438 = vector.broadcast %add3A_1437 : i32 to vector<16xi32>
    %add3A_1439 = arith.addi %add3A_1438, %iota3A : vector<16xi32>
    %mul3A_1440 = arith.constant 2 : i32
    %mul3A_1441 = vector.broadcast %mul3A_1440 : i32 to vector<16xi32>
    %mul3A_1442 = arith.muli %mul3A_1441, %add3A_1439 : vector<16xi32>
    %get3A_1443 = arith.constant 48 : index
    %get3A_1444 = tpu.vector_load %arg6[%get3A_1443] {strides = array<i32>} : memref<320xi32, #tpu.memory_space<vmem>>, vector<16xi32>,
    tpu.vector_store_idx %arg9[%mul3A_1442], %get3A_1444 : memref<640xi32, #tpu.memory_space<vmem>>[vector<16xi32>], vector<16xi32>,
    %add3A_1445 = arith.constant 1 : i32
    %add3A_1446 = vector.broadcast %add3A_1445 : i32 to vector<16xi32>
    %add3A_1447 = arith.addi %mul3A_1442, %add3A_1446 : vector<16xi32>
    %get3A_1448 = arith.constant 48 : index
    %get3A_1449 = tpu.vector_load %arg7[%get3A_1448] {strides = array<i32>} : memref<320xi32, #tpu.memory_space<vmem>>, vector<16xi32>,
    tpu.vector_store_idx %arg9[%add3A_1447], %get3A_1449 : memref<640xi32, #tpu.memory_space<vmem>>[vector<16xi32>], vector<16xi32>,
    %add3A_1450 = arith.constant 64 : i32
    %add3A_1451 = vector.broadcast %add3A_1450 : i32 to vector<16xi32>
    %add3A_1452 = arith.addi %add3A_1451, %iota3A : vector<16xi32>
    %mul3A_1453 = arith.constant 2 : i32
    %mul3A_1454 = vector.broadcast %mul3A_1453 : i32 to vector<16xi32>
    %mul3A_1455 = arith.muli %mul3A_1454, %add3A_1452 : vector<16xi32>
    %get3A_1456 = arith.constant 64 : index
    %get3A_1457 = tpu.vector_load %arg6[%get3A_1456] {strides = array<i32>} : memref<320xi32, #tpu.memory_space<vmem>>, vector<16xi32>,
    tpu.vector_store_idx %arg9[%mul3A_1455], %get3A_1457 : memref<640xi32, #tpu.memory_space<vmem>>[vector<16xi32>], vector<16xi32>,
    %add3A_1458 = arith.constant 1 : i32
    %add3A_1459 = vector.broadcast %add3A_1458 : i32 to vector<16xi32>
    %add3A_1460 = arith.addi %mul3A_1455, %add3A_1459 : vector<16xi32>
    %get3A_1461 = arith.constant 64 : index
    %get3A_1462 = tpu.vector_load %arg7[%get3A_1461] {strides = array<i32>} : memref<320xi32, #tpu.memory_space<vmem>>, vector<16xi32>,
    tpu.vector_store_idx %arg9[%add3A_1460], %get3A_1462 : memref<640xi32, #tpu.memory_space<vmem>>[vector<16xi32>], vector<16xi32>,
    %add3A_1463 = arith.constant 80 : i32
    %add3A_1464 = vector.broadcast %add3A_1463 : i32 to vector<16xi32>
    %add3A_1465 = arith.addi %add3A_1464, %iota3A : vector<16xi32>
    %mul3A_1466 = arith.constant 2 : i32
    %mul3A_1467 = vector.broadcast %mul3A_1466 : i32 to vector<16xi32>
    %mul3A_1468 = arith.muli %mul3A_1467, %add3A_1465 : vector<16xi32>
    %get3A_1469 = arith.constant 80 : index
    %get3A_1470 = tpu.vector_load %arg6[%get3A_1469] {strides = array<i32>} : memref<320xi32, #tpu.memory_space<vmem>>, vector<16xi32>,
    tpu.vector_store_idx %arg9[%mul3A_1468], %get3A_1470 : memref<640xi32, #tpu.memory_space<vmem>>[vector<16xi32>], vector<16xi32>,
    %add3A_1471 = arith.constant 1 : i32
    %add3A_1472 = vector.broadcast %add3A_1471 : i32 to vector<16xi32>
    %add3A_1473 = arith.addi %mul3A_1468, %add3A_1472 : vector<16xi32>
    %get3A_1474 = arith.constant 80 : index
    %get3A_1475 = tpu.vector_load %arg7[%get3A_1474] {strides = array<i32>} : memref<320xi32, #tpu.memory_space<vmem>>, vector<16xi32>,
    tpu.vector_store_idx %arg9[%add3A_1473], %get3A_1475 : memref<640xi32, #tpu.memory_space<vmem>>[vector<16xi32>], vector<16xi32>,
    %add3A_1476 = arith.constant 96 : i32
    %add3A_1477 = vector.broadcast %add3A_1476 : i32 to vector<16xi32>
    %add3A_1478 = arith.addi %add3A_1477, %iota3A : vector<16xi32>
    %mul3A_1479 = arith.constant 2 : i32
    %mul3A_1480 = vector.broadcast %mul3A_1479 : i32 to vector<16xi32>
    %mul3A_1481 = arith.muli %mul3A_1480, %add3A_1478 : vector<16xi32>
    %get3A_1482 = arith.constant 96 : index
    %get3A_1483 = tpu.vector_load %arg6[%get3A_1482] {strides = array<i32>} : memref<320xi32, #tpu.memory_space<vmem>>, vector<16xi32>,
    tpu.vector_store_idx %arg9[%mul3A_1481], %get3A_1483 : memref<640xi32, #tpu.memory_space<vmem>>[vector<16xi32>], vector<16xi32>,
    %add3A_1484 = arith.constant 1 : i32
    %add3A_1485 = vector.broadcast %add3A_1484 : i32 to vector<16xi32>
    %add3A_1486 = arith.addi %mul3A_1481, %add3A_1485 : vector<16xi32>
    %get3A_1487 = arith.constant 96 : index
    %get3A_1488 = tpu.vector_load %arg7[%get3A_1487] {strides = array<i32>} : memref<320xi32, #tpu.memory_space<vmem>>, vector<16xi32>,
    tpu.vector_store_idx %arg9[%add3A_1486], %get3A_1488 : memref<640xi32, #tpu.memory_space<vmem>>[vector<16xi32>], vector<16xi32>,
    %add3A_1489 = arith.constant 112 : i32
    %add3A_1490 = vector.broadcast %add3A_1489 : i32 to vector<16xi32>
    %add3A_1491 = arith.addi %add3A_1490, %iota3A : vector<16xi32>
    %mul3A_1492 = arith.constant 2 : i32
    %mul3A_1493 = vector.broadcast %mul3A_1492 : i32 to vector<16xi32>
    %mul3A_1494 = arith.muli %mul3A_1493, %add3A_1491 : vector<16xi32>
    %get3A_1495 = arith.constant 112 : index
    %get3A_1496 = tpu.vector_load %arg6[%get3A_1495] {strides = array<i32>} : memref<320xi32, #tpu.memory_space<vmem>>, vector<16xi32>,
    tpu.vector_store_idx %arg9[%mul3A_1494], %get3A_1496 : memref<640xi32, #tpu.memory_space<vmem>>[vector<16xi32>], vector<16xi32>,
    %add3A_1497 = arith.constant 1 : i32
    %add3A_1498 = vector.broadcast %add3A_1497 : i32 to vector<16xi32>
    %add3A_1499 = arith.addi %mul3A_1494, %add3A_1498 : vector<16xi32>
    %get3A_1500 = arith.constant 112 : index
    %get3A_1501 = tpu.vector_load %arg7[%get3A_1500] {strides = array<i32>} : memref<320xi32, #tpu.memory_space<vmem>>, vector<16xi32>,
    tpu.vector_store_idx %arg9[%add3A_1499], %get3A_1501 : memref<640xi32, #tpu.memory_space<vmem>>[vector<16xi32>], vector<16xi32>,
    %add3A_1502 = arith.constant 128 : i32
    %add3A_1503 = vector.broadcast %add3A_1502 : i32 to vector<16xi32>
    %add3A_1504 = arith.addi %add3A_1503, %iota3A : vector<16xi32>
    %mul3A_1505 = arith.constant 2 : i32
    %mul3A_1506 = vector.broadcast %mul3A_1505 : i32 to vector<16xi32>
    %mul3A_1507 = arith.muli %mul3A_1506, %add3A_1504 : vector<16xi32>
    %get3A_1508 = arith.constant 128 : index
    %get3A_1509 = tpu.vector_load %arg6[%get3A_1508] {strides = array<i32>} : memref<320xi32, #tpu.memory_space<vmem>>, vector<16xi32>,
    tpu.vector_store_idx %arg9[%mul3A_1507], %get3A_1509 : memref<640xi32, #tpu.memory_space<vmem>>[vector<16xi32>], vector<16xi32>,
    %add3A_1510 = arith.constant 1 : i32
    %add3A_1511 = vector.broadcast %add3A_1510 : i32 to vector<16xi32>
    %add3A_1512 = arith.addi %mul3A_1507, %add3A_1511 : vector<16xi32>
    %get3A_1513 = arith.constant 128 : index
    %get3A_1514 = tpu.vector_load %arg7[%get3A_1513] {strides = array<i32>} : memref<320xi32, #tpu.memory_space<vmem>>, vector<16xi32>,
    tpu.vector_store_idx %arg9[%add3A_1512], %get3A_1514 : memref<640xi32, #tpu.memory_space<vmem>>[vector<16xi32>], vector<16xi32>,
    %add3A_1515 = arith.constant 144 : i32
    %add3A_1516 = vector.broadcast %add3A_1515 : i32 to vector<16xi32>
    %add3A_1517 = arith.addi %add3A_1516, %iota3A : vector<16xi32>
    %mul3A_1518 = arith.constant 2 : i32
    %mul3A_1519 = vector.broadcast %mul3A_1518 : i32 to vector<16xi32>
    %mul3A_1520 = arith.muli %mul3A_1519, %add3A_1517 : vector<16xi32>
    %get3A_1521 = arith.constant 144 : index
    %get3A_1522 = tpu.vector_load %arg6[%get3A_1521] {strides = array<i32>} : memref<320xi32, #tpu.memory_space<vmem>>, vector<16xi32>,
    tpu.vector_store_idx %arg9[%mul3A_1520], %get3A_1522 : memref<640xi32, #tpu.memory_space<vmem>>[vector<16xi32>], vector<16xi32>,
    %add3A_1523 = arith.constant 1 : i32
    %add3A_1524 = vector.broadcast %add3A_1523 : i32 to vector<16xi32>
    %add3A_1525 = arith.addi %mul3A_1520, %add3A_1524 : vector<16xi32>
    %get3A_1526 = arith.constant 144 : index
    %get3A_1527 = tpu.vector_load %arg7[%get3A_1526] {strides = array<i32>} : memref<320xi32, #tpu.memory_space<vmem>>, vector<16xi32>,
    tpu.vector_store_idx %arg9[%add3A_1525], %get3A_1527 : memref<640xi32, #tpu.memory_space<vmem>>[vector<16xi32>], vector<16xi32>,
    %add3A_1528 = arith.constant 160 : i32
    %add3A_1529 = vector.broadcast %add3A_1528 : i32 to vector<16xi32>
    %add3A_1530 = arith.addi %add3A_1529, %iota3A : vector<16xi32>
    %mul3A_1531 = arith.constant 2 : i32
    %mul3A_1532 = vector.broadcast %mul3A_1531 : i32 to vector<16xi32>
    %mul3A_1533 = arith.muli %mul3A_1532, %add3A_1530 : vector<16xi32>
    %get3A_1534 = arith.constant 160 : index
    %get3A_1535 = tpu.vector_load %arg6[%get3A_1534] {strides = array<i32>} : memref<320xi32, #tpu.memory_space<vmem>>, vector<16xi32>,
    tpu.vector_store_idx %arg9[%mul3A_1533], %get3A_1535 : memref<640xi32, #tpu.memory_space<vmem>>[vector<16xi32>], vector<16xi32>,
    %add3A_1536 = arith.constant 1 : i32
    %add3A_1537 = vector.broadcast %add3A_1536 : i32 to vector<16xi32>
    %add3A_1538 = arith.addi %mul3A_1533, %add3A_1537 : vector<16xi32>
    %get3A_1539 = arith.constant 160 : index
    %get3A_1540 = tpu.vector_load %arg7[%get3A_1539] {strides = array<i32>} : memref<320xi32, #tpu.memory_space<vmem>>, vector<16xi32>,
    tpu.vector_store_idx %arg9[%add3A_1538], %get3A_1540 : memref<640xi32, #tpu.memory_space<vmem>>[vector<16xi32>], vector<16xi32>,
    %add3A_1541 = arith.constant 176 : i32
    %add3A_1542 = vector.broadcast %add3A_1541 : i32 to vector<16xi32>
    %add3A_1543 = arith.addi %add3A_1542, %iota3A : vector<16xi32>
    %mul3A_1544 = arith.constant 2 : i32
    %mul3A_1545 = vector.broadcast %mul3A_1544 : i32 to vector<16xi32>
    %mul3A_1546 = arith.muli %mul3A_1545, %add3A_1543 : vector<16xi32>
    %get3A_1547 = arith.constant 176 : index
    %get3A_1548 = tpu.vector_load %arg6[%get3A_1547] {strides = array<i32>} : memref<320xi32, #tpu.memory_space<vmem>>, vector<16xi32>,
    tpu.vector_store_idx %arg9[%mul3A_1546], %get3A_1548 : memref<640xi32, #tpu.memory_space<vmem>>[vector<16xi32>], vector<16xi32>,
    %add3A_1549 = arith.constant 1 : i32
    %add3A_1550 = vector.broadcast %add3A_1549 : i32 to vector<16xi32>
    %add3A_1551 = arith.addi %mul3A_1546, %add3A_1550 : vector<16xi32>
    %get3A_1552 = arith.constant 176 : index
    %get3A_1553 = tpu.vector_load %arg7[%get3A_1552] {strides = array<i32>} : memref<320xi32, #tpu.memory_space<vmem>>, vector<16xi32>,
    tpu.vector_store_idx %arg9[%add3A_1551], %get3A_1553 : memref<640xi32, #tpu.memory_space<vmem>>[vector<16xi32>], vector<16xi32>,
    %add3A_1554 = arith.constant 192 : i32
    %add3A_1555 = vector.broadcast %add3A_1554 : i32 to vector<16xi32>
    %add3A_1556 = arith.addi %add3A_1555, %iota3A : vector<16xi32>
    %mul3A_1557 = arith.constant 2 : i32
    %mul3A_1558 = vector.broadcast %mul3A_1557 : i32 to vector<16xi32>
    %mul3A_1559 = arith.muli %mul3A_1558, %add3A_1556 : vector<16xi32>
    %get3A_1560 = arith.constant 192 : index
    %get3A_1561 = tpu.vector_load %arg6[%get3A_1560] {strides = array<i32>} : memref<320xi32, #tpu.memory_space<vmem>>, vector<16xi32>,
    tpu.vector_store_idx %arg9[%mul3A_1559], %get3A_1561 : memref<640xi32, #tpu.memory_space<vmem>>[vector<16xi32>], vector<16xi32>,
    %add3A_1562 = arith.constant 1 : i32
    %add3A_1563 = vector.broadcast %add3A_1562 : i32 to vector<16xi32>
    %add3A_1564 = arith.addi %mul3A_1559, %add3A_1563 : vector<16xi32>
    %get3A_1565 = arith.constant 192 : index
    %get3A_1566 = tpu.vector_load %arg7[%get3A_1565] {strides = array<i32>} : memref<320xi32, #tpu.memory_space<vmem>>, vector<16xi32>,
    tpu.vector_store_idx %arg9[%add3A_1564], %get3A_1566 : memref<640xi32, #tpu.memory_space<vmem>>[vector<16xi32>], vector<16xi32>,
    %add3A_1567 = arith.constant 208 : i32
    %add3A_1568 = vector.broadcast %add3A_1567 : i32 to vector<16xi32>
    %add3A_1569 = arith.addi %add3A_1568, %iota3A : vector<16xi32>
    %mul3A_1570 = arith.constant 2 : i32
    %mul3A_1571 = vector.broadcast %mul3A_1570 : i32 to vector<16xi32>
    %mul3A_1572 = arith.muli %mul3A_1571, %add3A_1569 : vector<16xi32>
    %get3A_1573 = arith.constant 208 : index
    %get3A_1574 = tpu.vector_load %arg6[%get3A_1573] {strides = array<i32>} : memref<320xi32, #tpu.memory_space<vmem>>, vector<16xi32>,
    tpu.vector_store_idx %arg9[%mul3A_1572], %get3A_1574 : memref<640xi32, #tpu.memory_space<vmem>>[vector<16xi32>], vector<16xi32>,
    %add3A_1575 = arith.constant 1 : i32
    %add3A_1576 = vector.broadcast %add3A_1575 : i32 to vector<16xi32>
    %add3A_1577 = arith.addi %mul3A_1572, %add3A_1576 : vector<16xi32>
    %get3A_1578 = arith.constant 208 : index
    %get3A_1579 = tpu.vector_load %arg7[%get3A_1578] {strides = array<i32>} : memref<320xi32, #tpu.memory_space<vmem>>, vector<16xi32>,
    tpu.vector_store_idx %arg9[%add3A_1577], %get3A_1579 : memref<640xi32, #tpu.memory_space<vmem>>[vector<16xi32>], vector<16xi32>,
    %add3A_1580 = arith.constant 224 : i32
    %add3A_1581 = vector.broadcast %add3A_1580 : i32 to vector<16xi32>
    %add3A_1582 = arith.addi %add3A_1581, %iota3A : vector<16xi32>
    %mul3A_1583 = arith.constant 2 : i32
    %mul3A_1584 = vector.broadcast %mul3A_1583 : i32 to vector<16xi32>
    %mul3A_1585 = arith.muli %mul3A_1584, %add3A_1582 : vector<16xi32>
    %get3A_1586 = arith.constant 224 : index
    %get3A_1587 = tpu.vector_load %arg6[%get3A_1586] {strides = array<i32>} : memref<320xi32, #tpu.memory_space<vmem>>, vector<16xi32>,
    tpu.vector_store_idx %arg9[%mul3A_1585], %get3A_1587 : memref<640xi32, #tpu.memory_space<vmem>>[vector<16xi32>], vector<16xi32>,
    %add3A_1588 = arith.constant 1 : i32
    %add3A_1589 = vector.broadcast %add3A_1588 : i32 to vector<16xi32>
    %add3A_1590 = arith.addi %mul3A_1585, %add3A_1589 : vector<16xi32>
    %get3A_1591 = arith.constant 224 : index
    %get3A_1592 = tpu.vector_load %arg7[%get3A_1591] {strides = array<i32>} : memref<320xi32, #tpu.memory_space<vmem>>, vector<16xi32>,
    tpu.vector_store_idx %arg9[%add3A_1590], %get3A_1592 : memref<640xi32, #tpu.memory_space<vmem>>[vector<16xi32>], vector<16xi32>,
    %add3A_1593 = arith.constant 240 : i32
    %add3A_1594 = vector.broadcast %add3A_1593 : i32 to vector<16xi32>
    %add3A_1595 = arith.addi %add3A_1594, %iota3A : vector<16xi32>
    %mul3A_1596 = arith.constant 2 : i32
    %mul3A_1597 = vector.broadcast %mul3A_1596 : i32 to vector<16xi32>
    %mul3A_1598 = arith.muli %mul3A_1597, %add3A_1595 : vector<16xi32>
    %get3A_1599 = arith.constant 240 : index
    %get3A_1600 = tpu.vector_load %arg6[%get3A_1599] {strides = array<i32>} : memref<320xi32, #tpu.memory_space<vmem>>, vector<16xi32>,
    tpu.vector_store_idx %arg9[%mul3A_1598], %get3A_1600 : memref<640xi32, #tpu.memory_space<vmem>>[vector<16xi32>], vector<16xi32>,
    %add3A_1601 = arith.constant 1 : i32
    %add3A_1602 = vector.broadcast %add3A_1601 : i32 to vector<16xi32>
    %add3A_1603 = arith.addi %mul3A_1598, %add3A_1602 : vector<16xi32>
    %get3A_1604 = arith.constant 240 : index
    %get3A_1605 = tpu.vector_load %arg7[%get3A_1604] {strides = array<i32>} : memref<320xi32, #tpu.memory_space<vmem>>, vector<16xi32>,
    tpu.vector_store_idx %arg9[%add3A_1603], %get3A_1605 : memref<640xi32, #tpu.memory_space<vmem>>[vector<16xi32>], vector<16xi32>,
    %add3A_1606 = arith.constant 256 : i32
    %add3A_1607 = vector.broadcast %add3A_1606 : i32 to vector<16xi32>
    %add3A_1608 = arith.addi %add3A_1607, %iota3A : vector<16xi32>
    %mul3A_1609 = arith.constant 2 : i32
    %mul3A_1610 = vector.broadcast %mul3A_1609 : i32 to vector<16xi32>
    %mul3A_1611 = arith.muli %mul3A_1610, %add3A_1608 : vector<16xi32>
    %get3A_1612 = arith.constant 256 : index
    %get3A_1613 = tpu.vector_load %arg6[%get3A_1612] {strides = array<i32>} : memref<320xi32, #tpu.memory_space<vmem>>, vector<16xi32>,
    tpu.vector_store_idx %arg9[%mul3A_1611], %get3A_1613 : memref<640xi32, #tpu.memory_space<vmem>>[vector<16xi32>], vector<16xi32>,
    %add3A_1614 = arith.constant 1 : i32
    %add3A_1615 = vector.broadcast %add3A_1614 : i32 to vector<16xi32>
    %add3A_1616 = arith.addi %mul3A_1611, %add3A_1615 : vector<16xi32>
    %get3A_1617 = arith.constant 256 : index
    %get3A_1618 = tpu.vector_load %arg7[%get3A_1617] {strides = array<i32>} : memref<320xi32, #tpu.memory_space<vmem>>, vector<16xi32>,
    tpu.vector_store_idx %arg9[%add3A_1616], %get3A_1618 : memref<640xi32, #tpu.memory_space<vmem>>[vector<16xi32>], vector<16xi32>,
    %add3A_1619 = arith.constant 272 : i32
    %add3A_1620 = vector.broadcast %add3A_1619 : i32 to vector<16xi32>
    %add3A_1621 = arith.addi %add3A_1620, %iota3A : vector<16xi32>
    %mul3A_1622 = arith.constant 2 : i32
    %mul3A_1623 = vector.broadcast %mul3A_1622 : i32 to vector<16xi32>
    %mul3A_1624 = arith.muli %mul3A_1623, %add3A_1621 : vector<16xi32>
    %get3A_1625 = arith.constant 272 : index
    %get3A_1626 = tpu.vector_load %arg6[%get3A_1625] {strides = array<i32>} : memref<320xi32, #tpu.memory_space<vmem>>, vector<16xi32>,
    tpu.vector_store_idx %arg9[%mul3A_1624], %get3A_1626 : memref<640xi32, #tpu.memory_space<vmem>>[vector<16xi32>], vector<16xi32>,
    %add3A_1627 = arith.constant 1 : i32
    %add3A_1628 = vector.broadcast %add3A_1627 : i32 to vector<16xi32>
    %add3A_1629 = arith.addi %mul3A_1624, %add3A_1628 : vector<16xi32>
    %get3A_1630 = arith.constant 272 : index
    %get3A_1631 = tpu.vector_load %arg7[%get3A_1630] {strides = array<i32>} : memref<320xi32, #tpu.memory_space<vmem>>, vector<16xi32>,
    tpu.vector_store_idx %arg9[%add3A_1629], %get3A_1631 : memref<640xi32, #tpu.memory_space<vmem>>[vector<16xi32>], vector<16xi32>,
    %add3A_1632 = arith.constant 288 : i32
    %add3A_1633 = vector.broadcast %add3A_1632 : i32 to vector<16xi32>
    %add3A_1634 = arith.addi %add3A_1633, %iota3A : vector<16xi32>
    %mul3A_1635 = arith.constant 2 : i32
    %mul3A_1636 = vector.broadcast %mul3A_1635 : i32 to vector<16xi32>
    %mul3A_1637 = arith.muli %mul3A_1636, %add3A_1634 : vector<16xi32>
    %get3A_1638 = arith.constant 288 : index
    %get3A_1639 = tpu.vector_load %arg6[%get3A_1638] {strides = array<i32>} : memref<320xi32, #tpu.memory_space<vmem>>, vector<16xi32>,
    tpu.vector_store_idx %arg9[%mul3A_1637], %get3A_1639 : memref<640xi32, #tpu.memory_space<vmem>>[vector<16xi32>], vector<16xi32>,
    %add3A_1640 = arith.constant 1 : i32
    %add3A_1641 = vector.broadcast %add3A_1640 : i32 to vector<16xi32>
    %add3A_1642 = arith.addi %mul3A_1637, %add3A_1641 : vector<16xi32>
    %get3A_1643 = arith.constant 288 : index
    %get3A_1644 = tpu.vector_load %arg7[%get3A_1643] {strides = array<i32>} : memref<320xi32, #tpu.memory_space<vmem>>, vector<16xi32>,
    tpu.vector_store_idx %arg9[%add3A_1642], %get3A_1644 : memref<640xi32, #tpu.memory_space<vmem>>[vector<16xi32>], vector<16xi32>,
    %add3A_1645 = arith.constant 304 : i32
    %add3A_1646 = vector.broadcast %add3A_1645 : i32 to vector<16xi32>
    %add3A_1647 = arith.addi %add3A_1646, %iota3A : vector<16xi32>
    %mul3A_1648 = arith.constant 2 : i32
    %mul3A_1649 = vector.broadcast %mul3A_1648 : i32 to vector<16xi32>
    %mul3A_1650 = arith.muli %mul3A_1649, %add3A_1647 : vector<16xi32>
    %get3A_1651 = arith.constant 304 : index
    %get3A_1652 = tpu.vector_load %arg6[%get3A_1651] {strides = array<i32>} : memref<320xi32, #tpu.memory_space<vmem>>, vector<16xi32>,
    tpu.vector_store_idx %arg9[%mul3A_1650], %get3A_1652 : memref<640xi32, #tpu.memory_space<vmem>>[vector<16xi32>], vector<16xi32>,
    %add3A_1653 = arith.constant 1 : i32
    %add3A_1654 = vector.broadcast %add3A_1653 : i32 to vector<16xi32>
    %add3A_1655 = arith.addi %mul3A_1650, %add3A_1654 : vector<16xi32>
    %get3A_1656 = arith.constant 304 : index
    %get3A_1657 = tpu.vector_load %arg7[%get3A_1656] {strides = array<i32>} : memref<320xi32, #tpu.memory_space<vmem>>, vector<16xi32>,
    tpu.vector_store_idx %arg9[%add3A_1655], %get3A_1657 : memref<640xi32, #tpu.memory_space<vmem>>[vector<16xi32>], vector<16xi32>,
    %dma_wait3A_1658 = arith.constant 0 : i32
    %dma_wait3A_1659 = tpu.memref_slice %arg5[%add3A_833, %dma_wait3A_1658] : memref<204800x64xi32, #tpu.memory_space<hbm>> -> memref<640x64xi32, #tpu.memory_space<hbm>>
    %dma_wait3A_1660 = arith.constant 0 : i32
    %dma_wait3A_1661 = tpu.memref_slice %arg5[%add3A_833, %dma_wait3A_1660] : memref<204800x64xi32, #tpu.memory_space<hbm>> -> memref<640x64xi32, #tpu.memory_space<hbm>>
    tpu.wait_dma2 semaphore(%arg13 : memref<!tpu.dma_semaphore, #tpu.memory_space<semaphore_mem>>) src(%arg11 : memref<640x64xi32, #tpu.memory_space<vmem>>) dst(%dma_wait3A_1661 : memref<640x64xi32, #tpu.memory_space<hbm>>)
    %dma_start3A_1662 = arith.constant 0 : i32
    %dma_start3A_1663 = arith.constant 0 : i32
    %dma_start3A_1664 = tpu.memref_slice %arg2[%dma_start3A_1662, %dma_start3A_1663] : memref<512000x64xi32, #tpu.memory_space<hbm>> -> memref<512000x64xi32, #tpu.memory_space<hbm>>
    tpu.enqueue_indirect_dma source(%dma_start3A_1664 : memref<512000x64xi32, #tpu.memory_space<hbm>>) target(%arg11 : memref<640x64xi32, #tpu.memory_space<vmem>>) offsets(%arg9 : memref<640xi32, #tpu.memory_space<vmem>>) semaphore(%arg12 : memref<!tpu.dma_semaphore, #tpu.memory_space<semaphore_mem>>)
    %dma_wait3A_1665 = arith.constant 0 : i32
    %dma_wait3A_1666 = arith.constant 0 : i32
    %dma_wait3A_1667 = tpu.memref_slice %arg2[%dma_wait3A_1665, %dma_wait3A_1666] : memref<512000x64xi32, #tpu.memory_space<hbm>> -> memref<512000x64xi32, #tpu.memory_space<hbm>>
    tpu.wait_indirect_dma semaphore(%arg12 : memref<!tpu.dma_semaphore, #tpu.memory_space<semaphore_mem>>) src(%dma_wait3A_1667 : memref<512000x64xi32, #tpu.memory_space<hbm>>) dst(%arg11 : memref<640x64xi32, #tpu.memory_space<vmem>>)
    %dma_start3A_1668 = arith.constant 0 : i32
    %dma_start3A_1669 = tpu.memref_slice %arg5[%add3A_1393, %dma_start3A_1668] : memref<204800x64xi32, #tpu.memory_space<hbm>> -> memref<640x64xi32, #tpu.memory_space<hbm>>
    %dma_start3A_1670 = arith.constant 0 : i32
    %dma_start3A_1671 = tpu.memref_slice %arg5[%add3A_1393, %dma_start3A_1670] : memref<204800x64xi32, #tpu.memory_space<hbm>> -> memref<640x64xi32, #tpu.memory_space<hbm>>
    tpu.enqueue_dma source(%arg11 : memref<640x64xi32, #tpu.memory_space<vmem>>) target(%dma_start3A_1671 : memref<640x64xi32, #tpu.memory_space<hbm>>) target_semaphore(%arg13 : memref<!tpu.dma_semaphore, #tpu.memory_space<semaphore_mem>>)
    %add3A_1672 = arith.constant 3840 : i32
    %add3A_1673 = arith.addi %mul3A_2, %add3A_1672 : i32
    %mul3A_1674 = arith.constant 3200 : i32
    %mul3A_1675 = arith.muli %add3A, %mul3A_1674 : i32
    %add3A_1676 = arith.constant 1920 : i32
    %add3A_1677 = arith.addi %mul3A_1675, %add3A_1676 : i32
    "tpu.region"() ({
      %run_scoped3A = tpu.sem_alloc : memref<!tpu.dma_semaphore, #tpu.memory_space<semaphore_mem>>
      %dma_start3A_2800 = tpu.memref_slice %arg3[%add3A_1677] : memref<102400xi32, #tpu.memory_space<hbm>> -> memref<320xi32, #tpu.memory_space<hbm>>
      %dma_start3A_2801 = tpu.memref_slice %arg3[%add3A_1677] : memref<102400xi32, #tpu.memory_space<hbm>> -> memref<320xi32, #tpu.memory_space<hbm>>
      tpu.enqueue_dma source(%dma_start3A_2801 : memref<320xi32, #tpu.memory_space<hbm>>) target(%arg6 : memref<320xi32, #tpu.memory_space<vmem>>) target_semaphore(%run_scoped3A : memref<!tpu.dma_semaphore, #tpu.memory_space<semaphore_mem>>)
      %dma_wait3A_2802 = tpu.memref_slice %arg3[%add3A_1677] : memref<102400xi32, #tpu.memory_space<hbm>> -> memref<320xi32, #tpu.memory_space<hbm>>
      %dma_wait3A_2803 = tpu.memref_slice %arg3[%add3A_1677] : memref<102400xi32, #tpu.memory_space<hbm>> -> memref<320xi32, #tpu.memory_space<hbm>>
      tpu.wait_dma2 semaphore(%run_scoped3A : memref<!tpu.dma_semaphore, #tpu.memory_space<semaphore_mem>>) src(%dma_wait3A_2803 : memref<320xi32, #tpu.memory_space<hbm>>) dst(%arg6 : memref<320xi32, #tpu.memory_space<vmem>>)
      tpu.yield
    }) : () -> ()
    "tpu.region"() ({
      %run_scoped3A = tpu.sem_alloc : memref<!tpu.dma_semaphore, #tpu.memory_space<semaphore_mem>>
      %dma_start3A_2800 = tpu.memref_slice %arg4[%add3A_1677] : memref<102400xi32, #tpu.memory_space<hbm>> -> memref<320xi32, #tpu.memory_space<hbm>>
      %dma_start3A_2801 = tpu.memref_slice %arg4[%add3A_1677] : memref<102400xi32, #tpu.memory_space<hbm>> -> memref<320xi32, #tpu.memory_space<hbm>>
      tpu.enqueue_dma source(%dma_start3A_2801 : memref<320xi32, #tpu.memory_space<hbm>>) target(%arg7 : memref<320xi32, #tpu.memory_space<vmem>>) target_semaphore(%run_scoped3A : memref<!tpu.dma_semaphore, #tpu.memory_space<semaphore_mem>>)
      %dma_wait3A_2802 = tpu.memref_slice %arg4[%add3A_1677] : memref<102400xi32, #tpu.memory_space<hbm>> -> memref<320xi32, #tpu.memory_space<hbm>>
      %dma_wait3A_2803 = tpu.memref_slice %arg4[%add3A_1677] : memref<102400xi32, #tpu.memory_space<hbm>> -> memref<320xi32, #tpu.memory_space<hbm>>
      tpu.wait_dma2 semaphore(%run_scoped3A : memref<!tpu.dma_semaphore, #tpu.memory_space<semaphore_mem>>) src(%dma_wait3A_2803 : memref<320xi32, #tpu.memory_space<hbm>>) dst(%arg7 : memref<320xi32, #tpu.memory_space<vmem>>)
      tpu.yield
    }) : () -> ()
    %add3A_1678 = arith.constant 0 : i32
    %add3A_1679 = vector.broadcast %add3A_1678 : i32 to vector<16xi32>
    %add3A_1680 = arith.addi %add3A_1679, %iota3A : vector<16xi32>
    %mul3A_1681 = arith.constant 2 : i32
    %mul3A_1682 = vector.broadcast %mul3A_1681 : i32 to vector<16xi32>
    %mul3A_1683 = arith.muli %mul3A_1682, %add3A_1680 : vector<16xi32>
    %get3A_1684 = arith.constant 0 : index
    %get3A_1685 = tpu.vector_load %arg6[%get3A_1684] {strides = array<i32>} : memref<320xi32, #tpu.memory_space<vmem>>, vector<16xi32>,
    tpu.vector_store_idx %arg8[%mul3A_1683], %get3A_1685 : memref<640xi32, #tpu.memory_space<vmem>>[vector<16xi32>], vector<16xi32>,
    %add3A_1686 = arith.constant 1 : i32
    %add3A_1687 = vector.broadcast %add3A_1686 : i32 to vector<16xi32>
    %add3A_1688 = arith.addi %mul3A_1683, %add3A_1687 : vector<16xi32>
    %get3A_1689 = arith.constant 0 : index
    %get3A_1690 = tpu.vector_load %arg7[%get3A_1689] {strides = array<i32>} : memref<320xi32, #tpu.memory_space<vmem>>, vector<16xi32>,
    tpu.vector_store_idx %arg8[%add3A_1688], %get3A_1690 : memref<640xi32, #tpu.memory_space<vmem>>[vector<16xi32>], vector<16xi32>,
    %add3A_1691 = arith.constant 16 : i32
    %add3A_1692 = vector.broadcast %add3A_1691 : i32 to vector<16xi32>
    %add3A_1693 = arith.addi %add3A_1692, %iota3A : vector<16xi32>
    %mul3A_1694 = arith.constant 2 : i32
    %mul3A_1695 = vector.broadcast %mul3A_1694 : i32 to vector<16xi32>
    %mul3A_1696 = arith.muli %mul3A_1695, %add3A_1693 : vector<16xi32>
    %get3A_1697 = arith.constant 16 : index
    %get3A_1698 = tpu.vector_load %arg6[%get3A_1697] {strides = array<i32>} : memref<320xi32, #tpu.memory_space<vmem>>, vector<16xi32>,
    tpu.vector_store_idx %arg8[%mul3A_1696], %get3A_1698 : memref<640xi32, #tpu.memory_space<vmem>>[vector<16xi32>], vector<16xi32>,
    %add3A_1699 = arith.constant 1 : i32
    %add3A_1700 = vector.broadcast %add3A_1699 : i32 to vector<16xi32>
    %add3A_1701 = arith.addi %mul3A_1696, %add3A_1700 : vector<16xi32>
    %get3A_1702 = arith.constant 16 : index
    %get3A_1703 = tpu.vector_load %arg7[%get3A_1702] {strides = array<i32>} : memref<320xi32, #tpu.memory_space<vmem>>, vector<16xi32>,
    tpu.vector_store_idx %arg8[%add3A_1701], %get3A_1703 : memref<640xi32, #tpu.memory_space<vmem>>[vector<16xi32>], vector<16xi32>,
    %add3A_1704 = arith.constant 32 : i32
    %add3A_1705 = vector.broadcast %add3A_1704 : i32 to vector<16xi32>
    %add3A_1706 = arith.addi %add3A_1705, %iota3A : vector<16xi32>
    %mul3A_1707 = arith.constant 2 : i32
    %mul3A_1708 = vector.broadcast %mul3A_1707 : i32 to vector<16xi32>
    %mul3A_1709 = arith.muli %mul3A_1708, %add3A_1706 : vector<16xi32>
    %get3A_1710 = arith.constant 32 : index
    %get3A_1711 = tpu.vector_load %arg6[%get3A_1710] {strides = array<i32>} : memref<320xi32, #tpu.memory_space<vmem>>, vector<16xi32>,
    tpu.vector_store_idx %arg8[%mul3A_1709], %get3A_1711 : memref<640xi32, #tpu.memory_space<vmem>>[vector<16xi32>], vector<16xi32>,
    %add3A_1712 = arith.constant 1 : i32
    %add3A_1713 = vector.broadcast %add3A_1712 : i32 to vector<16xi32>
    %add3A_1714 = arith.addi %mul3A_1709, %add3A_1713 : vector<16xi32>
    %get3A_1715 = arith.constant 32 : index
    %get3A_1716 = tpu.vector_load %arg7[%get3A_1715] {strides = array<i32>} : memref<320xi32, #tpu.memory_space<vmem>>, vector<16xi32>,
    tpu.vector_store_idx %arg8[%add3A_1714], %get3A_1716 : memref<640xi32, #tpu.memory_space<vmem>>[vector<16xi32>], vector<16xi32>,
    %add3A_1717 = arith.constant 48 : i32
    %add3A_1718 = vector.broadcast %add3A_1717 : i32 to vector<16xi32>
    %add3A_1719 = arith.addi %add3A_1718, %iota3A : vector<16xi32>
    %mul3A_1720 = arith.constant 2 : i32
    %mul3A_1721 = vector.broadcast %mul3A_1720 : i32 to vector<16xi32>
    %mul3A_1722 = arith.muli %mul3A_1721, %add3A_1719 : vector<16xi32>
    %get3A_1723 = arith.constant 48 : index
    %get3A_1724 = tpu.vector_load %arg6[%get3A_1723] {strides = array<i32>} : memref<320xi32, #tpu.memory_space<vmem>>, vector<16xi32>,
    tpu.vector_store_idx %arg8[%mul3A_1722], %get3A_1724 : memref<640xi32, #tpu.memory_space<vmem>>[vector<16xi32>], vector<16xi32>,
    %add3A_1725 = arith.constant 1 : i32
    %add3A_1726 = vector.broadcast %add3A_1725 : i32 to vector<16xi32>
    %add3A_1727 = arith.addi %mul3A_1722, %add3A_1726 : vector<16xi32>
    %get3A_1728 = arith.constant 48 : index
    %get3A_1729 = tpu.vector_load %arg7[%get3A_1728] {strides = array<i32>} : memref<320xi32, #tpu.memory_space<vmem>>, vector<16xi32>,
    tpu.vector_store_idx %arg8[%add3A_1727], %get3A_1729 : memref<640xi32, #tpu.memory_space<vmem>>[vector<16xi32>], vector<16xi32>,
    %add3A_1730 = arith.constant 64 : i32
    %add3A_1731 = vector.broadcast %add3A_1730 : i32 to vector<16xi32>
    %add3A_1732 = arith.addi %add3A_1731, %iota3A : vector<16xi32>
    %mul3A_1733 = arith.constant 2 : i32
    %mul3A_1734 = vector.broadcast %mul3A_1733 : i32 to vector<16xi32>
    %mul3A_1735 = arith.muli %mul3A_1734, %add3A_1732 : vector<16xi32>
    %get3A_1736 = arith.constant 64 : index
    %get3A_1737 = tpu.vector_load %arg6[%get3A_1736] {strides = array<i32>} : memref<320xi32, #tpu.memory_space<vmem>>, vector<16xi32>,
    tpu.vector_store_idx %arg8[%mul3A_1735], %get3A_1737 : memref<640xi32, #tpu.memory_space<vmem>>[vector<16xi32>], vector<16xi32>,
    %add3A_1738 = arith.constant 1 : i32
    %add3A_1739 = vector.broadcast %add3A_1738 : i32 to vector<16xi32>
    %add3A_1740 = arith.addi %mul3A_1735, %add3A_1739 : vector<16xi32>
    %get3A_1741 = arith.constant 64 : index
    %get3A_1742 = tpu.vector_load %arg7[%get3A_1741] {strides = array<i32>} : memref<320xi32, #tpu.memory_space<vmem>>, vector<16xi32>,
    tpu.vector_store_idx %arg8[%add3A_1740], %get3A_1742 : memref<640xi32, #tpu.memory_space<vmem>>[vector<16xi32>], vector<16xi32>,
    %add3A_1743 = arith.constant 80 : i32
    %add3A_1744 = vector.broadcast %add3A_1743 : i32 to vector<16xi32>
    %add3A_1745 = arith.addi %add3A_1744, %iota3A : vector<16xi32>
    %mul3A_1746 = arith.constant 2 : i32
    %mul3A_1747 = vector.broadcast %mul3A_1746 : i32 to vector<16xi32>
    %mul3A_1748 = arith.muli %mul3A_1747, %add3A_1745 : vector<16xi32>
    %get3A_1749 = arith.constant 80 : index
    %get3A_1750 = tpu.vector_load %arg6[%get3A_1749] {strides = array<i32>} : memref<320xi32, #tpu.memory_space<vmem>>, vector<16xi32>,
    tpu.vector_store_idx %arg8[%mul3A_1748], %get3A_1750 : memref<640xi32, #tpu.memory_space<vmem>>[vector<16xi32>], vector<16xi32>,
    %add3A_1751 = arith.constant 1 : i32
    %add3A_1752 = vector.broadcast %add3A_1751 : i32 to vector<16xi32>
    %add3A_1753 = arith.addi %mul3A_1748, %add3A_1752 : vector<16xi32>
    %get3A_1754 = arith.constant 80 : index
    %get3A_1755 = tpu.vector_load %arg7[%get3A_1754] {strides = array<i32>} : memref<320xi32, #tpu.memory_space<vmem>>, vector<16xi32>,
    tpu.vector_store_idx %arg8[%add3A_1753], %get3A_1755 : memref<640xi32, #tpu.memory_space<vmem>>[vector<16xi32>], vector<16xi32>,
    %add3A_1756 = arith.constant 96 : i32
    %add3A_1757 = vector.broadcast %add3A_1756 : i32 to vector<16xi32>
    %add3A_1758 = arith.addi %add3A_1757, %iota3A : vector<16xi32>
    %mul3A_1759 = arith.constant 2 : i32
    %mul3A_1760 = vector.broadcast %mul3A_1759 : i32 to vector<16xi32>
    %mul3A_1761 = arith.muli %mul3A_1760, %add3A_1758 : vector<16xi32>
    %get3A_1762 = arith.constant 96 : index
    %get3A_1763 = tpu.vector_load %arg6[%get3A_1762] {strides = array<i32>} : memref<320xi32, #tpu.memory_space<vmem>>, vector<16xi32>,
    tpu.vector_store_idx %arg8[%mul3A_1761], %get3A_1763 : memref<640xi32, #tpu.memory_space<vmem>>[vector<16xi32>], vector<16xi32>,
    %add3A_1764 = arith.constant 1 : i32
    %add3A_1765 = vector.broadcast %add3A_1764 : i32 to vector<16xi32>
    %add3A_1766 = arith.addi %mul3A_1761, %add3A_1765 : vector<16xi32>
    %get3A_1767 = arith.constant 96 : index
    %get3A_1768 = tpu.vector_load %arg7[%get3A_1767] {strides = array<i32>} : memref<320xi32, #tpu.memory_space<vmem>>, vector<16xi32>,
    tpu.vector_store_idx %arg8[%add3A_1766], %get3A_1768 : memref<640xi32, #tpu.memory_space<vmem>>[vector<16xi32>], vector<16xi32>,
    %add3A_1769 = arith.constant 112 : i32
    %add3A_1770 = vector.broadcast %add3A_1769 : i32 to vector<16xi32>
    %add3A_1771 = arith.addi %add3A_1770, %iota3A : vector<16xi32>
    %mul3A_1772 = arith.constant 2 : i32
    %mul3A_1773 = vector.broadcast %mul3A_1772 : i32 to vector<16xi32>
    %mul3A_1774 = arith.muli %mul3A_1773, %add3A_1771 : vector<16xi32>
    %get3A_1775 = arith.constant 112 : index
    %get3A_1776 = tpu.vector_load %arg6[%get3A_1775] {strides = array<i32>} : memref<320xi32, #tpu.memory_space<vmem>>, vector<16xi32>,
    tpu.vector_store_idx %arg8[%mul3A_1774], %get3A_1776 : memref<640xi32, #tpu.memory_space<vmem>>[vector<16xi32>], vector<16xi32>,
    %add3A_1777 = arith.constant 1 : i32
    %add3A_1778 = vector.broadcast %add3A_1777 : i32 to vector<16xi32>
    %add3A_1779 = arith.addi %mul3A_1774, %add3A_1778 : vector<16xi32>
    %get3A_1780 = arith.constant 112 : index
    %get3A_1781 = tpu.vector_load %arg7[%get3A_1780] {strides = array<i32>} : memref<320xi32, #tpu.memory_space<vmem>>, vector<16xi32>,
    tpu.vector_store_idx %arg8[%add3A_1779], %get3A_1781 : memref<640xi32, #tpu.memory_space<vmem>>[vector<16xi32>], vector<16xi32>,
    %add3A_1782 = arith.constant 128 : i32
    %add3A_1783 = vector.broadcast %add3A_1782 : i32 to vector<16xi32>
    %add3A_1784 = arith.addi %add3A_1783, %iota3A : vector<16xi32>
    %mul3A_1785 = arith.constant 2 : i32
    %mul3A_1786 = vector.broadcast %mul3A_1785 : i32 to vector<16xi32>
    %mul3A_1787 = arith.muli %mul3A_1786, %add3A_1784 : vector<16xi32>
    %get3A_1788 = arith.constant 128 : index
    %get3A_1789 = tpu.vector_load %arg6[%get3A_1788] {strides = array<i32>} : memref<320xi32, #tpu.memory_space<vmem>>, vector<16xi32>,
    tpu.vector_store_idx %arg8[%mul3A_1787], %get3A_1789 : memref<640xi32, #tpu.memory_space<vmem>>[vector<16xi32>], vector<16xi32>,
    %add3A_1790 = arith.constant 1 : i32
    %add3A_1791 = vector.broadcast %add3A_1790 : i32 to vector<16xi32>
    %add3A_1792 = arith.addi %mul3A_1787, %add3A_1791 : vector<16xi32>
    %get3A_1793 = arith.constant 128 : index
    %get3A_1794 = tpu.vector_load %arg7[%get3A_1793] {strides = array<i32>} : memref<320xi32, #tpu.memory_space<vmem>>, vector<16xi32>,
    tpu.vector_store_idx %arg8[%add3A_1792], %get3A_1794 : memref<640xi32, #tpu.memory_space<vmem>>[vector<16xi32>], vector<16xi32>,
    %add3A_1795 = arith.constant 144 : i32
    %add3A_1796 = vector.broadcast %add3A_1795 : i32 to vector<16xi32>
    %add3A_1797 = arith.addi %add3A_1796, %iota3A : vector<16xi32>
    %mul3A_1798 = arith.constant 2 : i32
    %mul3A_1799 = vector.broadcast %mul3A_1798 : i32 to vector<16xi32>
    %mul3A_1800 = arith.muli %mul3A_1799, %add3A_1797 : vector<16xi32>
    %get3A_1801 = arith.constant 144 : index
    %get3A_1802 = tpu.vector_load %arg6[%get3A_1801] {strides = array<i32>} : memref<320xi32, #tpu.memory_space<vmem>>, vector<16xi32>,
    tpu.vector_store_idx %arg8[%mul3A_1800], %get3A_1802 : memref<640xi32, #tpu.memory_space<vmem>>[vector<16xi32>], vector<16xi32>,
    %add3A_1803 = arith.constant 1 : i32
    %add3A_1804 = vector.broadcast %add3A_1803 : i32 to vector<16xi32>
    %add3A_1805 = arith.addi %mul3A_1800, %add3A_1804 : vector<16xi32>
    %get3A_1806 = arith.constant 144 : index
    %get3A_1807 = tpu.vector_load %arg7[%get3A_1806] {strides = array<i32>} : memref<320xi32, #tpu.memory_space<vmem>>, vector<16xi32>,
    tpu.vector_store_idx %arg8[%add3A_1805], %get3A_1807 : memref<640xi32, #tpu.memory_space<vmem>>[vector<16xi32>], vector<16xi32>,
    %add3A_1808 = arith.constant 160 : i32
    %add3A_1809 = vector.broadcast %add3A_1808 : i32 to vector<16xi32>
    %add3A_1810 = arith.addi %add3A_1809, %iota3A : vector<16xi32>
    %mul3A_1811 = arith.constant 2 : i32
    %mul3A_1812 = vector.broadcast %mul3A_1811 : i32 to vector<16xi32>
    %mul3A_1813 = arith.muli %mul3A_1812, %add3A_1810 : vector<16xi32>
    %get3A_1814 = arith.constant 160 : index
    %get3A_1815 = tpu.vector_load %arg6[%get3A_1814] {strides = array<i32>} : memref<320xi32, #tpu.memory_space<vmem>>, vector<16xi32>,
    tpu.vector_store_idx %arg8[%mul3A_1813], %get3A_1815 : memref<640xi32, #tpu.memory_space<vmem>>[vector<16xi32>], vector<16xi32>,
    %add3A_1816 = arith.constant 1 : i32
    %add3A_1817 = vector.broadcast %add3A_1816 : i32 to vector<16xi32>
    %add3A_1818 = arith.addi %mul3A_1813, %add3A_1817 : vector<16xi32>
    %get3A_1819 = arith.constant 160 : index
    %get3A_1820 = tpu.vector_load %arg7[%get3A_1819] {strides = array<i32>} : memref<320xi32, #tpu.memory_space<vmem>>, vector<16xi32>,
    tpu.vector_store_idx %arg8[%add3A_1818], %get3A_1820 : memref<640xi32, #tpu.memory_space<vmem>>[vector<16xi32>], vector<16xi32>,
    %add3A_1821 = arith.constant 176 : i32
    %add3A_1822 = vector.broadcast %add3A_1821 : i32 to vector<16xi32>
    %add3A_1823 = arith.addi %add3A_1822, %iota3A : vector<16xi32>
    %mul3A_1824 = arith.constant 2 : i32
    %mul3A_1825 = vector.broadcast %mul3A_1824 : i32 to vector<16xi32>
    %mul3A_1826 = arith.muli %mul3A_1825, %add3A_1823 : vector<16xi32>
    %get3A_1827 = arith.constant 176 : index
    %get3A_1828 = tpu.vector_load %arg6[%get3A_1827] {strides = array<i32>} : memref<320xi32, #tpu.memory_space<vmem>>, vector<16xi32>,
    tpu.vector_store_idx %arg8[%mul3A_1826], %get3A_1828 : memref<640xi32, #tpu.memory_space<vmem>>[vector<16xi32>], vector<16xi32>,
    %add3A_1829 = arith.constant 1 : i32
    %add3A_1830 = vector.broadcast %add3A_1829 : i32 to vector<16xi32>
    %add3A_1831 = arith.addi %mul3A_1826, %add3A_1830 : vector<16xi32>
    %get3A_1832 = arith.constant 176 : index
    %get3A_1833 = tpu.vector_load %arg7[%get3A_1832] {strides = array<i32>} : memref<320xi32, #tpu.memory_space<vmem>>, vector<16xi32>,
    tpu.vector_store_idx %arg8[%add3A_1831], %get3A_1833 : memref<640xi32, #tpu.memory_space<vmem>>[vector<16xi32>], vector<16xi32>,
    %add3A_1834 = arith.constant 192 : i32
    %add3A_1835 = vector.broadcast %add3A_1834 : i32 to vector<16xi32>
    %add3A_1836 = arith.addi %add3A_1835, %iota3A : vector<16xi32>
    %mul3A_1837 = arith.constant 2 : i32
    %mul3A_1838 = vector.broadcast %mul3A_1837 : i32 to vector<16xi32>
    %mul3A_1839 = arith.muli %mul3A_1838, %add3A_1836 : vector<16xi32>
    %get3A_1840 = arith.constant 192 : index
    %get3A_1841 = tpu.vector_load %arg6[%get3A_1840] {strides = array<i32>} : memref<320xi32, #tpu.memory_space<vmem>>, vector<16xi32>,
    tpu.vector_store_idx %arg8[%mul3A_1839], %get3A_1841 : memref<640xi32, #tpu.memory_space<vmem>>[vector<16xi32>], vector<16xi32>,
    %add3A_1842 = arith.constant 1 : i32
    %add3A_1843 = vector.broadcast %add3A_1842 : i32 to vector<16xi32>
    %add3A_1844 = arith.addi %mul3A_1839, %add3A_1843 : vector<16xi32>
    %get3A_1845 = arith.constant 192 : index
    %get3A_1846 = tpu.vector_load %arg7[%get3A_1845] {strides = array<i32>} : memref<320xi32, #tpu.memory_space<vmem>>, vector<16xi32>,
    tpu.vector_store_idx %arg8[%add3A_1844], %get3A_1846 : memref<640xi32, #tpu.memory_space<vmem>>[vector<16xi32>], vector<16xi32>,
    %add3A_1847 = arith.constant 208 : i32
    %add3A_1848 = vector.broadcast %add3A_1847 : i32 to vector<16xi32>
    %add3A_1849 = arith.addi %add3A_1848, %iota3A : vector<16xi32>
    %mul3A_1850 = arith.constant 2 : i32
    %mul3A_1851 = vector.broadcast %mul3A_1850 : i32 to vector<16xi32>
    %mul3A_1852 = arith.muli %mul3A_1851, %add3A_1849 : vector<16xi32>
    %get3A_1853 = arith.constant 208 : index
    %get3A_1854 = tpu.vector_load %arg6[%get3A_1853] {strides = array<i32>} : memref<320xi32, #tpu.memory_space<vmem>>, vector<16xi32>,
    tpu.vector_store_idx %arg8[%mul3A_1852], %get3A_1854 : memref<640xi32, #tpu.memory_space<vmem>>[vector<16xi32>], vector<16xi32>,
    %add3A_1855 = arith.constant 1 : i32
    %add3A_1856 = vector.broadcast %add3A_1855 : i32 to vector<16xi32>
    %add3A_1857 = arith.addi %mul3A_1852, %add3A_1856 : vector<16xi32>
    %get3A_1858 = arith.constant 208 : index
    %get3A_1859 = tpu.vector_load %arg7[%get3A_1858] {strides = array<i32>} : memref<320xi32, #tpu.memory_space<vmem>>, vector<16xi32>,
    tpu.vector_store_idx %arg8[%add3A_1857], %get3A_1859 : memref<640xi32, #tpu.memory_space<vmem>>[vector<16xi32>], vector<16xi32>,
    %add3A_1860 = arith.constant 224 : i32
    %add3A_1861 = vector.broadcast %add3A_1860 : i32 to vector<16xi32>
    %add3A_1862 = arith.addi %add3A_1861, %iota3A : vector<16xi32>
    %mul3A_1863 = arith.constant 2 : i32
    %mul3A_1864 = vector.broadcast %mul3A_1863 : i32 to vector<16xi32>
    %mul3A_1865 = arith.muli %mul3A_1864, %add3A_1862 : vector<16xi32>
    %get3A_1866 = arith.constant 224 : index
    %get3A_1867 = tpu.vector_load %arg6[%get3A_1866] {strides = array<i32>} : memref<320xi32, #tpu.memory_space<vmem>>, vector<16xi32>,
    tpu.vector_store_idx %arg8[%mul3A_1865], %get3A_1867 : memref<640xi32, #tpu.memory_space<vmem>>[vector<16xi32>], vector<16xi32>,
    %add3A_1868 = arith.constant 1 : i32
    %add3A_1869 = vector.broadcast %add3A_1868 : i32 to vector<16xi32>
    %add3A_1870 = arith.addi %mul3A_1865, %add3A_1869 : vector<16xi32>
    %get3A_1871 = arith.constant 224 : index
    %get3A_1872 = tpu.vector_load %arg7[%get3A_1871] {strides = array<i32>} : memref<320xi32, #tpu.memory_space<vmem>>, vector<16xi32>,
    tpu.vector_store_idx %arg8[%add3A_1870], %get3A_1872 : memref<640xi32, #tpu.memory_space<vmem>>[vector<16xi32>], vector<16xi32>,
    %add3A_1873 = arith.constant 240 : i32
    %add3A_1874 = vector.broadcast %add3A_1873 : i32 to vector<16xi32>
    %add3A_1875 = arith.addi %add3A_1874, %iota3A : vector<16xi32>
    %mul3A_1876 = arith.constant 2 : i32
    %mul3A_1877 = vector.broadcast %mul3A_1876 : i32 to vector<16xi32>
    %mul3A_1878 = arith.muli %mul3A_1877, %add3A_1875 : vector<16xi32>
    %get3A_1879 = arith.constant 240 : index
    %get3A_1880 = tpu.vector_load %arg6[%get3A_1879] {strides = array<i32>} : memref<320xi32, #tpu.memory_space<vmem>>, vector<16xi32>,
    tpu.vector_store_idx %arg8[%mul3A_1878], %get3A_1880 : memref<640xi32, #tpu.memory_space<vmem>>[vector<16xi32>], vector<16xi32>,
    %add3A_1881 = arith.constant 1 : i32
    %add3A_1882 = vector.broadcast %add3A_1881 : i32 to vector<16xi32>
    %add3A_1883 = arith.addi %mul3A_1878, %add3A_1882 : vector<16xi32>
    %get3A_1884 = arith.constant 240 : index
    %get3A_1885 = tpu.vector_load %arg7[%get3A_1884] {strides = array<i32>} : memref<320xi32, #tpu.memory_space<vmem>>, vector<16xi32>,
    tpu.vector_store_idx %arg8[%add3A_1883], %get3A_1885 : memref<640xi32, #tpu.memory_space<vmem>>[vector<16xi32>], vector<16xi32>,
    %add3A_1886 = arith.constant 256 : i32
    %add3A_1887 = vector.broadcast %add3A_1886 : i32 to vector<16xi32>
    %add3A_1888 = arith.addi %add3A_1887, %iota3A : vector<16xi32>
    %mul3A_1889 = arith.constant 2 : i32
    %mul3A_1890 = vector.broadcast %mul3A_1889 : i32 to vector<16xi32>
    %mul3A_1891 = arith.muli %mul3A_1890, %add3A_1888 : vector<16xi32>
    %get3A_1892 = arith.constant 256 : index
    %get3A_1893 = tpu.vector_load %arg6[%get3A_1892] {strides = array<i32>} : memref<320xi32, #tpu.memory_space<vmem>>, vector<16xi32>,
    tpu.vector_store_idx %arg8[%mul3A_1891], %get3A_1893 : memref<640xi32, #tpu.memory_space<vmem>>[vector<16xi32>], vector<16xi32>,
    %add3A_1894 = arith.constant 1 : i32
    %add3A_1895 = vector.broadcast %add3A_1894 : i32 to vector<16xi32>
    %add3A_1896 = arith.addi %mul3A_1891, %add3A_1895 : vector<16xi32>
    %get3A_1897 = arith.constant 256 : index
    %get3A_1898 = tpu.vector_load %arg7[%get3A_1897] {strides = array<i32>} : memref<320xi32, #tpu.memory_space<vmem>>, vector<16xi32>,
    tpu.vector_store_idx %arg8[%add3A_1896], %get3A_1898 : memref<640xi32, #tpu.memory_space<vmem>>[vector<16xi32>], vector<16xi32>,
    %add3A_1899 = arith.constant 272 : i32
    %add3A_1900 = vector.broadcast %add3A_1899 : i32 to vector<16xi32>
    %add3A_1901 = arith.addi %add3A_1900, %iota3A : vector<16xi32>
    %mul3A_1902 = arith.constant 2 : i32
    %mul3A_1903 = vector.broadcast %mul3A_1902 : i32 to vector<16xi32>
    %mul3A_1904 = arith.muli %mul3A_1903, %add3A_1901 : vector<16xi32>
    %get3A_1905 = arith.constant 272 : index
    %get3A_1906 = tpu.vector_load %arg6[%get3A_1905] {strides = array<i32>} : memref<320xi32, #tpu.memory_space<vmem>>, vector<16xi32>,
    tpu.vector_store_idx %arg8[%mul3A_1904], %get3A_1906 : memref<640xi32, #tpu.memory_space<vmem>>[vector<16xi32>], vector<16xi32>,
    %add3A_1907 = arith.constant 1 : i32
    %add3A_1908 = vector.broadcast %add3A_1907 : i32 to vector<16xi32>
    %add3A_1909 = arith.addi %mul3A_1904, %add3A_1908 : vector<16xi32>
    %get3A_1910 = arith.constant 272 : index
    %get3A_1911 = tpu.vector_load %arg7[%get3A_1910] {strides = array<i32>} : memref<320xi32, #tpu.memory_space<vmem>>, vector<16xi32>,
    tpu.vector_store_idx %arg8[%add3A_1909], %get3A_1911 : memref<640xi32, #tpu.memory_space<vmem>>[vector<16xi32>], vector<16xi32>,
    %add3A_1912 = arith.constant 288 : i32
    %add3A_1913 = vector.broadcast %add3A_1912 : i32 to vector<16xi32>
    %add3A_1914 = arith.addi %add3A_1913, %iota3A : vector<16xi32>
    %mul3A_1915 = arith.constant 2 : i32
    %mul3A_1916 = vector.broadcast %mul3A_1915 : i32 to vector<16xi32>
    %mul3A_1917 = arith.muli %mul3A_1916, %add3A_1914 : vector<16xi32>
    %get3A_1918 = arith.constant 288 : index
    %get3A_1919 = tpu.vector_load %arg6[%get3A_1918] {strides = array<i32>} : memref<320xi32, #tpu.memory_space<vmem>>, vector<16xi32>,
    tpu.vector_store_idx %arg8[%mul3A_1917], %get3A_1919 : memref<640xi32, #tpu.memory_space<vmem>>[vector<16xi32>], vector<16xi32>,
    %add3A_1920 = arith.constant 1 : i32
    %add3A_1921 = vector.broadcast %add3A_1920 : i32 to vector<16xi32>
    %add3A_1922 = arith.addi %mul3A_1917, %add3A_1921 : vector<16xi32>
    %get3A_1923 = arith.constant 288 : index
    %get3A_1924 = tpu.vector_load %arg7[%get3A_1923] {strides = array<i32>} : memref<320xi32, #tpu.memory_space<vmem>>, vector<16xi32>,
    tpu.vector_store_idx %arg8[%add3A_1922], %get3A_1924 : memref<640xi32, #tpu.memory_space<vmem>>[vector<16xi32>], vector<16xi32>,
    %add3A_1925 = arith.constant 304 : i32
    %add3A_1926 = vector.broadcast %add3A_1925 : i32 to vector<16xi32>
    %add3A_1927 = arith.addi %add3A_1926, %iota3A : vector<16xi32>
    %mul3A_1928 = arith.constant 2 : i32
    %mul3A_1929 = vector.broadcast %mul3A_1928 : i32 to vector<16xi32>
    %mul3A_1930 = arith.muli %mul3A_1929, %add3A_1927 : vector<16xi32>
    %get3A_1931 = arith.constant 304 : index
    %get3A_1932 = tpu.vector_load %arg6[%get3A_1931] {strides = array<i32>} : memref<320xi32, #tpu.memory_space<vmem>>, vector<16xi32>,
    tpu.vector_store_idx %arg8[%mul3A_1930], %get3A_1932 : memref<640xi32, #tpu.memory_space<vmem>>[vector<16xi32>], vector<16xi32>,
    %add3A_1933 = arith.constant 1 : i32
    %add3A_1934 = vector.broadcast %add3A_1933 : i32 to vector<16xi32>
    %add3A_1935 = arith.addi %mul3A_1930, %add3A_1934 : vector<16xi32>
    %get3A_1936 = arith.constant 304 : index
    %get3A_1937 = tpu.vector_load %arg7[%get3A_1936] {strides = array<i32>} : memref<320xi32, #tpu.memory_space<vmem>>, vector<16xi32>,
    tpu.vector_store_idx %arg8[%add3A_1935], %get3A_1937 : memref<640xi32, #tpu.memory_space<vmem>>[vector<16xi32>], vector<16xi32>,
    %dma_wait3A_1938 = arith.constant 0 : i32
    %dma_wait3A_1939 = tpu.memref_slice %arg5[%add3A_1113, %dma_wait3A_1938] : memref<204800x64xi32, #tpu.memory_space<hbm>> -> memref<640x64xi32, #tpu.memory_space<hbm>>
    %dma_wait3A_1940 = arith.constant 0 : i32
    %dma_wait3A_1941 = tpu.memref_slice %arg5[%add3A_1113, %dma_wait3A_1940] : memref<204800x64xi32, #tpu.memory_space<hbm>> -> memref<640x64xi32, #tpu.memory_space<hbm>>
    tpu.wait_dma2 semaphore(%arg13 : memref<!tpu.dma_semaphore, #tpu.memory_space<semaphore_mem>>) src(%arg10 : memref<640x64xi32, #tpu.memory_space<vmem>>) dst(%dma_wait3A_1941 : memref<640x64xi32, #tpu.memory_space<hbm>>)
    %dma_start3A_1942 = arith.constant 0 : i32
    %dma_start3A_1943 = arith.constant 0 : i32
    %dma_start3A_1944 = tpu.memref_slice %arg2[%dma_start3A_1942, %dma_start3A_1943] : memref<512000x64xi32, #tpu.memory_space<hbm>> -> memref<512000x64xi32, #tpu.memory_space<hbm>>
    tpu.enqueue_indirect_dma source(%dma_start3A_1944 : memref<512000x64xi32, #tpu.memory_space<hbm>>) target(%arg10 : memref<640x64xi32, #tpu.memory_space<vmem>>) offsets(%arg8 : memref<640xi32, #tpu.memory_space<vmem>>) semaphore(%arg12 : memref<!tpu.dma_semaphore, #tpu.memory_space<semaphore_mem>>)
    %dma_wait3A_1945 = arith.constant 0 : i32
    %dma_wait3A_1946 = arith.constant 0 : i32
    %dma_wait3A_1947 = tpu.memref_slice %arg2[%dma_wait3A_1945, %dma_wait3A_1946] : memref<512000x64xi32, #tpu.memory_space<hbm>> -> memref<512000x64xi32, #tpu.memory_space<hbm>>
    tpu.wait_indirect_dma semaphore(%arg12 : memref<!tpu.dma_semaphore, #tpu.memory_space<semaphore_mem>>) src(%dma_wait3A_1947 : memref<512000x64xi32, #tpu.memory_space<hbm>>) dst(%arg10 : memref<640x64xi32, #tpu.memory_space<vmem>>)
    %dma_start3A_1948 = arith.constant 0 : i32
    %dma_start3A_1949 = tpu.memref_slice %arg5[%add3A_1673, %dma_start3A_1948] : memref<204800x64xi32, #tpu.memory_space<hbm>> -> memref<640x64xi32, #tpu.memory_space<hbm>>
    %dma_start3A_1950 = arith.constant 0 : i32
    %dma_start3A_1951 = tpu.memref_slice %arg5[%add3A_1673, %dma_start3A_1950] : memref<204800x64xi32, #tpu.memory_space<hbm>> -> memref<640x64xi32, #tpu.memory_space<hbm>>
    tpu.enqueue_dma source(%arg10 : memref<640x64xi32, #tpu.memory_space<vmem>>) target(%dma_start3A_1951 : memref<640x64xi32, #tpu.memory_space<hbm>>) target_semaphore(%arg13 : memref<!tpu.dma_semaphore, #tpu.memory_space<semaphore_mem>>)
    %add3A_1952 = arith.constant 4480 : i32
    %add3A_1953 = arith.addi %mul3A_2, %add3A_1952 : i32
    %mul3A_1954 = arith.constant 3200 : i32
    %mul3A_1955 = arith.muli %add3A, %mul3A_1954 : i32
    %add3A_1956 = arith.constant 2240 : i32
    %add3A_1957 = arith.addi %mul3A_1955, %add3A_1956 : i32
    "tpu.region"() ({
      %run_scoped3A = tpu.sem_alloc : memref<!tpu.dma_semaphore, #tpu.memory_space<semaphore_mem>>
      %dma_start3A_2800 = tpu.memref_slice %arg3[%add3A_1957] : memref<102400xi32, #tpu.memory_space<hbm>> -> memref<320xi32, #tpu.memory_space<hbm>>
      %dma_start3A_2801 = tpu.memref_slice %arg3[%add3A_1957] : memref<102400xi32, #tpu.memory_space<hbm>> -> memref<320xi32, #tpu.memory_space<hbm>>
      tpu.enqueue_dma source(%dma_start3A_2801 : memref<320xi32, #tpu.memory_space<hbm>>) target(%arg6 : memref<320xi32, #tpu.memory_space<vmem>>) target_semaphore(%run_scoped3A : memref<!tpu.dma_semaphore, #tpu.memory_space<semaphore_mem>>)
      %dma_wait3A_2802 = tpu.memref_slice %arg3[%add3A_1957] : memref<102400xi32, #tpu.memory_space<hbm>> -> memref<320xi32, #tpu.memory_space<hbm>>
      %dma_wait3A_2803 = tpu.memref_slice %arg3[%add3A_1957] : memref<102400xi32, #tpu.memory_space<hbm>> -> memref<320xi32, #tpu.memory_space<hbm>>
      tpu.wait_dma2 semaphore(%run_scoped3A : memref<!tpu.dma_semaphore, #tpu.memory_space<semaphore_mem>>) src(%dma_wait3A_2803 : memref<320xi32, #tpu.memory_space<hbm>>) dst(%arg6 : memref<320xi32, #tpu.memory_space<vmem>>)
      tpu.yield
    }) : () -> ()
    "tpu.region"() ({
      %run_scoped3A = tpu.sem_alloc : memref<!tpu.dma_semaphore, #tpu.memory_space<semaphore_mem>>
      %dma_start3A_2800 = tpu.memref_slice %arg4[%add3A_1957] : memref<102400xi32, #tpu.memory_space<hbm>> -> memref<320xi32, #tpu.memory_space<hbm>>
      %dma_start3A_2801 = tpu.memref_slice %arg4[%add3A_1957] : memref<102400xi32, #tpu.memory_space<hbm>> -> memref<320xi32, #tpu.memory_space<hbm>>
      tpu.enqueue_dma source(%dma_start3A_2801 : memref<320xi32, #tpu.memory_space<hbm>>) target(%arg7 : memref<320xi32, #tpu.memory_space<vmem>>) target_semaphore(%run_scoped3A : memref<!tpu.dma_semaphore, #tpu.memory_space<semaphore_mem>>)
      %dma_wait3A_2802 = tpu.memref_slice %arg4[%add3A_1957] : memref<102400xi32, #tpu.memory_space<hbm>> -> memref<320xi32, #tpu.memory_space<hbm>>
      %dma_wait3A_2803 = tpu.memref_slice %arg4[%add3A_1957] : memref<102400xi32, #tpu.memory_space<hbm>> -> memref<320xi32, #tpu.memory_space<hbm>>
      tpu.wait_dma2 semaphore(%run_scoped3A : memref<!tpu.dma_semaphore, #tpu.memory_space<semaphore_mem>>) src(%dma_wait3A_2803 : memref<320xi32, #tpu.memory_space<hbm>>) dst(%arg7 : memref<320xi32, #tpu.memory_space<vmem>>)
      tpu.yield
    }) : () -> ()
    %add3A_1958 = arith.constant 0 : i32
    %add3A_1959 = vector.broadcast %add3A_1958 : i32 to vector<16xi32>
    %add3A_1960 = arith.addi %add3A_1959, %iota3A : vector<16xi32>
    %mul3A_1961 = arith.constant 2 : i32
    %mul3A_1962 = vector.broadcast %mul3A_1961 : i32 to vector<16xi32>
    %mul3A_1963 = arith.muli %mul3A_1962, %add3A_1960 : vector<16xi32>
    %get3A_1964 = arith.constant 0 : index
    %get3A_1965 = tpu.vector_load %arg6[%get3A_1964] {strides = array<i32>} : memref<320xi32, #tpu.memory_space<vmem>>, vector<16xi32>,
    tpu.vector_store_idx %arg9[%mul3A_1963], %get3A_1965 : memref<640xi32, #tpu.memory_space<vmem>>[vector<16xi32>], vector<16xi32>,
    %add3A_1966 = arith.constant 1 : i32
    %add3A_1967 = vector.broadcast %add3A_1966 : i32 to vector<16xi32>
    %add3A_1968 = arith.addi %mul3A_1963, %add3A_1967 : vector<16xi32>
    %get3A_1969 = arith.constant 0 : index
    %get3A_1970 = tpu.vector_load %arg7[%get3A_1969] {strides = array<i32>} : memref<320xi32, #tpu.memory_space<vmem>>, vector<16xi32>,
    tpu.vector_store_idx %arg9[%add3A_1968], %get3A_1970 : memref<640xi32, #tpu.memory_space<vmem>>[vector<16xi32>], vector<16xi32>,
    %add3A_1971 = arith.constant 16 : i32
    %add3A_1972 = vector.broadcast %add3A_1971 : i32 to vector<16xi32>
    %add3A_1973 = arith.addi %add3A_1972, %iota3A : vector<16xi32>
    %mul3A_1974 = arith.constant 2 : i32
    %mul3A_1975 = vector.broadcast %mul3A_1974 : i32 to vector<16xi32>
    %mul3A_1976 = arith.muli %mul3A_1975, %add3A_1973 : vector<16xi32>
    %get3A_1977 = arith.constant 16 : index
    %get3A_1978 = tpu.vector_load %arg6[%get3A_1977] {strides = array<i32>} : memref<320xi32, #tpu.memory_space<vmem>>, vector<16xi32>,
    tpu.vector_store_idx %arg9[%mul3A_1976], %get3A_1978 : memref<640xi32, #tpu.memory_space<vmem>>[vector<16xi32>], vector<16xi32>,
    %add3A_1979 = arith.constant 1 : i32
    %add3A_1980 = vector.broadcast %add3A_1979 : i32 to vector<16xi32>
    %add3A_1981 = arith.addi %mul3A_1976, %add3A_1980 : vector<16xi32>
    %get3A_1982 = arith.constant 16 : index
    %get3A_1983 = tpu.vector_load %arg7[%get3A_1982] {strides = array<i32>} : memref<320xi32, #tpu.memory_space<vmem>>, vector<16xi32>,
    tpu.vector_store_idx %arg9[%add3A_1981], %get3A_1983 : memref<640xi32, #tpu.memory_space<vmem>>[vector<16xi32>], vector<16xi32>,
    %add3A_1984 = arith.constant 32 : i32
    %add3A_1985 = vector.broadcast %add3A_1984 : i32 to vector<16xi32>
    %add3A_1986 = arith.addi %add3A_1985, %iota3A : vector<16xi32>
    %mul3A_1987 = arith.constant 2 : i32
    %mul3A_1988 = vector.broadcast %mul3A_1987 : i32 to vector<16xi32>
    %mul3A_1989 = arith.muli %mul3A_1988, %add3A_1986 : vector<16xi32>
    %get3A_1990 = arith.constant 32 : index
    %get3A_1991 = tpu.vector_load %arg6[%get3A_1990] {strides = array<i32>} : memref<320xi32, #tpu.memory_space<vmem>>, vector<16xi32>,
    tpu.vector_store_idx %arg9[%mul3A_1989], %get3A_1991 : memref<640xi32, #tpu.memory_space<vmem>>[vector<16xi32>], vector<16xi32>,
    %add3A_1992 = arith.constant 1 : i32
    %add3A_1993 = vector.broadcast %add3A_1992 : i32 to vector<16xi32>
    %add3A_1994 = arith.addi %mul3A_1989, %add3A_1993 : vector<16xi32>
    %get3A_1995 = arith.constant 32 : index
    %get3A_1996 = tpu.vector_load %arg7[%get3A_1995] {strides = array<i32>} : memref<320xi32, #tpu.memory_space<vmem>>, vector<16xi32>,
    tpu.vector_store_idx %arg9[%add3A_1994], %get3A_1996 : memref<640xi32, #tpu.memory_space<vmem>>[vector<16xi32>], vector<16xi32>,
    %add3A_1997 = arith.constant 48 : i32
    %add3A_1998 = vector.broadcast %add3A_1997 : i32 to vector<16xi32>
    %add3A_1999 = arith.addi %add3A_1998, %iota3A : vector<16xi32>
    %mul3A_2000 = arith.constant 2 : i32
    %mul3A_2001 = vector.broadcast %mul3A_2000 : i32 to vector<16xi32>
    %mul3A_2002 = arith.muli %mul3A_2001, %add3A_1999 : vector<16xi32>
    %get3A_2003 = arith.constant 48 : index
    %get3A_2004 = tpu.vector_load %arg6[%get3A_2003] {strides = array<i32>} : memref<320xi32, #tpu.memory_space<vmem>>, vector<16xi32>,
    tpu.vector_store_idx %arg9[%mul3A_2002], %get3A_2004 : memref<640xi32, #tpu.memory_space<vmem>>[vector<16xi32>], vector<16xi32>,
    %add3A_2005 = arith.constant 1 : i32
    %add3A_2006 = vector.broadcast %add3A_2005 : i32 to vector<16xi32>
    %add3A_2007 = arith.addi %mul3A_2002, %add3A_2006 : vector<16xi32>
    %get3A_2008 = arith.constant 48 : index
    %get3A_2009 = tpu.vector_load %arg7[%get3A_2008] {strides = array<i32>} : memref<320xi32, #tpu.memory_space<vmem>>, vector<16xi32>,
    tpu.vector_store_idx %arg9[%add3A_2007], %get3A_2009 : memref<640xi32, #tpu.memory_space<vmem>>[vector<16xi32>], vector<16xi32>,
    %add3A_2010 = arith.constant 64 : i32
    %add3A_2011 = vector.broadcast %add3A_2010 : i32 to vector<16xi32>
    %add3A_2012 = arith.addi %add3A_2011, %iota3A : vector<16xi32>
    %mul3A_2013 = arith.constant 2 : i32
    %mul3A_2014 = vector.broadcast %mul3A_2013 : i32 to vector<16xi32>
    %mul3A_2015 = arith.muli %mul3A_2014, %add3A_2012 : vector<16xi32>
    %get3A_2016 = arith.constant 64 : index
    %get3A_2017 = tpu.vector_load %arg6[%get3A_2016] {strides = array<i32>} : memref<320xi32, #tpu.memory_space<vmem>>, vector<16xi32>,
    tpu.vector_store_idx %arg9[%mul3A_2015], %get3A_2017 : memref<640xi32, #tpu.memory_space<vmem>>[vector<16xi32>], vector<16xi32>,
    %add3A_2018 = arith.constant 1 : i32
    %add3A_2019 = vector.broadcast %add3A_2018 : i32 to vector<16xi32>
    %add3A_2020 = arith.addi %mul3A_2015, %add3A_2019 : vector<16xi32>
    %get3A_2021 = arith.constant 64 : index
    %get3A_2022 = tpu.vector_load %arg7[%get3A_2021] {strides = array<i32>} : memref<320xi32, #tpu.memory_space<vmem>>, vector<16xi32>,
    tpu.vector_store_idx %arg9[%add3A_2020], %get3A_2022 : memref<640xi32, #tpu.memory_space<vmem>>[vector<16xi32>], vector<16xi32>,
    %add3A_2023 = arith.constant 80 : i32
    %add3A_2024 = vector.broadcast %add3A_2023 : i32 to vector<16xi32>
    %add3A_2025 = arith.addi %add3A_2024, %iota3A : vector<16xi32>
    %mul3A_2026 = arith.constant 2 : i32
    %mul3A_2027 = vector.broadcast %mul3A_2026 : i32 to vector<16xi32>
    %mul3A_2028 = arith.muli %mul3A_2027, %add3A_2025 : vector<16xi32>
    %get3A_2029 = arith.constant 80 : index
    %get3A_2030 = tpu.vector_load %arg6[%get3A_2029] {strides = array<i32>} : memref<320xi32, #tpu.memory_space<vmem>>, vector<16xi32>,
    tpu.vector_store_idx %arg9[%mul3A_2028], %get3A_2030 : memref<640xi32, #tpu.memory_space<vmem>>[vector<16xi32>], vector<16xi32>,
    %add3A_2031 = arith.constant 1 : i32
    %add3A_2032 = vector.broadcast %add3A_2031 : i32 to vector<16xi32>
    %add3A_2033 = arith.addi %mul3A_2028, %add3A_2032 : vector<16xi32>
    %get3A_2034 = arith.constant 80 : index
    %get3A_2035 = tpu.vector_load %arg7[%get3A_2034] {strides = array<i32>} : memref<320xi32, #tpu.memory_space<vmem>>, vector<16xi32>,
    tpu.vector_store_idx %arg9[%add3A_2033], %get3A_2035 : memref<640xi32, #tpu.memory_space<vmem>>[vector<16xi32>], vector<16xi32>,
    %add3A_2036 = arith.constant 96 : i32
    %add3A_2037 = vector.broadcast %add3A_2036 : i32 to vector<16xi32>
    %add3A_2038 = arith.addi %add3A_2037, %iota3A : vector<16xi32>
    %mul3A_2039 = arith.constant 2 : i32
    %mul3A_2040 = vector.broadcast %mul3A_2039 : i32 to vector<16xi32>
    %mul3A_2041 = arith.muli %mul3A_2040, %add3A_2038 : vector<16xi32>
    %get3A_2042 = arith.constant 96 : index
    %get3A_2043 = tpu.vector_load %arg6[%get3A_2042] {strides = array<i32>} : memref<320xi32, #tpu.memory_space<vmem>>, vector<16xi32>,
    tpu.vector_store_idx %arg9[%mul3A_2041], %get3A_2043 : memref<640xi32, #tpu.memory_space<vmem>>[vector<16xi32>], vector<16xi32>,
    %add3A_2044 = arith.constant 1 : i32
    %add3A_2045 = vector.broadcast %add3A_2044 : i32 to vector<16xi32>
    %add3A_2046 = arith.addi %mul3A_2041, %add3A_2045 : vector<16xi32>
    %get3A_2047 = arith.constant 96 : index
    %get3A_2048 = tpu.vector_load %arg7[%get3A_2047] {strides = array<i32>} : memref<320xi32, #tpu.memory_space<vmem>>, vector<16xi32>,
    tpu.vector_store_idx %arg9[%add3A_2046], %get3A_2048 : memref<640xi32, #tpu.memory_space<vmem>>[vector<16xi32>], vector<16xi32>,
    %add3A_2049 = arith.constant 112 : i32
    %add3A_2050 = vector.broadcast %add3A_2049 : i32 to vector<16xi32>
    %add3A_2051 = arith.addi %add3A_2050, %iota3A : vector<16xi32>
    %mul3A_2052 = arith.constant 2 : i32
    %mul3A_2053 = vector.broadcast %mul3A_2052 : i32 to vector<16xi32>
    %mul3A_2054 = arith.muli %mul3A_2053, %add3A_2051 : vector<16xi32>
    %get3A_2055 = arith.constant 112 : index
    %get3A_2056 = tpu.vector_load %arg6[%get3A_2055] {strides = array<i32>} : memref<320xi32, #tpu.memory_space<vmem>>, vector<16xi32>,
    tpu.vector_store_idx %arg9[%mul3A_2054], %get3A_2056 : memref<640xi32, #tpu.memory_space<vmem>>[vector<16xi32>], vector<16xi32>,
    %add3A_2057 = arith.constant 1 : i32
    %add3A_2058 = vector.broadcast %add3A_2057 : i32 to vector<16xi32>
    %add3A_2059 = arith.addi %mul3A_2054, %add3A_2058 : vector<16xi32>
    %get3A_2060 = arith.constant 112 : index
    %get3A_2061 = tpu.vector_load %arg7[%get3A_2060] {strides = array<i32>} : memref<320xi32, #tpu.memory_space<vmem>>, vector<16xi32>,
    tpu.vector_store_idx %arg9[%add3A_2059], %get3A_2061 : memref<640xi32, #tpu.memory_space<vmem>>[vector<16xi32>], vector<16xi32>,
    %add3A_2062 = arith.constant 128 : i32
    %add3A_2063 = vector.broadcast %add3A_2062 : i32 to vector<16xi32>
    %add3A_2064 = arith.addi %add3A_2063, %iota3A : vector<16xi32>
    %mul3A_2065 = arith.constant 2 : i32
    %mul3A_2066 = vector.broadcast %mul3A_2065 : i32 to vector<16xi32>
    %mul3A_2067 = arith.muli %mul3A_2066, %add3A_2064 : vector<16xi32>
    %get3A_2068 = arith.constant 128 : index
    %get3A_2069 = tpu.vector_load %arg6[%get3A_2068] {strides = array<i32>} : memref<320xi32, #tpu.memory_space<vmem>>, vector<16xi32>,
    tpu.vector_store_idx %arg9[%mul3A_2067], %get3A_2069 : memref<640xi32, #tpu.memory_space<vmem>>[vector<16xi32>], vector<16xi32>,
    %add3A_2070 = arith.constant 1 : i32
    %add3A_2071 = vector.broadcast %add3A_2070 : i32 to vector<16xi32>
    %add3A_2072 = arith.addi %mul3A_2067, %add3A_2071 : vector<16xi32>
    %get3A_2073 = arith.constant 128 : index
    %get3A_2074 = tpu.vector_load %arg7[%get3A_2073] {strides = array<i32>} : memref<320xi32, #tpu.memory_space<vmem>>, vector<16xi32>,
    tpu.vector_store_idx %arg9[%add3A_2072], %get3A_2074 : memref<640xi32, #tpu.memory_space<vmem>>[vector<16xi32>], vector<16xi32>,
    %add3A_2075 = arith.constant 144 : i32
    %add3A_2076 = vector.broadcast %add3A_2075 : i32 to vector<16xi32>
    %add3A_2077 = arith.addi %add3A_2076, %iota3A : vector<16xi32>
    %mul3A_2078 = arith.constant 2 : i32
    %mul3A_2079 = vector.broadcast %mul3A_2078 : i32 to vector<16xi32>
    %mul3A_2080 = arith.muli %mul3A_2079, %add3A_2077 : vector<16xi32>
    %get3A_2081 = arith.constant 144 : index
    %get3A_2082 = tpu.vector_load %arg6[%get3A_2081] {strides = array<i32>} : memref<320xi32, #tpu.memory_space<vmem>>, vector<16xi32>,
    tpu.vector_store_idx %arg9[%mul3A_2080], %get3A_2082 : memref<640xi32, #tpu.memory_space<vmem>>[vector<16xi32>], vector<16xi32>,
    %add3A_2083 = arith.constant 1 : i32
    %add3A_2084 = vector.broadcast %add3A_2083 : i32 to vector<16xi32>
    %add3A_2085 = arith.addi %mul3A_2080, %add3A_2084 : vector<16xi32>
    %get3A_2086 = arith.constant 144 : index
    %get3A_2087 = tpu.vector_load %arg7[%get3A_2086] {strides = array<i32>} : memref<320xi32, #tpu.memory_space<vmem>>, vector<16xi32>,
    tpu.vector_store_idx %arg9[%add3A_2085], %get3A_2087 : memref<640xi32, #tpu.memory_space<vmem>>[vector<16xi32>], vector<16xi32>,
    %add3A_2088 = arith.constant 160 : i32
    %add3A_2089 = vector.broadcast %add3A_2088 : i32 to vector<16xi32>
    %add3A_2090 = arith.addi %add3A_2089, %iota3A : vector<16xi32>
    %mul3A_2091 = arith.constant 2 : i32
    %mul3A_2092 = vector.broadcast %mul3A_2091 : i32 to vector<16xi32>
    %mul3A_2093 = arith.muli %mul3A_2092, %add3A_2090 : vector<16xi32>
    %get3A_2094 = arith.constant 160 : index
    %get3A_2095 = tpu.vector_load %arg6[%get3A_2094] {strides = array<i32>} : memref<320xi32, #tpu.memory_space<vmem>>, vector<16xi32>,
    tpu.vector_store_idx %arg9[%mul3A_2093], %get3A_2095 : memref<640xi32, #tpu.memory_space<vmem>>[vector<16xi32>], vector<16xi32>,
    %add3A_2096 = arith.constant 1 : i32
    %add3A_2097 = vector.broadcast %add3A_2096 : i32 to vector<16xi32>
    %add3A_2098 = arith.addi %mul3A_2093, %add3A_2097 : vector<16xi32>
    %get3A_2099 = arith.constant 160 : index
    %get3A_2100 = tpu.vector_load %arg7[%get3A_2099] {strides = array<i32>} : memref<320xi32, #tpu.memory_space<vmem>>, vector<16xi32>,
    tpu.vector_store_idx %arg9[%add3A_2098], %get3A_2100 : memref<640xi32, #tpu.memory_space<vmem>>[vector<16xi32>], vector<16xi32>,
    %add3A_2101 = arith.constant 176 : i32
    %add3A_2102 = vector.broadcast %add3A_2101 : i32 to vector<16xi32>
    %add3A_2103 = arith.addi %add3A_2102, %iota3A : vector<16xi32>
    %mul3A_2104 = arith.constant 2 : i32
    %mul3A_2105 = vector.broadcast %mul3A_2104 : i32 to vector<16xi32>
    %mul3A_2106 = arith.muli %mul3A_2105, %add3A_2103 : vector<16xi32>
    %get3A_2107 = arith.constant 176 : index
    %get3A_2108 = tpu.vector_load %arg6[%get3A_2107] {strides = array<i32>} : memref<320xi32, #tpu.memory_space<vmem>>, vector<16xi32>,
    tpu.vector_store_idx %arg9[%mul3A_2106], %get3A_2108 : memref<640xi32, #tpu.memory_space<vmem>>[vector<16xi32>], vector<16xi32>,
    %add3A_2109 = arith.constant 1 : i32
    %add3A_2110 = vector.broadcast %add3A_2109 : i32 to vector<16xi32>
    %add3A_2111 = arith.addi %mul3A_2106, %add3A_2110 : vector<16xi32>
    %get3A_2112 = arith.constant 176 : index
    %get3A_2113 = tpu.vector_load %arg7[%get3A_2112] {strides = array<i32>} : memref<320xi32, #tpu.memory_space<vmem>>, vector<16xi32>,
    tpu.vector_store_idx %arg9[%add3A_2111], %get3A_2113 : memref<640xi32, #tpu.memory_space<vmem>>[vector<16xi32>], vector<16xi32>,
    %add3A_2114 = arith.constant 192 : i32
    %add3A_2115 = vector.broadcast %add3A_2114 : i32 to vector<16xi32>
    %add3A_2116 = arith.addi %add3A_2115, %iota3A : vector<16xi32>
    %mul3A_2117 = arith.constant 2 : i32
    %mul3A_2118 = vector.broadcast %mul3A_2117 : i32 to vector<16xi32>
    %mul3A_2119 = arith.muli %mul3A_2118, %add3A_2116 : vector<16xi32>
    %get3A_2120 = arith.constant 192 : index
    %get3A_2121 = tpu.vector_load %arg6[%get3A_2120] {strides = array<i32>} : memref<320xi32, #tpu.memory_space<vmem>>, vector<16xi32>,
    tpu.vector_store_idx %arg9[%mul3A_2119], %get3A_2121 : memref<640xi32, #tpu.memory_space<vmem>>[vector<16xi32>], vector<16xi32>,
    %add3A_2122 = arith.constant 1 : i32
    %add3A_2123 = vector.broadcast %add3A_2122 : i32 to vector<16xi32>
    %add3A_2124 = arith.addi %mul3A_2119, %add3A_2123 : vector<16xi32>
    %get3A_2125 = arith.constant 192 : index
    %get3A_2126 = tpu.vector_load %arg7[%get3A_2125] {strides = array<i32>} : memref<320xi32, #tpu.memory_space<vmem>>, vector<16xi32>,
    tpu.vector_store_idx %arg9[%add3A_2124], %get3A_2126 : memref<640xi32, #tpu.memory_space<vmem>>[vector<16xi32>], vector<16xi32>,
    %add3A_2127 = arith.constant 208 : i32
    %add3A_2128 = vector.broadcast %add3A_2127 : i32 to vector<16xi32>
    %add3A_2129 = arith.addi %add3A_2128, %iota3A : vector<16xi32>
    %mul3A_2130 = arith.constant 2 : i32
    %mul3A_2131 = vector.broadcast %mul3A_2130 : i32 to vector<16xi32>
    %mul3A_2132 = arith.muli %mul3A_2131, %add3A_2129 : vector<16xi32>
    %get3A_2133 = arith.constant 208 : index
    %get3A_2134 = tpu.vector_load %arg6[%get3A_2133] {strides = array<i32>} : memref<320xi32, #tpu.memory_space<vmem>>, vector<16xi32>,
    tpu.vector_store_idx %arg9[%mul3A_2132], %get3A_2134 : memref<640xi32, #tpu.memory_space<vmem>>[vector<16xi32>], vector<16xi32>,
    %add3A_2135 = arith.constant 1 : i32
    %add3A_2136 = vector.broadcast %add3A_2135 : i32 to vector<16xi32>
    %add3A_2137 = arith.addi %mul3A_2132, %add3A_2136 : vector<16xi32>
    %get3A_2138 = arith.constant 208 : index
    %get3A_2139 = tpu.vector_load %arg7[%get3A_2138] {strides = array<i32>} : memref<320xi32, #tpu.memory_space<vmem>>, vector<16xi32>,
    tpu.vector_store_idx %arg9[%add3A_2137], %get3A_2139 : memref<640xi32, #tpu.memory_space<vmem>>[vector<16xi32>], vector<16xi32>,
    %add3A_2140 = arith.constant 224 : i32
    %add3A_2141 = vector.broadcast %add3A_2140 : i32 to vector<16xi32>
    %add3A_2142 = arith.addi %add3A_2141, %iota3A : vector<16xi32>
    %mul3A_2143 = arith.constant 2 : i32
    %mul3A_2144 = vector.broadcast %mul3A_2143 : i32 to vector<16xi32>
    %mul3A_2145 = arith.muli %mul3A_2144, %add3A_2142 : vector<16xi32>
    %get3A_2146 = arith.constant 224 : index
    %get3A_2147 = tpu.vector_load %arg6[%get3A_2146] {strides = array<i32>} : memref<320xi32, #tpu.memory_space<vmem>>, vector<16xi32>,
    tpu.vector_store_idx %arg9[%mul3A_2145], %get3A_2147 : memref<640xi32, #tpu.memory_space<vmem>>[vector<16xi32>], vector<16xi32>,
    %add3A_2148 = arith.constant 1 : i32
    %add3A_2149 = vector.broadcast %add3A_2148 : i32 to vector<16xi32>
    %add3A_2150 = arith.addi %mul3A_2145, %add3A_2149 : vector<16xi32>
    %get3A_2151 = arith.constant 224 : index
    %get3A_2152 = tpu.vector_load %arg7[%get3A_2151] {strides = array<i32>} : memref<320xi32, #tpu.memory_space<vmem>>, vector<16xi32>,
    tpu.vector_store_idx %arg9[%add3A_2150], %get3A_2152 : memref<640xi32, #tpu.memory_space<vmem>>[vector<16xi32>], vector<16xi32>,
    %add3A_2153 = arith.constant 240 : i32
    %add3A_2154 = vector.broadcast %add3A_2153 : i32 to vector<16xi32>
    %add3A_2155 = arith.addi %add3A_2154, %iota3A : vector<16xi32>
    %mul3A_2156 = arith.constant 2 : i32
    %mul3A_2157 = vector.broadcast %mul3A_2156 : i32 to vector<16xi32>
    %mul3A_2158 = arith.muli %mul3A_2157, %add3A_2155 : vector<16xi32>
    %get3A_2159 = arith.constant 240 : index
    %get3A_2160 = tpu.vector_load %arg6[%get3A_2159] {strides = array<i32>} : memref<320xi32, #tpu.memory_space<vmem>>, vector<16xi32>,
    tpu.vector_store_idx %arg9[%mul3A_2158], %get3A_2160 : memref<640xi32, #tpu.memory_space<vmem>>[vector<16xi32>], vector<16xi32>,
    %add3A_2161 = arith.constant 1 : i32
    %add3A_2162 = vector.broadcast %add3A_2161 : i32 to vector<16xi32>
    %add3A_2163 = arith.addi %mul3A_2158, %add3A_2162 : vector<16xi32>
    %get3A_2164 = arith.constant 240 : index
    %get3A_2165 = tpu.vector_load %arg7[%get3A_2164] {strides = array<i32>} : memref<320xi32, #tpu.memory_space<vmem>>, vector<16xi32>,
    tpu.vector_store_idx %arg9[%add3A_2163], %get3A_2165 : memref<640xi32, #tpu.memory_space<vmem>>[vector<16xi32>], vector<16xi32>,
    %add3A_2166 = arith.constant 256 : i32
    %add3A_2167 = vector.broadcast %add3A_2166 : i32 to vector<16xi32>
    %add3A_2168 = arith.addi %add3A_2167, %iota3A : vector<16xi32>
    %mul3A_2169 = arith.constant 2 : i32
    %mul3A_2170 = vector.broadcast %mul3A_2169 : i32 to vector<16xi32>
    %mul3A_2171 = arith.muli %mul3A_2170, %add3A_2168 : vector<16xi32>
    %get3A_2172 = arith.constant 256 : index
    %get3A_2173 = tpu.vector_load %arg6[%get3A_2172] {strides = array<i32>} : memref<320xi32, #tpu.memory_space<vmem>>, vector<16xi32>,
    tpu.vector_store_idx %arg9[%mul3A_2171], %get3A_2173 : memref<640xi32, #tpu.memory_space<vmem>>[vector<16xi32>], vector<16xi32>,
    %add3A_2174 = arith.constant 1 : i32
    %add3A_2175 = vector.broadcast %add3A_2174 : i32 to vector<16xi32>
    %add3A_2176 = arith.addi %mul3A_2171, %add3A_2175 : vector<16xi32>
    %get3A_2177 = arith.constant 256 : index
    %get3A_2178 = tpu.vector_load %arg7[%get3A_2177] {strides = array<i32>} : memref<320xi32, #tpu.memory_space<vmem>>, vector<16xi32>,
    tpu.vector_store_idx %arg9[%add3A_2176], %get3A_2178 : memref<640xi32, #tpu.memory_space<vmem>>[vector<16xi32>], vector<16xi32>,
    %add3A_2179 = arith.constant 272 : i32
    %add3A_2180 = vector.broadcast %add3A_2179 : i32 to vector<16xi32>
    %add3A_2181 = arith.addi %add3A_2180, %iota3A : vector<16xi32>
    %mul3A_2182 = arith.constant 2 : i32
    %mul3A_2183 = vector.broadcast %mul3A_2182 : i32 to vector<16xi32>
    %mul3A_2184 = arith.muli %mul3A_2183, %add3A_2181 : vector<16xi32>
    %get3A_2185 = arith.constant 272 : index
    %get3A_2186 = tpu.vector_load %arg6[%get3A_2185] {strides = array<i32>} : memref<320xi32, #tpu.memory_space<vmem>>, vector<16xi32>,
    tpu.vector_store_idx %arg9[%mul3A_2184], %get3A_2186 : memref<640xi32, #tpu.memory_space<vmem>>[vector<16xi32>], vector<16xi32>,
    %add3A_2187 = arith.constant 1 : i32
    %add3A_2188 = vector.broadcast %add3A_2187 : i32 to vector<16xi32>
    %add3A_2189 = arith.addi %mul3A_2184, %add3A_2188 : vector<16xi32>
    %get3A_2190 = arith.constant 272 : index
    %get3A_2191 = tpu.vector_load %arg7[%get3A_2190] {strides = array<i32>} : memref<320xi32, #tpu.memory_space<vmem>>, vector<16xi32>,
    tpu.vector_store_idx %arg9[%add3A_2189], %get3A_2191 : memref<640xi32, #tpu.memory_space<vmem>>[vector<16xi32>], vector<16xi32>,
    %add3A_2192 = arith.constant 288 : i32
    %add3A_2193 = vector.broadcast %add3A_2192 : i32 to vector<16xi32>
    %add3A_2194 = arith.addi %add3A_2193, %iota3A : vector<16xi32>
    %mul3A_2195 = arith.constant 2 : i32
    %mul3A_2196 = vector.broadcast %mul3A_2195 : i32 to vector<16xi32>
    %mul3A_2197 = arith.muli %mul3A_2196, %add3A_2194 : vector<16xi32>
    %get3A_2198 = arith.constant 288 : index
    %get3A_2199 = tpu.vector_load %arg6[%get3A_2198] {strides = array<i32>} : memref<320xi32, #tpu.memory_space<vmem>>, vector<16xi32>,
    tpu.vector_store_idx %arg9[%mul3A_2197], %get3A_2199 : memref<640xi32, #tpu.memory_space<vmem>>[vector<16xi32>], vector<16xi32>,
    %add3A_2200 = arith.constant 1 : i32
    %add3A_2201 = vector.broadcast %add3A_2200 : i32 to vector<16xi32>
    %add3A_2202 = arith.addi %mul3A_2197, %add3A_2201 : vector<16xi32>
    %get3A_2203 = arith.constant 288 : index
    %get3A_2204 = tpu.vector_load %arg7[%get3A_2203] {strides = array<i32>} : memref<320xi32, #tpu.memory_space<vmem>>, vector<16xi32>,
    tpu.vector_store_idx %arg9[%add3A_2202], %get3A_2204 : memref<640xi32, #tpu.memory_space<vmem>>[vector<16xi32>], vector<16xi32>,
    %add3A_2205 = arith.constant 304 : i32
    %add3A_2206 = vector.broadcast %add3A_2205 : i32 to vector<16xi32>
    %add3A_2207 = arith.addi %add3A_2206, %iota3A : vector<16xi32>
    %mul3A_2208 = arith.constant 2 : i32
    %mul3A_2209 = vector.broadcast %mul3A_2208 : i32 to vector<16xi32>
    %mul3A_2210 = arith.muli %mul3A_2209, %add3A_2207 : vector<16xi32>
    %get3A_2211 = arith.constant 304 : index
    %get3A_2212 = tpu.vector_load %arg6[%get3A_2211] {strides = array<i32>} : memref<320xi32, #tpu.memory_space<vmem>>, vector<16xi32>,
    tpu.vector_store_idx %arg9[%mul3A_2210], %get3A_2212 : memref<640xi32, #tpu.memory_space<vmem>>[vector<16xi32>], vector<16xi32>,
    %add3A_2213 = arith.constant 1 : i32
    %add3A_2214 = vector.broadcast %add3A_2213 : i32 to vector<16xi32>
    %add3A_2215 = arith.addi %mul3A_2210, %add3A_2214 : vector<16xi32>
    %get3A_2216 = arith.constant 304 : index
    %get3A_2217 = tpu.vector_load %arg7[%get3A_2216] {strides = array<i32>} : memref<320xi32, #tpu.memory_space<vmem>>, vector<16xi32>,
    tpu.vector_store_idx %arg9[%add3A_2215], %get3A_2217 : memref<640xi32, #tpu.memory_space<vmem>>[vector<16xi32>], vector<16xi32>,
    %dma_wait3A_2218 = arith.constant 0 : i32
    %dma_wait3A_2219 = tpu.memref_slice %arg5[%add3A_1393, %dma_wait3A_2218] : memref<204800x64xi32, #tpu.memory_space<hbm>> -> memref<640x64xi32, #tpu.memory_space<hbm>>
    %dma_wait3A_2220 = arith.constant 0 : i32
    %dma_wait3A_2221 = tpu.memref_slice %arg5[%add3A_1393, %dma_wait3A_2220] : memref<204800x64xi32, #tpu.memory_space<hbm>> -> memref<640x64xi32, #tpu.memory_space<hbm>>
    tpu.wait_dma2 semaphore(%arg13 : memref<!tpu.dma_semaphore, #tpu.memory_space<semaphore_mem>>) src(%arg11 : memref<640x64xi32, #tpu.memory_space<vmem>>) dst(%dma_wait3A_2221 : memref<640x64xi32, #tpu.memory_space<hbm>>)
    %dma_start3A_2222 = arith.constant 0 : i32
    %dma_start3A_2223 = arith.constant 0 : i32
    %dma_start3A_2224 = tpu.memref_slice %arg2[%dma_start3A_2222, %dma_start3A_2223] : memref<512000x64xi32, #tpu.memory_space<hbm>> -> memref<512000x64xi32, #tpu.memory_space<hbm>>
    tpu.enqueue_indirect_dma source(%dma_start3A_2224 : memref<512000x64xi32, #tpu.memory_space<hbm>>) target(%arg11 : memref<640x64xi32, #tpu.memory_space<vmem>>) offsets(%arg9 : memref<640xi32, #tpu.memory_space<vmem>>) semaphore(%arg12 : memref<!tpu.dma_semaphore, #tpu.memory_space<semaphore_mem>>)
    %dma_wait3A_2225 = arith.constant 0 : i32
    %dma_wait3A_2226 = arith.constant 0 : i32
    %dma_wait3A_2227 = tpu.memref_slice %arg2[%dma_wait3A_2225, %dma_wait3A_2226] : memref<512000x64xi32, #tpu.memory_space<hbm>> -> memref<512000x64xi32, #tpu.memory_space<hbm>>
    tpu.wait_indirect_dma semaphore(%arg12 : memref<!tpu.dma_semaphore, #tpu.memory_space<semaphore_mem>>) src(%dma_wait3A_2227 : memref<512000x64xi32, #tpu.memory_space<hbm>>) dst(%arg11 : memref<640x64xi32, #tpu.memory_space<vmem>>)
    %dma_start3A_2228 = arith.constant 0 : i32
    %dma_start3A_2229 = tpu.memref_slice %arg5[%add3A_1953, %dma_start3A_2228] : memref<204800x64xi32, #tpu.memory_space<hbm>> -> memref<640x64xi32, #tpu.memory_space<hbm>>
    %dma_start3A_2230 = arith.constant 0 : i32
    %dma_start3A_2231 = tpu.memref_slice %arg5[%add3A_1953, %dma_start3A_2230] : memref<204800x64xi32, #tpu.memory_space<hbm>> -> memref<640x64xi32, #tpu.memory_space<hbm>>
    tpu.enqueue_dma source(%arg11 : memref<640x64xi32, #tpu.memory_space<vmem>>) target(%dma_start3A_2231 : memref<640x64xi32, #tpu.memory_space<hbm>>) target_semaphore(%arg13 : memref<!tpu.dma_semaphore, #tpu.memory_space<semaphore_mem>>)
    %add3A_2232 = arith.constant 5120 : i32
    %add3A_2233 = arith.addi %mul3A_2, %add3A_2232 : i32
    %mul3A_2234 = arith.constant 3200 : i32
    %mul3A_2235 = arith.muli %add3A, %mul3A_2234 : i32
    %add3A_2236 = arith.constant 2560 : i32
    %add3A_2237 = arith.addi %mul3A_2235, %add3A_2236 : i32
    "tpu.region"() ({
      %run_scoped3A = tpu.sem_alloc : memref<!tpu.dma_semaphore, #tpu.memory_space<semaphore_mem>>
      %dma_start3A_2800 = tpu.memref_slice %arg3[%add3A_2237] : memref<102400xi32, #tpu.memory_space<hbm>> -> memref<320xi32, #tpu.memory_space<hbm>>
      %dma_start3A_2801 = tpu.memref_slice %arg3[%add3A_2237] : memref<102400xi32, #tpu.memory_space<hbm>> -> memref<320xi32, #tpu.memory_space<hbm>>
      tpu.enqueue_dma source(%dma_start3A_2801 : memref<320xi32, #tpu.memory_space<hbm>>) target(%arg6 : memref<320xi32, #tpu.memory_space<vmem>>) target_semaphore(%run_scoped3A : memref<!tpu.dma_semaphore, #tpu.memory_space<semaphore_mem>>)
      %dma_wait3A_2802 = tpu.memref_slice %arg3[%add3A_2237] : memref<102400xi32, #tpu.memory_space<hbm>> -> memref<320xi32, #tpu.memory_space<hbm>>
      %dma_wait3A_2803 = tpu.memref_slice %arg3[%add3A_2237] : memref<102400xi32, #tpu.memory_space<hbm>> -> memref<320xi32, #tpu.memory_space<hbm>>
      tpu.wait_dma2 semaphore(%run_scoped3A : memref<!tpu.dma_semaphore, #tpu.memory_space<semaphore_mem>>) src(%dma_wait3A_2803 : memref<320xi32, #tpu.memory_space<hbm>>) dst(%arg6 : memref<320xi32, #tpu.memory_space<vmem>>)
      tpu.yield
    }) : () -> ()
    "tpu.region"() ({
      %run_scoped3A = tpu.sem_alloc : memref<!tpu.dma_semaphore, #tpu.memory_space<semaphore_mem>>
      %dma_start3A_2800 = tpu.memref_slice %arg4[%add3A_2237] : memref<102400xi32, #tpu.memory_space<hbm>> -> memref<320xi32, #tpu.memory_space<hbm>>
      %dma_start3A_2801 = tpu.memref_slice %arg4[%add3A_2237] : memref<102400xi32, #tpu.memory_space<hbm>> -> memref<320xi32, #tpu.memory_space<hbm>>
      tpu.enqueue_dma source(%dma_start3A_2801 : memref<320xi32, #tpu.memory_space<hbm>>) target(%arg7 : memref<320xi32, #tpu.memory_space<vmem>>) target_semaphore(%run_scoped3A : memref<!tpu.dma_semaphore, #tpu.memory_space<semaphore_mem>>)
      %dma_wait3A_2802 = tpu.memref_slice %arg4[%add3A_2237] : memref<102400xi32, #tpu.memory_space<hbm>> -> memref<320xi32, #tpu.memory_space<hbm>>
      %dma_wait3A_2803 = tpu.memref_slice %arg4[%add3A_2237] : memref<102400xi32, #tpu.memory_space<hbm>> -> memref<320xi32, #tpu.memory_space<hbm>>
      tpu.wait_dma2 semaphore(%run_scoped3A : memref<!tpu.dma_semaphore, #tpu.memory_space<semaphore_mem>>) src(%dma_wait3A_2803 : memref<320xi32, #tpu.memory_space<hbm>>) dst(%arg7 : memref<320xi32, #tpu.memory_space<vmem>>)
      tpu.yield
    }) : () -> ()
    %add3A_2238 = arith.constant 0 : i32
    %add3A_2239 = vector.broadcast %add3A_2238 : i32 to vector<16xi32>
    %add3A_2240 = arith.addi %add3A_2239, %iota3A : vector<16xi32>
    %mul3A_2241 = arith.constant 2 : i32
    %mul3A_2242 = vector.broadcast %mul3A_2241 : i32 to vector<16xi32>
    %mul3A_2243 = arith.muli %mul3A_2242, %add3A_2240 : vector<16xi32>
    %get3A_2244 = arith.constant 0 : index
    %get3A_2245 = tpu.vector_load %arg6[%get3A_2244] {strides = array<i32>} : memref<320xi32, #tpu.memory_space<vmem>>, vector<16xi32>,
    tpu.vector_store_idx %arg8[%mul3A_2243], %get3A_2245 : memref<640xi32, #tpu.memory_space<vmem>>[vector<16xi32>], vector<16xi32>,
    %add3A_2246 = arith.constant 1 : i32
    %add3A_2247 = vector.broadcast %add3A_2246 : i32 to vector<16xi32>
    %add3A_2248 = arith.addi %mul3A_2243, %add3A_2247 : vector<16xi32>
    %get3A_2249 = arith.constant 0 : index
    %get3A_2250 = tpu.vector_load %arg7[%get3A_2249] {strides = array<i32>} : memref<320xi32, #tpu.memory_space<vmem>>, vector<16xi32>,
    tpu.vector_store_idx %arg8[%add3A_2248], %get3A_2250 : memref<640xi32, #tpu.memory_space<vmem>>[vector<16xi32>], vector<16xi32>,
    %add3A_2251 = arith.constant 16 : i32
    %add3A_2252 = vector.broadcast %add3A_2251 : i32 to vector<16xi32>
    %add3A_2253 = arith.addi %add3A_2252, %iota3A : vector<16xi32>
    %mul3A_2254 = arith.constant 2 : i32
    %mul3A_2255 = vector.broadcast %mul3A_2254 : i32 to vector<16xi32>
    %mul3A_2256 = arith.muli %mul3A_2255, %add3A_2253 : vector<16xi32>
    %get3A_2257 = arith.constant 16 : index
    %get3A_2258 = tpu.vector_load %arg6[%get3A_2257] {strides = array<i32>} : memref<320xi32, #tpu.memory_space<vmem>>, vector<16xi32>,
    tpu.vector_store_idx %arg8[%mul3A_2256], %get3A_2258 : memref<640xi32, #tpu.memory_space<vmem>>[vector<16xi32>], vector<16xi32>,
    %add3A_2259 = arith.constant 1 : i32
    %add3A_2260 = vector.broadcast %add3A_2259 : i32 to vector<16xi32>
    %add3A_2261 = arith.addi %mul3A_2256, %add3A_2260 : vector<16xi32>
    %get3A_2262 = arith.constant 16 : index
    %get3A_2263 = tpu.vector_load %arg7[%get3A_2262] {strides = array<i32>} : memref<320xi32, #tpu.memory_space<vmem>>, vector<16xi32>,
    tpu.vector_store_idx %arg8[%add3A_2261], %get3A_2263 : memref<640xi32, #tpu.memory_space<vmem>>[vector<16xi32>], vector<16xi32>,
    %add3A_2264 = arith.constant 32 : i32
    %add3A_2265 = vector.broadcast %add3A_2264 : i32 to vector<16xi32>
    %add3A_2266 = arith.addi %add3A_2265, %iota3A : vector<16xi32>
    %mul3A_2267 = arith.constant 2 : i32
    %mul3A_2268 = vector.broadcast %mul3A_2267 : i32 to vector<16xi32>
    %mul3A_2269 = arith.muli %mul3A_2268, %add3A_2266 : vector<16xi32>
    %get3A_2270 = arith.constant 32 : index
    %get3A_2271 = tpu.vector_load %arg6[%get3A_2270] {strides = array<i32>} : memref<320xi32, #tpu.memory_space<vmem>>, vector<16xi32>,
    tpu.vector_store_idx %arg8[%mul3A_2269], %get3A_2271 : memref<640xi32, #tpu.memory_space<vmem>>[vector<16xi32>], vector<16xi32>,
    %add3A_2272 = arith.constant 1 : i32
    %add3A_2273 = vector.broadcast %add3A_2272 : i32 to vector<16xi32>
    %add3A_2274 = arith.addi %mul3A_2269, %add3A_2273 : vector<16xi32>
    %get3A_2275 = arith.constant 32 : index
    %get3A_2276 = tpu.vector_load %arg7[%get3A_2275] {strides = array<i32>} : memref<320xi32, #tpu.memory_space<vmem>>, vector<16xi32>,
    tpu.vector_store_idx %arg8[%add3A_2274], %get3A_2276 : memref<640xi32, #tpu.memory_space<vmem>>[vector<16xi32>], vector<16xi32>,
    %add3A_2277 = arith.constant 48 : i32
    %add3A_2278 = vector.broadcast %add3A_2277 : i32 to vector<16xi32>
    %add3A_2279 = arith.addi %add3A_2278, %iota3A : vector<16xi32>
    %mul3A_2280 = arith.constant 2 : i32
    %mul3A_2281 = vector.broadcast %mul3A_2280 : i32 to vector<16xi32>
    %mul3A_2282 = arith.muli %mul3A_2281, %add3A_2279 : vector<16xi32>
    %get3A_2283 = arith.constant 48 : index
    %get3A_2284 = tpu.vector_load %arg6[%get3A_2283] {strides = array<i32>} : memref<320xi32, #tpu.memory_space<vmem>>, vector<16xi32>,
    tpu.vector_store_idx %arg8[%mul3A_2282], %get3A_2284 : memref<640xi32, #tpu.memory_space<vmem>>[vector<16xi32>], vector<16xi32>,
    %add3A_2285 = arith.constant 1 : i32
    %add3A_2286 = vector.broadcast %add3A_2285 : i32 to vector<16xi32>
    %add3A_2287 = arith.addi %mul3A_2282, %add3A_2286 : vector<16xi32>
    %get3A_2288 = arith.constant 48 : index
    %get3A_2289 = tpu.vector_load %arg7[%get3A_2288] {strides = array<i32>} : memref<320xi32, #tpu.memory_space<vmem>>, vector<16xi32>,
    tpu.vector_store_idx %arg8[%add3A_2287], %get3A_2289 : memref<640xi32, #tpu.memory_space<vmem>>[vector<16xi32>], vector<16xi32>,
    %add3A_2290 = arith.constant 64 : i32
    %add3A_2291 = vector.broadcast %add3A_2290 : i32 to vector<16xi32>
    %add3A_2292 = arith.addi %add3A_2291, %iota3A : vector<16xi32>
    %mul3A_2293 = arith.constant 2 : i32
    %mul3A_2294 = vector.broadcast %mul3A_2293 : i32 to vector<16xi32>
    %mul3A_2295 = arith.muli %mul3A_2294, %add3A_2292 : vector<16xi32>
    %get3A_2296 = arith.constant 64 : index
    %get3A_2297 = tpu.vector_load %arg6[%get3A_2296] {strides = array<i32>} : memref<320xi32, #tpu.memory_space<vmem>>, vector<16xi32>,
    tpu.vector_store_idx %arg8[%mul3A_2295], %get3A_2297 : memref<640xi32, #tpu.memory_space<vmem>>[vector<16xi32>], vector<16xi32>,
    %add3A_2298 = arith.constant 1 : i32
    %add3A_2299 = vector.broadcast %add3A_2298 : i32 to vector<16xi32>
    %add3A_2300 = arith.addi %mul3A_2295, %add3A_2299 : vector<16xi32>
    %get3A_2301 = arith.constant 64 : index
    %get3A_2302 = tpu.vector_load %arg7[%get3A_2301] {strides = array<i32>} : memref<320xi32, #tpu.memory_space<vmem>>, vector<16xi32>,
    tpu.vector_store_idx %arg8[%add3A_2300], %get3A_2302 : memref<640xi32, #tpu.memory_space<vmem>>[vector<16xi32>], vector<16xi32>,
    %add3A_2303 = arith.constant 80 : i32
    %add3A_2304 = vector.broadcast %add3A_2303 : i32 to vector<16xi32>
    %add3A_2305 = arith.addi %add3A_2304, %iota3A : vector<16xi32>
    %mul3A_2306 = arith.constant 2 : i32
    %mul3A_2307 = vector.broadcast %mul3A_2306 : i32 to vector<16xi32>
    %mul3A_2308 = arith.muli %mul3A_2307, %add3A_2305 : vector<16xi32>
    %get3A_2309 = arith.constant 80 : index
    %get3A_2310 = tpu.vector_load %arg6[%get3A_2309] {strides = array<i32>} : memref<320xi32, #tpu.memory_space<vmem>>, vector<16xi32>,
    tpu.vector_store_idx %arg8[%mul3A_2308], %get3A_2310 : memref<640xi32, #tpu.memory_space<vmem>>[vector<16xi32>], vector<16xi32>,
    %add3A_2311 = arith.constant 1 : i32
    %add3A_2312 = vector.broadcast %add3A_2311 : i32 to vector<16xi32>
    %add3A_2313 = arith.addi %mul3A_2308, %add3A_2312 : vector<16xi32>
    %get3A_2314 = arith.constant 80 : index
    %get3A_2315 = tpu.vector_load %arg7[%get3A_2314] {strides = array<i32>} : memref<320xi32, #tpu.memory_space<vmem>>, vector<16xi32>,
    tpu.vector_store_idx %arg8[%add3A_2313], %get3A_2315 : memref<640xi32, #tpu.memory_space<vmem>>[vector<16xi32>], vector<16xi32>,
    %add3A_2316 = arith.constant 96 : i32
    %add3A_2317 = vector.broadcast %add3A_2316 : i32 to vector<16xi32>
    %add3A_2318 = arith.addi %add3A_2317, %iota3A : vector<16xi32>
    %mul3A_2319 = arith.constant 2 : i32
    %mul3A_2320 = vector.broadcast %mul3A_2319 : i32 to vector<16xi32>
    %mul3A_2321 = arith.muli %mul3A_2320, %add3A_2318 : vector<16xi32>
    %get3A_2322 = arith.constant 96 : index
    %get3A_2323 = tpu.vector_load %arg6[%get3A_2322] {strides = array<i32>} : memref<320xi32, #tpu.memory_space<vmem>>, vector<16xi32>,
    tpu.vector_store_idx %arg8[%mul3A_2321], %get3A_2323 : memref<640xi32, #tpu.memory_space<vmem>>[vector<16xi32>], vector<16xi32>,
    %add3A_2324 = arith.constant 1 : i32
    %add3A_2325 = vector.broadcast %add3A_2324 : i32 to vector<16xi32>
    %add3A_2326 = arith.addi %mul3A_2321, %add3A_2325 : vector<16xi32>
    %get3A_2327 = arith.constant 96 : index
    %get3A_2328 = tpu.vector_load %arg7[%get3A_2327] {strides = array<i32>} : memref<320xi32, #tpu.memory_space<vmem>>, vector<16xi32>,
    tpu.vector_store_idx %arg8[%add3A_2326], %get3A_2328 : memref<640xi32, #tpu.memory_space<vmem>>[vector<16xi32>], vector<16xi32>,
    %add3A_2329 = arith.constant 112 : i32
    %add3A_2330 = vector.broadcast %add3A_2329 : i32 to vector<16xi32>
    %add3A_2331 = arith.addi %add3A_2330, %iota3A : vector<16xi32>
    %mul3A_2332 = arith.constant 2 : i32
    %mul3A_2333 = vector.broadcast %mul3A_2332 : i32 to vector<16xi32>
    %mul3A_2334 = arith.muli %mul3A_2333, %add3A_2331 : vector<16xi32>
    %get3A_2335 = arith.constant 112 : index
    %get3A_2336 = tpu.vector_load %arg6[%get3A_2335] {strides = array<i32>} : memref<320xi32, #tpu.memory_space<vmem>>, vector<16xi32>,
    tpu.vector_store_idx %arg8[%mul3A_2334], %get3A_2336 : memref<640xi32, #tpu.memory_space<vmem>>[vector<16xi32>], vector<16xi32>,
    %add3A_2337 = arith.constant 1 : i32
    %add3A_2338 = vector.broadcast %add3A_2337 : i32 to vector<16xi32>
    %add3A_2339 = arith.addi %mul3A_2334, %add3A_2338 : vector<16xi32>
    %get3A_2340 = arith.constant 112 : index
    %get3A_2341 = tpu.vector_load %arg7[%get3A_2340] {strides = array<i32>} : memref<320xi32, #tpu.memory_space<vmem>>, vector<16xi32>,
    tpu.vector_store_idx %arg8[%add3A_2339], %get3A_2341 : memref<640xi32, #tpu.memory_space<vmem>>[vector<16xi32>], vector<16xi32>,
    %add3A_2342 = arith.constant 128 : i32
    %add3A_2343 = vector.broadcast %add3A_2342 : i32 to vector<16xi32>
    %add3A_2344 = arith.addi %add3A_2343, %iota3A : vector<16xi32>
    %mul3A_2345 = arith.constant 2 : i32
    %mul3A_2346 = vector.broadcast %mul3A_2345 : i32 to vector<16xi32>
    %mul3A_2347 = arith.muli %mul3A_2346, %add3A_2344 : vector<16xi32>
    %get3A_2348 = arith.constant 128 : index
    %get3A_2349 = tpu.vector_load %arg6[%get3A_2348] {strides = array<i32>} : memref<320xi32, #tpu.memory_space<vmem>>, vector<16xi32>,
    tpu.vector_store_idx %arg8[%mul3A_2347], %get3A_2349 : memref<640xi32, #tpu.memory_space<vmem>>[vector<16xi32>], vector<16xi32>,
    %add3A_2350 = arith.constant 1 : i32
    %add3A_2351 = vector.broadcast %add3A_2350 : i32 to vector<16xi32>
    %add3A_2352 = arith.addi %mul3A_2347, %add3A_2351 : vector<16xi32>
    %get3A_2353 = arith.constant 128 : index
    %get3A_2354 = tpu.vector_load %arg7[%get3A_2353] {strides = array<i32>} : memref<320xi32, #tpu.memory_space<vmem>>, vector<16xi32>,
    tpu.vector_store_idx %arg8[%add3A_2352], %get3A_2354 : memref<640xi32, #tpu.memory_space<vmem>>[vector<16xi32>], vector<16xi32>,
    %add3A_2355 = arith.constant 144 : i32
    %add3A_2356 = vector.broadcast %add3A_2355 : i32 to vector<16xi32>
    %add3A_2357 = arith.addi %add3A_2356, %iota3A : vector<16xi32>
    %mul3A_2358 = arith.constant 2 : i32
    %mul3A_2359 = vector.broadcast %mul3A_2358 : i32 to vector<16xi32>
    %mul3A_2360 = arith.muli %mul3A_2359, %add3A_2357 : vector<16xi32>
    %get3A_2361 = arith.constant 144 : index
    %get3A_2362 = tpu.vector_load %arg6[%get3A_2361] {strides = array<i32>} : memref<320xi32, #tpu.memory_space<vmem>>, vector<16xi32>,
    tpu.vector_store_idx %arg8[%mul3A_2360], %get3A_2362 : memref<640xi32, #tpu.memory_space<vmem>>[vector<16xi32>], vector<16xi32>,
    %add3A_2363 = arith.constant 1 : i32
    %add3A_2364 = vector.broadcast %add3A_2363 : i32 to vector<16xi32>
    %add3A_2365 = arith.addi %mul3A_2360, %add3A_2364 : vector<16xi32>
    %get3A_2366 = arith.constant 144 : index
    %get3A_2367 = tpu.vector_load %arg7[%get3A_2366] {strides = array<i32>} : memref<320xi32, #tpu.memory_space<vmem>>, vector<16xi32>,
    tpu.vector_store_idx %arg8[%add3A_2365], %get3A_2367 : memref<640xi32, #tpu.memory_space<vmem>>[vector<16xi32>], vector<16xi32>,
    %add3A_2368 = arith.constant 160 : i32
    %add3A_2369 = vector.broadcast %add3A_2368 : i32 to vector<16xi32>
    %add3A_2370 = arith.addi %add3A_2369, %iota3A : vector<16xi32>
    %mul3A_2371 = arith.constant 2 : i32
    %mul3A_2372 = vector.broadcast %mul3A_2371 : i32 to vector<16xi32>
    %mul3A_2373 = arith.muli %mul3A_2372, %add3A_2370 : vector<16xi32>
    %get3A_2374 = arith.constant 160 : index
    %get3A_2375 = tpu.vector_load %arg6[%get3A_2374] {strides = array<i32>} : memref<320xi32, #tpu.memory_space<vmem>>, vector<16xi32>,
    tpu.vector_store_idx %arg8[%mul3A_2373], %get3A_2375 : memref<640xi32, #tpu.memory_space<vmem>>[vector<16xi32>], vector<16xi32>,
    %add3A_2376 = arith.constant 1 : i32
    %add3A_2377 = vector.broadcast %add3A_2376 : i32 to vector<16xi32>
    %add3A_2378 = arith.addi %mul3A_2373, %add3A_2377 : vector<16xi32>
    %get3A_2379 = arith.constant 160 : index
    %get3A_2380 = tpu.vector_load %arg7[%get3A_2379] {strides = array<i32>} : memref<320xi32, #tpu.memory_space<vmem>>, vector<16xi32>,
    tpu.vector_store_idx %arg8[%add3A_2378], %get3A_2380 : memref<640xi32, #tpu.memory_space<vmem>>[vector<16xi32>], vector<16xi32>,
    %add3A_2381 = arith.constant 176 : i32
    %add3A_2382 = vector.broadcast %add3A_2381 : i32 to vector<16xi32>
    %add3A_2383 = arith.addi %add3A_2382, %iota3A : vector<16xi32>
    %mul3A_2384 = arith.constant 2 : i32
    %mul3A_2385 = vector.broadcast %mul3A_2384 : i32 to vector<16xi32>
    %mul3A_2386 = arith.muli %mul3A_2385, %add3A_2383 : vector<16xi32>
    %get3A_2387 = arith.constant 176 : index
    %get3A_2388 = tpu.vector_load %arg6[%get3A_2387] {strides = array<i32>} : memref<320xi32, #tpu.memory_space<vmem>>, vector<16xi32>,
    tpu.vector_store_idx %arg8[%mul3A_2386], %get3A_2388 : memref<640xi32, #tpu.memory_space<vmem>>[vector<16xi32>], vector<16xi32>,
    %add3A_2389 = arith.constant 1 : i32
    %add3A_2390 = vector.broadcast %add3A_2389 : i32 to vector<16xi32>
    %add3A_2391 = arith.addi %mul3A_2386, %add3A_2390 : vector<16xi32>
    %get3A_2392 = arith.constant 176 : index
    %get3A_2393 = tpu.vector_load %arg7[%get3A_2392] {strides = array<i32>} : memref<320xi32, #tpu.memory_space<vmem>>, vector<16xi32>,
    tpu.vector_store_idx %arg8[%add3A_2391], %get3A_2393 : memref<640xi32, #tpu.memory_space<vmem>>[vector<16xi32>], vector<16xi32>,
    %add3A_2394 = arith.constant 192 : i32
    %add3A_2395 = vector.broadcast %add3A_2394 : i32 to vector<16xi32>
    %add3A_2396 = arith.addi %add3A_2395, %iota3A : vector<16xi32>
    %mul3A_2397 = arith.constant 2 : i32
    %mul3A_2398 = vector.broadcast %mul3A_2397 : i32 to vector<16xi32>
    %mul3A_2399 = arith.muli %mul3A_2398, %add3A_2396 : vector<16xi32>
    %get3A_2400 = arith.constant 192 : index
    %get3A_2401 = tpu.vector_load %arg6[%get3A_2400] {strides = array<i32>} : memref<320xi32, #tpu.memory_space<vmem>>, vector<16xi32>,
    tpu.vector_store_idx %arg8[%mul3A_2399], %get3A_2401 : memref<640xi32, #tpu.memory_space<vmem>>[vector<16xi32>], vector<16xi32>,
    %add3A_2402 = arith.constant 1 : i32
    %add3A_2403 = vector.broadcast %add3A_2402 : i32 to vector<16xi32>
    %add3A_2404 = arith.addi %mul3A_2399, %add3A_2403 : vector<16xi32>
    %get3A_2405 = arith.constant 192 : index
    %get3A_2406 = tpu.vector_load %arg7[%get3A_2405] {strides = array<i32>} : memref<320xi32, #tpu.memory_space<vmem>>, vector<16xi32>,
    tpu.vector_store_idx %arg8[%add3A_2404], %get3A_2406 : memref<640xi32, #tpu.memory_space<vmem>>[vector<16xi32>], vector<16xi32>,
    %add3A_2407 = arith.constant 208 : i32
    %add3A_2408 = vector.broadcast %add3A_2407 : i32 to vector<16xi32>
    %add3A_2409 = arith.addi %add3A_2408, %iota3A : vector<16xi32>
    %mul3A_2410 = arith.constant 2 : i32
    %mul3A_2411 = vector.broadcast %mul3A_2410 : i32 to vector<16xi32>
    %mul3A_2412 = arith.muli %mul3A_2411, %add3A_2409 : vector<16xi32>
    %get3A_2413 = arith.constant 208 : index
    %get3A_2414 = tpu.vector_load %arg6[%get3A_2413] {strides = array<i32>} : memref<320xi32, #tpu.memory_space<vmem>>, vector<16xi32>,
    tpu.vector_store_idx %arg8[%mul3A_2412], %get3A_2414 : memref<640xi32, #tpu.memory_space<vmem>>[vector<16xi32>], vector<16xi32>,
    %add3A_2415 = arith.constant 1 : i32
    %add3A_2416 = vector.broadcast %add3A_2415 : i32 to vector<16xi32>
    %add3A_2417 = arith.addi %mul3A_2412, %add3A_2416 : vector<16xi32>
    %get3A_2418 = arith.constant 208 : index
    %get3A_2419 = tpu.vector_load %arg7[%get3A_2418] {strides = array<i32>} : memref<320xi32, #tpu.memory_space<vmem>>, vector<16xi32>,
    tpu.vector_store_idx %arg8[%add3A_2417], %get3A_2419 : memref<640xi32, #tpu.memory_space<vmem>>[vector<16xi32>], vector<16xi32>,
    %add3A_2420 = arith.constant 224 : i32
    %add3A_2421 = vector.broadcast %add3A_2420 : i32 to vector<16xi32>
    %add3A_2422 = arith.addi %add3A_2421, %iota3A : vector<16xi32>
    %mul3A_2423 = arith.constant 2 : i32
    %mul3A_2424 = vector.broadcast %mul3A_2423 : i32 to vector<16xi32>
    %mul3A_2425 = arith.muli %mul3A_2424, %add3A_2422 : vector<16xi32>
    %get3A_2426 = arith.constant 224 : index
    %get3A_2427 = tpu.vector_load %arg6[%get3A_2426] {strides = array<i32>} : memref<320xi32, #tpu.memory_space<vmem>>, vector<16xi32>,
    tpu.vector_store_idx %arg8[%mul3A_2425], %get3A_2427 : memref<640xi32, #tpu.memory_space<vmem>>[vector<16xi32>], vector<16xi32>,
    %add3A_2428 = arith.constant 1 : i32
    %add3A_2429 = vector.broadcast %add3A_2428 : i32 to vector<16xi32>
    %add3A_2430 = arith.addi %mul3A_2425, %add3A_2429 : vector<16xi32>
    %get3A_2431 = arith.constant 224 : index
    %get3A_2432 = tpu.vector_load %arg7[%get3A_2431] {strides = array<i32>} : memref<320xi32, #tpu.memory_space<vmem>>, vector<16xi32>,
    tpu.vector_store_idx %arg8[%add3A_2430], %get3A_2432 : memref<640xi32, #tpu.memory_space<vmem>>[vector<16xi32>], vector<16xi32>,
    %add3A_2433 = arith.constant 240 : i32
    %add3A_2434 = vector.broadcast %add3A_2433 : i32 to vector<16xi32>
    %add3A_2435 = arith.addi %add3A_2434, %iota3A : vector<16xi32>
    %mul3A_2436 = arith.constant 2 : i32
    %mul3A_2437 = vector.broadcast %mul3A_2436 : i32 to vector<16xi32>
    %mul3A_2438 = arith.muli %mul3A_2437, %add3A_2435 : vector<16xi32>
    %get3A_2439 = arith.constant 240 : index
    %get3A_2440 = tpu.vector_load %arg6[%get3A_2439] {strides = array<i32>} : memref<320xi32, #tpu.memory_space<vmem>>, vector<16xi32>,
    tpu.vector_store_idx %arg8[%mul3A_2438], %get3A_2440 : memref<640xi32, #tpu.memory_space<vmem>>[vector<16xi32>], vector<16xi32>,
    %add3A_2441 = arith.constant 1 : i32
    %add3A_2442 = vector.broadcast %add3A_2441 : i32 to vector<16xi32>
    %add3A_2443 = arith.addi %mul3A_2438, %add3A_2442 : vector<16xi32>
    %get3A_2444 = arith.constant 240 : index
    %get3A_2445 = tpu.vector_load %arg7[%get3A_2444] {strides = array<i32>} : memref<320xi32, #tpu.memory_space<vmem>>, vector<16xi32>,
    tpu.vector_store_idx %arg8[%add3A_2443], %get3A_2445 : memref<640xi32, #tpu.memory_space<vmem>>[vector<16xi32>], vector<16xi32>,
    %add3A_2446 = arith.constant 256 : i32
    %add3A_2447 = vector.broadcast %add3A_2446 : i32 to vector<16xi32>
    %add3A_2448 = arith.addi %add3A_2447, %iota3A : vector<16xi32>
    %mul3A_2449 = arith.constant 2 : i32
    %mul3A_2450 = vector.broadcast %mul3A_2449 : i32 to vector<16xi32>
    %mul3A_2451 = arith.muli %mul3A_2450, %add3A_2448 : vector<16xi32>
    %get3A_2452 = arith.constant 256 : index
    %get3A_2453 = tpu.vector_load %arg6[%get3A_2452] {strides = array<i32>} : memref<320xi32, #tpu.memory_space<vmem>>, vector<16xi32>,
    tpu.vector_store_idx %arg8[%mul3A_2451], %get3A_2453 : memref<640xi32, #tpu.memory_space<vmem>>[vector<16xi32>], vector<16xi32>,
    %add3A_2454 = arith.constant 1 : i32
    %add3A_2455 = vector.broadcast %add3A_2454 : i32 to vector<16xi32>
    %add3A_2456 = arith.addi %mul3A_2451, %add3A_2455 : vector<16xi32>
    %get3A_2457 = arith.constant 256 : index
    %get3A_2458 = tpu.vector_load %arg7[%get3A_2457] {strides = array<i32>} : memref<320xi32, #tpu.memory_space<vmem>>, vector<16xi32>,
    tpu.vector_store_idx %arg8[%add3A_2456], %get3A_2458 : memref<640xi32, #tpu.memory_space<vmem>>[vector<16xi32>], vector<16xi32>,
    %add3A_2459 = arith.constant 272 : i32
    %add3A_2460 = vector.broadcast %add3A_2459 : i32 to vector<16xi32>
    %add3A_2461 = arith.addi %add3A_2460, %iota3A : vector<16xi32>
    %mul3A_2462 = arith.constant 2 : i32
    %mul3A_2463 = vector.broadcast %mul3A_2462 : i32 to vector<16xi32>
    %mul3A_2464 = arith.muli %mul3A_2463, %add3A_2461 : vector<16xi32>
    %get3A_2465 = arith.constant 272 : index
    %get3A_2466 = tpu.vector_load %arg6[%get3A_2465] {strides = array<i32>} : memref<320xi32, #tpu.memory_space<vmem>>, vector<16xi32>,
    tpu.vector_store_idx %arg8[%mul3A_2464], %get3A_2466 : memref<640xi32, #tpu.memory_space<vmem>>[vector<16xi32>], vector<16xi32>,
    %add3A_2467 = arith.constant 1 : i32
    %add3A_2468 = vector.broadcast %add3A_2467 : i32 to vector<16xi32>
    %add3A_2469 = arith.addi %mul3A_2464, %add3A_2468 : vector<16xi32>
    %get3A_2470 = arith.constant 272 : index
    %get3A_2471 = tpu.vector_load %arg7[%get3A_2470] {strides = array<i32>} : memref<320xi32, #tpu.memory_space<vmem>>, vector<16xi32>,
    tpu.vector_store_idx %arg8[%add3A_2469], %get3A_2471 : memref<640xi32, #tpu.memory_space<vmem>>[vector<16xi32>], vector<16xi32>,
    %add3A_2472 = arith.constant 288 : i32
    %add3A_2473 = vector.broadcast %add3A_2472 : i32 to vector<16xi32>
    %add3A_2474 = arith.addi %add3A_2473, %iota3A : vector<16xi32>
    %mul3A_2475 = arith.constant 2 : i32
    %mul3A_2476 = vector.broadcast %mul3A_2475 : i32 to vector<16xi32>
    %mul3A_2477 = arith.muli %mul3A_2476, %add3A_2474 : vector<16xi32>
    %get3A_2478 = arith.constant 288 : index
    %get3A_2479 = tpu.vector_load %arg6[%get3A_2478] {strides = array<i32>} : memref<320xi32, #tpu.memory_space<vmem>>, vector<16xi32>,
    tpu.vector_store_idx %arg8[%mul3A_2477], %get3A_2479 : memref<640xi32, #tpu.memory_space<vmem>>[vector<16xi32>], vector<16xi32>,
    %add3A_2480 = arith.constant 1 : i32
    %add3A_2481 = vector.broadcast %add3A_2480 : i32 to vector<16xi32>
    %add3A_2482 = arith.addi %mul3A_2477, %add3A_2481 : vector<16xi32>
    %get3A_2483 = arith.constant 288 : index
    %get3A_2484 = tpu.vector_load %arg7[%get3A_2483] {strides = array<i32>} : memref<320xi32, #tpu.memory_space<vmem>>, vector<16xi32>,
    tpu.vector_store_idx %arg8[%add3A_2482], %get3A_2484 : memref<640xi32, #tpu.memory_space<vmem>>[vector<16xi32>], vector<16xi32>,
    %add3A_2485 = arith.constant 304 : i32
    %add3A_2486 = vector.broadcast %add3A_2485 : i32 to vector<16xi32>
    %add3A_2487 = arith.addi %add3A_2486, %iota3A : vector<16xi32>
    %mul3A_2488 = arith.constant 2 : i32
    %mul3A_2489 = vector.broadcast %mul3A_2488 : i32 to vector<16xi32>
    %mul3A_2490 = arith.muli %mul3A_2489, %add3A_2487 : vector<16xi32>
    %get3A_2491 = arith.constant 304 : index
    %get3A_2492 = tpu.vector_load %arg6[%get3A_2491] {strides = array<i32>} : memref<320xi32, #tpu.memory_space<vmem>>, vector<16xi32>,
    tpu.vector_store_idx %arg8[%mul3A_2490], %get3A_2492 : memref<640xi32, #tpu.memory_space<vmem>>[vector<16xi32>], vector<16xi32>,
    %add3A_2493 = arith.constant 1 : i32
    %add3A_2494 = vector.broadcast %add3A_2493 : i32 to vector<16xi32>
    %add3A_2495 = arith.addi %mul3A_2490, %add3A_2494 : vector<16xi32>
    %get3A_2496 = arith.constant 304 : index
    %get3A_2497 = tpu.vector_load %arg7[%get3A_2496] {strides = array<i32>} : memref<320xi32, #tpu.memory_space<vmem>>, vector<16xi32>,
    tpu.vector_store_idx %arg8[%add3A_2495], %get3A_2497 : memref<640xi32, #tpu.memory_space<vmem>>[vector<16xi32>], vector<16xi32>,
    %dma_wait3A_2498 = arith.constant 0 : i32
    %dma_wait3A_2499 = tpu.memref_slice %arg5[%add3A_1673, %dma_wait3A_2498] : memref<204800x64xi32, #tpu.memory_space<hbm>> -> memref<640x64xi32, #tpu.memory_space<hbm>>
    %dma_wait3A_2500 = arith.constant 0 : i32
    %dma_wait3A_2501 = tpu.memref_slice %arg5[%add3A_1673, %dma_wait3A_2500] : memref<204800x64xi32, #tpu.memory_space<hbm>> -> memref<640x64xi32, #tpu.memory_space<hbm>>
    tpu.wait_dma2 semaphore(%arg13 : memref<!tpu.dma_semaphore, #tpu.memory_space<semaphore_mem>>) src(%arg10 : memref<640x64xi32, #tpu.memory_space<vmem>>) dst(%dma_wait3A_2501 : memref<640x64xi32, #tpu.memory_space<hbm>>)
    %dma_start3A_2502 = arith.constant 0 : i32
    %dma_start3A_2503 = arith.constant 0 : i32
    %dma_start3A_2504 = tpu.memref_slice %arg2[%dma_start3A_2502, %dma_start3A_2503] : memref<512000x64xi32, #tpu.memory_space<hbm>> -> memref<512000x64xi32, #tpu.memory_space<hbm>>
    tpu.enqueue_indirect_dma source(%dma_start3A_2504 : memref<512000x64xi32, #tpu.memory_space<hbm>>) target(%arg10 : memref<640x64xi32, #tpu.memory_space<vmem>>) offsets(%arg8 : memref<640xi32, #tpu.memory_space<vmem>>) semaphore(%arg12 : memref<!tpu.dma_semaphore, #tpu.memory_space<semaphore_mem>>)
    %dma_wait3A_2505 = arith.constant 0 : i32
    %dma_wait3A_2506 = arith.constant 0 : i32
    %dma_wait3A_2507 = tpu.memref_slice %arg2[%dma_wait3A_2505, %dma_wait3A_2506] : memref<512000x64xi32, #tpu.memory_space<hbm>> -> memref<512000x64xi32, #tpu.memory_space<hbm>>
    tpu.wait_indirect_dma semaphore(%arg12 : memref<!tpu.dma_semaphore, #tpu.memory_space<semaphore_mem>>) src(%dma_wait3A_2507 : memref<512000x64xi32, #tpu.memory_space<hbm>>) dst(%arg10 : memref<640x64xi32, #tpu.memory_space<vmem>>)
    %dma_start3A_2508 = arith.constant 0 : i32
    %dma_start3A_2509 = tpu.memref_slice %arg5[%add3A_2233, %dma_start3A_2508] : memref<204800x64xi32, #tpu.memory_space<hbm>> -> memref<640x64xi32, #tpu.memory_space<hbm>>
    %dma_start3A_2510 = arith.constant 0 : i32
    %dma_start3A_2511 = tpu.memref_slice %arg5[%add3A_2233, %dma_start3A_2510] : memref<204800x64xi32, #tpu.memory_space<hbm>> -> memref<640x64xi32, #tpu.memory_space<hbm>>
    tpu.enqueue_dma source(%arg10 : memref<640x64xi32, #tpu.memory_space<vmem>>) target(%dma_start3A_2511 : memref<640x64xi32, #tpu.memory_space<hbm>>) target_semaphore(%arg13 : memref<!tpu.dma_semaphore, #tpu.memory_space<semaphore_mem>>)
    %add3A_2512 = arith.constant 5760 : i32
    %add3A_2513 = arith.addi %mul3A_2, %add3A_2512 : i32
    %mul3A_2514 = arith.constant 3200 : i32
    %mul3A_2515 = arith.muli %add3A, %mul3A_2514 : i32
    %add3A_2516 = arith.constant 2880 : i32
    %add3A_2517 = arith.addi %mul3A_2515, %add3A_2516 : i32
    "tpu.region"() ({
      %run_scoped3A = tpu.sem_alloc : memref<!tpu.dma_semaphore, #tpu.memory_space<semaphore_mem>>
      %dma_start3A_2800 = tpu.memref_slice %arg3[%add3A_2517] : memref<102400xi32, #tpu.memory_space<hbm>> -> memref<320xi32, #tpu.memory_space<hbm>>
      %dma_start3A_2801 = tpu.memref_slice %arg3[%add3A_2517] : memref<102400xi32, #tpu.memory_space<hbm>> -> memref<320xi32, #tpu.memory_space<hbm>>
      tpu.enqueue_dma source(%dma_start3A_2801 : memref<320xi32, #tpu.memory_space<hbm>>) target(%arg6 : memref<320xi32, #tpu.memory_space<vmem>>) target_semaphore(%run_scoped3A : memref<!tpu.dma_semaphore, #tpu.memory_space<semaphore_mem>>)
      %dma_wait3A_2802 = tpu.memref_slice %arg3[%add3A_2517] : memref<102400xi32, #tpu.memory_space<hbm>> -> memref<320xi32, #tpu.memory_space<hbm>>
      %dma_wait3A_2803 = tpu.memref_slice %arg3[%add3A_2517] : memref<102400xi32, #tpu.memory_space<hbm>> -> memref<320xi32, #tpu.memory_space<hbm>>
      tpu.wait_dma2 semaphore(%run_scoped3A : memref<!tpu.dma_semaphore, #tpu.memory_space<semaphore_mem>>) src(%dma_wait3A_2803 : memref<320xi32, #tpu.memory_space<hbm>>) dst(%arg6 : memref<320xi32, #tpu.memory_space<vmem>>)
      tpu.yield
    }) : () -> ()
    "tpu.region"() ({
      %run_scoped3A = tpu.sem_alloc : memref<!tpu.dma_semaphore, #tpu.memory_space<semaphore_mem>>
      %dma_start3A_2800 = tpu.memref_slice %arg4[%add3A_2517] : memref<102400xi32, #tpu.memory_space<hbm>> -> memref<320xi32, #tpu.memory_space<hbm>>
      %dma_start3A_2801 = tpu.memref_slice %arg4[%add3A_2517] : memref<102400xi32, #tpu.memory_space<hbm>> -> memref<320xi32, #tpu.memory_space<hbm>>
      tpu.enqueue_dma source(%dma_start3A_2801 : memref<320xi32, #tpu.memory_space<hbm>>) target(%arg7 : memref<320xi32, #tpu.memory_space<vmem>>) target_semaphore(%run_scoped3A : memref<!tpu.dma_semaphore, #tpu.memory_space<semaphore_mem>>)
      %dma_wait3A_2802 = tpu.memref_slice %arg4[%add3A_2517] : memref<102400xi32, #tpu.memory_space<hbm>> -> memref<320xi32, #tpu.memory_space<hbm>>
      %dma_wait3A_2803 = tpu.memref_slice %arg4[%add3A_2517] : memref<102400xi32, #tpu.memory_space<hbm>> -> memref<320xi32, #tpu.memory_space<hbm>>
      tpu.wait_dma2 semaphore(%run_scoped3A : memref<!tpu.dma_semaphore, #tpu.memory_space<semaphore_mem>>) src(%dma_wait3A_2803 : memref<320xi32, #tpu.memory_space<hbm>>) dst(%arg7 : memref<320xi32, #tpu.memory_space<vmem>>)
      tpu.yield
    }) : () -> ()
    %add3A_2518 = arith.constant 0 : i32
    %add3A_2519 = vector.broadcast %add3A_2518 : i32 to vector<16xi32>
    %add3A_2520 = arith.addi %add3A_2519, %iota3A : vector<16xi32>
    %mul3A_2521 = arith.constant 2 : i32
    %mul3A_2522 = vector.broadcast %mul3A_2521 : i32 to vector<16xi32>
    %mul3A_2523 = arith.muli %mul3A_2522, %add3A_2520 : vector<16xi32>
    %get3A_2524 = arith.constant 0 : index
    %get3A_2525 = tpu.vector_load %arg6[%get3A_2524] {strides = array<i32>} : memref<320xi32, #tpu.memory_space<vmem>>, vector<16xi32>,
    tpu.vector_store_idx %arg9[%mul3A_2523], %get3A_2525 : memref<640xi32, #tpu.memory_space<vmem>>[vector<16xi32>], vector<16xi32>,
    %add3A_2526 = arith.constant 1 : i32
    %add3A_2527 = vector.broadcast %add3A_2526 : i32 to vector<16xi32>
    %add3A_2528 = arith.addi %mul3A_2523, %add3A_2527 : vector<16xi32>
    %get3A_2529 = arith.constant 0 : index
    %get3A_2530 = tpu.vector_load %arg7[%get3A_2529] {strides = array<i32>} : memref<320xi32, #tpu.memory_space<vmem>>, vector<16xi32>,
    tpu.vector_store_idx %arg9[%add3A_2528], %get3A_2530 : memref<640xi32, #tpu.memory_space<vmem>>[vector<16xi32>], vector<16xi32>,
    %add3A_2531 = arith.constant 16 : i32
    %add3A_2532 = vector.broadcast %add3A_2531 : i32 to vector<16xi32>
    %add3A_2533 = arith.addi %add3A_2532, %iota3A : vector<16xi32>
    %mul3A_2534 = arith.constant 2 : i32
    %mul3A_2535 = vector.broadcast %mul3A_2534 : i32 to vector<16xi32>
    %mul3A_2536 = arith.muli %mul3A_2535, %add3A_2533 : vector<16xi32>
    %get3A_2537 = arith.constant 16 : index
    %get3A_2538 = tpu.vector_load %arg6[%get3A_2537] {strides = array<i32>} : memref<320xi32, #tpu.memory_space<vmem>>, vector<16xi32>,
    tpu.vector_store_idx %arg9[%mul3A_2536], %get3A_2538 : memref<640xi32, #tpu.memory_space<vmem>>[vector<16xi32>], vector<16xi32>,
    %add3A_2539 = arith.constant 1 : i32
    %add3A_2540 = vector.broadcast %add3A_2539 : i32 to vector<16xi32>
    %add3A_2541 = arith.addi %mul3A_2536, %add3A_2540 : vector<16xi32>
    %get3A_2542 = arith.constant 16 : index
    %get3A_2543 = tpu.vector_load %arg7[%get3A_2542] {strides = array<i32>} : memref<320xi32, #tpu.memory_space<vmem>>, vector<16xi32>,
    tpu.vector_store_idx %arg9[%add3A_2541], %get3A_2543 : memref<640xi32, #tpu.memory_space<vmem>>[vector<16xi32>], vector<16xi32>,
    %add3A_2544 = arith.constant 32 : i32
    %add3A_2545 = vector.broadcast %add3A_2544 : i32 to vector<16xi32>
    %add3A_2546 = arith.addi %add3A_2545, %iota3A : vector<16xi32>
    %mul3A_2547 = arith.constant 2 : i32
    %mul3A_2548 = vector.broadcast %mul3A_2547 : i32 to vector<16xi32>
    %mul3A_2549 = arith.muli %mul3A_2548, %add3A_2546 : vector<16xi32>
    %get3A_2550 = arith.constant 32 : index
    %get3A_2551 = tpu.vector_load %arg6[%get3A_2550] {strides = array<i32>} : memref<320xi32, #tpu.memory_space<vmem>>, vector<16xi32>,
    tpu.vector_store_idx %arg9[%mul3A_2549], %get3A_2551 : memref<640xi32, #tpu.memory_space<vmem>>[vector<16xi32>], vector<16xi32>,
    %add3A_2552 = arith.constant 1 : i32
    %add3A_2553 = vector.broadcast %add3A_2552 : i32 to vector<16xi32>
    %add3A_2554 = arith.addi %mul3A_2549, %add3A_2553 : vector<16xi32>
    %get3A_2555 = arith.constant 32 : index
    %get3A_2556 = tpu.vector_load %arg7[%get3A_2555] {strides = array<i32>} : memref<320xi32, #tpu.memory_space<vmem>>, vector<16xi32>,
    tpu.vector_store_idx %arg9[%add3A_2554], %get3A_2556 : memref<640xi32, #tpu.memory_space<vmem>>[vector<16xi32>], vector<16xi32>,
    %add3A_2557 = arith.constant 48 : i32
    %add3A_2558 = vector.broadcast %add3A_2557 : i32 to vector<16xi32>
    %add3A_2559 = arith.addi %add3A_2558, %iota3A : vector<16xi32>
    %mul3A_2560 = arith.constant 2 : i32
    %mul3A_2561 = vector.broadcast %mul3A_2560 : i32 to vector<16xi32>
    %mul3A_2562 = arith.muli %mul3A_2561, %add3A_2559 : vector<16xi32>
    %get3A_2563 = arith.constant 48 : index
    %get3A_2564 = tpu.vector_load %arg6[%get3A_2563] {strides = array<i32>} : memref<320xi32, #tpu.memory_space<vmem>>, vector<16xi32>,
    tpu.vector_store_idx %arg9[%mul3A_2562], %get3A_2564 : memref<640xi32, #tpu.memory_space<vmem>>[vector<16xi32>], vector<16xi32>,
    %add3A_2565 = arith.constant 1 : i32
    %add3A_2566 = vector.broadcast %add3A_2565 : i32 to vector<16xi32>
    %add3A_2567 = arith.addi %mul3A_2562, %add3A_2566 : vector<16xi32>
    %get3A_2568 = arith.constant 48 : index
    %get3A_2569 = tpu.vector_load %arg7[%get3A_2568] {strides = array<i32>} : memref<320xi32, #tpu.memory_space<vmem>>, vector<16xi32>,
    tpu.vector_store_idx %arg9[%add3A_2567], %get3A_2569 : memref<640xi32, #tpu.memory_space<vmem>>[vector<16xi32>], vector<16xi32>,
    %add3A_2570 = arith.constant 64 : i32
    %add3A_2571 = vector.broadcast %add3A_2570 : i32 to vector<16xi32>
    %add3A_2572 = arith.addi %add3A_2571, %iota3A : vector<16xi32>
    %mul3A_2573 = arith.constant 2 : i32
    %mul3A_2574 = vector.broadcast %mul3A_2573 : i32 to vector<16xi32>
    %mul3A_2575 = arith.muli %mul3A_2574, %add3A_2572 : vector<16xi32>
    %get3A_2576 = arith.constant 64 : index
    %get3A_2577 = tpu.vector_load %arg6[%get3A_2576] {strides = array<i32>} : memref<320xi32, #tpu.memory_space<vmem>>, vector<16xi32>,
    tpu.vector_store_idx %arg9[%mul3A_2575], %get3A_2577 : memref<640xi32, #tpu.memory_space<vmem>>[vector<16xi32>], vector<16xi32>,
    %add3A_2578 = arith.constant 1 : i32
    %add3A_2579 = vector.broadcast %add3A_2578 : i32 to vector<16xi32>
    %add3A_2580 = arith.addi %mul3A_2575, %add3A_2579 : vector<16xi32>
    %get3A_2581 = arith.constant 64 : index
    %get3A_2582 = tpu.vector_load %arg7[%get3A_2581] {strides = array<i32>} : memref<320xi32, #tpu.memory_space<vmem>>, vector<16xi32>,
    tpu.vector_store_idx %arg9[%add3A_2580], %get3A_2582 : memref<640xi32, #tpu.memory_space<vmem>>[vector<16xi32>], vector<16xi32>,
    %add3A_2583 = arith.constant 80 : i32
    %add3A_2584 = vector.broadcast %add3A_2583 : i32 to vector<16xi32>
    %add3A_2585 = arith.addi %add3A_2584, %iota3A : vector<16xi32>
    %mul3A_2586 = arith.constant 2 : i32
    %mul3A_2587 = vector.broadcast %mul3A_2586 : i32 to vector<16xi32>
    %mul3A_2588 = arith.muli %mul3A_2587, %add3A_2585 : vector<16xi32>
    %get3A_2589 = arith.constant 80 : index
    %get3A_2590 = tpu.vector_load %arg6[%get3A_2589] {strides = array<i32>} : memref<320xi32, #tpu.memory_space<vmem>>, vector<16xi32>,
    tpu.vector_store_idx %arg9[%mul3A_2588], %get3A_2590 : memref<640xi32, #tpu.memory_space<vmem>>[vector<16xi32>], vector<16xi32>,
    %add3A_2591 = arith.constant 1 : i32
    %add3A_2592 = vector.broadcast %add3A_2591 : i32 to vector<16xi32>
    %add3A_2593 = arith.addi %mul3A_2588, %add3A_2592 : vector<16xi32>
    %get3A_2594 = arith.constant 80 : index
    %get3A_2595 = tpu.vector_load %arg7[%get3A_2594] {strides = array<i32>} : memref<320xi32, #tpu.memory_space<vmem>>, vector<16xi32>,
    tpu.vector_store_idx %arg9[%add3A_2593], %get3A_2595 : memref<640xi32, #tpu.memory_space<vmem>>[vector<16xi32>], vector<16xi32>,
    %add3A_2596 = arith.constant 96 : i32
    %add3A_2597 = vector.broadcast %add3A_2596 : i32 to vector<16xi32>
    %add3A_2598 = arith.addi %add3A_2597, %iota3A : vector<16xi32>
    %mul3A_2599 = arith.constant 2 : i32
    %mul3A_2600 = vector.broadcast %mul3A_2599 : i32 to vector<16xi32>
    %mul3A_2601 = arith.muli %mul3A_2600, %add3A_2598 : vector<16xi32>
    %get3A_2602 = arith.constant 96 : index
    %get3A_2603 = tpu.vector_load %arg6[%get3A_2602] {strides = array<i32>} : memref<320xi32, #tpu.memory_space<vmem>>, vector<16xi32>,
    tpu.vector_store_idx %arg9[%mul3A_2601], %get3A_2603 : memref<640xi32, #tpu.memory_space<vmem>>[vector<16xi32>], vector<16xi32>,
    %add3A_2604 = arith.constant 1 : i32
    %add3A_2605 = vector.broadcast %add3A_2604 : i32 to vector<16xi32>
    %add3A_2606 = arith.addi %mul3A_2601, %add3A_2605 : vector<16xi32>
    %get3A_2607 = arith.constant 96 : index
    %get3A_2608 = tpu.vector_load %arg7[%get3A_2607] {strides = array<i32>} : memref<320xi32, #tpu.memory_space<vmem>>, vector<16xi32>,
    tpu.vector_store_idx %arg9[%add3A_2606], %get3A_2608 : memref<640xi32, #tpu.memory_space<vmem>>[vector<16xi32>], vector<16xi32>,
    %add3A_2609 = arith.constant 112 : i32
    %add3A_2610 = vector.broadcast %add3A_2609 : i32 to vector<16xi32>
    %add3A_2611 = arith.addi %add3A_2610, %iota3A : vector<16xi32>
    %mul3A_2612 = arith.constant 2 : i32
    %mul3A_2613 = vector.broadcast %mul3A_2612 : i32 to vector<16xi32>
    %mul3A_2614 = arith.muli %mul3A_2613, %add3A_2611 : vector<16xi32>
    %get3A_2615 = arith.constant 112 : index
    %get3A_2616 = tpu.vector_load %arg6[%get3A_2615] {strides = array<i32>} : memref<320xi32, #tpu.memory_space<vmem>>, vector<16xi32>,
    tpu.vector_store_idx %arg9[%mul3A_2614], %get3A_2616 : memref<640xi32, #tpu.memory_space<vmem>>[vector<16xi32>], vector<16xi32>,
    %add3A_2617 = arith.constant 1 : i32
    %add3A_2618 = vector.broadcast %add3A_2617 : i32 to vector<16xi32>
    %add3A_2619 = arith.addi %mul3A_2614, %add3A_2618 : vector<16xi32>
    %get3A_2620 = arith.constant 112 : index
    %get3A_2621 = tpu.vector_load %arg7[%get3A_2620] {strides = array<i32>} : memref<320xi32, #tpu.memory_space<vmem>>, vector<16xi32>,
    tpu.vector_store_idx %arg9[%add3A_2619], %get3A_2621 : memref<640xi32, #tpu.memory_space<vmem>>[vector<16xi32>], vector<16xi32>,
    %add3A_2622 = arith.constant 128 : i32
    %add3A_2623 = vector.broadcast %add3A_2622 : i32 to vector<16xi32>
    %add3A_2624 = arith.addi %add3A_2623, %iota3A : vector<16xi32>
    %mul3A_2625 = arith.constant 2 : i32
    %mul3A_2626 = vector.broadcast %mul3A_2625 : i32 to vector<16xi32>
    %mul3A_2627 = arith.muli %mul3A_2626, %add3A_2624 : vector<16xi32>
    %get3A_2628 = arith.constant 128 : index
    %get3A_2629 = tpu.vector_load %arg6[%get3A_2628] {strides = array<i32>} : memref<320xi32, #tpu.memory_space<vmem>>, vector<16xi32>,
    tpu.vector_store_idx %arg9[%mul3A_2627], %get3A_2629 : memref<640xi32, #tpu.memory_space<vmem>>[vector<16xi32>], vector<16xi32>,
    %add3A_2630 = arith.constant 1 : i32
    %add3A_2631 = vector.broadcast %add3A_2630 : i32 to vector<16xi32>
    %add3A_2632 = arith.addi %mul3A_2627, %add3A_2631 : vector<16xi32>
    %get3A_2633 = arith.constant 128 : index
    %get3A_2634 = tpu.vector_load %arg7[%get3A_2633] {strides = array<i32>} : memref<320xi32, #tpu.memory_space<vmem>>, vector<16xi32>,
    tpu.vector_store_idx %arg9[%add3A_2632], %get3A_2634 : memref<640xi32, #tpu.memory_space<vmem>>[vector<16xi32>], vector<16xi32>,
    %add3A_2635 = arith.constant 144 : i32
    %add3A_2636 = vector.broadcast %add3A_2635 : i32 to vector<16xi32>
    %add3A_2637 = arith.addi %add3A_2636, %iota3A : vector<16xi32>
    %mul3A_2638 = arith.constant 2 : i32
    %mul3A_2639 = vector.broadcast %mul3A_2638 : i32 to vector<16xi32>
    %mul3A_2640 = arith.muli %mul3A_2639, %add3A_2637 : vector<16xi32>
    %get3A_2641 = arith.constant 144 : index
    %get3A_2642 = tpu.vector_load %arg6[%get3A_2641] {strides = array<i32>} : memref<320xi32, #tpu.memory_space<vmem>>, vector<16xi32>,
    tpu.vector_store_idx %arg9[%mul3A_2640], %get3A_2642 : memref<640xi32, #tpu.memory_space<vmem>>[vector<16xi32>], vector<16xi32>,
    %add3A_2643 = arith.constant 1 : i32
    %add3A_2644 = vector.broadcast %add3A_2643 : i32 to vector<16xi32>
    %add3A_2645 = arith.addi %mul3A_2640, %add3A_2644 : vector<16xi32>
    %get3A_2646 = arith.constant 144 : index
    %get3A_2647 = tpu.vector_load %arg7[%get3A_2646] {strides = array<i32>} : memref<320xi32, #tpu.memory_space<vmem>>, vector<16xi32>,
    tpu.vector_store_idx %arg9[%add3A_2645], %get3A_2647 : memref<640xi32, #tpu.memory_space<vmem>>[vector<16xi32>], vector<16xi32>,
    %add3A_2648 = arith.constant 160 : i32
    %add3A_2649 = vector.broadcast %add3A_2648 : i32 to vector<16xi32>
    %add3A_2650 = arith.addi %add3A_2649, %iota3A : vector<16xi32>
    %mul3A_2651 = arith.constant 2 : i32
    %mul3A_2652 = vector.broadcast %mul3A_2651 : i32 to vector<16xi32>
    %mul3A_2653 = arith.muli %mul3A_2652, %add3A_2650 : vector<16xi32>
    %get3A_2654 = arith.constant 160 : index
    %get3A_2655 = tpu.vector_load %arg6[%get3A_2654] {strides = array<i32>} : memref<320xi32, #tpu.memory_space<vmem>>, vector<16xi32>,
    tpu.vector_store_idx %arg9[%mul3A_2653], %get3A_2655 : memref<640xi32, #tpu.memory_space<vmem>>[vector<16xi32>], vector<16xi32>,
    %add3A_2656 = arith.constant 1 : i32
    %add3A_2657 = vector.broadcast %add3A_2656 : i32 to vector<16xi32>
    %add3A_2658 = arith.addi %mul3A_2653, %add3A_2657 : vector<16xi32>
    %get3A_2659 = arith.constant 160 : index
    %get3A_2660 = tpu.vector_load %arg7[%get3A_2659] {strides = array<i32>} : memref<320xi32, #tpu.memory_space<vmem>>, vector<16xi32>,
    tpu.vector_store_idx %arg9[%add3A_2658], %get3A_2660 : memref<640xi32, #tpu.memory_space<vmem>>[vector<16xi32>], vector<16xi32>,
    %add3A_2661 = arith.constant 176 : i32
    %add3A_2662 = vector.broadcast %add3A_2661 : i32 to vector<16xi32>
    %add3A_2663 = arith.addi %add3A_2662, %iota3A : vector<16xi32>
    %mul3A_2664 = arith.constant 2 : i32
    %mul3A_2665 = vector.broadcast %mul3A_2664 : i32 to vector<16xi32>
    %mul3A_2666 = arith.muli %mul3A_2665, %add3A_2663 : vector<16xi32>
    %get3A_2667 = arith.constant 176 : index
    %get3A_2668 = tpu.vector_load %arg6[%get3A_2667] {strides = array<i32>} : memref<320xi32, #tpu.memory_space<vmem>>, vector<16xi32>,
    tpu.vector_store_idx %arg9[%mul3A_2666], %get3A_2668 : memref<640xi32, #tpu.memory_space<vmem>>[vector<16xi32>], vector<16xi32>,
    %add3A_2669 = arith.constant 1 : i32
    %add3A_2670 = vector.broadcast %add3A_2669 : i32 to vector<16xi32>
    %add3A_2671 = arith.addi %mul3A_2666, %add3A_2670 : vector<16xi32>
    %get3A_2672 = arith.constant 176 : index
    %get3A_2673 = tpu.vector_load %arg7[%get3A_2672] {strides = array<i32>} : memref<320xi32, #tpu.memory_space<vmem>>, vector<16xi32>,
    tpu.vector_store_idx %arg9[%add3A_2671], %get3A_2673 : memref<640xi32, #tpu.memory_space<vmem>>[vector<16xi32>], vector<16xi32>,
    %add3A_2674 = arith.constant 192 : i32
    %add3A_2675 = vector.broadcast %add3A_2674 : i32 to vector<16xi32>
    %add3A_2676 = arith.addi %add3A_2675, %iota3A : vector<16xi32>
    %mul3A_2677 = arith.constant 2 : i32
    %mul3A_2678 = vector.broadcast %mul3A_2677 : i32 to vector<16xi32>
    %mul3A_2679 = arith.muli %mul3A_2678, %add3A_2676 : vector<16xi32>
    %get3A_2680 = arith.constant 192 : index
    %get3A_2681 = tpu.vector_load %arg6[%get3A_2680] {strides = array<i32>} : memref<320xi32, #tpu.memory_space<vmem>>, vector<16xi32>,
    tpu.vector_store_idx %arg9[%mul3A_2679], %get3A_2681 : memref<640xi32, #tpu.memory_space<vmem>>[vector<16xi32>], vector<16xi32>,
    %add3A_2682 = arith.constant 1 : i32
    %add3A_2683 = vector.broadcast %add3A_2682 : i32 to vector<16xi32>
    %add3A_2684 = arith.addi %mul3A_2679, %add3A_2683 : vector<16xi32>
    %get3A_2685 = arith.constant 192 : index
    %get3A_2686 = tpu.vector_load %arg7[%get3A_2685] {strides = array<i32>} : memref<320xi32, #tpu.memory_space<vmem>>, vector<16xi32>,
    tpu.vector_store_idx %arg9[%add3A_2684], %get3A_2686 : memref<640xi32, #tpu.memory_space<vmem>>[vector<16xi32>], vector<16xi32>,
    %add3A_2687 = arith.constant 208 : i32
    %add3A_2688 = vector.broadcast %add3A_2687 : i32 to vector<16xi32>
    %add3A_2689 = arith.addi %add3A_2688, %iota3A : vector<16xi32>
    %mul3A_2690 = arith.constant 2 : i32
    %mul3A_2691 = vector.broadcast %mul3A_2690 : i32 to vector<16xi32>
    %mul3A_2692 = arith.muli %mul3A_2691, %add3A_2689 : vector<16xi32>
    %get3A_2693 = arith.constant 208 : index
    %get3A_2694 = tpu.vector_load %arg6[%get3A_2693] {strides = array<i32>} : memref<320xi32, #tpu.memory_space<vmem>>, vector<16xi32>,
    tpu.vector_store_idx %arg9[%mul3A_2692], %get3A_2694 : memref<640xi32, #tpu.memory_space<vmem>>[vector<16xi32>], vector<16xi32>,
    %add3A_2695 = arith.constant 1 : i32
    %add3A_2696 = vector.broadcast %add3A_2695 : i32 to vector<16xi32>
    %add3A_2697 = arith.addi %mul3A_2692, %add3A_2696 : vector<16xi32>
    %get3A_2698 = arith.constant 208 : index
    %get3A_2699 = tpu.vector_load %arg7[%get3A_2698] {strides = array<i32>} : memref<320xi32, #tpu.memory_space<vmem>>, vector<16xi32>,
    tpu.vector_store_idx %arg9[%add3A_2697], %get3A_2699 : memref<640xi32, #tpu.memory_space<vmem>>[vector<16xi32>], vector<16xi32>,
    %add3A_2700 = arith.constant 224 : i32
    %add3A_2701 = vector.broadcast %add3A_2700 : i32 to vector<16xi32>
    %add3A_2702 = arith.addi %add3A_2701, %iota3A : vector<16xi32>
    %mul3A_2703 = arith.constant 2 : i32
    %mul3A_2704 = vector.broadcast %mul3A_2703 : i32 to vector<16xi32>
    %mul3A_2705 = arith.muli %mul3A_2704, %add3A_2702 : vector<16xi32>
    %get3A_2706 = arith.constant 224 : index
    %get3A_2707 = tpu.vector_load %arg6[%get3A_2706] {strides = array<i32>} : memref<320xi32, #tpu.memory_space<vmem>>, vector<16xi32>,
    tpu.vector_store_idx %arg9[%mul3A_2705], %get3A_2707 : memref<640xi32, #tpu.memory_space<vmem>>[vector<16xi32>], vector<16xi32>,
    %add3A_2708 = arith.constant 1 : i32
    %add3A_2709 = vector.broadcast %add3A_2708 : i32 to vector<16xi32>
    %add3A_2710 = arith.addi %mul3A_2705, %add3A_2709 : vector<16xi32>
    %get3A_2711 = arith.constant 224 : index
    %get3A_2712 = tpu.vector_load %arg7[%get3A_2711] {strides = array<i32>} : memref<320xi32, #tpu.memory_space<vmem>>, vector<16xi32>,
    tpu.vector_store_idx %arg9[%add3A_2710], %get3A_2712 : memref<640xi32, #tpu.memory_space<vmem>>[vector<16xi32>], vector<16xi32>,
    %add3A_2713 = arith.constant 240 : i32
    %add3A_2714 = vector.broadcast %add3A_2713 : i32 to vector<16xi32>
    %add3A_2715 = arith.addi %add3A_2714, %iota3A : vector<16xi32>
    %mul3A_2716 = arith.constant 2 : i32
    %mul3A_2717 = vector.broadcast %mul3A_2716 : i32 to vector<16xi32>
    %mul3A_2718 = arith.muli %mul3A_2717, %add3A_2715 : vector<16xi32>
    %get3A_2719 = arith.constant 240 : index
    %get3A_2720 = tpu.vector_load %arg6[%get3A_2719] {strides = array<i32>} : memref<320xi32, #tpu.memory_space<vmem>>, vector<16xi32>,
    tpu.vector_store_idx %arg9[%mul3A_2718], %get3A_2720 : memref<640xi32, #tpu.memory_space<vmem>>[vector<16xi32>], vector<16xi32>,
    %add3A_2721 = arith.constant 1 : i32
    %add3A_2722 = vector.broadcast %add3A_2721 : i32 to vector<16xi32>
    %add3A_2723 = arith.addi %mul3A_2718, %add3A_2722 : vector<16xi32>
    %get3A_2724 = arith.constant 240 : index
    %get3A_2725 = tpu.vector_load %arg7[%get3A_2724] {strides = array<i32>} : memref<320xi32, #tpu.memory_space<vmem>>, vector<16xi32>,
    tpu.vector_store_idx %arg9[%add3A_2723], %get3A_2725 : memref<640xi32, #tpu.memory_space<vmem>>[vector<16xi32>], vector<16xi32>,
    %add3A_2726 = arith.constant 256 : i32
    %add3A_2727 = vector.broadcast %add3A_2726 : i32 to vector<16xi32>
    %add3A_2728 = arith.addi %add3A_2727, %iota3A : vector<16xi32>
    %mul3A_2729 = arith.constant 2 : i32
    %mul3A_2730 = vector.broadcast %mul3A_2729 : i32 to vector<16xi32>
    %mul3A_2731 = arith.muli %mul3A_2730, %add3A_2728 : vector<16xi32>
    %get3A_2732 = arith.constant 256 : index
    %get3A_2733 = tpu.vector_load %arg6[%get3A_2732] {strides = array<i32>} : memref<320xi32, #tpu.memory_space<vmem>>, vector<16xi32>,
    tpu.vector_store_idx %arg9[%mul3A_2731], %get3A_2733 : memref<640xi32, #tpu.memory_space<vmem>>[vector<16xi32>], vector<16xi32>,
    %add3A_2734 = arith.constant 1 : i32
    %add3A_2735 = vector.broadcast %add3A_2734 : i32 to vector<16xi32>
    %add3A_2736 = arith.addi %mul3A_2731, %add3A_2735 : vector<16xi32>
    %get3A_2737 = arith.constant 256 : index
    %get3A_2738 = tpu.vector_load %arg7[%get3A_2737] {strides = array<i32>} : memref<320xi32, #tpu.memory_space<vmem>>, vector<16xi32>,
    tpu.vector_store_idx %arg9[%add3A_2736], %get3A_2738 : memref<640xi32, #tpu.memory_space<vmem>>[vector<16xi32>], vector<16xi32>,
    %add3A_2739 = arith.constant 272 : i32
    %add3A_2740 = vector.broadcast %add3A_2739 : i32 to vector<16xi32>
    %add3A_2741 = arith.addi %add3A_2740, %iota3A : vector<16xi32>
    %mul3A_2742 = arith.constant 2 : i32
    %mul3A_2743 = vector.broadcast %mul3A_2742 : i32 to vector<16xi32>
    %mul3A_2744 = arith.muli %mul3A_2743, %add3A_2741 : vector<16xi32>
    %get3A_2745 = arith.constant 272 : index
    %get3A_2746 = tpu.vector_load %arg6[%get3A_2745] {strides = array<i32>} : memref<320xi32, #tpu.memory_space<vmem>>, vector<16xi32>,
    tpu.vector_store_idx %arg9[%mul3A_2744], %get3A_2746 : memref<640xi32, #tpu.memory_space<vmem>>[vector<16xi32>], vector<16xi32>,
    %add3A_2747 = arith.constant 1 : i32
    %add3A_2748 = vector.broadcast %add3A_2747 : i32 to vector<16xi32>
    %add3A_2749 = arith.addi %mul3A_2744, %add3A_2748 : vector<16xi32>
    %get3A_2750 = arith.constant 272 : index
    %get3A_2751 = tpu.vector_load %arg7[%get3A_2750] {strides = array<i32>} : memref<320xi32, #tpu.memory_space<vmem>>, vector<16xi32>,
    tpu.vector_store_idx %arg9[%add3A_2749], %get3A_2751 : memref<640xi32, #tpu.memory_space<vmem>>[vector<16xi32>], vector<16xi32>,
    %add3A_2752 = arith.constant 288 : i32
    %add3A_2753 = vector.broadcast %add3A_2752 : i32 to vector<16xi32>
    %add3A_2754 = arith.addi %add3A_2753, %iota3A : vector<16xi32>
    %mul3A_2755 = arith.constant 2 : i32
    %mul3A_2756 = vector.broadcast %mul3A_2755 : i32 to vector<16xi32>
    %mul3A_2757 = arith.muli %mul3A_2756, %add3A_2754 : vector<16xi32>
    %get3A_2758 = arith.constant 288 : index
    %get3A_2759 = tpu.vector_load %arg6[%get3A_2758] {strides = array<i32>} : memref<320xi32, #tpu.memory_space<vmem>>, vector<16xi32>,
    tpu.vector_store_idx %arg9[%mul3A_2757], %get3A_2759 : memref<640xi32, #tpu.memory_space<vmem>>[vector<16xi32>], vector<16xi32>,
    %add3A_2760 = arith.constant 1 : i32
    %add3A_2761 = vector.broadcast %add3A_2760 : i32 to vector<16xi32>
    %add3A_2762 = arith.addi %mul3A_2757, %add3A_2761 : vector<16xi32>
    %get3A_2763 = arith.constant 288 : index
    %get3A_2764 = tpu.vector_load %arg7[%get3A_2763] {strides = array<i32>} : memref<320xi32, #tpu.memory_space<vmem>>, vector<16xi32>,
    tpu.vector_store_idx %arg9[%add3A_2762], %get3A_2764 : memref<640xi32, #tpu.memory_space<vmem>>[vector<16xi32>], vector<16xi32>,
    %add3A_2765 = arith.constant 304 : i32
    %add3A_2766 = vector.broadcast %add3A_2765 : i32 to vector<16xi32>
    %add3A_2767 = arith.addi %add3A_2766, %iota3A : vector<16xi32>
    %mul3A_2768 = arith.constant 2 : i32
    %mul3A_2769 = vector.broadcast %mul3A_2768 : i32 to vector<16xi32>
    %mul3A_2770 = arith.muli %mul3A_2769, %add3A_2767 : vector<16xi32>
    %get3A_2771 = arith.constant 304 : index
    %get3A_2772 = tpu.vector_load %arg6[%get3A_2771] {strides = array<i32>} : memref<320xi32, #tpu.memory_space<vmem>>, vector<16xi32>,
    tpu.vector_store_idx %arg9[%mul3A_2770], %get3A_2772 : memref<640xi32, #tpu.memory_space<vmem>>[vector<16xi32>], vector<16xi32>,
    %add3A_2773 = arith.constant 1 : i32
    %add3A_2774 = vector.broadcast %add3A_2773 : i32 to vector<16xi32>
    %add3A_2775 = arith.addi %mul3A_2770, %add3A_2774 : vector<16xi32>
    %get3A_2776 = arith.constant 304 : index
    %get3A_2777 = tpu.vector_load %arg7[%get3A_2776] {strides = array<i32>} : memref<320xi32, #tpu.memory_space<vmem>>, vector<16xi32>,
    tpu.vector_store_idx %arg9[%add3A_2775], %get3A_2777 : memref<640xi32, #tpu.memory_space<vmem>>[vector<16xi32>], vector<16xi32>,
    %dma_wait3A_2778 = arith.constant 0 : i32
    %dma_wait3A_2779 = tpu.memref_slice %arg5[%add3A_1953, %dma_wait3A_2778] : memref<204800x64xi32, #tpu.memory_space<hbm>> -> memref<640x64xi32, #tpu.memory_space<hbm>>
    %dma_wait3A_2780 = arith.constant 0 : i32
    %dma_wait3A_2781 = tpu.memref_slice %arg5[%add3A_1953, %dma_wait3A_2780] : memref<204800x64xi32, #tpu.memory_space<hbm>> -> memref<640x64xi32, #tpu.memory_space<hbm>>
    tpu.wait_dma2 semaphore(%arg13 : memref<!tpu.dma_semaphore, #tpu.memory_space<semaphore_mem>>) src(%arg11 : memref<640x64xi32, #tpu.memory_space<vmem>>) dst(%dma_wait3A_2781 : memref<640x64xi32, #tpu.memory_space<hbm>>)
    %dma_start3A_2782 = arith.constant 0 : i32
    %dma_start3A_2783 = arith.constant 0 : i32
    %dma_start3A_2784 = tpu.memref_slice %arg2[%dma_start3A_2782, %dma_start3A_2783] : memref<512000x64xi32, #tpu.memory_space<hbm>> -> memref<512000x64xi32, #tpu.memory_space<hbm>>
    tpu.enqueue_indirect_dma source(%dma_start3A_2784 : memref<512000x64xi32, #tpu.memory_space<hbm>>) target(%arg11 : memref<640x64xi32, #tpu.memory_space<vmem>>) offsets(%arg9 : memref<640xi32, #tpu.memory_space<vmem>>) semaphore(%arg12 : memref<!tpu.dma_semaphore, #tpu.memory_space<semaphore_mem>>)
    %dma_wait3A_2785 = arith.constant 0 : i32
    %dma_wait3A_2786 = arith.constant 0 : i32
    %dma_wait3A_2787 = tpu.memref_slice %arg2[%dma_wait3A_2785, %dma_wait3A_2786] : memref<512000x64xi32, #tpu.memory_space<hbm>> -> memref<512000x64xi32, #tpu.memory_space<hbm>>
    tpu.wait_indirect_dma semaphore(%arg12 : memref<!tpu.dma_semaphore, #tpu.memory_space<semaphore_mem>>) src(%dma_wait3A_2787 : memref<512000x64xi32, #tpu.memory_space<hbm>>) dst(%arg11 : memref<640x64xi32, #tpu.memory_space<vmem>>)
    %dma_start3A_2788 = arith.constant 0 : i32
    %dma_start3A_2789 = tpu.memref_slice %arg5[%add3A_2513, %dma_start3A_2788] : memref<204800x64xi32, #tpu.memory_space<hbm>> -> memref<640x64xi32, #tpu.memory_space<hbm>>
    %dma_start3A_2790 = arith.constant 0 : i32
    %dma_start3A_2791 = tpu.memref_slice %arg5[%add3A_2513, %dma_start3A_2790] : memref<204800x64xi32, #tpu.memory_space<hbm>> -> memref<640x64xi32, #tpu.memory_space<hbm>>
    tpu.enqueue_dma source(%arg11 : memref<640x64xi32, #tpu.memory_space<vmem>>) target(%dma_start3A_2791 : memref<640x64xi32, #tpu.memory_space<hbm>>) target_semaphore(%arg13 : memref<!tpu.dma_semaphore, #tpu.memory_space<semaphore_mem>>)
    %dma_wait3A_2792 = arith.constant 0 : i32
    %dma_wait3A_2793 = tpu.memref_slice %arg5[%add3A_2233, %dma_wait3A_2792] : memref<204800x64xi32, #tpu.memory_space<hbm>> -> memref<640x64xi32, #tpu.memory_space<hbm>>
    %dma_wait3A_2794 = arith.constant 0 : i32
    %dma_wait3A_2795 = tpu.memref_slice %arg5[%add3A_2233, %dma_wait3A_2794] : memref<204800x64xi32, #tpu.memory_space<hbm>> -> memref<640x64xi32, #tpu.memory_space<hbm>>
    tpu.wait_dma2 semaphore(%arg13 : memref<!tpu.dma_semaphore, #tpu.memory_space<semaphore_mem>>) src(%arg10 : memref<640x64xi32, #tpu.memory_space<vmem>>) dst(%dma_wait3A_2795 : memref<640x64xi32, #tpu.memory_space<hbm>>)
    %dma_wait3A_2796 = arith.constant 0 : i32
    %dma_wait3A_2797 = tpu.memref_slice %arg5[%add3A_2513, %dma_wait3A_2796] : memref<204800x64xi32, #tpu.memory_space<hbm>> -> memref<640x64xi32, #tpu.memory_space<hbm>>
    %dma_wait3A_2798 = arith.constant 0 : i32
    %dma_wait3A_2799 = tpu.memref_slice %arg5[%add3A_2513, %dma_wait3A_2798] : memref<204800x64xi32, #tpu.memory_space<hbm>> -> memref<640x64xi32, #tpu.memory_space<hbm>>
    tpu.wait_dma2 semaphore(%arg13 : memref<!tpu.dma_semaphore, #tpu.memory_space<semaphore_mem>>) src(%arg11 : memref<640x64xi32, #tpu.memory_space<vmem>>) dst(%dma_wait3A_2799 : memref<640x64xi32, #tpu.memory_space<hbm>>)
    return
  }
}

module attributes {stable_mosaic.version = 14 : i64} {
  func.func @_table_g_body(%arg0: i32, %arg1: memref<64x5120xf32, #tpu.memory_space<vmem>>, %arg2: memref<64x5120xf32, #tpu.memory_space<vmem>>, %arg3: memref<64x5120xf32, #tpu.memory_space<vmem>>, %arg4: memref<64x5120xf32, #tpu.memory_space<vmem>>, %arg5: memref<64x64xf32, #tpu.memory_space<vmem>>, %arg6: memref<1x64xf32, #tpu.memory_space<vmem>>, %arg7: memref<5120x128xi32, #tpu.memory_space<vmem>>) attributes {dimension_semantics = [#tpu.dimension_semantics<arbitrary>], iteration_bounds = array<i64: 50>, scalar_prefetch = 0 : i64, scratch_operands = 0 : i64, tpu.core_type = #tpu.core_type<tc>, window_params = [{transform_indices = @transform_0, window_bounds = array<i64: 64, 5120>}, {transform_indices = @transform_1, window_bounds = array<i64: 64, 5120>}, {transform_indices = @transform_2, window_bounds = array<i64: 64, 5120>}, {transform_indices = @transform_3, window_bounds = array<i64: 64, 5120>}, {pipeline_mode = #tpu.pipeline_mode<synchronous>, transform_indices = @transform_4, window_bounds = array<i64: 64, 64>}, {pipeline_mode = #tpu.pipeline_mode<synchronous>, transform_indices = @transform_5, window_bounds = array<i64: 1, 64>}, {transform_indices = @transform_6, window_bounds = array<i64: 5120, 128>}]} {
    %get3A = arith.constant 0 : index
    %get3A_0 = arith.constant 0 : index
    %get3A_1 = vector.load %arg5[%get3A, %get3A_0] : memref<64x64xf32, #tpu.memory_space<vmem>>, vector<64x64xf32>
    %get3A_2 = arith.constant 0 : index
    %get3A_3 = arith.constant 0 : index
    %get3A_4 = vector.load %arg6[%get3A_2, %get3A_3] : memref<1x64xf32, #tpu.memory_space<vmem>>, vector<1x64xf32>
    %get3A_5 = arith.constant 0 : index
    %get3A_6 = arith.constant 0 : index
    %get3A_7 = vector.load %arg1[%get3A_5, %get3A_6] : memref<64x5120xf32, #tpu.memory_space<vmem>>, vector<64x5120xf32>
    %reduce_sum3A = arith.constant dense<0.000000e+00> : vector<5120xf32>
    %reduce_sum3A_8 = vector.multi_reduction <add>, %get3A_7, %reduce_sum3A [0] : vector<64x5120xf32> to vector<5120xf32>
    %broadcast_in_dim3A = vector.shape_cast %reduce_sum3A_8 : vector<5120xf32> to vector<1x5120xf32>
    %div3A = arith.constant 6.400000e+01 : f32
    %div3A_9 = vector.broadcast %div3A : f32 to vector<1x5120xf32>
    %div3A_10 = arith.divf %broadcast_in_dim3A, %div3A_9 : vector<1x5120xf32>
    %sub3A = vector.broadcast %div3A_10 : vector<1x5120xf32> to vector<64x5120xf32>
    %sub3A_11 = arith.subf %get3A_7, %sub3A : vector<64x5120xf32>
    %mul3A = arith.mulf %sub3A_11, %sub3A_11 : vector<64x5120xf32>
    %reduce_sum3A_12 = arith.constant dense<0.000000e+00> : vector<5120xf32>
    %reduce_sum3A_13 = vector.multi_reduction <add>, %mul3A, %reduce_sum3A_12 [0] : vector<64x5120xf32> to vector<5120xf32>
    %broadcast_in_dim3A_14 = vector.shape_cast %reduce_sum3A_13 : vector<5120xf32> to vector<1x5120xf32>
    %div3A_15 = arith.constant 6.400000e+01 : f32
    %div3A_16 = vector.broadcast %div3A_15 : f32 to vector<1x5120xf32>
    %div3A_17 = arith.divf %broadcast_in_dim3A_14, %div3A_16 : vector<1x5120xf32>
    %add3A = arith.constant 9.99999996E-13 : f32
    %add3A_18 = vector.broadcast %add3A : f32 to vector<1x5120xf32>
    %add3A_19 = arith.addf %div3A_17, %add3A_18 : vector<1x5120xf32>
    %rsqrt3A = math.rsqrt %add3A_19 : vector<1x5120xf32>
    %mul3A_20 = vector.broadcast %rsqrt3A : vector<1x5120xf32> to vector<64x5120xf32>
    %mul3A_21 = arith.mulf %sub3A_11, %mul3A_20 : vector<64x5120xf32>
    %dot_general3A = arith.constant dense<0.000000e+00> : vector<5120x64xf32>
    %dot_general3A_22 = tpu.matmul %mul3A_21, %get3A_1, %dot_general3A {dimension_numbers = #tpu.dot_dimension_numbers<[0], [1], [1], [0], [0, 1, 1, 0], [], []>, transpose_lhs_hint = true} : vector<64x5120xf32>, vector<64x64xf32>, vector<5120x64xf32> -> vector<5120x64xf32>
    %add3A_23 = vector.broadcast %get3A_4 : vector<1x64xf32> to vector<5120x64xf32>
    %add3A_24 = arith.addf %dot_general3A_22, %add3A_23 : vector<5120x64xf32>
    %bitcast_convert_type3A = tpu.bitcast %add3A_24 : vector<5120x64xf32> -> vector<5120x64xi32>
    %add3A_25 = arith.constant 32767 : i32
    %add3A_26 = vector.broadcast %add3A_25 : i32 to vector<5120x64xi32>
    %add3A_27 = arith.addi %bitcast_convert_type3A, %add3A_26 : vector<5120x64xi32>
    %shift_right_arithmetic3A = arith.constant 16 : i32
    %shift_right_arithmetic3A_28 = vector.broadcast %shift_right_arithmetic3A : i32 to vector<5120x64xi32>
    %shift_right_arithmetic3A_29 = arith.shrsi %bitcast_convert_type3A, %shift_right_arithmetic3A_28 : vector<5120x64xi32>
    %and3A = arith.constant 1 : i32
    %and3A_30 = vector.broadcast %and3A : i32 to vector<5120x64xi32>
    %and3A_31 = arith.andi %shift_right_arithmetic3A_29, %and3A_30 : vector<5120x64xi32>
    %add3A_32 = arith.addi %add3A_27, %and3A_31 : vector<5120x64xi32>
    %shift_right_arithmetic3A_33 = arith.constant 16 : i32
    %shift_right_arithmetic3A_34 = vector.broadcast %shift_right_arithmetic3A_33 : i32 to vector<5120x64xi32>
    %shift_right_arithmetic3A_35 = arith.shrsi %add3A_32, %shift_right_arithmetic3A_34 : vector<5120x64xi32>
    %and3A_36 = arith.constant 65535 : i32
    %and3A_37 = vector.broadcast %and3A_36 : i32 to vector<5120x64xi32>
    %and3A_38 = arith.andi %shift_right_arithmetic3A_35, %and3A_37 : vector<5120x64xi32>
    %get3A_39 = arith.constant 0 : index
    %get3A_40 = arith.constant 0 : index
    %get3A_41 = vector.load %arg3[%get3A_39, %get3A_40] : memref<64x5120xf32, #tpu.memory_space<vmem>>, vector<64x5120xf32>
    %reduce_sum3A_42 = arith.constant dense<0.000000e+00> : vector<5120xf32>
    %reduce_sum3A_43 = vector.multi_reduction <add>, %get3A_41, %reduce_sum3A_42 [0] : vector<64x5120xf32> to vector<5120xf32>
    %broadcast_in_dim3A_44 = vector.shape_cast %reduce_sum3A_43 : vector<5120xf32> to vector<1x5120xf32>
    %div3A_45 = arith.constant 6.400000e+01 : f32
    %div3A_46 = vector.broadcast %div3A_45 : f32 to vector<1x5120xf32>
    %div3A_47 = arith.divf %broadcast_in_dim3A_44, %div3A_46 : vector<1x5120xf32>
    %sub3A_48 = vector.broadcast %div3A_47 : vector<1x5120xf32> to vector<64x5120xf32>
    %sub3A_49 = arith.subf %get3A_41, %sub3A_48 : vector<64x5120xf32>
    %mul3A_50 = arith.mulf %sub3A_49, %sub3A_49 : vector<64x5120xf32>
    %reduce_sum3A_51 = arith.constant dense<0.000000e+00> : vector<5120xf32>
    %reduce_sum3A_52 = vector.multi_reduction <add>, %mul3A_50, %reduce_sum3A_51 [0] : vector<64x5120xf32> to vector<5120xf32>
    %broadcast_in_dim3A_53 = vector.shape_cast %reduce_sum3A_52 : vector<5120xf32> to vector<1x5120xf32>
    %div3A_54 = arith.constant 6.400000e+01 : f32
    %div3A_55 = vector.broadcast %div3A_54 : f32 to vector<1x5120xf32>
    %div3A_56 = arith.divf %broadcast_in_dim3A_53, %div3A_55 : vector<1x5120xf32>
    %add3A_57 = arith.constant 9.99999996E-13 : f32
    %add3A_58 = vector.broadcast %add3A_57 : f32 to vector<1x5120xf32>
    %add3A_59 = arith.addf %div3A_56, %add3A_58 : vector<1x5120xf32>
    %rsqrt3A_60 = math.rsqrt %add3A_59 : vector<1x5120xf32>
    %mul3A_61 = vector.broadcast %rsqrt3A_60 : vector<1x5120xf32> to vector<64x5120xf32>
    %mul3A_62 = arith.mulf %sub3A_49, %mul3A_61 : vector<64x5120xf32>
    %dot_general3A_63 = arith.constant dense<0.000000e+00> : vector<5120x64xf32>
    %dot_general3A_64 = tpu.matmul %mul3A_62, %get3A_1, %dot_general3A_63 {dimension_numbers = #tpu.dot_dimension_numbers<[0], [1], [1], [0], [0, 1, 1, 0], [], []>, transpose_lhs_hint = true} : vector<64x5120xf32>, vector<64x64xf32>, vector<5120x64xf32> -> vector<5120x64xf32>
    %add3A_65 = vector.broadcast %get3A_4 : vector<1x64xf32> to vector<5120x64xf32>
    %add3A_66 = arith.addf %dot_general3A_64, %add3A_65 : vector<5120x64xf32>
    %bitcast_convert_type3A_67 = tpu.bitcast %add3A_66 : vector<5120x64xf32> -> vector<5120x64xi32>
    %add3A_68 = arith.constant 32767 : i32
    %add3A_69 = vector.broadcast %add3A_68 : i32 to vector<5120x64xi32>
    %add3A_70 = arith.addi %bitcast_convert_type3A_67, %add3A_69 : vector<5120x64xi32>
    %shift_right_arithmetic3A_71 = arith.constant 16 : i32
    %shift_right_arithmetic3A_72 = vector.broadcast %shift_right_arithmetic3A_71 : i32 to vector<5120x64xi32>
    %shift_right_arithmetic3A_73 = arith.shrsi %bitcast_convert_type3A_67, %shift_right_arithmetic3A_72 : vector<5120x64xi32>
    %and3A_74 = arith.constant 1 : i32
    %and3A_75 = vector.broadcast %and3A_74 : i32 to vector<5120x64xi32>
    %and3A_76 = arith.andi %shift_right_arithmetic3A_73, %and3A_75 : vector<5120x64xi32>
    %add3A_77 = arith.addi %add3A_70, %and3A_76 : vector<5120x64xi32>
    %shift_right_arithmetic3A_78 = arith.constant 16 : i32
    %shift_right_arithmetic3A_79 = vector.broadcast %shift_right_arithmetic3A_78 : i32 to vector<5120x64xi32>
    %shift_right_arithmetic3A_80 = arith.shrsi %add3A_77, %shift_right_arithmetic3A_79 : vector<5120x64xi32>
    %and3A_81 = arith.constant 65535 : i32
    %and3A_82 = vector.broadcast %and3A_81 : i32 to vector<5120x64xi32>
    %and3A_83 = arith.andi %shift_right_arithmetic3A_80, %and3A_82 : vector<5120x64xi32>
    %shift_left3A = arith.constant 16 : i32
    %shift_left3A_84 = vector.broadcast %shift_left3A : i32 to vector<5120x64xi32>
    %shift_left3A_85 = arith.shli %and3A_83, %shift_left3A_84 : vector<5120x64xi32>
    %or3A = arith.ori %and3A_38, %shift_left3A_85 : vector<5120x64xi32>
    %swap3A = arith.constant 0 : index
    %swap3A_86 = arith.constant 0 : index
    %swap3A_87 = vector.load %arg7[%swap3A, %swap3A_86] : memref<5120x128xi32, #tpu.memory_space<vmem>>, vector<5120x64xi32>
    tpu.vector_store %arg7[%swap3A, %swap3A_86], %or3A {strides = array<i32>} : memref<5120x128xi32, #tpu.memory_space<vmem>>, vector<5120x64xi32>,
    %get3A_88 = arith.constant 0 : index
    %get3A_89 = arith.constant 0 : index
    %get3A_90 = vector.load %arg2[%get3A_88, %get3A_89] : memref<64x5120xf32, #tpu.memory_space<vmem>>, vector<64x5120xf32>
    %reduce_sum3A_91 = arith.constant dense<0.000000e+00> : vector<5120xf32>
    %reduce_sum3A_92 = vector.multi_reduction <add>, %get3A_90, %reduce_sum3A_91 [0] : vector<64x5120xf32> to vector<5120xf32>
    %broadcast_in_dim3A_93 = vector.shape_cast %reduce_sum3A_92 : vector<5120xf32> to vector<1x5120xf32>
    %div3A_94 = arith.constant 6.400000e+01 : f32
    %div3A_95 = vector.broadcast %div3A_94 : f32 to vector<1x5120xf32>
    %div3A_96 = arith.divf %broadcast_in_dim3A_93, %div3A_95 : vector<1x5120xf32>
    %sub3A_97 = vector.broadcast %div3A_96 : vector<1x5120xf32> to vector<64x5120xf32>
    %sub3A_98 = arith.subf %get3A_90, %sub3A_97 : vector<64x5120xf32>
    %mul3A_99 = arith.mulf %sub3A_98, %sub3A_98 : vector<64x5120xf32>
    %reduce_sum3A_100 = arith.constant dense<0.000000e+00> : vector<5120xf32>
    %reduce_sum3A_101 = vector.multi_reduction <add>, %mul3A_99, %reduce_sum3A_100 [0] : vector<64x5120xf32> to vector<5120xf32>
    %broadcast_in_dim3A_102 = vector.shape_cast %reduce_sum3A_101 : vector<5120xf32> to vector<1x5120xf32>
    %div3A_103 = arith.constant 6.400000e+01 : f32
    %div3A_104 = vector.broadcast %div3A_103 : f32 to vector<1x5120xf32>
    %div3A_105 = arith.divf %broadcast_in_dim3A_102, %div3A_104 : vector<1x5120xf32>
    %add3A_106 = arith.constant 9.99999996E-13 : f32
    %add3A_107 = vector.broadcast %add3A_106 : f32 to vector<1x5120xf32>
    %add3A_108 = arith.addf %div3A_105, %add3A_107 : vector<1x5120xf32>
    %rsqrt3A_109 = math.rsqrt %add3A_108 : vector<1x5120xf32>
    %mul3A_110 = vector.broadcast %rsqrt3A_109 : vector<1x5120xf32> to vector<64x5120xf32>
    %mul3A_111 = arith.mulf %sub3A_98, %mul3A_110 : vector<64x5120xf32>
    %dot_general3A_112 = arith.constant dense<0.000000e+00> : vector<5120x64xf32>
    %dot_general3A_113 = tpu.matmul %mul3A_111, %get3A_1, %dot_general3A_112 {dimension_numbers = #tpu.dot_dimension_numbers<[0], [1], [1], [0], [0, 1, 1, 0], [], []>, transpose_lhs_hint = true} : vector<64x5120xf32>, vector<64x64xf32>, vector<5120x64xf32> -> vector<5120x64xf32>
    %add3A_114 = vector.broadcast %get3A_4 : vector<1x64xf32> to vector<5120x64xf32>
    %add3A_115 = arith.addf %dot_general3A_113, %add3A_114 : vector<5120x64xf32>
    %bitcast_convert_type3A_116 = tpu.bitcast %add3A_115 : vector<5120x64xf32> -> vector<5120x64xi32>
    %add3A_117 = arith.constant 32767 : i32
    %add3A_118 = vector.broadcast %add3A_117 : i32 to vector<5120x64xi32>
    %add3A_119 = arith.addi %bitcast_convert_type3A_116, %add3A_118 : vector<5120x64xi32>
    %shift_right_arithmetic3A_120 = arith.constant 16 : i32
    %shift_right_arithmetic3A_121 = vector.broadcast %shift_right_arithmetic3A_120 : i32 to vector<5120x64xi32>
    %shift_right_arithmetic3A_122 = arith.shrsi %bitcast_convert_type3A_116, %shift_right_arithmetic3A_121 : vector<5120x64xi32>
    %and3A_123 = arith.constant 1 : i32
    %and3A_124 = vector.broadcast %and3A_123 : i32 to vector<5120x64xi32>
    %and3A_125 = arith.andi %shift_right_arithmetic3A_122, %and3A_124 : vector<5120x64xi32>
    %add3A_126 = arith.addi %add3A_119, %and3A_125 : vector<5120x64xi32>
    %shift_right_arithmetic3A_127 = arith.constant 16 : i32
    %shift_right_arithmetic3A_128 = vector.broadcast %shift_right_arithmetic3A_127 : i32 to vector<5120x64xi32>
    %shift_right_arithmetic3A_129 = arith.shrsi %add3A_126, %shift_right_arithmetic3A_128 : vector<5120x64xi32>
    %and3A_130 = arith.constant 65535 : i32
    %and3A_131 = vector.broadcast %and3A_130 : i32 to vector<5120x64xi32>
    %and3A_132 = arith.andi %shift_right_arithmetic3A_129, %and3A_131 : vector<5120x64xi32>
    %get3A_133 = arith.constant 0 : index
    %get3A_134 = arith.constant 0 : index
    %get3A_135 = vector.load %arg4[%get3A_133, %get3A_134] : memref<64x5120xf32, #tpu.memory_space<vmem>>, vector<64x5120xf32>
    %reduce_sum3A_136 = arith.constant dense<0.000000e+00> : vector<5120xf32>
    %reduce_sum3A_137 = vector.multi_reduction <add>, %get3A_135, %reduce_sum3A_136 [0] : vector<64x5120xf32> to vector<5120xf32>
    %broadcast_in_dim3A_138 = vector.shape_cast %reduce_sum3A_137 : vector<5120xf32> to vector<1x5120xf32>
    %div3A_139 = arith.constant 6.400000e+01 : f32
    %div3A_140 = vector.broadcast %div3A_139 : f32 to vector<1x5120xf32>
    %div3A_141 = arith.divf %broadcast_in_dim3A_138, %div3A_140 : vector<1x5120xf32>
    %sub3A_142 = vector.broadcast %div3A_141 : vector<1x5120xf32> to vector<64x5120xf32>
    %sub3A_143 = arith.subf %get3A_135, %sub3A_142 : vector<64x5120xf32>
    %mul3A_144 = arith.mulf %sub3A_143, %sub3A_143 : vector<64x5120xf32>
    %reduce_sum3A_145 = arith.constant dense<0.000000e+00> : vector<5120xf32>
    %reduce_sum3A_146 = vector.multi_reduction <add>, %mul3A_144, %reduce_sum3A_145 [0] : vector<64x5120xf32> to vector<5120xf32>
    %broadcast_in_dim3A_147 = vector.shape_cast %reduce_sum3A_146 : vector<5120xf32> to vector<1x5120xf32>
    %div3A_148 = arith.constant 6.400000e+01 : f32
    %div3A_149 = vector.broadcast %div3A_148 : f32 to vector<1x5120xf32>
    %div3A_150 = arith.divf %broadcast_in_dim3A_147, %div3A_149 : vector<1x5120xf32>
    %add3A_151 = arith.constant 9.99999996E-13 : f32
    %add3A_152 = vector.broadcast %add3A_151 : f32 to vector<1x5120xf32>
    %add3A_153 = arith.addf %div3A_150, %add3A_152 : vector<1x5120xf32>
    %rsqrt3A_154 = math.rsqrt %add3A_153 : vector<1x5120xf32>
    %mul3A_155 = vector.broadcast %rsqrt3A_154 : vector<1x5120xf32> to vector<64x5120xf32>
    %mul3A_156 = arith.mulf %sub3A_143, %mul3A_155 : vector<64x5120xf32>
    %dot_general3A_157 = arith.constant dense<0.000000e+00> : vector<5120x64xf32>
    %dot_general3A_158 = tpu.matmul %mul3A_156, %get3A_1, %dot_general3A_157 {dimension_numbers = #tpu.dot_dimension_numbers<[0], [1], [1], [0], [0, 1, 1, 0], [], []>, transpose_lhs_hint = true} : vector<64x5120xf32>, vector<64x64xf32>, vector<5120x64xf32> -> vector<5120x64xf32>
    %add3A_159 = vector.broadcast %get3A_4 : vector<1x64xf32> to vector<5120x64xf32>
    %add3A_160 = arith.addf %dot_general3A_158, %add3A_159 : vector<5120x64xf32>
    %bitcast_convert_type3A_161 = tpu.bitcast %add3A_160 : vector<5120x64xf32> -> vector<5120x64xi32>
    %add3A_162 = arith.constant 32767 : i32
    %add3A_163 = vector.broadcast %add3A_162 : i32 to vector<5120x64xi32>
    %add3A_164 = arith.addi %bitcast_convert_type3A_161, %add3A_163 : vector<5120x64xi32>
    %shift_right_arithmetic3A_165 = arith.constant 16 : i32
    %shift_right_arithmetic3A_166 = vector.broadcast %shift_right_arithmetic3A_165 : i32 to vector<5120x64xi32>
    %shift_right_arithmetic3A_167 = arith.shrsi %bitcast_convert_type3A_161, %shift_right_arithmetic3A_166 : vector<5120x64xi32>
    %and3A_168 = arith.constant 1 : i32
    %and3A_169 = vector.broadcast %and3A_168 : i32 to vector<5120x64xi32>
    %and3A_170 = arith.andi %shift_right_arithmetic3A_167, %and3A_169 : vector<5120x64xi32>
    %add3A_171 = arith.addi %add3A_164, %and3A_170 : vector<5120x64xi32>
    %shift_right_arithmetic3A_172 = arith.constant 16 : i32
    %shift_right_arithmetic3A_173 = vector.broadcast %shift_right_arithmetic3A_172 : i32 to vector<5120x64xi32>
    %shift_right_arithmetic3A_174 = arith.shrsi %add3A_171, %shift_right_arithmetic3A_173 : vector<5120x64xi32>
    %and3A_175 = arith.constant 65535 : i32
    %and3A_176 = vector.broadcast %and3A_175 : i32 to vector<5120x64xi32>
    %and3A_177 = arith.andi %shift_right_arithmetic3A_174, %and3A_176 : vector<5120x64xi32>
    %shift_left3A_178 = arith.constant 16 : i32
    %shift_left3A_179 = vector.broadcast %shift_left3A_178 : i32 to vector<5120x64xi32>
    %shift_left3A_180 = arith.shli %and3A_177, %shift_left3A_179 : vector<5120x64xi32>
    %or3A_181 = arith.ori %and3A_132, %shift_left3A_180 : vector<5120x64xi32>
    %swap3A_182 = arith.constant 0 : index
    %swap3A_183 = arith.constant 64 : index
    %swap3A_184 = vector.load %arg7[%swap3A_182, %swap3A_183] : memref<5120x128xi32, #tpu.memory_space<vmem>>, vector<5120x64xi32>
    tpu.vector_store %arg7[%swap3A_182, %swap3A_183], %or3A_181 {strides = array<i32>} : memref<5120x128xi32, #tpu.memory_space<vmem>>, vector<5120x64xi32>,
    return
  }
  func.func @transform_0(%arg0: i32) -> (i32, i32) {
    %c0_i32 = arith.constant 0 : i32
    %c0_i32_0 = arith.constant 0 : i32
    return %c0_i32, %arg0 : i32, i32
  }
  func.func @transform_1(%arg0: i32) -> (i32, i32) {
    %add3A = arith.constant 50 : i32
    %add3A_0 = arith.addi %add3A, %arg0 : i32
    %c0_i32 = arith.constant 0 : i32
    %c0_i32_1 = arith.constant 0 : i32
    return %c0_i32, %add3A_0 : i32, i32
  }
  func.func @transform_2(%arg0: i32) -> (i32, i32) {
    %add3A = arith.constant 100 : i32
    %add3A_0 = arith.addi %add3A, %arg0 : i32
    %c0_i32 = arith.constant 0 : i32
    %c0_i32_1 = arith.constant 0 : i32
    return %c0_i32, %add3A_0 : i32, i32
  }
  func.func @transform_3(%arg0: i32) -> (i32, i32) {
    %min3A = arith.constant 45 : i32
    %min3A_0 = arith.minsi %arg0, %min3A : i32
    %add3A = arith.constant 150 : i32
    %add3A_1 = arith.addi %add3A, %min3A_0 : i32
    %c0_i32 = arith.constant 0 : i32
    %c0_i32_2 = arith.constant 0 : i32
    return %c0_i32, %add3A_1 : i32, i32
  }
  func.func @transform_4(%arg0: i32) -> (i32, i32) {
    %c0_i32 = arith.constant 0 : i32
    %c0_i32_0 = arith.constant 0 : i32
    %c0_i32_1 = arith.constant 0 : i32
    return %c0_i32, %c0_i32_0 : i32, i32
  }
  func.func @transform_5(%arg0: i32) -> (i32, i32) {
    %c0_i32 = arith.constant 0 : i32
    %c0_i32_0 = arith.constant 0 : i32
    %c0_i32_1 = arith.constant 0 : i32
    return %c0_i32, %c0_i32_0 : i32, i32
  }
  func.func @transform_6(%arg0: i32) -> (i32, i32) {
    %c0_i32 = arith.constant 0 : i32
    %c0_i32_0 = arith.constant 0 : i32
    return %arg0, %c0_i32 : i32, i32
  }
}

module attributes {stable_mosaic.version = 14 : i64} {
  func.func @_sel_t_body(%arg0: i32, %arg1: memref<25x256x128xi32, #tpu.memory_space<vmem>>, %arg2: memref<50x256xi32, #tpu.memory_space<vmem>>, %arg3: memref<50x64x256xf32, #tpu.memory_space<vmem>>) attributes {dimension_semantics = [#tpu.dimension_semantics<arbitrary>], iteration_bounds = array<i64: 16>, scalar_prefetch = 0 : i64, scratch_operands = 0 : i64, tpu.core_type = #tpu.core_type<tc>, window_params = [{transform_indices = @transform_0, window_bounds = array<i64: 25, 256, 128>}, {transform_indices = @transform_1, window_bounds = array<i64: 50, 256>}, {transform_indices = @transform_2, window_bounds = array<i64: 50, 64, 256>}]} {
    %get3A = arith.constant 0 : index
    %get3A_0 = arith.constant 0 : index
    %get3A_1 = arith.constant 0 : index
    %get3A_2 = vector.load %arg1[%get3A, %get3A_0, %get3A_1] : memref<25x256x128xi32, #tpu.memory_space<vmem>>, vector<25x256x128xi32>
    %get3A_3 = arith.constant 0 : index
    %get3A_4 = arith.constant 0 : index
    %get3A_5 = vector.load %arg2[%get3A_3, %get3A_4] : memref<50x256xi32, #tpu.memory_space<vmem>>, vector<50x256xi32>
    %slice3A = vector.extract_strided_slice %get3A_2 {offsets = [0, 0, 0], sizes = [25, 256, 64], strides = [1, 1, 1]} : vector<25x256x128xi32> to vector<25x256x64xi32>
    %slice3A_6 = vector.extract_strided_slice %get3A_5 {offsets = [0, 0], sizes = [25, 256], strides = [1, 1]} : vector<50x256xi32> to vector<25x256xi32>
    %broadcast_in_dim3A = vector.shape_cast %slice3A_6 : vector<25x256xi32> to vector<25x256x1xi32>
    %ge3A = arith.constant 2 : i32
    %ge3A_7 = vector.broadcast %ge3A : i32 to vector<25x256x1xi32>
    %ge3A_8 = arith.cmpi sge, %broadcast_in_dim3A, %ge3A_7 : vector<25x256x1xi32>
    %and3A = arith.constant -65536 : i32
    %and3A_9 = vector.broadcast %and3A : i32 to vector<25x256x64xi32>
    %and3A_10 = arith.andi %slice3A, %and3A_9 : vector<25x256x64xi32>
    %shift_left3A = arith.constant 16 : i32
    %shift_left3A_11 = vector.broadcast %shift_left3A : i32 to vector<25x256x64xi32>
    %shift_left3A_12 = arith.shli %slice3A, %shift_left3A_11 : vector<25x256x64xi32>
    %broadcast_in_dim3A_13 = vector.shape_cast %ge3A_8 : vector<25x256x1xi1> to vector<25x256x1xi1>
    %broadcast_in_dim3A_14 = vector.broadcast %broadcast_in_dim3A_13 : vector<25x256x1xi1> to vector<25x256x64xi1>
    %select_n3A = arith.select %broadcast_in_dim3A_14, %and3A_10, %shift_left3A_12 : vector<25x256x64xi1>, vector<25x256x64xi32>
    %bitcast_convert_type3A = tpu.bitcast %select_n3A : vector<25x256x64xi32> -> vector<25x256x64xf32>
    %transpose3A = tpu.transpose %bitcast_convert_type3A, [0, 2, 1] : vector<25x256x64xf32> -> vector<25x64x256xf32>
    %slice3A_15 = vector.extract_strided_slice %get3A_2 {offsets = [0, 0, 64], sizes = [25, 256, 64], strides = [1, 1, 1]} : vector<25x256x128xi32> to vector<25x256x64xi32>
    %slice3A_16 = vector.extract_strided_slice %get3A_5 {offsets = [25, 0], sizes = [25, 256], strides = [1, 1]} : vector<50x256xi32> to vector<25x256xi32>
    %broadcast_in_dim3A_17 = vector.shape_cast %slice3A_16 : vector<25x256xi32> to vector<25x256x1xi32>
    %ge3A_18 = arith.constant 2 : i32
    %ge3A_19 = vector.broadcast %ge3A_18 : i32 to vector<25x256x1xi32>
    %ge3A_20 = arith.cmpi sge, %broadcast_in_dim3A_17, %ge3A_19 : vector<25x256x1xi32>
    %and3A_21 = arith.constant -65536 : i32
    %and3A_22 = vector.broadcast %and3A_21 : i32 to vector<25x256x64xi32>
    %and3A_23 = arith.andi %slice3A_15, %and3A_22 : vector<25x256x64xi32>
    %shift_left3A_24 = arith.constant 16 : i32
    %shift_left3A_25 = vector.broadcast %shift_left3A_24 : i32 to vector<25x256x64xi32>
    %shift_left3A_26 = arith.shli %slice3A_15, %shift_left3A_25 : vector<25x256x64xi32>
    %broadcast_in_dim3A_27 = vector.shape_cast %ge3A_20 : vector<25x256x1xi1> to vector<25x256x1xi1>
    %broadcast_in_dim3A_28 = vector.broadcast %broadcast_in_dim3A_27 : vector<25x256x1xi1> to vector<25x256x64xi1>
    %select_n3A_29 = arith.select %broadcast_in_dim3A_28, %and3A_23, %shift_left3A_26 : vector<25x256x64xi1>, vector<25x256x64xi32>
    %bitcast_convert_type3A_30 = tpu.bitcast %select_n3A_29 : vector<25x256x64xi32> -> vector<25x256x64xf32>
    %transpose3A_31 = tpu.transpose %bitcast_convert_type3A_30, [0, 2, 1] : vector<25x256x64xf32> -> vector<25x64x256xf32>
    %concatenate3A = tpu.concatenate %transpose3A, %transpose3A_31 in 0 : vector<25x64x256xf32>, vector<25x64x256xf32> -> vector<50x64x256xf32>
    %swap3A = arith.constant 0 : index
    %swap3A_32 = arith.constant 0 : index
    %swap3A_33 = arith.constant 0 : index
    %swap3A_34 = vector.load %arg3[%swap3A, %swap3A_32, %swap3A_33] : memref<50x64x256xf32, #tpu.memory_space<vmem>>, vector<50x64x256xf32>
    tpu.vector_store %arg3[%swap3A, %swap3A_32, %swap3A_33], %concatenate3A {strides = array<i32>} : memref<50x64x256xf32, #tpu.memory_space<vmem>>, vector<50x64x256xf32>,
    return
  }
  func.func @transform_0(%arg0: i32) -> (i32, i32, i32) {
    %c0_i32 = arith.constant 0 : i32
    %c0_i32_0 = arith.constant 0 : i32
    %c0_i32_1 = arith.constant 0 : i32
    return %c0_i32, %arg0, %c0_i32_0 : i32, i32, i32
  }
  func.func @transform_1(%arg0: i32) -> (i32, i32) {
    %c0_i32 = arith.constant 0 : i32
    %c0_i32_0 = arith.constant 0 : i32
    return %c0_i32, %arg0 : i32, i32
  }
  func.func @transform_2(%arg0: i32) -> (i32, i32, i32) {
    %c0_i32 = arith.constant 0 : i32
    %c0_i32_0 = arith.constant 0 : i32
    %c0_i32_1 = arith.constant 0 : i32
    return %c0_i32, %c0_i32_0, %arg0 : i32, i32, i32
  }
}

</mosaic_0001>

<sc_bundles>
// kernel: kernel.5.cloned.1.call-start
scs
__scs_entry_jumppad:
0x0: {  	(pc) =	sbr.rel $0x88, $3  }
0x1: {  	(tag) =	ssettag $0x0;
	lr =	simm.s32 $0x1  }
0x2: {  	[smem:$0x3F9B] =	sst lr;
	_ =	strace $0xD0000000  }
0x3: {  	_ = 	snop  }
0x4: {  	_ = 	snop  }
0x5: {  	_ = 	snop  }
0x6: {  	_ = 	snop  }
0x7: {  	_ = 	snop  }
__scs_overlays_trampoline_lowered:
0x8: {  	[smem:$0x3FAA] =	sst s0  }
0x9: {  	[smem:$0x3FAB] =	sst s1  }
0xa: {  	[smem:$0x3FAC] =	sst s2  }
0xb: {  	[smem:$0x3FAD] =	sst s3  }
0xc: {  	[smem:$0x3FAE] =	sst s4  }
0xd: {  	[smem:$0x3FAF] =	sst s5  }
0xe: {  	[smem:$0x3FB0] =	sst s6  }
0xf: {  	[smem:$0x3FB1] =	sst s7  }
0x10: {  	[smem:$0x3FB2] =	sst s8  }
0x11: {  	[smem:$0x3FB3] =	sst s9;
	s0 =	simm.s32 @!p0 $0x0  }
0x12: {  	s1 =	sld [smem:$0x3F99];
	s0 =	simm.s32 @p0 $0x1  }
0x13: {  	[smem:$0x3FB4] =	sst s0;
	s0 =	simm.s32 @!p1 $0x0  }
0x14: {  	s2 =	sld [smem:$0x3F98];
	s0 =	simm.s32 @p1 $0x1  }
0x15: {  	[smem:$0x3FB5] =	sst s0;
	s0 =	simm.s32 @!p2 $0x0  }
0x16: {  	s3 =	sld [smem:$0x3FDB];
	s0 =	simm.s32 @p2 $0x1  }
0x17: {  	s4 =	simm.s32 $0x1BF5;
	[smem:$0x3FB7] =	sst s0  }
0x18: {  	s0 =	sld [smem:$0x3F9A];
	_ =	swait.ge [sflag:s4], $0x0  }
0x19: {  	s7 =	sld [smem:$0x3F9B]  }
0x1a: {  	s8 =	sadd.s32 $0xFFFFE003, lr  }
0x1b: {  	s9 =	sadd.s32 $0xFFFFFEF7, lr;
	s5 =	simm.s32 $0xFFFFFFFF;
	p2 =	slt.u32 s8, $0xFFFFF086  }
0x1c: {  	p1 =	slt.u32 s9, $0xF7A;
	s5 =	simm.s32 @!p2 $0x0  }
0x1d: {  	s5 =	simm.s32 @p1 $0x1;
	p0 =	seq.s32 s7, s2  }
0x1e: {  	s7 =	smul.u32 @!p0 $0xF7A, s2;
	p2 =	seq.s32 @!p0 s5, $0x0  }
0x1f: {  	s9 =	smul.u32 $0xF7A, s1;
	s8 =	simm.s32 @!p0 $0x1BF5;
	p2 =	por !p2, p0  }
0x20: {  	[sflag:s8] =	ssyncset.s32 @!p0 $0xFFFFF086;
	s6 =	sadd.s32 @!p0 s3, s7;
	s7 =	simm.s32 @!p0 $0x108  }
0x21: {  	s3 =	sadd.s32 s3, s9;
	s6 =	sadd.s32 @!p0 $0x88, s6;
	s7 =	simm.s32 @p2 $0x1082  }
0x22: {  	[simem:s7], [sflag:s8] =	dma.local @!p0 [hbm:s6], $0xF7A  }
0x23: {  	s9 =	sor.u32 $0xD0000000, s2;
	s6 =	simm.s32 $0x108;
	_ =	swait.ge @!p0 [sflag:s8], $0x0  }
0x24: {  	s3 =	sadd.s32 $0x88, s3;
	s6 =	simm.s32 @!p1 $0x1082;
	[sflag:s4] =	ssyncset.s32 $0xFFFFF086  }
0x25: {  	[simem:s6], [sflag:s4] =	dma.local [hbm:s3], $0xF7A  }
0x26: {  	[smem:$0x3F9B] =	sst s1;
	(tag) =	ssettag s2;
	_ =	strace s9  }
0x27: {  	s1 =	sld [smem:$0x3FAB]  }
0x28: {  	s2 =	sld [smem:$0x3FAC]  }
0x29: {  	s4 =	sld [smem:$0x3FAE]  }
0x2a: {  	p0 =	seq.s32 s5, $0x0;
	s5 =	sld [smem:$0x3FAF]  }
0x2b: {  	s6 =	sld [smem:$0x3FB0]  }
0x2c: {  	s7 =	sld [smem:$0x3FB1]  }
0x2d: {  	s3 =	simm.s32 $0x108;
	s8 =	sld [smem:$0x3FB2]  }
0x2e: {  	s3 =	simm.s32 @!p0 $0x1082;
	s9 =	sld [smem:$0x3FB3]  }
0x2f: {  	lr =	sadd.s32 s0, s3;
	s0 =	sld [smem:$0x3FAA]  }
0x30: {  	s3 =	sld [smem:$0x3FAD]  }
0x31: {  	[smem:$0x3FB6] =	sst s10  }
0x32: {  	s10 =	sld [smem:$0x3FB4];
	_ =	sdelay $0x3  }
0x33: {  	p0 =	seq.s32 s10, $0x1;
	s10 =	sld [smem:$0x3FB6];
	_ =	sdelay $0x3  }
0x34: {  	[smem:$0x3FB6] =	sst s10  }
0x35: {  	s10 =	sld [smem:$0x3FB5];
	_ =	sdelay $0x3  }
0x36: {  	p1 =	seq.s32 s10, $0x1;
	s10 =	sld [smem:$0x3FB6];
	_ =	sdelay $0x3  }
0x37: {  	[smem:$0x3FB6] =	sst s10  }
0x38: {  	s10 =	sld [smem:$0x3FB7]  }
0x39: {  	_ = 	snop;
	(pc) =	sbr.ind lr, $3  }
0x3a: {  	_ = 	snop  }
0x3b: {  	_ = 	snop  }
0x3c: {  	p2 =	seq.s32 s10, $0x1;
	s10 =	sld [smem:$0x3FB6]  }
0x3d: {  	_ =	shalt  }
0x3e: {  	_ =	shalt  }
0x3f: {  	_ =	shalt  }
0x40: {  	_ =	shalt  }
0x41: {  	_ =	shalt  }
0x42: {  	_ =	shalt  }
0x43: {  	_ =	shalt  }
0x44: {  	_ =	shalt  }
0x45: {  	_ =	shalt  }
0x46: {  	_ =	shalt  }
0x47: {  	_ =	shalt  }
0x48: {  	_ =	shalt  }
0x49: {  	_ =	shalt  }
0x4a: {  	_ =	shalt  }
0x4b: {  	_ =	shalt  }
0x4c: {  	_ =	shalt  }
0x4d: {  	_ =	shalt  }
0x4e: {  	_ =	shalt  }
0x4f: {  	_ =	shalt  }
0x50: {  	_ =	shalt  }
0x51: {  	_ =	shalt  }
0x52: {  	_ =	shalt  }
0x53: {  	_ =	shalt  }
0x54: {  	_ =	shalt  }
0x55: {  	_ =	shalt  }
0x56: {  	_ =	shalt  }
0x57: {  	_ =	shalt  }
0x58: {  	_ =	shalt  }
0x59: {  	_ =	shalt  }
0x5a: {  	_ =	shalt  }
0x5b: {  	_ =	shalt  }
0x5c: {  	_ =	shalt  }
0x5d: {  	_ =	shalt  }
0x5e: {  	_ =	shalt  }
0x5f: {  	_ =	shalt  }
0x60: {  	_ =	shalt  }
0x61: {  	_ =	shalt  }
0x62: {  	_ =	shalt  }
0x63: {  	_ =	shalt  }
0x64: {  	_ =	shalt  }
0x65: {  	_ =	shalt  }
0x66: {  	_ =	shalt  }
0x67: {  	_ =	shalt  }
0x68: {  	_ =	shalt  }
0x69: {  	_ =	shalt  }
0x6a: {  	_ =	shalt  }
0x6b: {  	_ =	shalt  }
0x6c: {  	_ =	shalt  }
0x6d: {  	_ =	shalt  }
0x6e: {  	_ =	shalt  }
0x6f: {  	_ =	shalt  }
0x70: {  	_ =	shalt  }
0x71: {  	_ =	shalt  }
0x72: {  	_ =	shalt  }
0x73: {  	_ =	shalt  }
0x74: {  	_ =	shalt  }
0x75: {  	_ =	shalt  }
0x76: {  	_ =	shalt  }
0x77: {  	_ =	shalt  }
0x78: {  	_ =	shalt  }
0x79: {  	_ =	shalt  }
0x7a: {  	_ =	shalt  }
0x7b: {  	_ =	shalt  }
0x7c: {  	_ =	shalt  }
0x7d: {  	_ =	shalt  }
0x7e: {  	_ =	shalt  }
0x7f: {  	_ =	shalt  }
0x80: {  	_ =	shalt  }
0x81: {  	_ =	shalt  }
0x82: {  	_ =	shalt  }
0x83: {  	_ =	shalt  }
0x84: {  	_ =	shalt  }
0x85: {  	_ =	shalt  }
0x86: {  	_ =	shalt  }
0x87: {  	_ =	shalt  }
.Lfunc_end0:
.L_simem_size_0:
called_computation_lowered:
.L_overlay_start_0:
0x88: {  	s2 =	sld [smem:$0x3FD9]  }
0x89: {  	s3 =	sld [smem:$0x3FFE];
	_ =	sdelay $0x1  }
0x8a: {  	s1 =	srdreg.scid  }
0x8b: {  	s0 =	sand.u32 $0x1, s1  }
0x8c: {  	s16 =	sshll.u32 s0, $0xA;
	s2 =	sadd.s32 s3, s2  }
0x8d: {  	s2 =	sadd.s32 s2, s16  }
0x8e: {  	[smem:$0x3FC2] =	sst s2  }
0x8f: {  	_ = 	snop  }
0x90: {  	(tm) =	ssettm $0x1  }
0x91: {  	s17 =	sld [smem:$0x3FFB];
	_ =	sdelay $0x3  }
0x92: {  	_ =	strace s17  }
0x93: {  	s2 =	sld [smem:$0x3FFC];
	_ =	sdelay $0x3  }
0x94: {  	_ =	strace s2  }
0x95: {  	s2 =	sld [smem:$0x3FFD];
	_ =	sdelay $0x3  }
0x96: {  	_ =	strace s2  }
0x97: {  	_ =	strace $0x8FFFFFFF  }
0x98: {  	s18 =	sld [smem:$0x3FDB];
	_ =	sdelay $0x1  }
0x99: {  	s19 =	simm.s32 $_scs_section_size  }
0x9a: {  	s4 =	simm.s32 $_size__tile_overlayer_lowered;
	s5 =	simm.s32 $_tile_overlayer_lowered  }
0x9b: {  	s22 =	simm.s32 $0x1BFF;
	s21 =	sshll.u32 s5, $0x1;
	s2 =	sadd.s32 s19, s18  }
0x9c: {  	s6 =	simm.s32 $0x0;
	s20 =	sshll.u32 s4, $0x1;
	s4 =	sadd.s32 s21, s2  }
0x9d: {  	[timem:s6], [sflag:s22] =	dma.local [hbm:s4], s20  }
0x9e: {  	_ =	swait.ge [sflag:s22], s20  }
0x9f: {  	s3 =	ssub.s32 $0x0, s20;
	[sflag:s22] =	ssyncset.done $0x0  }
0xa0: {  	[sflag:s22] =	ssyncadd.s32 s3;
	_ =	sdelay $0x1  }
0xa1: {  	s23 =	simm.s32 $0x1B8B  }
0xa2: {  	_ =	swait.ge [sflag:s23], $0x1  }
0xa3: {  	[sflag:s23] =	ssyncset.done $0x0  }
0xa4: {  	s25 =	simm.s32 $0x1B8E;
	s24 =	sld [smem:$0x3FFE];
	[sflag:s23] =	ssyncadd.s32 $0xFFFFFFFF  }
0xa5: {  	s26 =	simm.s32 $execute0_lowered;
	[smem:$0x3FD2] =	sst s25  }
0xa6: {  	s4 =	sshll.u32 s26, $0x1;
	_ =	strace $0x80000046;
	[dreg:$0x1] =	wrdreg $0xFFFFFFFF  }
0xa7: {  	s28 =	simm.s32 $_size_execute0_lowered;
	s2 =	sadd.s32 s2, s4;
	[dreg:$0x0] =	wrdreg $0x0  }
0xa8: {  	s4 =	sshll.u32 s28, $0x1;
	[dreg:$0x2] =	wrdreg s2  }
0xa9: {  	[dreg:$0x3] =	wrdreg s4  }
0xaa: {  	[dreg:$0x4] =	wrdreg $0xC0  }
0xab: {  	_ =	task [dreg:s6], $0x5FFFF  }
0xac: {  	[dreg:$0x1] =	wrdreg $0xFFFFFFFF  }
0xad: {  	[dreg:$0x0] =	wrdreg $0x60  }
0xae: {  	[dreg:$0x2] =	wrdreg s24  }
0xaf: {  	[dreg:$0x3] =	wrdreg $0x9  }
0xb0: {  	_ =	task.clear_ibuf [dreg:s6], $0x4FFFF;
	_ =	strace $0x90000046  }
0xb1: {  	s29 =	simm.s32 $0x9;
	_ =	strace $0x80000048  }
0xb2: {  	_ =	swait.ge [sflag:s29], $0x1  }
0xb3: {  	[sflag:s29] =	ssyncadd.s32 $0xFFFFFFFF  }
0xb4: {  	_ =	strace $0x90000048  }
0xb5: {  	_ =	sfence  }
0xb6: {  	s30 =	sld [smem:$0x0];
	_ =	sdelay $0x2  }
0xb7: {  	s31 =	sshll.u32 s1, $0xD;
	s1 =	sshrl.u32 s1, $0x2  }
0xb8: {  	s3 =	sand.u32 $0x4000, s31;
	s1 =	sadd.s32 s1, s30  }
0xb9: {  	s0 =	sor.u32 s3, s0;
	s1 =	sshll.u32 s1, $0x11  }
0xba: {  	s0 =	sor.u32 s1, s0  }
0xbb: {  	s0 =	sadd.s32 $0x8F2B, s0  }
0xbc: {  	[sflag:s0] =	ssyncadd.remote.s32 $0x1  }
0xbd: {  	_ =	sfence.sel $0xFFFF  }
0xbe: {  	[dreg:$0x0] =	wrdreg $0xFFFFFFFF;
	(pc) =	sbr.abs _section_cstart, $3  }
0xbf: {  	[dreg:$0x1] =	wrdreg $0xFFFFFFFF  }
0xc0: {  	_ =	task.clear_ibuf [dreg:s6], $0x2FFFF;
	_ =	strace $0x9FFFFFFF  }
0xc1: {  	(tm) =	ssettm $0x7FFFFFFF  }
tec
execute0_lowered:
.L_overlay_start_1:
0x0: {  	(tag) =	ssettag $0x1  }
0x1: {  	s1 =	srdreg.scid  }
0x2: {  	s0 =	stileid.u32;
	s3 =	rddreg [dreg:$0x0];
	s2 =	simm.s32 $0x0  }
0x3: {  	s28 =	simm.s32 $0x780;
	s29 =	simm.s32 $0x1;
	s30 =	simm.s32 $0x500  }
0x4: {  	s31 =	simm.s32 $0xA780;
	s4 =	sand.u32 $0x1, s1;
	s26 =	sshll.u32 s0, $0x1  }
0x5: {  	[smem:$0x7FF] =	sst s2;
	s1 =	sadd.s32 $0x4000, s3;
	s5 =	sor.u32 s4, s26  }
0x6: {  	s21 =	sadd.s32 $0xE00, s3;
	s0 =	sadd.s32 $0x3EF200, s3;
	s6 =	smul.u32 $0xC80, s5  }
0x7: {  	s3 =	sadd.s32 $0x7200, s3;
	s4 =	ssub.s32 $0x2, s4;
	s8 =	smul.u32 $0xC800, s5  }
0x8: {  	_ =	strace $0x80000047;
	s5 =	smul.u32 $0x64000, s5;
	s23 =	sshrl.u32 s4, $0x1  }
0x9: {  	s23 =	ssub.s32 s4, s23;
	s20 =	sshrl.u32 s6, $0x3;
	s10 =	sadd.s32 s0, s8  }
0xa: {  	s5 =	sshrl.u32 s5, $0x3;
	s7 =	sadd.s32 s1, s20;
	[dreg:$0x4] =	wrdreg s10  }
0xb: {  	s9 =	sadd.s32 s21, s20;
	s11 =	sadd.s32 $0x28, s20;
	[dreg:$0x2] =	wrdreg s7  }
0xc: {  	s23 =	smax.u32 s23, $0x1;
	[dreg:$0x3] =	wrdreg s9;
	s12 =	sadd.s32 s1, s11  }
0xd: {  	v0 =	vlaneseq.u32;
	s22 =	sadd.s32 s0, s5;
	s13 =	sadd.s32 s21, s11;
	[dreg:$0x5] =	wrdreg s12  }
0xe: {  	v0 =	vmul.u32 $0x2, v0;
	s14 =	sadd.s32 $0x50, s20;
	s5 =	sadd.s32 $0x1400, s22;
	[dreg:$0x6] =	wrdreg s13  }
0xf: {  	s18 =	sadd.s32 $0x78, s20;
	s15 =	sadd.s32 s1, s14;
	[dreg:$0x7] =	wrdreg s5  }
0x10: {  	v1 =	vor.u32 $0x1, v0;
	v2 =	vor.u32 $0x20, v0;
	v3 =	vor.u32 $0x21, v0;
	s25 =	sadd.s32 $0xA0, s20;
	s16 =	sadd.s32 s21, s14;
	[dreg:$0x8] =	wrdreg s15  }
0x11: {  	v4 =	vor.u32 $0x40, v0;
	v5 =	vor.u32 $0x41, v0;
	v6 =	vor.u32 $0x60, v0;
	s17 =	sadd.s32 $0x2800, s22;
	s19 =	sadd.s32 s1, s18;
	[dreg:$0x9] =	wrdreg s16  }
0x12: {  	v7 =	vor.u32 $0x61, v0;
	v8 =	vor.u32 $0x80, v0;
	v9 =	vor.u32 $0x81, v0;
	s24 =	sadd.s32 s21, s18;
	s26 =	sadd.s32 $0x3C00, s22;
	[dreg:$0xa] =	wrdreg s17  }
0x13: {  	v10 =	vor.u32 $0xA0, v0;
	v11 =	vor.u32 $0xA1, v0;
	v12 =	vor.u32 $0xC0, v0;
	s9 =	sadd.s32 $0xC8, s20;
	s6 =	sadd.s32 s21, s25;
	[dreg:$0xb] =	wrdreg s19  }
0x14: {  	v13 =	vor.u32 $0xC1, v0;
	v14 =	vor.u32 $0xE0, v0;
	v15 =	vor.u32 $0xE1, v0;
	s7 =	sadd.s32 $0x5000, s22;
	s10 =	sadd.s32 $0x6400, s22;
	[dreg:$0xc] =	wrdreg s24  }
0x15: {  	v16 =	vor.u32 $0x100, v0;
	v17 =	vor.u32 $0x101, v0;
	v18 =	vor.u32 $0x120, v0;
	s18 =	sadd.s32 $0x140, s20;
	[dreg:$0xd] =	wrdreg s26;
	s5 =	sadd.s32 s1, s25  }
0x16: {  	v19 =	vor.u32 $0x121, v0;
	v20 =	vor.u32 $0x140, v0;
	v21 =	vor.u32 $0x141, v0;
	s8 =	sadd.s32 s1, s9;
	s9 =	sadd.s32 s21, s9;
	s12 =	sadd.s32 $0xF0, s20  }
0x17: {  	v22 =	vor.u32 $0x160, v0;
	v23 =	vor.u32 $0x161, v0;
	v24 =	vor.u32 $0x180, v0;
	s15 =	sadd.s32 $0x118, s20;
	s13 =	sadd.s32 $0x7800, s22;
	s16 =	sadd.s32 $0x8C00, s22  }
0x18: {  	v25 =	vor.u32 $0x181, v0;
	v26 =	vor.u32 $0x1A0, v0;
	v27 =	vor.u32 $0x1A1, v0;
	s17 =	sadd.s32 s1, s18;
	s18 =	sadd.s32 s21, s18;
	s19 =	sadd.s32 $0xA000, s22  }
0x19: {  	v28 =	vor.u32 $0x1C0, v0;
	v29 =	vor.u32 $0x1C1, v0;
	v30 =	vor.u32 $0x1E0, v0;
	s24 =	sadd.s32 $0x168, s20;
	s22 =	sadd.s32 $0xB400, s22;
	s25 =	simm.s32 $0x140  }
0x1a: {  	v31 =	vor.u32 $0x1E1, v0;
	v32 =	vor.u32 $0x200, v0;
	v33 =	vor.u32 $0x201, v0;
	s26 =	simm.s32 $0x280;
	s11 =	sadd.s32 s1, s12;
	s12 =	sadd.s32 s21, s12  }
0x1b: {  	v34 =	vor.u32 $0x220, v0;
	v35 =	vor.u32 $0x221, v0;
	v36 =	vor.u32 $0x240, v0;
	s14 =	sadd.s32 s1, s15;
	s15 =	sadd.s32 s21, s15;
	s20 =	sadd.s32 s1, s24  }
0x1c: {  	v37 =	vor.u32 $0x241, v0;
	v38 =	vor.u32 $0x260, v0;
	v39 =	vor.u32 $0x261, v0;
	s21 =	sadd.s32 s21, s24;
	s24 =	simm.s32 $0x3;
	s1 =	simm.s32 $0x2  }
.LBB2_1:
0x1d: {  	s0 =	rddreg [dreg:$0x2]  }
0x1e: {  	[tilespmem:s2], [sflag:$0x3] =	stream.linear.gather [hbm4b:s0+s2], $0x140, $0x38;
	[tilespmem:$0x14780] =	vst v63  }
0x1f: {  	_ =	swait.ge [sflag:s24], $0x140  }
0x20: {  	[sflag:s24] =	ssyncset.done $0x0  }
0x21: {  	s4 =	rddreg [dreg:$0x3];
	[sflag:s24] =	ssyncadd.s32 $0xFFFFFEC0  }
0x22: {  	[tilespmem:s25], [sflag:$0x3] =	stream.linear.gather [hbm4b:s4+s2], $0x140, $0x38;
	[tilespmem:$0x14780] =	vst v63  }
0x23: {  	_ =	swait.ge [sflag:s24], $0x140  }
0x24: {  	[sflag:s24] =	ssyncset.done $0x0  }
0x25: {  	[sflag:s24] =	ssyncadd.s32 $0xFFFFFEC0  }
0x26: {  	v40 =	vld [tilespmem:$0x0];
	_ =	sdelay $0x4  }
0x27: {  	[tilespmem:v0+s26+$0x0] =	vst.idx.msk $0xffff, v40  }
0x28: {  	v40 =	vld [tilespmem:$0x140];
	_ =	sdelay $0x4  }
0x29: {  	[tilespmem:v1+s26+$0x0] =	vst.idx.msk $0xffff, v40  }
0x2a: {  	v40 =	vld [tilespmem:$0x10];
	_ =	sdelay $0x4  }
0x2b: {  	[tilespmem:v2+s26+$0x0] =	vst.idx.msk $0xffff, v40  }
0x2c: {  	v40 =	vld [tilespmem:$0x150];
	_ =	sdelay $0x4  }
0x2d: {  	[tilespmem:v3+s26+$0x0] =	vst.idx.msk $0xffff, v40  }
0x2e: {  	v40 =	vld [tilespmem:$0x20];
	_ =	sdelay $0x4  }
0x2f: {  	[tilespmem:v4+s26+$0x0] =	vst.idx.msk $0xffff, v40  }
0x30: {  	v40 =	vld [tilespmem:$0x160];
	_ =	sdelay $0x4  }
0x31: {  	[tilespmem:v5+s26+$0x0] =	vst.idx.msk $0xffff, v40  }
0x32: {  	v40 =	vld [tilespmem:$0x30];
	_ =	sdelay $0x4  }
0x33: {  	[tilespmem:v6+s26+$0x0] =	vst.idx.msk $0xffff, v40  }
0x34: {  	v40 =	vld [tilespmem:$0x170];
	_ =	sdelay $0x4  }
0x35: {  	[tilespmem:v7+s26+$0x0] =	vst.idx.msk $0xffff, v40  }
0x36: {  	v40 =	vld [tilespmem:$0x40];
	_ =	sdelay $0x4  }
0x37: {  	[tilespmem:v8+s26+$0x0] =	vst.idx.msk $0xffff, v40  }
0x38: {  	v40 =	vld [tilespmem:$0x180];
	_ =	sdelay $0x4  }
0x39: {  	[tilespmem:v9+s26+$0x0] =	vst.idx.msk $0xffff, v40  }
0x3a: {  	v40 =	vld [tilespmem:$0x50];
	_ =	sdelay $0x4  }
0x3b: {  	[tilespmem:v10+s26+$0x0] =	vst.idx.msk $0xffff, v40  }
0x3c: {  	v40 =	vld [tilespmem:$0x190];
	_ =	sdelay $0x4  }
0x3d: {  	[tilespmem:v11+s26+$0x0] =	vst.idx.msk $0xffff, v40  }
0x3e: {  	v40 =	vld [tilespmem:$0x60];
	_ =	sdelay $0x4  }
0x3f: {  	[tilespmem:v12+s26+$0x0] =	vst.idx.msk $0xffff, v40  }
0x40: {  	v40 =	vld [tilespmem:$0x1A0];
	_ =	sdelay $0x4  }
0x41: {  	[tilespmem:v13+s26+$0x0] =	vst.idx.msk $0xffff, v40  }
0x42: {  	v40 =	vld [tilespmem:$0x70];
	_ =	sdelay $0x4  }
0x43: {  	[tilespmem:v14+s26+$0x0] =	vst.idx.msk $0xffff, v40  }
0x44: {  	v40 =	vld [tilespmem:$0x1B0];
	_ =	sdelay $0x4  }
0x45: {  	[tilespmem:v15+s26+$0x0] =	vst.idx.msk $0xffff, v40  }
0x46: {  	v40 =	vld [tilespmem:$0x80];
	_ =	sdelay $0x4  }
0x47: {  	[tilespmem:v16+s26+$0x0] =	vst.idx.msk $0xffff, v40  }
0x48: {  	v40 =	vld [tilespmem:$0x1C0];
	_ =	sdelay $0x4  }
0x49: {  	[tilespmem:v17+s26+$0x0] =	vst.idx.msk $0xffff, v40  }
0x4a: {  	v40 =	vld [tilespmem:$0x90];
	_ =	sdelay $0x4  }
0x4b: {  	[tilespmem:v18+s26+$0x0] =	vst.idx.msk $0xffff, v40  }
0x4c: {  	v40 =	vld [tilespmem:$0x1D0];
	_ =	sdelay $0x4  }
0x4d: {  	[tilespmem:v19+s26+$0x0] =	vst.idx.msk $0xffff, v40  }
0x4e: {  	v40 =	vld [tilespmem:$0xA0];
	_ =	sdelay $0x4  }
0x4f: {  	[tilespmem:v20+s26+$0x0] =	vst.idx.msk $0xffff, v40  }
0x50: {  	v40 =	vld [tilespmem:$0x1E0];
	_ =	sdelay $0x4  }
0x51: {  	[tilespmem:v21+s26+$0x0] =	vst.idx.msk $0xffff, v40  }
0x52: {  	v40 =	vld [tilespmem:$0xB0];
	_ =	sdelay $0x4  }
0x53: {  	[tilespmem:v22+s26+$0x0] =	vst.idx.msk $0xffff, v40  }
0x54: {  	v40 =	vld [tilespmem:$0x1F0];
	_ =	sdelay $0x4  }
0x55: {  	[tilespmem:v23+s26+$0x0] =	vst.idx.msk $0xffff, v40  }
0x56: {  	v40 =	vld [tilespmem:$0xC0];
	_ =	sdelay $0x4  }
0x57: {  	[tilespmem:v24+s26+$0x0] =	vst.idx.msk $0xffff, v40  }
0x58: {  	v40 =	vld [tilespmem:$0x200];
	_ =	sdelay $0x4  }
0x59: {  	[tilespmem:v25+s26+$0x0] =	vst.idx.msk $0xffff, v40  }
0x5a: {  	v40 =	vld [tilespmem:$0xD0];
	_ =	sdelay $0x4  }
0x5b: {  	[tilespmem:v26+s26+$0x0] =	vst.idx.msk $0xffff, v40  }
0x5c: {  	v40 =	vld [tilespmem:$0x210];
	_ =	sdelay $0x4  }
0x5d: {  	[tilespmem:v27+s26+$0x0] =	vst.idx.msk $0xffff, v40  }
0x5e: {  	v40 =	vld [tilespmem:$0xE0];
	_ =	sdelay $0x4  }
0x5f: {  	[tilespmem:v28+s26+$0x0] =	vst.idx.msk $0xffff, v40  }
0x60: {  	v40 =	vld [tilespmem:$0x220];
	_ =	sdelay $0x4  }
0x61: {  	[tilespmem:v29+s26+$0x0] =	vst.idx.msk $0xffff, v40  }
0x62: {  	v40 =	vld [tilespmem:$0xF0];
	_ =	sdelay $0x4  }
0x63: {  	[tilespmem:v30+s26+$0x0] =	vst.idx.msk $0xffff, v40  }
0x64: {  	v40 =	vld [tilespmem:$0x230];
	_ =	sdelay $0x4  }
0x65: {  	[tilespmem:v31+s26+$0x0] =	vst.idx.msk $0xffff, v40  }
0x66: {  	v40 =	vld [tilespmem:$0x100];
	_ =	sdelay $0x4  }
0x67: {  	[tilespmem:v32+s26+$0x0] =	vst.idx.msk $0xffff, v40  }
0x68: {  	v40 =	vld [tilespmem:$0x240];
	_ =	sdelay $0x4  }
0x69: {  	[tilespmem:v33+s26+$0x0] =	vst.idx.msk $0xffff, v40  }
0x6a: {  	v40 =	vld [tilespmem:$0x110];
	_ =	sdelay $0x4  }
0x6b: {  	[tilespmem:v34+s26+$0x0] =	vst.idx.msk $0xffff, v40  }
0x6c: {  	v40 =	vld [tilespmem:$0x250];
	_ =	sdelay $0x4  }
0x6d: {  	[tilespmem:v35+s26+$0x0] =	vst.idx.msk $0xffff, v40  }
0x6e: {  	v40 =	vld [tilespmem:$0x120];
	_ =	sdelay $0x4  }
0x6f: {  	[tilespmem:v36+s26+$0x0] =	vst.idx.msk $0xffff, v40  }
0x70: {  	v40 =	vld [tilespmem:$0x260];
	_ =	sdelay $0x4  }
0x71: {  	[tilespmem:v37+s26+$0x0] =	vst.idx.msk $0xffff, v40  }
0x72: {  	v40 =	vld [tilespmem:$0x130];
	_ =	sdelay $0x4  }
0x73: {  	[tilespmem:v38+s26+$0x0] =	vst.idx.msk $0xffff, v40  }
0x74: {  	v40 =	vld [tilespmem:$0x270];
	_ =	sdelay $0x4  }
0x75: {  	[tilespmem:v39+s26+$0x0] =	vst.idx.msk $0xffff, v40  }
0x76: {  	[tilespmem:s28], [sflag:$0x1] =	stream.indirect.gather [hbm4b:s3+s26], $0x40, s26, s26, $0xb8;
	[tilespmem:$0x14780] =	vst v63  }
0x77: {  	_ =	swait.ge [sflag:s29], $0xA000  }
0x78: {  	[sflag:s29] =	ssyncset.done $0x0  }
0x79: {  	s0 =	rddreg [dreg:$0x4];
	[sflag:s29] =	ssyncadd.s32 $0xFFFF6000  }
0x7a: {  	[hbm4b:s0+s2] =	stream.linear.scatter [tilespmem:s28], [sflag:$0x2], $0xA000, $0x38;
	[tilespmem:$0x14780] =	vst v63  }
0x7b: {  	s4 =	rddreg [dreg:$0x5]  }
0x7c: {  	[tilespmem:s2], [sflag:$0x3] =	stream.linear.gather [hbm4b:s4+s2], $0x140, $0x38;
	[tilespmem:$0x14780] =	vst v63  }
0x7d: {  	_ =	swait.ge [sflag:s24], $0x140  }
0x7e: {  	[sflag:s24] =	ssyncset.done $0x0  }
0x7f: {  	s4 =	rddreg [dreg:$0x6];
	[sflag:s24] =	ssyncadd.s32 $0xFFFFFEC0  }
0x80: {  	[tilespmem:s25], [sflag:$0x3] =	stream.linear.gather [hbm4b:s4+s2], $0x140, $0x38;
	[tilespmem:$0x14780] =	vst v63  }
0x81: {  	_ =	swait.ge [sflag:s24], $0x140  }
0x82: {  	[sflag:s24] =	ssyncset.done $0x0  }
0x83: {  	[sflag:s24] =	ssyncadd.s32 $0xFFFFFEC0  }
0x84: {  	v55 =	vld [tilespmem:$0x0];
	_ =	sdelay $0x4  }
0x85: {  	[tilespmem:v0+s30+$0x0] =	vst.idx.msk $0xffff, v55  }
0x86: {  	v40 =	vld [tilespmem:$0x140];
	_ =	sdelay $0x4  }
0x87: {  	[tilespmem:v1+s30+$0x0] =	vst.idx.msk $0xffff, v40  }
0x88: {  	v40 =	vld [tilespmem:$0x10];
	_ =	sdelay $0x4  }
0x89: {  	[tilespmem:v2+s30+$0x0] =	vst.idx.msk $0xffff, v40  }
0x8a: {  	v40 =	vld [tilespmem:$0x150];
	_ =	sdelay $0x4  }
0x8b: {  	[tilespmem:v3+s30+$0x0] =	vst.idx.msk $0xffff, v40  }
0x8c: {  	v40 =	vld [tilespmem:$0x20];
	_ =	sdelay $0x4  }
0x8d: {  	[tilespmem:v4+s30+$0x0] =	vst.idx.msk $0xffff, v40  }
0x8e: {  	v40 =	vld [tilespmem:$0x160];
	_ =	sdelay $0x4  }
0x8f: {  	[tilespmem:v5+s30+$0x0] =	vst.idx.msk $0xffff, v40  }
0x90: {  	v40 =	vld [tilespmem:$0x30];
	_ =	sdelay $0x4  }
0x91: {  	[tilespmem:v6+s30+$0x0] =	vst.idx.msk $0xffff, v40  }
0x92: {  	v40 =	vld [tilespmem:$0x170];
	_ =	sdelay $0x4  }
0x93: {  	[tilespmem:v7+s30+$0x0] =	vst.idx.msk $0xffff, v40  }
0x94: {  	v40 =	vld [tilespmem:$0x40];
	_ =	sdelay $0x4  }
0x95: {  	[tilespmem:v8+s30+$0x0] =	vst.idx.msk $0xffff, v40  }
0x96: {  	v40 =	vld [tilespmem:$0x180];
	_ =	sdelay $0x4  }
0x97: {  	[tilespmem:v9+s30+$0x0] =	vst.idx.msk $0xffff, v40  }
0x98: {  	v40 =	vld [tilespmem:$0x50];
	_ =	sdelay $0x4  }
0x99: {  	[tilespmem:v10+s30+$0x0] =	vst.idx.msk $0xffff, v40  }
0x9a: {  	v40 =	vld [tilespmem:$0x190];
	_ =	sdelay $0x4  }
0x9b: {  	[tilespmem:v11+s30+$0x0] =	vst.idx.msk $0xffff, v40  }
0x9c: {  	v40 =	vld [tilespmem:$0x60];
	_ =	sdelay $0x4  }
0x9d: {  	[tilespmem:v12+s30+$0x0] =	vst.idx.msk $0xffff, v40  }
0x9e: {  	v40 =	vld [tilespmem:$0x1A0];
	_ =	sdelay $0x4  }
0x9f: {  	[tilespmem:v13+s30+$0x0] =	vst.idx.msk $0xffff, v40  }
0xa0: {  	v40 =	vld [tilespmem:$0x70];
	_ =	sdelay $0x4  }
0xa1: {  	[tilespmem:v14+s30+$0x0] =	vst.idx.msk $0xffff, v40  }
0xa2: {  	v40 =	vld [tilespmem:$0x1B0];
	_ =	sdelay $0x4  }
0xa3: {  	[tilespmem:v15+s30+$0x0] =	vst.idx.msk $0xffff, v40  }
0xa4: {  	v40 =	vld [tilespmem:$0x80];
	_ =	sdelay $0x4  }
0xa5: {  	[tilespmem:v16+s30+$0x0] =	vst.idx.msk $0xffff, v40  }
0xa6: {  	v40 =	vld [tilespmem:$0x1C0];
	_ =	sdelay $0x4  }
0xa7: {  	[tilespmem:v17+s30+$0x0] =	vst.idx.msk $0xffff, v40  }
0xa8: {  	v40 =	vld [tilespmem:$0x90];
	_ =	sdelay $0x4  }
0xa9: {  	[tilespmem:v18+s30+$0x0] =	vst.idx.msk $0xffff, v40  }
0xaa: {  	v40 =	vld [tilespmem:$0x1D0];
	_ =	sdelay $0x4  }
0xab: {  	[tilespmem:v19+s30+$0x0] =	vst.idx.msk $0xffff, v40  }
0xac: {  	v40 =	vld [tilespmem:$0xA0];
	_ =	sdelay $0x4  }
0xad: {  	[tilespmem:v20+s30+$0x0] =	vst.idx.msk $0xffff, v40  }
0xae: {  	v40 =	vld [tilespmem:$0x1E0];
	_ =	sdelay $0x4  }
0xaf: {  	[tilespmem:v21+s30+$0x0] =	vst.idx.msk $0xffff, v40  }
0xb0: {  	v40 =	vld [tilespmem:$0xB0];
	_ =	sdelay $0x4  }
0xb1: {  	[tilespmem:v22+s30+$0x0] =	vst.idx.msk $0xffff, v40  }
0xb2: {  	v40 =	vld [tilespmem:$0x1F0];
	_ =	sdelay $0x4  }
0xb3: {  	[tilespmem:v23+s30+$0x0] =	vst.idx.msk $0xffff, v40  }
0xb4: {  	v40 =	vld [tilespmem:$0xC0];
	_ =	sdelay $0x4  }
0xb5: {  	[tilespmem:v24+s30+$0x0] =	vst.idx.msk $0xffff, v40  }
0xb6: {  	v40 =	vld [tilespmem:$0x200];
	_ =	sdelay $0x4  }
0xb7: {  	[tilespmem:v25+s30+$0x0] =	vst.idx.msk $0xffff, v40  }
0xb8: {  	v40 =	vld [tilespmem:$0xD0];
	_ =	sdelay $0x4  }
0xb9: {  	[tilespmem:v26+s30+$0x0] =	vst.idx.msk $0xffff, v40  }
0xba: {  	v40 =	vld [tilespmem:$0x210];
	_ =	sdelay $0x4  }
0xbb: {  	[tilespmem:v27+s30+$0x0] =	vst.idx.msk $0xffff, v40  }
0xbc: {  	v40 =	vld [tilespmem:$0xE0];
	_ =	sdelay $0x4  }
0xbd: {  	[tilespmem:v28+s30+$0x0] =	vst.idx.msk $0xffff, v40  }
0xbe: {  	v40 =	vld [tilespmem:$0x220];
	_ =	sdelay $0x4  }
0xbf: {  	[tilespmem:v29+s30+$0x0] =	vst.idx.msk $0xffff, v40  }
0xc0: {  	v40 =	vld [tilespmem:$0xF0];
	_ =	sdelay $0x4  }
0xc1: {  	[tilespmem:v30+s30+$0x0] =	vst.idx.msk $0xffff, v40  }
0xc2: {  	v40 =	vld [tilespmem:$0x230];
	_ =	sdelay $0x4  }
0xc3: {  	[tilespmem:v31+s30+$0x0] =	vst.idx.msk $0xffff, v40  }
0xc4: {  	v40 =	vld [tilespmem:$0x100];
	_ =	sdelay $0x4  }
0xc5: {  	[tilespmem:v32+s30+$0x0] =	vst.idx.msk $0xffff, v40  }
0xc6: {  	v40 =	vld [tilespmem:$0x240];
	_ =	sdelay $0x4  }
0xc7: {  	[tilespmem:v33+s30+$0x0] =	vst.idx.msk $0xffff, v40  }
0xc8: {  	v40 =	vld [tilespmem:$0x110];
	_ =	sdelay $0x4  }
0xc9: {  	[tilespmem:v34+s30+$0x0] =	vst.idx.msk $0xffff, v40  }
0xca: {  	v40 =	vld [tilespmem:$0x250];
	_ =	sdelay $0x4  }
0xcb: {  	[tilespmem:v35+s30+$0x0] =	vst.idx.msk $0xffff, v40  }
0xcc: {  	v40 =	vld [tilespmem:$0x120];
	_ =	sdelay $0x4  }
0xcd: {  	[tilespmem:v36+s30+$0x0] =	vst.idx.msk $0xffff, v40  }
0xce: {  	v40 =	vld [tilespmem:$0x260];
	_ =	sdelay $0x4  }
0xcf: {  	[tilespmem:v37+s30+$0x0] =	vst.idx.msk $0xffff, v40  }
0xd0: {  	v40 =	vld [tilespmem:$0x130];
	_ =	sdelay $0x4  }
0xd1: {  	[tilespmem:v38+s30+$0x0] =	vst.idx.msk $0xffff, v40  }
0xd2: {  	v40 =	vld [tilespmem:$0x270];
	_ =	sdelay $0x4  }
0xd3: {  	[tilespmem:v39+s30+$0x0] =	vst.idx.msk $0xffff, v40  }
0xd4: {  	[tilespmem:s31], [sflag:$0x1] =	stream.indirect.gather [hbm4b:s3+s26], $0x40, s30, s26, $0xb8;
	[tilespmem:$0x14780] =	vst v63  }
0xd5: {  	_ =	swait.ge [sflag:s29], $0xA000  }
0xd6: {  	[sflag:s29] =	ssyncset.done $0x0  }
0xd7: {  	s0 =	rddreg [dreg:$0x7];
	[sflag:s29] =	ssyncadd.s32 $0xFFFF6000  }
0xd8: {  	[hbm4b:s0+s2] =	stream.linear.scatter [tilespmem:s31], [sflag:$0x2], $0xA000, $0x38;
	[tilespmem:$0x14780] =	vst v63  }
0xd9: {  	s4 =	rddreg [dreg:$0x8]  }
0xda: {  	[tilespmem:s2], [sflag:$0x3] =	stream.linear.gather [hbm4b:s4+s2], $0x140, $0x38;
	[tilespmem:$0x14780] =	vst v63  }
0xdb: {  	_ =	swait.ge [sflag:s24], $0x140  }
0xdc: {  	[sflag:s24] =	ssyncset.done $0x0  }
0xdd: {  	s4 =	rddreg [dreg:$0x9];
	[sflag:s24] =	ssyncadd.s32 $0xFFFFFEC0  }
0xde: {  	[tilespmem:s25], [sflag:$0x3] =	stream.linear.gather [hbm4b:s4+s2], $0x140, $0x38;
	[tilespmem:$0x14780] =	vst v63  }
0xdf: {  	_ =	swait.ge [sflag:s24], $0x140  }
0xe0: {  	[sflag:s24] =	ssyncset.done $0x0  }
0xe1: {  	[sflag:s24] =	ssyncadd.s32 $0xFFFFFEC0  }
0xe2: {  	v56 =	vld [tilespmem:$0x0];
	_ =	sdelay $0x4  }
0xe3: {  	[tilespmem:v0+s26+$0x0] =	vst.idx.msk $0xffff, v56  }
0xe4: {  	v40 =	vld [tilespmem:$0x140];
	_ =	sdelay $0x4  }
0xe5: {  	[tilespmem:v1+s26+$0x0] =	vst.idx.msk $0xffff, v40  }
0xe6: {  	v40 =	vld [tilespmem:$0x10];
	_ =	sdelay $0x4  }
0xe7: {  	[tilespmem:v2+s26+$0x0] =	vst.idx.msk $0xffff, v40  }
0xe8: {  	v40 =	vld [tilespmem:$0x150];
	_ =	sdelay $0x4  }
0xe9: {  	[tilespmem:v3+s26+$0x0] =	vst.idx.msk $0xffff, v40  }
0xea: {  	v40 =	vld [tilespmem:$0x20];
	_ =	sdelay $0x4  }
0xeb: {  	[tilespmem:v4+s26+$0x0] =	vst.idx.msk $0xffff, v40  }
0xec: {  	v40 =	vld [tilespmem:$0x160];
	_ =	sdelay $0x4  }
0xed: {  	[tilespmem:v5+s26+$0x0] =	vst.idx.msk $0xffff, v40  }
0xee: {  	v40 =	vld [tilespmem:$0x30];
	_ =	sdelay $0x4  }
0xef: {  	[tilespmem:v6+s26+$0x0] =	vst.idx.msk $0xffff, v40  }
0xf0: {  	v40 =	vld [tilespmem:$0x170];
	_ =	sdelay $0x4  }
0xf1: {  	[tilespmem:v7+s26+$0x0] =	vst.idx.msk $0xffff, v40  }
0xf2: {  	v40 =	vld [tilespmem:$0x40];
	_ =	sdelay $0x4  }
0xf3: {  	[tilespmem:v8+s26+$0x0] =	vst.idx.msk $0xffff, v40  }
0xf4: {  	v40 =	vld [tilespmem:$0x180];
	_ =	sdelay $0x4  }
0xf5: {  	[tilespmem:v9+s26+$0x0] =	vst.idx.msk $0xffff, v40  }
0xf6: {  	v40 =	vld [tilespmem:$0x50];
	_ =	sdelay $0x4  }
0xf7: {  	[tilespmem:v10+s26+$0x0] =	vst.idx.msk $0xffff, v40  }
0xf8: {  	v40 =	vld [tilespmem:$0x190];
	_ =	sdelay $0x4  }
0xf9: {  	[tilespmem:v11+s26+$0x0] =	vst.idx.msk $0xffff, v40  }
0xfa: {  	v40 =	vld [tilespmem:$0x60];
	_ =	sdelay $0x4  }
0xfb: {  	[tilespmem:v12+s26+$0x0] =	vst.idx.msk $0xffff, v40  }
0xfc: {  	v40 =	vld [tilespmem:$0x1A0];
	_ =	sdelay $0x4  }
0xfd: {  	[tilespmem:v13+s26+$0x0] =	vst.idx.msk $0xffff, v40  }
0xfe: {  	v40 =	vld [tilespmem:$0x70];
	_ =	sdelay $0x4  }
0xff: {  	[tilespmem:v14+s26+$0x0] =	vst.idx.msk $0xffff, v40  }
0x100: {  	v40 =	vld [tilespmem:$0x1B0];
	_ =	sdelay $0x4  }
0x101: {  	[tilespmem:v15+s26+$0x0] =	vst.idx.msk $0xffff, v40  }
0x102: {  	v40 =	vld [tilespmem:$0x80];
	_ =	sdelay $0x4  }
0x103: {  	[tilespmem:v16+s26+$0x0] =	vst.idx.msk $0xffff, v40  }
0x104: {  	v40 =	vld [tilespmem:$0x1C0];
	_ =	sdelay $0x4  }
0x105: {  	[tilespmem:v17+s26+$0x0] =	vst.idx.msk $0xffff, v40  }
0x106: {  	v40 =	vld [tilespmem:$0x90];
	_ =	sdelay $0x4  }
0x107: {  	[tilespmem:v18+s26+$0x0] =	vst.idx.msk $0xffff, v40  }
0x108: {  	v40 =	vld [tilespmem:$0x1D0];
	_ =	sdelay $0x4  }
0x109: {  	[tilespmem:v19+s26+$0x0] =	vst.idx.msk $0xffff, v40  }
0x10a: {  	v40 =	vld [tilespmem:$0xA0];
	_ =	sdelay $0x4  }
0x10b: {  	[tilespmem:v20+s26+$0x0] =	vst.idx.msk $0xffff, v40  }
0x10c: {  	v40 =	vld [tilespmem:$0x1E0];
	_ =	sdelay $0x4  }
0x10d: {  	[tilespmem:v21+s26+$0x0] =	vst.idx.msk $0xffff, v40  }
0x10e: {  	v40 =	vld [tilespmem:$0xB0];
	_ =	sdelay $0x4  }
0x10f: {  	[tilespmem:v22+s26+$0x0] =	vst.idx.msk $0xffff, v40  }
0x110: {  	v40 =	vld [tilespmem:$0x1F0];
	_ =	sdelay $0x4  }
0x111: {  	[tilespmem:v23+s26+$0x0] =	vst.idx.msk $0xffff, v40  }
0x112: {  	v40 =	vld [tilespmem:$0xC0];
	_ =	sdelay $0x4  }
0x113: {  	[tilespmem:v24+s26+$0x0] =	vst.idx.msk $0xffff, v40  }
0x114: {  	v40 =	vld [tilespmem:$0x200];
	_ =	sdelay $0x4  }
0x115: {  	[tilespmem:v25+s26+$0x0] =	vst.idx.msk $0xffff, v40  }
0x116: {  	v40 =	vld [tilespmem:$0xD0];
	_ =	sdelay $0x4  }
0x117: {  	[tilespmem:v26+s26+$0x0] =	vst.idx.msk $0xffff, v40  }
0x118: {  	v40 =	vld [tilespmem:$0x210];
	_ =	sdelay $0x4  }
0x119: {  	[tilespmem:v27+s26+$0x0] =	vst.idx.msk $0xffff, v40  }
0x11a: {  	v40 =	vld [tilespmem:$0xE0];
	_ =	sdelay $0x4  }
0x11b: {  	[tilespmem:v28+s26+$0x0] =	vst.idx.msk $0xffff, v40  }
0x11c: {  	v40 =	vld [tilespmem:$0x220];
	_ =	sdelay $0x4  }
0x11d: {  	[tilespmem:v29+s26+$0x0] =	vst.idx.msk $0xffff, v40  }
0x11e: {  	v40 =	vld [tilespmem:$0xF0];
	_ =	sdelay $0x4  }
0x11f: {  	[tilespmem:v30+s26+$0x0] =	vst.idx.msk $0xffff, v40  }
0x120: {  	v40 =	vld [tilespmem:$0x230];
	_ =	sdelay $0x4  }
0x121: {  	[tilespmem:v31+s26+$0x0] =	vst.idx.msk $0xffff, v40  }
0x122: {  	v40 =	vld [tilespmem:$0x100];
	_ =	sdelay $0x4  }
0x123: {  	[tilespmem:v32+s26+$0x0] =	vst.idx.msk $0xffff, v40  }
0x124: {  	v40 =	vld [tilespmem:$0x240];
	_ =	sdelay $0x4  }
0x125: {  	[tilespmem:v33+s26+$0x0] =	vst.idx.msk $0xffff, v40  }
0x126: {  	v40 =	vld [tilespmem:$0x110];
	_ =	sdelay $0x4  }
0x127: {  	[tilespmem:v34+s26+$0x0] =	vst.idx.msk $0xffff, v40  }
0x128: {  	v40 =	vld [tilespmem:$0x250];
	_ =	sdelay $0x4  }
0x129: {  	[tilespmem:v35+s26+$0x0] =	vst.idx.msk $0xffff, v40  }
0x12a: {  	v40 =	vld [tilespmem:$0x120];
	_ =	sdelay $0x4  }
0x12b: {  	[tilespmem:v36+s26+$0x0] =	vst.idx.msk $0xffff, v40  }
0x12c: {  	v40 =	vld [tilespmem:$0x260];
	_ =	sdelay $0x4  }
0x12d: {  	[tilespmem:v37+s26+$0x0] =	vst.idx.msk $0xffff, v40  }
0x12e: {  	v40 =	vld [tilespmem:$0x130];
	_ =	sdelay $0x4  }
0x12f: {  	[tilespmem:v38+s26+$0x0] =	vst.idx.msk $0xffff, v40  }
0x130: {  	v40 =	vld [tilespmem:$0x270];
	_ =	sdelay $0x4  }
0x131: {  	[tilespmem:v39+s26+$0x0] =	vst.idx.msk $0xffff, v40  }
0x132: {  	_ =	swait.ge [sflag:s1], $0xA000  }
0x133: {  	[sflag:s1] =	ssyncset.done $0x0  }
0x134: {  	[sflag:s1] =	ssyncadd.s32 $0xFFFF6000  }
0x135: {  	[tilespmem:s28], [sflag:$0x1] =	stream.indirect.gather [hbm4b:s3+s26], $0x40, s26, s26, $0xb8;
	[tilespmem:$0x14780] =	vst v63  }
0x136: {  	_ =	swait.ge [sflag:s29], $0xA000  }
0x137: {  	[sflag:s29] =	ssyncset.done $0x0  }
0x138: {  	s0 =	rddreg [dreg:$0xa];
	[sflag:s29] =	ssyncadd.s32 $0xFFFF6000  }
0x139: {  	[hbm4b:s0+s2] =	stream.linear.scatter [tilespmem:s28], [sflag:$0x2], $0xA000, $0x38;
	[tilespmem:$0x14780] =	vst v63  }
0x13a: {  	s4 =	rddreg [dreg:$0xb]  }
0x13b: {  	[tilespmem:s2], [sflag:$0x3] =	stream.linear.gather [hbm4b:s4+s2], $0x140, $0x38;
	[tilespmem:$0x14780] =	vst v63  }
0x13c: {  	_ =	swait.ge [sflag:s24], $0x140  }
0x13d: {  	[sflag:s24] =	ssyncset.done $0x0  }
0x13e: {  	s4 =	rddreg [dreg:$0xc];
	[sflag:s24] =	ssyncadd.s32 $0xFFFFFEC0  }
0x13f: {  	[tilespmem:s25], [sflag:$0x3] =	stream.linear.gather [hbm4b:s4+s2], $0x140, $0x38;
	[tilespmem:$0x14780] =	vst v63  }
0x140: {  	_ =	swait.ge [sflag:s24], $0x140  }
0x141: {  	[sflag:s24] =	ssyncset.done $0x0  }
0x142: {  	[sflag:s24] =	ssyncadd.s32 $0xFFFFFEC0  }
0x143: {  	v57 =	vld [tilespmem:$0x0];
	_ =	sdelay $0x4  }
0x144: {  	[tilespmem:v0+s30+$0x0] =	vst.idx.msk $0xffff, v57  }
0x145: {  	v40 =	vld [tilespmem:$0x140];
	_ =	sdelay $0x4  }
0x146: {  	[tilespmem:v1+s30+$0x0] =	vst.idx.msk $0xffff, v40  }
0x147: {  	v40 =	vld [tilespmem:$0x10];
	_ =	sdelay $0x4  }
0x148: {  	[tilespmem:v2+s30+$0x0] =	vst.idx.msk $0xffff, v40  }
0x149: {  	v40 =	vld [tilespmem:$0x150];
	_ =	sdelay $0x4  }
0x14a: {  	[tilespmem:v3+s30+$0x0] =	vst.idx.msk $0xffff, v40  }
0x14b: {  	v40 =	vld [tilespmem:$0x20];
	_ =	sdelay $0x4  }
0x14c: {  	[tilespmem:v4+s30+$0x0] =	vst.idx.msk $0xffff, v40  }
0x14d: {  	v40 =	vld [tilespmem:$0x160];
	_ =	sdelay $0x4  }
0x14e: {  	[tilespmem:v5+s30+$0x0] =	vst.idx.msk $0xffff, v40  }
0x14f: {  	v40 =	vld [tilespmem:$0x30];
	_ =	sdelay $0x4  }
0x150: {  	[tilespmem:v6+s30+$0x0] =	vst.idx.msk $0xffff, v40  }
0x151: {  	v40 =	vld [tilespmem:$0x170];
	_ =	sdelay $0x4  }
0x152: {  	[tilespmem:v7+s30+$0x0] =	vst.idx.msk $0xffff, v40  }
0x153: {  	v40 =	vld [tilespmem:$0x40];
	_ =	sdelay $0x4  }
0x154: {  	[tilespmem:v8+s30+$0x0] =	vst.idx.msk $0xffff, v40  }
0x155: {  	v40 =	vld [tilespmem:$0x180];
	_ =	sdelay $0x4  }
0x156: {  	[tilespmem:v9+s30+$0x0] =	vst.idx.msk $0xffff, v40  }
0x157: {  	v40 =	vld [tilespmem:$0x50];
	_ =	sdelay $0x4  }
0x158: {  	[tilespmem:v10+s30+$0x0] =	vst.idx.msk $0xffff, v40  }
0x159: {  	v40 =	vld [tilespmem:$0x190];
	_ =	sdelay $0x4  }
0x15a: {  	[tilespmem:v11+s30+$0x0] =	vst.idx.msk $0xffff, v40  }
0x15b: {  	v40 =	vld [tilespmem:$0x60];
	_ =	sdelay $0x4  }
0x15c: {  	[tilespmem:v12+s30+$0x0] =	vst.idx.msk $0xffff, v40  }
0x15d: {  	v40 =	vld [tilespmem:$0x1A0];
	_ =	sdelay $0x4  }
0x15e: {  	[tilespmem:v13+s30+$0x0] =	vst.idx.msk $0xffff, v40  }
0x15f: {  	v40 =	vld [tilespmem:$0x70];
	_ =	sdelay $0x4  }
0x160: {  	[tilespmem:v14+s30+$0x0] =	vst.idx.msk $0xffff, v40  }
0x161: {  	v40 =	vld [tilespmem:$0x1B0];
	_ =	sdelay $0x4  }
0x162: {  	[tilespmem:v15+s30+$0x0] =	vst.idx.msk $0xffff, v40  }
0x163: {  	v40 =	vld [tilespmem:$0x80];
	_ =	sdelay $0x4  }
0x164: {  	[tilespmem:v16+s30+$0x0] =	vst.idx.msk $0xffff, v40  }
0x165: {  	v40 =	vld [tilespmem:$0x1C0];
	_ =	sdelay $0x4  }
0x166: {  	[tilespmem:v17+s30+$0x0] =	vst.idx.msk $0xffff, v40  }
0x167: {  	v40 =	vld [tilespmem:$0x90];
	_ =	sdelay $0x4  }
0x168: {  	[tilespmem:v18+s30+$0x0] =	vst.idx.msk $0xffff, v40  }
0x169: {  	v40 =	vld [tilespmem:$0x1D0];
	_ =	sdelay $0x4  }
0x16a: {  	[tilespmem:v19+s30+$0x0] =	vst.idx.msk $0xffff, v40  }
0x16b: {  	v40 =	vld [tilespmem:$0xA0];
	_ =	sdelay $0x4  }
0x16c: {  	[tilespmem:v20+s30+$0x0] =	vst.idx.msk $0xffff, v40  }
0x16d: {  	v40 =	vld [tilespmem:$0x1E0];
	_ =	sdelay $0x4  }
0x16e: {  	[tilespmem:v21+s30+$0x0] =	vst.idx.msk $0xffff, v40  }
0x16f: {  	v40 =	vld [tilespmem:$0xB0];
	_ =	sdelay $0x4  }
0x170: {  	[tilespmem:v22+s30+$0x0] =	vst.idx.msk $0xffff, v40  }
0x171: {  	v40 =	vld [tilespmem:$0x1F0];
	_ =	sdelay $0x4  }
0x172: {  	[tilespmem:v23+s30+$0x0] =	vst.idx.msk $0xffff, v40  }
0x173: {  	v40 =	vld [tilespmem:$0xC0];
	_ =	sdelay $0x4  }
0x174: {  	[tilespmem:v24+s30+$0x0] =	vst.idx.msk $0xffff, v40  }
0x175: {  	v40 =	vld [tilespmem:$0x200];
	_ =	sdelay $0x4  }
0x176: {  	[tilespmem:v25+s30+$0x0] =	vst.idx.msk $0xffff, v40  }
0x177: {  	v40 =	vld [tilespmem:$0xD0];
	_ =	sdelay $0x4  }
0x178: {  	[tilespmem:v26+s30+$0x0] =	vst.idx.msk $0xffff, v40  }
0x179: {  	v40 =	vld [tilespmem:$0x210];
	_ =	sdelay $0x4  }
0x17a: {  	[tilespmem:v27+s30+$0x0] =	vst.idx.msk $0xffff, v40  }
0x17b: {  	v40 =	vld [tilespmem:$0xE0];
	_ =	sdelay $0x4  }
0x17c: {  	[tilespmem:v28+s30+$0x0] =	vst.idx.msk $0xffff, v40  }
0x17d: {  	v40 =	vld [tilespmem:$0x220];
	_ =	sdelay $0x4  }
0x17e: {  	[tilespmem:v29+s30+$0x0] =	vst.idx.msk $0xffff, v40  }
0x17f: {  	v40 =	vld [tilespmem:$0xF0];
	_ =	sdelay $0x4  }
0x180: {  	[tilespmem:v30+s30+$0x0] =	vst.idx.msk $0xffff, v40  }
0x181: {  	v40 =	vld [tilespmem:$0x230];
	_ =	sdelay $0x4  }
0x182: {  	[tilespmem:v31+s30+$0x0] =	vst.idx.msk $0xffff, v40  }
0x183: {  	v40 =	vld [tilespmem:$0x100];
	_ =	sdelay $0x4  }
0x184: {  	[tilespmem:v32+s30+$0x0] =	vst.idx.msk $0xffff, v40  }
0x185: {  	v40 =	vld [tilespmem:$0x240];
	_ =	sdelay $0x4  }
0x186: {  	[tilespmem:v33+s30+$0x0] =	vst.idx.msk $0xffff, v40  }
0x187: {  	v40 =	vld [tilespmem:$0x110];
	_ =	sdelay $0x4  }
0x188: {  	[tilespmem:v34+s30+$0x0] =	vst.idx.msk $0xffff, v40  }
0x189: {  	v40 =	vld [tilespmem:$0x250];
	_ =	sdelay $0x4  }
0x18a: {  	[tilespmem:v35+s30+$0x0] =	vst.idx.msk $0xffff, v40  }
0x18b: {  	v40 =	vld [tilespmem:$0x120];
	_ =	sdelay $0x4  }
0x18c: {  	[tilespmem:v36+s30+$0x0] =	vst.idx.msk $0xffff, v40  }
0x18d: {  	v40 =	vld [tilespmem:$0x260];
	_ =	sdelay $0x4  }
0x18e: {  	[tilespmem:v37+s30+$0x0] =	vst.idx.msk $0xffff, v40  }
0x18f: {  	v40 =	vld [tilespmem:$0x130];
	_ =	sdelay $0x4  }
0x190: {  	[tilespmem:v38+s30+$0x0] =	vst.idx.msk $0xffff, v40  }
0x191: {  	v40 =	vld [tilespmem:$0x270];
	_ =	sdelay $0x4  }
0x192: {  	[tilespmem:v39+s30+$0x0] =	vst.idx.msk $0xffff, v40  }
0x193: {  	_ =	swait.ge [sflag:s1], $0xA000  }
0x194: {  	[sflag:s1] =	ssyncset.done $0x0  }
0x195: {  	[sflag:s1] =	ssyncadd.s32 $0xFFFF6000  }
0x196: {  	[tilespmem:s31], [sflag:$0x1] =	stream.indirect.gather [hbm4b:s3+s26], $0x40, s30, s26, $0xb8;
	[tilespmem:$0x14780] =	vst v63  }
0x197: {  	_ =	swait.ge [sflag:s29], $0xA000  }
0x198: {  	[sflag:s29] =	ssyncset.done $0x0  }
0x199: {  	s4 =	rddreg [dreg:$0xd];
	[sflag:s29] =	ssyncadd.s32 $0xFFFF6000  }
0x19a: {  	[hbm4b:s4+s2] =	stream.linear.scatter [tilespmem:s31], [sflag:$0x2], $0xA000, $0x38;
	[tilespmem:$0x14780] =	vst v63  }
0x19b: {  	_ = 	snop  }
0x19c: {  	[tilespmem:s2], [sflag:$0x3] =	stream.linear.gather [hbm4b:s5+s2], $0x140, $0x38;
	[tilespmem:$0x14780] =	vst v63  }
0x19d: {  	_ =	swait.ge [sflag:s24], $0x140  }
0x19e: {  	[sflag:s24] =	ssyncset.done $0x0  }
0x19f: {  	[sflag:s24] =	ssyncadd.s32 $0xFFFFFEC0  }
0x1a0: {  	[tilespmem:s25], [sflag:$0x3] =	stream.linear.gather [hbm4b:s6+s2], $0x140, $0x38;
	[tilespmem:$0x14780] =	vst v63  }
0x1a1: {  	_ =	swait.ge [sflag:s24], $0x140  }
0x1a2: {  	[sflag:s24] =	ssyncset.done $0x0  }
0x1a3: {  	[sflag:s24] =	ssyncadd.s32 $0xFFFFFEC0  }
0x1a4: {  	v58 =	vld [tilespmem:$0x0];
	_ =	sdelay $0x4  }
0x1a5: {  	[tilespmem:v0+s26+$0x0] =	vst.idx.msk $0xffff, v58  }
0x1a6: {  	v40 =	vld [tilespmem:$0x140];
	_ =	sdelay $0x4  }
0x1a7: {  	[tilespmem:v1+s26+$0x0] =	vst.idx.msk $0xffff, v40  }
0x1a8: {  	v40 =	vld [tilespmem:$0x10];
	_ =	sdelay $0x4  }
0x1a9: {  	[tilespmem:v2+s26+$0x0] =	vst.idx.msk $0xffff, v40  }
0x1aa: {  	v40 =	vld [tilespmem:$0x150];
	_ =	sdelay $0x4  }
0x1ab: {  	[tilespmem:v3+s26+$0x0] =	vst.idx.msk $0xffff, v40  }
0x1ac: {  	v40 =	vld [tilespmem:$0x20];
	_ =	sdelay $0x4  }
0x1ad: {  	[tilespmem:v4+s26+$0x0] =	vst.idx.msk $0xffff, v40  }
0x1ae: {  	v40 =	vld [tilespmem:$0x160];
	_ =	sdelay $0x4  }
0x1af: {  	[tilespmem:v5+s26+$0x0] =	vst.idx.msk $0xffff, v40  }
0x1b0: {  	v40 =	vld [tilespmem:$0x30];
	_ =	sdelay $0x4  }
0x1b1: {  	[tilespmem:v6+s26+$0x0] =	vst.idx.msk $0xffff, v40  }
0x1b2: {  	v40 =	vld [tilespmem:$0x170];
	_ =	sdelay $0x4  }
0x1b3: {  	[tilespmem:v7+s26+$0x0] =	vst.idx.msk $0xffff, v40  }
0x1b4: {  	v40 =	vld [tilespmem:$0x40];
	_ =	sdelay $0x4  }
0x1b5: {  	[tilespmem:v8+s26+$0x0] =	vst.idx.msk $0xffff, v40  }
0x1b6: {  	v40 =	vld [tilespmem:$0x180];
	_ =	sdelay $0x4  }
0x1b7: {  	[tilespmem:v9+s26+$0x0] =	vst.idx.msk $0xffff, v40  }
0x1b8: {  	v40 =	vld [tilespmem:$0x50];
	_ =	sdelay $0x4  }
0x1b9: {  	[tilespmem:v10+s26+$0x0] =	vst.idx.msk $0xffff, v40  }
0x1ba: {  	v40 =	vld [tilespmem:$0x190];
	_ =	sdelay $0x4  }
0x1bb: {  	[tilespmem:v11+s26+$0x0] =	vst.idx.msk $0xffff, v40  }
0x1bc: {  	v40 =	vld [tilespmem:$0x60];
	_ =	sdelay $0x4  }
0x1bd: {  	[tilespmem:v12+s26+$0x0] =	vst.idx.msk $0xffff, v40  }
0x1be: {  	v40 =	vld [tilespmem:$0x1A0];
	_ =	sdelay $0x4  }
0x1bf: {  	[tilespmem:v13+s26+$0x0] =	vst.idx.msk $0xffff, v40  }
0x1c0: {  	v40 =	vld [tilespmem:$0x70];
	_ =	sdelay $0x4  }
0x1c1: {  	[tilespmem:v14+s26+$0x0] =	vst.idx.msk $0xffff, v40  }
0x1c2: {  	v40 =	vld [tilespmem:$0x1B0];
	_ =	sdelay $0x4  }
0x1c3: {  	[tilespmem:v15+s26+$0x0] =	vst.idx.msk $0xffff, v40  }
0x1c4: {  	v40 =	vld [tilespmem:$0x80];
	_ =	sdelay $0x4  }
0x1c5: {  	[tilespmem:v16+s26+$0x0] =	vst.idx.msk $0xffff, v40  }
0x1c6: {  	v40 =	vld [tilespmem:$0x1C0];
	_ =	sdelay $0x4  }
0x1c7: {  	[tilespmem:v17+s26+$0x0] =	vst.idx.msk $0xffff, v40  }
0x1c8: {  	v40 =	vld [tilespmem:$0x90];
	_ =	sdelay $0x4  }
0x1c9: {  	[tilespmem:v18+s26+$0x0] =	vst.idx.msk $0xffff, v40  }
0x1ca: {  	v40 =	vld [tilespmem:$0x1D0];
	_ =	sdelay $0x4  }
0x1cb: {  	[tilespmem:v19+s26+$0x0] =	vst.idx.msk $0xffff, v40  }
0x1cc: {  	v40 =	vld [tilespmem:$0xA0];
	_ =	sdelay $0x4  }
0x1cd: {  	[tilespmem:v20+s26+$0x0] =	vst.idx.msk $0xffff, v40  }
0x1ce: {  	v40 =	vld [tilespmem:$0x1E0];
	_ =	sdelay $0x4  }
0x1cf: {  	[tilespmem:v21+s26+$0x0] =	vst.idx.msk $0xffff, v40  }
0x1d0: {  	v40 =	vld [tilespmem:$0xB0];
	_ =	sdelay $0x4  }
0x1d1: {  	[tilespmem:v22+s26+$0x0] =	vst.idx.msk $0xffff, v40  }
0x1d2: {  	v40 =	vld [tilespmem:$0x1F0];
	_ =	sdelay $0x4  }
0x1d3: {  	[tilespmem:v23+s26+$0x0] =	vst.idx.msk $0xffff, v40  }
0x1d4: {  	v40 =	vld [tilespmem:$0xC0];
	_ =	sdelay $0x4  }
0x1d5: {  	[tilespmem:v24+s26+$0x0] =	vst.idx.msk $0xffff, v40  }
0x1d6: {  	v40 =	vld [tilespmem:$0x200];
	_ =	sdelay $0x4  }
0x1d7: {  	[tilespmem:v25+s26+$0x0] =	vst.idx.msk $0xffff, v40  }
0x1d8: {  	v40 =	vld [tilespmem:$0xD0];
	_ =	sdelay $0x4  }
0x1d9: {  	[tilespmem:v26+s26+$0x0] =	vst.idx.msk $0xffff, v40  }
0x1da: {  	v40 =	vld [tilespmem:$0x210];
	_ =	sdelay $0x4  }
0x1db: {  	[tilespmem:v27+s26+$0x0] =	vst.idx.msk $0xffff, v40  }
0x1dc: {  	v40 =	vld [tilespmem:$0xE0];
	_ =	sdelay $0x4  }
0x1dd: {  	[tilespmem:v28+s26+$0x0] =	vst.idx.msk $0xffff, v40  }
0x1de: {  	v40 =	vld [tilespmem:$0x220];
	_ =	sdelay $0x4  }
0x1df: {  	[tilespmem:v29+s26+$0x0] =	vst.idx.msk $0xffff, v40  }
0x1e0: {  	v40 =	vld [tilespmem:$0xF0];
	_ =	sdelay $0x4  }
0x1e1: {  	[tilespmem:v30+s26+$0x0] =	vst.idx.msk $0xffff, v40  }
0x1e2: {  	v40 =	vld [tilespmem:$0x230];
	_ =	sdelay $0x4  }
0x1e3: {  	[tilespmem:v31+s26+$0x0] =	vst.idx.msk $0xffff, v40  }
0x1e4: {  	v40 =	vld [tilespmem:$0x100];
	_ =	sdelay $0x4  }
0x1e5: {  	[tilespmem:v32+s26+$0x0] =	vst.idx.msk $0xffff, v40  }
0x1e6: {  	v40 =	vld [tilespmem:$0x240];
	_ =	sdelay $0x4  }
0x1e7: {  	[tilespmem:v33+s26+$0x0] =	vst.idx.msk $0xffff, v40  }
0x1e8: {  	v40 =	vld [tilespmem:$0x110];
	_ =	sdelay $0x4  }
0x1e9: {  	[tilespmem:v34+s26+$0x0] =	vst.idx.msk $0xffff, v40  }
0x1ea: {  	v40 =	vld [tilespmem:$0x250];
	_ =	sdelay $0x4  }
0x1eb: {  	[tilespmem:v35+s26+$0x0] =	vst.idx.msk $0xffff, v40  }
0x1ec: {  	v40 =	vld [tilespmem:$0x120];
	_ =	sdelay $0x4  }
0x1ed: {  	[tilespmem:v36+s26+$0x0] =	vst.idx.msk $0xffff, v40  }
0x1ee: {  	v40 =	vld [tilespmem:$0x260];
	_ =	sdelay $0x4  }
0x1ef: {  	[tilespmem:v37+s26+$0x0] =	vst.idx.msk $0xffff, v40  }
0x1f0: {  	v40 =	vld [tilespmem:$0x130];
	_ =	sdelay $0x4  }
0x1f1: {  	[tilespmem:v38+s26+$0x0] =	vst.idx.msk $0xffff, v40  }
0x1f2: {  	v40 =	vld [tilespmem:$0x270];
	_ =	sdelay $0x4  }
0x1f3: {  	[tilespmem:v39+s26+$0x0] =	vst.idx.msk $0xffff, v40  }
0x1f4: {  	_ =	swait.ge [sflag:s1], $0xA000  }
0x1f5: {  	[sflag:s1] =	ssyncset.done $0x0  }
0x1f6: {  	[sflag:s1] =	ssyncadd.s32 $0xFFFF6000  }
0x1f7: {  	[tilespmem:s28], [sflag:$0x1] =	stream.indirect.gather [hbm4b:s3+s26], $0x40, s26, s26, $0xb8;
	[tilespmem:$0x14780] =	vst v63  }
0x1f8: {  	_ =	swait.ge [sflag:s29], $0xA000  }
0x1f9: {  	[sflag:s29] =	ssyncset.done $0x0  }
0x1fa: {  	[sflag:s29] =	ssyncadd.s32 $0xFFFF6000  }
0x1fb: {  	[hbm4b:s7+s2] =	stream.linear.scatter [tilespmem:s28], [sflag:$0x2], $0xA000, $0x38;
	[tilespmem:$0x14780] =	vst v63  }
0x1fc: {  	_ = 	snop  }
0x1fd: {  	[tilespmem:s2], [sflag:$0x3] =	stream.linear.gather [hbm4b:s8+s2], $0x140, $0x38;
	[tilespmem:$0x14780] =	vst v63  }
0x1fe: {  	_ =	swait.ge [sflag:s24], $0x140  }
0x1ff: {  	[sflag:s24] =	ssyncset.done $0x0  }
0x200: {  	[sflag:s24] =	ssyncadd.s32 $0xFFFFFEC0  }
0x201: {  	[tilespmem:s25], [sflag:$0x3] =	stream.linear.gather [hbm4b:s9+s2], $0x140, $0x38;
	[tilespmem:$0x14780] =	vst v63  }
0x202: {  	_ =	swait.ge [sflag:s24], $0x140  }
0x203: {  	[sflag:s24] =	ssyncset.done $0x0  }
0x204: {  	[sflag:s24] =	ssyncadd.s32 $0xFFFFFEC0  }
0x205: {  	v59 =	vld [tilespmem:$0x0];
	_ =	sdelay $0x4  }
0x206: {  	[tilespmem:v0+s30+$0x0] =	vst.idx.msk $0xffff, v59  }
0x207: {  	v40 =	vld [tilespmem:$0x140];
	_ =	sdelay $0x4  }
0x208: {  	[tilespmem:v1+s30+$0x0] =	vst.idx.msk $0xffff, v40  }
0x209: {  	v40 =	vld [tilespmem:$0x10];
	_ =	sdelay $0x4  }
0x20a: {  	[tilespmem:v2+s30+$0x0] =	vst.idx.msk $0xffff, v40  }
0x20b: {  	v40 =	vld [tilespmem:$0x150];
	_ =	sdelay $0x4  }
0x20c: {  	[tilespmem:v3+s30+$0x0] =	vst.idx.msk $0xffff, v40  }
0x20d: {  	v40 =	vld [tilespmem:$0x20];
	_ =	sdelay $0x4  }
0x20e: {  	[tilespmem:v4+s30+$0x0] =	vst.idx.msk $0xffff, v40  }
0x20f: {  	v40 =	vld [tilespmem:$0x160];
	_ =	sdelay $0x4  }
0x210: {  	[tilespmem:v5+s30+$0x0] =	vst.idx.msk $0xffff, v40  }
0x211: {  	v40 =	vld [tilespmem:$0x30];
	_ =	sdelay $0x4  }
0x212: {  	[tilespmem:v6+s30+$0x0] =	vst.idx.msk $0xffff, v40  }
0x213: {  	v40 =	vld [tilespmem:$0x170];
	_ =	sdelay $0x4  }
0x214: {  	[tilespmem:v7+s30+$0x0] =	vst.idx.msk $0xffff, v40  }
0x215: {  	v40 =	vld [tilespmem:$0x40];
	_ =	sdelay $0x4  }
0x216: {  	[tilespmem:v8+s30+$0x0] =	vst.idx.msk $0xffff, v40  }
0x217: {  	v40 =	vld [tilespmem:$0x180];
	_ =	sdelay $0x4  }
0x218: {  	[tilespmem:v9+s30+$0x0] =	vst.idx.msk $0xffff, v40  }
0x219: {  	v40 =	vld [tilespmem:$0x50];
	_ =	sdelay $0x4  }
0x21a: {  	[tilespmem:v10+s30+$0x0] =	vst.idx.msk $0xffff, v40  }
0x21b: {  	v40 =	vld [tilespmem:$0x190];
	_ =	sdelay $0x4  }
0x21c: {  	[tilespmem:v11+s30+$0x0] =	vst.idx.msk $0xffff, v40  }
0x21d: {  	v40 =	vld [tilespmem:$0x60];
	_ =	sdelay $0x4  }
0x21e: {  	[tilespmem:v12+s30+$0x0] =	vst.idx.msk $0xffff, v40  }
0x21f: {  	v40 =	vld [tilespmem:$0x1A0];
	_ =	sdelay $0x4  }
0x220: {  	[tilespmem:v13+s30+$0x0] =	vst.idx.msk $0xffff, v40  }
0x221: {  	v40 =	vld [tilespmem:$0x70];
	_ =	sdelay $0x4  }
0x222: {  	[tilespmem:v14+s30+$0x0] =	vst.idx.msk $0xffff, v40  }
0x223: {  	v40 =	vld [tilespmem:$0x1B0];
	_ =	sdelay $0x4  }
0x224: {  	[tilespmem:v15+s30+$0x0] =	vst.idx.msk $0xffff, v40  }
0x225: {  	v40 =	vld [tilespmem:$0x80];
	_ =	sdelay $0x4  }
0x226: {  	[tilespmem:v16+s30+$0x0] =	vst.idx.msk $0xffff, v40  }
0x227: {  	v40 =	vld [tilespmem:$0x1C0];
	_ =	sdelay $0x4  }
0x228: {  	[tilespmem:v17+s30+$0x0] =	vst.idx.msk $0xffff, v40  }
0x229: {  	v40 =	vld [tilespmem:$0x90];
	_ =	sdelay $0x4  }
0x22a: {  	[tilespmem:v18+s30+$0x0] =	vst.idx.msk $0xffff, v40  }
0x22b: {  	v40 =	vld [tilespmem:$0x1D0];
	_ =	sdelay $0x4  }
0x22c: {  	[tilespmem:v19+s30+$0x0] =	vst.idx.msk $0xffff, v40  }
0x22d: {  	v40 =	vld [tilespmem:$0xA0];
	_ =	sdelay $0x4  }
0x22e: {  	[tilespmem:v20+s30+$0x0] =	vst.idx.msk $0xffff, v40  }
0x22f: {  	v40 =	vld [tilespmem:$0x1E0];
	_ =	sdelay $0x4  }
0x230: {  	[tilespmem:v21+s30+$0x0] =	vst.idx.msk $0xffff, v40  }
0x231: {  	v40 =	vld [tilespmem:$0xB0];
	_ =	sdelay $0x4  }
0x232: {  	[tilespmem:v22+s30+$0x0] =	vst.idx.msk $0xffff, v40  }
0x233: {  	v40 =	vld [tilespmem:$0x1F0];
	_ =	sdelay $0x4  }
0x234: {  	[tilespmem:v23+s30+$0x0] =	vst.idx.msk $0xffff, v40  }
0x235: {  	v40 =	vld [tilespmem:$0xC0];
	_ =	sdelay $0x4  }
0x236: {  	[tilespmem:v24+s30+$0x0] =	vst.idx.msk $0xffff, v40  }
0x237: {  	v40 =	vld [tilespmem:$0x200];
	_ =	sdelay $0x4  }
0x238: {  	[tilespmem:v25+s30+$0x0] =	vst.idx.msk $0xffff, v40  }
0x239: {  	v40 =	vld [tilespmem:$0xD0];
	_ =	sdelay $0x4  }
0x23a: {  	[tilespmem:v26+s30+$0x0] =	vst.idx.msk $0xffff, v40  }
0x23b: {  	v40 =	vld [tilespmem:$0x210];
	_ =	sdelay $0x4  }
0x23c: {  	[tilespmem:v27+s30+$0x0] =	vst.idx.msk $0xffff, v40  }
0x23d: {  	v40 =	vld [tilespmem:$0xE0];
	_ =	sdelay $0x4  }
0x23e: {  	[tilespmem:v28+s30+$0x0] =	vst.idx.msk $0xffff, v40  }
0x23f: {  	v40 =	vld [tilespmem:$0x220];
	_ =	sdelay $0x4  }
0x240: {  	[tilespmem:v29+s30+$0x0] =	vst.idx.msk $0xffff, v40  }
0x241: {  	v40 =	vld [tilespmem:$0xF0];
	_ =	sdelay $0x4  }
0x242: {  	[tilespmem:v30+s30+$0x0] =	vst.idx.msk $0xffff, v40  }
0x243: {  	v40 =	vld [tilespmem:$0x230];
	_ =	sdelay $0x4  }
0x244: {  	[tilespmem:v31+s30+$0x0] =	vst.idx.msk $0xffff, v40  }
0x245: {  	v40 =	vld [tilespmem:$0x100];
	_ =	sdelay $0x4  }
0x246: {  	[tilespmem:v32+s30+$0x0] =	vst.idx.msk $0xffff, v40  }
0x247: {  	v40 =	vld [tilespmem:$0x240];
	_ =	sdelay $0x4  }
0x248: {  	[tilespmem:v33+s30+$0x0] =	vst.idx.msk $0xffff, v40  }
0x249: {  	v40 =	vld [tilespmem:$0x110];
	_ =	sdelay $0x4  }
0x24a: {  	[tilespmem:v34+s30+$0x0] =	vst.idx.msk $0xffff, v40  }
0x24b: {  	v40 =	vld [tilespmem:$0x250];
	_ =	sdelay $0x4  }
0x24c: {  	[tilespmem:v35+s30+$0x0] =	vst.idx.msk $0xffff, v40  }
0x24d: {  	v40 =	vld [tilespmem:$0x120];
	_ =	sdelay $0x4  }
0x24e: {  	[tilespmem:v36+s30+$0x0] =	vst.idx.msk $0xffff, v40  }
0x24f: {  	v40 =	vld [tilespmem:$0x260];
	_ =	sdelay $0x4  }
0x250: {  	[tilespmem:v37+s30+$0x0] =	vst.idx.msk $0xffff, v40  }
0x251: {  	v40 =	vld [tilespmem:$0x130];
	_ =	sdelay $0x4  }
0x252: {  	[tilespmem:v38+s30+$0x0] =	vst.idx.msk $0xffff, v40  }
0x253: {  	v40 =	vld [tilespmem:$0x270];
	_ =	sdelay $0x4  }
0x254: {  	[tilespmem:v39+s30+$0x0] =	vst.idx.msk $0xffff, v40  }
0x255: {  	_ =	swait.ge [sflag:s1], $0xA000  }
0x256: {  	[sflag:s1] =	ssyncset.done $0x0  }
0x257: {  	[sflag:s1] =	ssyncadd.s32 $0xFFFF6000  }
0x258: {  	[tilespmem:s31], [sflag:$0x1] =	stream.indirect.gather [hbm4b:s3+s26], $0x40, s30, s26, $0xb8;
	[tilespmem:$0x14780] =	vst v63  }
0x259: {  	_ =	swait.ge [sflag:s29], $0xA000  }
0x25a: {  	[sflag:s29] =	ssyncset.done $0x0  }
0x25b: {  	[sflag:s29] =	ssyncadd.s32 $0xFFFF6000  }
0x25c: {  	[hbm4b:s10+s2] =	stream.linear.scatter [tilespmem:s31], [sflag:$0x2], $0xA000, $0x38;
	[tilespmem:$0x14780] =	vst v63  }
0x25d: {  	_ = 	snop  }
0x25e: {  	[tilespmem:s2], [sflag:$0x3] =	stream.linear.gather [hbm4b:s11+s2], $0x140, $0x38;
	[tilespmem:$0x14780] =	vst v63  }
0x25f: {  	_ =	swait.ge [sflag:s24], $0x140  }
0x260: {  	[sflag:s24] =	ssyncset.done $0x0  }
0x261: {  	[sflag:s24] =	ssyncadd.s32 $0xFFFFFEC0  }
0x262: {  	[tilespmem:s25], [sflag:$0x3] =	stream.linear.gather [hbm4b:s12+s2], $0x140, $0x38;
	[tilespmem:$0x14780] =	vst v63  }
0x263: {  	_ =	swait.ge [sflag:s24], $0x140  }
0x264: {  	[sflag:s24] =	ssyncset.done $0x0  }
0x265: {  	[sflag:s24] =	ssyncadd.s32 $0xFFFFFEC0  }
0x266: {  	v60 =	vld [tilespmem:$0x0];
	_ =	sdelay $0x4  }
0x267: {  	[tilespmem:v0+s26+$0x0] =	vst.idx.msk $0xffff, v60  }
0x268: {  	v40 =	vld [tilespmem:$0x140];
	_ =	sdelay $0x4  }
0x269: {  	[tilespmem:v1+s26+$0x0] =	vst.idx.msk $0xffff, v40  }
0x26a: {  	v40 =	vld [tilespmem:$0x10];
	_ =	sdelay $0x4  }
0x26b: {  	[tilespmem:v2+s26+$0x0] =	vst.idx.msk $0xffff, v40  }
0x26c: {  	v40 =	vld [tilespmem:$0x150];
	_ =	sdelay $0x4  }
0x26d: {  	[tilespmem:v3+s26+$0x0] =	vst.idx.msk $0xffff, v40  }
0x26e: {  	v40 =	vld [tilespmem:$0x20];
	_ =	sdelay $0x4  }
0x26f: {  	[tilespmem:v4+s26+$0x0] =	vst.idx.msk $0xffff, v40  }
0x270: {  	v40 =	vld [tilespmem:$0x160];
	_ =	sdelay $0x4  }
0x271: {  	[tilespmem:v5+s26+$0x0] =	vst.idx.msk $0xffff, v40  }
0x272: {  	v40 =	vld [tilespmem:$0x30];
	_ =	sdelay $0x4  }
0x273: {  	[tilespmem:v6+s26+$0x0] =	vst.idx.msk $0xffff, v40  }
0x274: {  	v40 =	vld [tilespmem:$0x170];
	_ =	sdelay $0x4  }
0x275: {  	[tilespmem:v7+s26+$0x0] =	vst.idx.msk $0xffff, v40  }
0x276: {  	v40 =	vld [tilespmem:$0x40];
	_ =	sdelay $0x4  }
0x277: {  	[tilespmem:v8+s26+$0x0] =	vst.idx.msk $0xffff, v40  }
0x278: {  	v40 =	vld [tilespmem:$0x180];
	_ =	sdelay $0x4  }
0x279: {  	[tilespmem:v9+s26+$0x0] =	vst.idx.msk $0xffff, v40  }
0x27a: {  	v40 =	vld [tilespmem:$0x50];
	_ =	sdelay $0x4  }
0x27b: {  	[tilespmem:v10+s26+$0x0] =	vst.idx.msk $0xffff, v40  }
0x27c: {  	v40 =	vld [tilespmem:$0x190];
	_ =	sdelay $0x4  }
0x27d: {  	[tilespmem:v11+s26+$0x0] =	vst.idx.msk $0xffff, v40  }
0x27e: {  	v40 =	vld [tilespmem:$0x60];
	_ =	sdelay $0x4  }
0x27f: {  	[tilespmem:v12+s26+$0x0] =	vst.idx.msk $0xffff, v40  }
0x280: {  	v40 =	vld [tilespmem:$0x1A0];
	_ =	sdelay $0x4  }
0x281: {  	[tilespmem:v13+s26+$0x0] =	vst.idx.msk $0xffff, v40  }
0x282: {  	v40 =	vld [tilespmem:$0x70];
	_ =	sdelay $0x4  }
0x283: {  	[tilespmem:v14+s26+$0x0] =	vst.idx.msk $0xffff, v40  }
0x284: {  	v40 =	vld [tilespmem:$0x1B0];
	_ =	sdelay $0x4  }
0x285: {  	[tilespmem:v15+s26+$0x0] =	vst.idx.msk $0xffff, v40  }
0x286: {  	v40 =	vld [tilespmem:$0x80];
	_ =	sdelay $0x4  }
0x287: {  	[tilespmem:v16+s26+$0x0] =	vst.idx.msk $0xffff, v40  }
0x288: {  	v40 =	vld [tilespmem:$0x1C0];
	_ =	sdelay $0x4  }
0x289: {  	[tilespmem:v17+s26+$0x0] =	vst.idx.msk $0xffff, v40  }
0x28a: {  	v40 =	vld [tilespmem:$0x90];
	_ =	sdelay $0x4  }
0x28b: {  	[tilespmem:v18+s26+$0x0] =	vst.idx.msk $0xffff, v40  }
0x28c: {  	v40 =	vld [tilespmem:$0x1D0];
	_ =	sdelay $0x4  }
0x28d: {  	[tilespmem:v19+s26+$0x0] =	vst.idx.msk $0xffff, v40  }
0x28e: {  	v40 =	vld [tilespmem:$0xA0];
	_ =	sdelay $0x4  }
0x28f: {  	[tilespmem:v20+s26+$0x0] =	vst.idx.msk $0xffff, v40  }
0x290: {  	v40 =	vld [tilespmem:$0x1E0];
	_ =	sdelay $0x4  }
0x291: {  	[tilespmem:v21+s26+$0x0] =	vst.idx.msk $0xffff, v40  }
0x292: {  	v40 =	vld [tilespmem:$0xB0];
	_ =	sdelay $0x4  }
0x293: {  	[tilespmem:v22+s26+$0x0] =	vst.idx.msk $0xffff, v40  }
0x294: {  	v40 =	vld [tilespmem:$0x1F0];
	_ =	sdelay $0x4  }
0x295: {  	[tilespmem:v23+s26+$0x0] =	vst.idx.msk $0xffff, v40  }
0x296: {  	v40 =	vld [tilespmem:$0xC0];
	_ =	sdelay $0x4  }
0x297: {  	[tilespmem:v24+s26+$0x0] =	vst.idx.msk $0xffff, v40  }
0x298: {  	v40 =	vld [tilespmem:$0x200];
	_ =	sdelay $0x4  }
0x299: {  	[tilespmem:v25+s26+$0x0] =	vst.idx.msk $0xffff, v40  }
0x29a: {  	v40 =	vld [tilespmem:$0xD0];
	_ =	sdelay $0x4  }
0x29b: {  	[tilespmem:v26+s26+$0x0] =	vst.idx.msk $0xffff, v40  }
0x29c: {  	v40 =	vld [tilespmem:$0x210];
	_ =	sdelay $0x4  }
0x29d: {  	[tilespmem:v27+s26+$0x0] =	vst.idx.msk $0xffff, v40  }
0x29e: {  	v40 =	vld [tilespmem:$0xE0];
	_ =	sdelay $0x4  }
0x29f: {  	[tilespmem:v28+s26+$0x0] =	vst.idx.msk $0xffff, v40  }
0x2a0: {  	v40 =	vld [tilespmem:$0x220];
	_ =	sdelay $0x4  }
0x2a1: {  	[tilespmem:v29+s26+$0x0] =	vst.idx.msk $0xffff, v40  }
0x2a2: {  	v40 =	vld [tilespmem:$0xF0];
	_ =	sdelay $0x4  }
0x2a3: {  	[tilespmem:v30+s26+$0x0] =	vst.idx.msk $0xffff, v40  }
0x2a4: {  	v40 =	vld [tilespmem:$0x230];
	_ =	sdelay $0x4  }
0x2a5: {  	[tilespmem:v31+s26+$0x0] =	vst.idx.msk $0xffff, v40  }
0x2a6: {  	v40 =	vld [tilespmem:$0x100];
	_ =	sdelay $0x4  }
0x2a7: {  	[tilespmem:v32+s26+$0x0] =	vst.idx.msk $0xffff, v40  }
0x2a8: {  	v40 =	vld [tilespmem:$0x240];
	_ =	sdelay $0x4  }
0x2a9: {  	[tilespmem:v33+s26+$0x0] =	vst.idx.msk $0xffff, v40  }
0x2aa: {  	v40 =	vld [tilespmem:$0x110];
	_ =	sdelay $0x4  }
0x2ab: {  	[tilespmem:v34+s26+$0x0] =	vst.idx.msk $0xffff, v40  }
0x2ac: {  	v40 =	vld [tilespmem:$0x250];
	_ =	sdelay $0x4  }
0x2ad: {  	[tilespmem:v35+s26+$0x0] =	vst.idx.msk $0xffff, v40  }
0x2ae: {  	v40 =	vld [tilespmem:$0x120];
	_ =	sdelay $0x4  }
0x2af: {  	[tilespmem:v36+s26+$0x0] =	vst.idx.msk $0xffff, v40  }
0x2b0: {  	v40 =	vld [tilespmem:$0x260];
	_ =	sdelay $0x4  }
0x2b1: {  	[tilespmem:v37+s26+$0x0] =	vst.idx.msk $0xffff, v40  }
0x2b2: {  	v40 =	vld [tilespmem:$0x130];
	_ =	sdelay $0x4  }
0x2b3: {  	[tilespmem:v38+s26+$0x0] =	vst.idx.msk $0xffff, v40  }
0x2b4: {  	v40 =	vld [tilespmem:$0x270];
	_ =	sdelay $0x4  }
0x2b5: {  	[tilespmem:v39+s26+$0x0] =	vst.idx.msk $0xffff, v40  }
0x2b6: {  	_ =	swait.ge [sflag:s1], $0xA000  }
0x2b7: {  	[sflag:s1] =	ssyncset.done $0x0  }
0x2b8: {  	[sflag:s1] =	ssyncadd.s32 $0xFFFF6000  }
0x2b9: {  	[tilespmem:s28], [sflag:$0x1] =	stream.indirect.gather [hbm4b:s3+s26], $0x40, s26, s26, $0xb8;
	[tilespmem:$0x14780] =	vst v63  }
0x2ba: {  	_ =	swait.ge [sflag:s29], $0xA000  }
0x2bb: {  	[sflag:s29] =	ssyncset.done $0x0  }
0x2bc: {  	[sflag:s29] =	ssyncadd.s32 $0xFFFF6000  }
0x2bd: {  	[hbm4b:s13+s2] =	stream.linear.scatter [tilespmem:s28], [sflag:$0x2], $0xA000, $0x38;
	[tilespmem:$0x14780] =	vst v63  }
0x2be: {  	_ = 	snop  }
0x2bf: {  	[tilespmem:s2], [sflag:$0x3] =	stream.linear.gather [hbm4b:s14+s2], $0x140, $0x38;
	[tilespmem:$0x14780] =	vst v63  }
0x2c0: {  	_ =	swait.ge [sflag:s24], $0x140  }
0x2c1: {  	[sflag:s24] =	ssyncset.done $0x0  }
0x2c2: {  	[sflag:s24] =	ssyncadd.s32 $0xFFFFFEC0  }
0x2c3: {  	[tilespmem:s25], [sflag:$0x3] =	stream.linear.gather [hbm4b:s15+s2], $0x140, $0x38;
	[tilespmem:$0x14780] =	vst v63  }
0x2c4: {  	_ =	swait.ge [sflag:s24], $0x140  }
0x2c5: {  	[sflag:s24] =	ssyncset.done $0x0  }
0x2c6: {  	[sflag:s24] =	ssyncadd.s32 $0xFFFFFEC0  }
0x2c7: {  	v61 =	vld [tilespmem:$0x0];
	_ =	sdelay $0x4  }
0x2c8: {  	[tilespmem:v0+s30+$0x0] =	vst.idx.msk $0xffff, v61  }
0x2c9: {  	v40 =	vld [tilespmem:$0x140];
	_ =	sdelay $0x4  }
0x2ca: {  	[tilespmem:v1+s30+$0x0] =	vst.idx.msk $0xffff, v40  }
0x2cb: {  	v40 =	vld [tilespmem:$0x10];
	_ =	sdelay $0x4  }
0x2cc: {  	[tilespmem:v2+s30+$0x0] =	vst.idx.msk $0xffff, v40  }
0x2cd: {  	v40 =	vld [tilespmem:$0x150];
	_ =	sdelay $0x4  }
0x2ce: {  	[tilespmem:v3+s30+$0x0] =	vst.idx.msk $0xffff, v40  }
0x2cf: {  	v40 =	vld [tilespmem:$0x20];
	_ =	sdelay $0x4  }
0x2d0: {  	[tilespmem:v4+s30+$0x0] =	vst.idx.msk $0xffff, v40  }
0x2d1: {  	v40 =	vld [tilespmem:$0x160];
	_ =	sdelay $0x4  }
0x2d2: {  	[tilespmem:v5+s30+$0x0] =	vst.idx.msk $0xffff, v40  }
0x2d3: {  	v40 =	vld [tilespmem:$0x30];
	_ =	sdelay $0x4  }
0x2d4: {  	[tilespmem:v6+s30+$0x0] =	vst.idx.msk $0xffff, v40  }
0x2d5: {  	v40 =	vld [tilespmem:$0x170];
	_ =	sdelay $0x4  }
0x2d6: {  	[tilespmem:v7+s30+$0x0] =	vst.idx.msk $0xffff, v40  }
0x2d7: {  	v40 =	vld [tilespmem:$0x40];
	_ =	sdelay $0x4  }
0x2d8: {  	[tilespmem:v8+s30+$0x0] =	vst.idx.msk $0xffff, v40  }
0x2d9: {  	v40 =	vld [tilespmem:$0x180];
	_ =	sdelay $0x4  }
0x2da: {  	[tilespmem:v9+s30+$0x0] =	vst.idx.msk $0xffff, v40  }
0x2db: {  	v40 =	vld [tilespmem:$0x50];
	_ =	sdelay $0x4  }
0x2dc: {  	[tilespmem:v10+s30+$0x0] =	vst.idx.msk $0xffff, v40  }
0x2dd: {  	v40 =	vld [tilespmem:$0x190];
	_ =	sdelay $0x4  }
0x2de: {  	[tilespmem:v11+s30+$0x0] =	vst.idx.msk $0xffff, v40  }
0x2df: {  	v40 =	vld [tilespmem:$0x60];
	_ =	sdelay $0x4  }
0x2e0: {  	[tilespmem:v12+s30+$0x0] =	vst.idx.msk $0xffff, v40  }
0x2e1: {  	v40 =	vld [tilespmem:$0x1A0];
	_ =	sdelay $0x4  }
0x2e2: {  	[tilespmem:v13+s30+$0x0] =	vst.idx.msk $0xffff, v40  }
0x2e3: {  	v40 =	vld [tilespmem:$0x70];
	_ =	sdelay $0x4  }
0x2e4: {  	[tilespmem:v14+s30+$0x0] =	vst.idx.msk $0xffff, v40  }
0x2e5: {  	v40 =	vld [tilespmem:$0x1B0];
	_ =	sdelay $0x4  }
0x2e6: {  	[tilespmem:v15+s30+$0x0] =	vst.idx.msk $0xffff, v40  }
0x2e7: {  	v40 =	vld [tilespmem:$0x80];
	_ =	sdelay $0x4  }
0x2e8: {  	[tilespmem:v16+s30+$0x0] =	vst.idx.msk $0xffff, v40  }
0x2e9: {  	v40 =	vld [tilespmem:$0x1C0];
	_ =	sdelay $0x4  }
0x2ea: {  	[tilespmem:v17+s30+$0x0] =	vst.idx.msk $0xffff, v40  }
0x2eb: {  	v40 =	vld [tilespmem:$0x90];
	_ =	sdelay $0x4  }
0x2ec: {  	[tilespmem:v18+s30+$0x0] =	vst.idx.msk $0xffff, v40  }
0x2ed: {  	v40 =	vld [tilespmem:$0x1D0];
	_ =	sdelay $0x4  }
0x2ee: {  	[tilespmem:v19+s30+$0x0] =	vst.idx.msk $0xffff, v40  }
0x2ef: {  	v40 =	vld [tilespmem:$0xA0];
	_ =	sdelay $0x4  }
0x2f0: {  	[tilespmem:v20+s30+$0x0] =	vst.idx.msk $0xffff, v40  }
0x2f1: {  	v40 =	vld [tilespmem:$0x1E0];
	_ =	sdelay $0x4  }
0x2f2: {  	[tilespmem:v21+s30+$0x0] =	vst.idx.msk $0xffff, v40  }
0x2f3: {  	v40 =	vld [tilespmem:$0xB0];
	_ =	sdelay $0x4  }
0x2f4: {  	[tilespmem:v22+s30+$0x0] =	vst.idx.msk $0xffff, v40  }
0x2f5: {  	v40 =	vld [tilespmem:$0x1F0];
	_ =	sdelay $0x4  }
0x2f6: {  	[tilespmem:v23+s30+$0x0] =	vst.idx.msk $0xffff, v40  }
0x2f7: {  	v40 =	vld [tilespmem:$0xC0];
	_ =	sdelay $0x4  }
0x2f8: {  	[tilespmem:v24+s30+$0x0] =	vst.idx.msk $0xffff, v40  }
0x2f9: {  	v40 =	vld [tilespmem:$0x200];
	_ =	sdelay $0x4  }
0x2fa: {  	[tilespmem:v25+s30+$0x0] =	vst.idx.msk $0xffff, v40  }
0x2fb: {  	v40 =	vld [tilespmem:$0xD0];
	_ =	sdelay $0x4  }
0x2fc: {  	[tilespmem:v26+s30+$0x0] =	vst.idx.msk $0xffff, v40  }
0x2fd: {  	v40 =	vld [tilespmem:$0x210];
	_ =	sdelay $0x4  }
0x2fe: {  	[tilespmem:v27+s30+$0x0] =	vst.idx.msk $0xffff, v40  }
0x2ff: {  	v40 =	vld [tilespmem:$0xE0];
	_ =	sdelay $0x4  }
0x300: {  	[tilespmem:v28+s30+$0x0] =	vst.idx.msk $0xffff, v40  }
0x301: {  	v40 =	vld [tilespmem:$0x220];
	_ =	sdelay $0x4  }
0x302: {  	[tilespmem:v29+s30+$0x0] =	vst.idx.msk $0xffff, v40  }
0x303: {  	v40 =	vld [tilespmem:$0xF0];
	_ =	sdelay $0x4  }
0x304: {  	[tilespmem:v30+s30+$0x0] =	vst.idx.msk $0xffff, v40  }
0x305: {  	v40 =	vld [tilespmem:$0x230];
	_ =	sdelay $0x4  }
0x306: {  	[tilespmem:v31+s30+$0x0] =	vst.idx.msk $0xffff, v40  }
0x307: {  	v40 =	vld [tilespmem:$0x100];
	_ =	sdelay $0x4  }
0x308: {  	[tilespmem:v32+s30+$0x0] =	vst.idx.msk $0xffff, v40  }
0x309: {  	v40 =	vld [tilespmem:$0x240];
	_ =	sdelay $0x4  }
0x30a: {  	[tilespmem:v33+s30+$0x0] =	vst.idx.msk $0xffff, v40  }
0x30b: {  	v40 =	vld [tilespmem:$0x110];
	_ =	sdelay $0x4  }
0x30c: {  	[tilespmem:v34+s30+$0x0] =	vst.idx.msk $0xffff, v40  }
0x30d: {  	v40 =	vld [tilespmem:$0x250];
	_ =	sdelay $0x4  }
0x30e: {  	[tilespmem:v35+s30+$0x0] =	vst.idx.msk $0xffff, v40  }
0x30f: {  	v40 =	vld [tilespmem:$0x120];
	_ =	sdelay $0x4  }
0x310: {  	[tilespmem:v36+s30+$0x0] =	vst.idx.msk $0xffff, v40  }
0x311: {  	v40 =	vld [tilespmem:$0x260];
	_ =	sdelay $0x4  }
0x312: {  	[tilespmem:v37+s30+$0x0] =	vst.idx.msk $0xffff, v40  }
0x313: {  	v40 =	vld [tilespmem:$0x130];
	_ =	sdelay $0x4  }
0x314: {  	[tilespmem:v38+s30+$0x0] =	vst.idx.msk $0xffff, v40  }
0x315: {  	v40 =	vld [tilespmem:$0x270];
	_ =	sdelay $0x4  }
0x316: {  	[tilespmem:v39+s30+$0x0] =	vst.idx.msk $0xffff, v40  }
0x317: {  	_ =	swait.ge [sflag:s1], $0xA000  }
0x318: {  	[sflag:s1] =	ssyncset.done $0x0  }
0x319: {  	[sflag:s1] =	ssyncadd.s32 $0xFFFF6000  }
0x31a: {  	[tilespmem:s31], [sflag:$0x1] =	stream.indirect.gather [hbm4b:s3+s26], $0x40, s30, s26, $0xb8;
	[tilespmem:$0x14780] =	vst v63  }
0x31b: {  	_ =	swait.ge [sflag:s29], $0xA000  }
0x31c: {  	[sflag:s29] =	ssyncset.done $0x0  }
0x31d: {  	[sflag:s29] =	ssyncadd.s32 $0xFFFF6000  }
0x31e: {  	[hbm4b:s16+s2] =	stream.linear.scatter [tilespmem:s31], [sflag:$0x2], $0xA000, $0x38;
	[tilespmem:$0x14780] =	vst v63  }
0x31f: {  	_ = 	snop  }
0x320: {  	[tilespmem:s2], [sflag:$0x3] =	stream.linear.gather [hbm4b:s17+s2], $0x140, $0x38;
	[tilespmem:$0x14780] =	vst v63  }
0x321: {  	_ =	swait.ge [sflag:s24], $0x140  }
0x322: {  	[sflag:s24] =	ssyncset.done $0x0  }
0x323: {  	[sflag:s24] =	ssyncadd.s32 $0xFFFFFEC0  }
0x324: {  	[tilespmem:s25], [sflag:$0x3] =	stream.linear.gather [hbm4b:s18+s2], $0x140, $0x38;
	[tilespmem:$0x14780] =	vst v63  }
0x325: {  	_ =	swait.ge [sflag:s24], $0x140  }
0x326: {  	[sflag:s24] =	ssyncset.done $0x0  }
0x327: {  	[sflag:s24] =	ssyncadd.s32 $0xFFFFFEC0  }
0x328: {  	v62 =	vld [tilespmem:$0x0];
	_ =	sdelay $0x4  }
0x329: {  	[tilespmem:v0+s26+$0x0] =	vst.idx.msk $0xffff, v62  }
0x32a: {  	v40 =	vld [tilespmem:$0x140];
	_ =	sdelay $0x4  }
0x32b: {  	[tilespmem:v1+s26+$0x0] =	vst.idx.msk $0xffff, v40  }
0x32c: {  	v40 =	vld [tilespmem:$0x10];
	_ =	sdelay $0x4  }
0x32d: {  	[tilespmem:v2+s26+$0x0] =	vst.idx.msk $0xffff, v40  }
0x32e: {  	v40 =	vld [tilespmem:$0x150];
	_ =	sdelay $0x4  }
0x32f: {  	[tilespmem:v3+s26+$0x0] =	vst.idx.msk $0xffff, v40  }
0x330: {  	v40 =	vld [tilespmem:$0x20];
	_ =	sdelay $0x4  }
0x331: {  	[tilespmem:v4+s26+$0x0] =	vst.idx.msk $0xffff, v40  }
0x332: {  	v40 =	vld [tilespmem:$0x160];
	_ =	sdelay $0x4  }
0x333: {  	[tilespmem:v5+s26+$0x0] =	vst.idx.msk $0xffff, v40  }
0x334: {  	v40 =	vld [tilespmem:$0x30];
	_ =	sdelay $0x4  }
0x335: {  	[tilespmem:v6+s26+$0x0] =	vst.idx.msk $0xffff, v40  }
0x336: {  	v40 =	vld [tilespmem:$0x170];
	_ =	sdelay $0x4  }
0x337: {  	[tilespmem:v7+s26+$0x0] =	vst.idx.msk $0xffff, v40  }
0x338: {  	v40 =	vld [tilespmem:$0x40];
	_ =	sdelay $0x4  }
0x339: {  	[tilespmem:v8+s26+$0x0] =	vst.idx.msk $0xffff, v40  }
0x33a: {  	v40 =	vld [tilespmem:$0x180];
	_ =	sdelay $0x4  }
0x33b: {  	[tilespmem:v9+s26+$0x0] =	vst.idx.msk $0xffff, v40  }
0x33c: {  	v40 =	vld [tilespmem:$0x50];
	_ =	sdelay $0x4  }
0x33d: {  	[tilespmem:v10+s26+$0x0] =	vst.idx.msk $0xffff, v40  }
0x33e: {  	v40 =	vld [tilespmem:$0x190];
	_ =	sdelay $0x4  }
0x33f: {  	[tilespmem:v11+s26+$0x0] =	vst.idx.msk $0xffff, v40  }
0x340: {  	v40 =	vld [tilespmem:$0x60];
	_ =	sdelay $0x4  }
0x341: {  	[tilespmem:v12+s26+$0x0] =	vst.idx.msk $0xffff, v40  }
0x342: {  	v40 =	vld [tilespmem:$0x1A0];
	_ =	sdelay $0x4  }
0x343: {  	[tilespmem:v13+s26+$0x0] =	vst.idx.msk $0xffff, v40  }
0x344: {  	v40 =	vld [tilespmem:$0x70];
	_ =	sdelay $0x4  }
0x345: {  	[tilespmem:v14+s26+$0x0] =	vst.idx.msk $0xffff, v40  }
0x346: {  	v40 =	vld [tilespmem:$0x1B0];
	_ =	sdelay $0x4  }
0x347: {  	[tilespmem:v15+s26+$0x0] =	vst.idx.msk $0xffff, v40  }
0x348: {  	v40 =	vld [tilespmem:$0x80];
	_ =	sdelay $0x4  }
0x349: {  	[tilespmem:v16+s26+$0x0] =	vst.idx.msk $0xffff, v40  }
0x34a: {  	v40 =	vld [tilespmem:$0x1C0];
	_ =	sdelay $0x4  }
0x34b: {  	[tilespmem:v17+s26+$0x0] =	vst.idx.msk $0xffff, v40  }
0x34c: {  	v40 =	vld [tilespmem:$0x90];
	_ =	sdelay $0x4  }
0x34d: {  	[tilespmem:v18+s26+$0x0] =	vst.idx.msk $0xffff, v40  }
0x34e: {  	v40 =	vld [tilespmem:$0x1D0];
	_ =	sdelay $0x4  }
0x34f: {  	[tilespmem:v19+s26+$0x0] =	vst.idx.msk $0xffff, v40  }
0x350: {  	v40 =	vld [tilespmem:$0xA0];
	_ =	sdelay $0x4  }
0x351: {  	[tilespmem:v20+s26+$0x0] =	vst.idx.msk $0xffff, v40  }
0x352: {  	v40 =	vld [tilespmem:$0x1E0];
	_ =	sdelay $0x4  }
0x353: {  	[tilespmem:v21+s26+$0x0] =	vst.idx.msk $0xffff, v40  }
0x354: {  	v40 =	vld [tilespmem:$0xB0];
	_ =	sdelay $0x4  }
0x355: {  	[tilespmem:v22+s26+$0x0] =	vst.idx.msk $0xffff, v40  }
0x356: {  	v40 =	vld [tilespmem:$0x1F0];
	_ =	sdelay $0x4  }
0x357: {  	[tilespmem:v23+s26+$0x0] =	vst.idx.msk $0xffff, v40  }
0x358: {  	v40 =	vld [tilespmem:$0xC0];
	_ =	sdelay $0x4  }
0x359: {  	[tilespmem:v24+s26+$0x0] =	vst.idx.msk $0xffff, v40  }
0x35a: {  	v40 =	vld [tilespmem:$0x200];
	_ =	sdelay $0x4  }
0x35b: {  	[tilespmem:v25+s26+$0x0] =	vst.idx.msk $0xffff, v40  }
0x35c: {  	v40 =	vld [tilespmem:$0xD0];
	_ =	sdelay $0x4  }
0x35d: {  	[tilespmem:v26+s26+$0x0] =	vst.idx.msk $0xffff, v40  }
0x35e: {  	v40 =	vld [tilespmem:$0x210];
	_ =	sdelay $0x4  }
0x35f: {  	[tilespmem:v27+s26+$0x0] =	vst.idx.msk $0xffff, v40  }
0x360: {  	v40 =	vld [tilespmem:$0xE0];
	_ =	sdelay $0x4  }
0x361: {  	[tilespmem:v28+s26+$0x0] =	vst.idx.msk $0xffff, v40  }
0x362: {  	v40 =	vld [tilespmem:$0x220];
	_ =	sdelay $0x4  }
0x363: {  	[tilespmem:v29+s26+$0x0] =	vst.idx.msk $0xffff, v40  }
0x364: {  	v40 =	vld [tilespmem:$0xF0];
	_ =	sdelay $0x4  }
0x365: {  	[tilespmem:v30+s26+$0x0] =	vst.idx.msk $0xffff, v40  }
0x366: {  	v40 =	vld [tilespmem:$0x230];
	_ =	sdelay $0x4  }
0x367: {  	[tilespmem:v31+s26+$0x0] =	vst.idx.msk $0xffff, v40  }
0x368: {  	v40 =	vld [tilespmem:$0x100];
	_ =	sdelay $0x4  }
0x369: {  	[tilespmem:v32+s26+$0x0] =	vst.idx.msk $0xffff, v40  }
0x36a: {  	v40 =	vld [tilespmem:$0x240];
	_ =	sdelay $0x4  }
0x36b: {  	[tilespmem:v33+s26+$0x0] =	vst.idx.msk $0xffff, v40  }
0x36c: {  	v40 =	vld [tilespmem:$0x110];
	_ =	sdelay $0x4  }
0x36d: {  	[tilespmem:v34+s26+$0x0] =	vst.idx.msk $0xffff, v40  }
0x36e: {  	v40 =	vld [tilespmem:$0x250];
	_ =	sdelay $0x4  }
0x36f: {  	[tilespmem:v35+s26+$0x0] =	vst.idx.msk $0xffff, v40  }
0x370: {  	v40 =	vld [tilespmem:$0x120];
	_ =	sdelay $0x4  }
0x371: {  	[tilespmem:v36+s26+$0x0] =	vst.idx.msk $0xffff, v40  }
0x372: {  	v40 =	vld [tilespmem:$0x260];
	_ =	sdelay $0x4  }
0x373: {  	[tilespmem:v37+s26+$0x0] =	vst.idx.msk $0xffff, v40  }
0x374: {  	v40 =	vld [tilespmem:$0x130];
	_ =	sdelay $0x4  }
0x375: {  	[tilespmem:v38+s26+$0x0] =	vst.idx.msk $0xffff, v40  }
0x376: {  	v40 =	vld [tilespmem:$0x270];
	_ =	sdelay $0x4  }
0x377: {  	[tilespmem:v39+s26+$0x0] =	vst.idx.msk $0xffff, v40  }
0x378: {  	_ =	swait.ge [sflag:s1], $0xA000  }
0x379: {  	[sflag:s1] =	ssyncset.done $0x0  }
0x37a: {  	[sflag:s1] =	ssyncadd.s32 $0xFFFF6000  }
0x37b: {  	[tilespmem:s28], [sflag:$0x1] =	stream.indirect.gather [hbm4b:s3+s26], $0x40, s26, s26, $0xb8;
	[tilespmem:$0x14780] =	vst v63  }
0x37c: {  	_ =	swait.ge [sflag:s29], $0xA000  }
0x37d: {  	[sflag:s29] =	ssyncset.done $0x0  }
0x37e: {  	[sflag:s29] =	ssyncadd.s32 $0xFFFF6000  }
0x37f: {  	[hbm4b:s19+s2] =	stream.linear.scatter [tilespmem:s28], [sflag:$0x2], $0xA000, $0x38;
	[tilespmem:$0x14780] =	vst v63  }
0x380: {  	_ = 	snop  }
0x381: {  	[tilespmem:s2], [sflag:$0x3] =	stream.linear.gather [hbm4b:s20+s2], $0x140, $0x38;
	[tilespmem:$0x14780] =	vst v63  }
0x382: {  	_ =	swait.ge [sflag:s24], $0x140  }
0x383: {  	[sflag:s24] =	ssyncset.done $0x0  }
0x384: {  	[sflag:s24] =	ssyncadd.s32 $0xFFFFFEC0  }
0x385: {  	[tilespmem:s25], [sflag:$0x3] =	stream.linear.gather [hbm4b:s21+s2], $0x140, $0x38;
	[tilespmem:$0x14780] =	vst v63  }
0x386: {  	_ =	swait.ge [sflag:s24], $0x140  }
0x387: {  	[sflag:s24] =	ssyncset.done $0x0  }
0x388: {  	[sflag:s24] =	ssyncadd.s32 $0xFFFFFEC0  }
0x389: {  	v63 =	vld [tilespmem:$0x0];
	_ =	sdelay $0x4  }
0x38a: {  	[tilespmem:v0+s30+$0x0] =	vst.idx.msk $0xffff, v63  }
0x38b: {  	v40 =	vld [tilespmem:$0x140];
	_ =	sdelay $0x4  }
0x38c: {  	[tilespmem:v1+s30+$0x0] =	vst.idx.msk $0xffff, v40  }
0x38d: {  	v40 =	vld [tilespmem:$0x10];
	_ =	sdelay $0x4  }
0x38e: {  	[tilespmem:v2+s30+$0x0] =	vst.idx.msk $0xffff, v40  }
0x38f: {  	v40 =	vld [tilespmem:$0x150];
	_ =	sdelay $0x4  }
0x390: {  	[tilespmem:v3+s30+$0x0] =	vst.idx.msk $0xffff, v40  }
0x391: {  	v40 =	vld [tilespmem:$0x20];
	_ =	sdelay $0x4  }
0x392: {  	[tilespmem:v4+s30+$0x0] =	vst.idx.msk $0xffff, v40  }
0x393: {  	v40 =	vld [tilespmem:$0x160];
	_ =	sdelay $0x4  }
0x394: {  	[tilespmem:v5+s30+$0x0] =	vst.idx.msk $0xffff, v40  }
0x395: {  	v40 =	vld [tilespmem:$0x30];
	_ =	sdelay $0x4  }
0x396: {  	[tilespmem:v6+s30+$0x0] =	vst.idx.msk $0xffff, v40  }
0x397: {  	v40 =	vld [tilespmem:$0x170];
	_ =	sdelay $0x4  }
0x398: {  	[tilespmem:v7+s30+$0x0] =	vst.idx.msk $0xffff, v40  }
0x399: {  	v40 =	vld [tilespmem:$0x40];
	_ =	sdelay $0x4  }
0x39a: {  	[tilespmem:v8+s30+$0x0] =	vst.idx.msk $0xffff, v40  }
0x39b: {  	v40 =	vld [tilespmem:$0x180];
	_ =	sdelay $0x4  }
0x39c: {  	[tilespmem:v9+s30+$0x0] =	vst.idx.msk $0xffff, v40  }
0x39d: {  	v40 =	vld [tilespmem:$0x50];
	_ =	sdelay $0x4  }
0x39e: {  	[tilespmem:v10+s30+$0x0] =	vst.idx.msk $0xffff, v40  }
0x39f: {  	v40 =	vld [tilespmem:$0x190];
	_ =	sdelay $0x4  }
0x3a0: {  	[tilespmem:v11+s30+$0x0] =	vst.idx.msk $0xffff, v40  }
0x3a1: {  	v40 =	vld [tilespmem:$0x60];
	_ =	sdelay $0x4  }
0x3a2: {  	[tilespmem:v12+s30+$0x0] =	vst.idx.msk $0xffff, v40  }
0x3a3: {  	v40 =	vld [tilespmem:$0x1A0];
	_ =	sdelay $0x4  }
0x3a4: {  	[tilespmem:v13+s30+$0x0] =	vst.idx.msk $0xffff, v40  }
0x3a5: {  	v40 =	vld [tilespmem:$0x70];
	_ =	sdelay $0x4  }
0x3a6: {  	[tilespmem:v14+s30+$0x0] =	vst.idx.msk $0xffff, v40  }
0x3a7: {  	v40 =	vld [tilespmem:$0x1B0];
	_ =	sdelay $0x4  }
0x3a8: {  	[tilespmem:v15+s30+$0x0] =	vst.idx.msk $0xffff, v40  }
0x3a9: {  	v40 =	vld [tilespmem:$0x80];
	_ =	sdelay $0x4  }
0x3aa: {  	[tilespmem:v16+s30+$0x0] =	vst.idx.msk $0xffff, v40  }
0x3ab: {  	v40 =	vld [tilespmem:$0x1C0];
	_ =	sdelay $0x4  }
0x3ac: {  	[tilespmem:v17+s30+$0x0] =	vst.idx.msk $0xffff, v40  }
0x3ad: {  	v40 =	vld [tilespmem:$0x90];
	_ =	sdelay $0x4  }
0x3ae: {  	[tilespmem:v18+s30+$0x0] =	vst.idx.msk $0xffff, v40  }
0x3af: {  	v40 =	vld [tilespmem:$0x1D0];
	_ =	sdelay $0x4  }
0x3b0: {  	[tilespmem:v19+s30+$0x0] =	vst.idx.msk $0xffff, v40  }
0x3b1: {  	v40 =	vld [tilespmem:$0xA0];
	_ =	sdelay $0x4  }
0x3b2: {  	[tilespmem:v20+s30+$0x0] =	vst.idx.msk $0xffff, v40  }
0x3b3: {  	v40 =	vld [tilespmem:$0x1E0];
	_ =	sdelay $0x4  }
0x3b4: {  	[tilespmem:v21+s30+$0x0] =	vst.idx.msk $0xffff, v40  }
0x3b5: {  	v40 =	vld [tilespmem:$0xB0];
	_ =	sdelay $0x4  }
0x3b6: {  	[tilespmem:v22+s30+$0x0] =	vst.idx.msk $0xffff, v40  }
0x3b7: {  	v40 =	vld [tilespmem:$0x1F0];
	_ =	sdelay $0x4  }
0x3b8: {  	[tilespmem:v23+s30+$0x0] =	vst.idx.msk $0xffff, v40  }
0x3b9: {  	v40 =	vld [tilespmem:$0xC0];
	_ =	sdelay $0x4  }
0x3ba: {  	[tilespmem:v24+s30+$0x0] =	vst.idx.msk $0xffff, v40  }
0x3bb: {  	v40 =	vld [tilespmem:$0x200];
	_ =	sdelay $0x4  }
0x3bc: {  	[tilespmem:v25+s30+$0x0] =	vst.idx.msk $0xffff, v40  }
0x3bd: {  	v40 =	vld [tilespmem:$0xD0];
	_ =	sdelay $0x4  }
0x3be: {  	[tilespmem:v26+s30+$0x0] =	vst.idx.msk $0xffff, v40  }
0x3bf: {  	v40 =	vld [tilespmem:$0x210];
	_ =	sdelay $0x4  }
0x3c0: {  	[tilespmem:v27+s30+$0x0] =	vst.idx.msk $0xffff, v40  }
0x3c1: {  	v40 =	vld [tilespmem:$0xE0];
	_ =	sdelay $0x4  }
0x3c2: {  	[tilespmem:v28+s30+$0x0] =	vst.idx.msk $0xffff, v40  }
0x3c3: {  	v40 =	vld [tilespmem:$0x220];
	_ =	sdelay $0x4  }
0x3c4: {  	[tilespmem:v29+s30+$0x0] =	vst.idx.msk $0xffff, v40  }
0x3c5: {  	v40 =	vld [tilespmem:$0xF0];
	_ =	sdelay $0x4  }
0x3c6: {  	[tilespmem:v30+s30+$0x0] =	vst.idx.msk $0xffff, v40  }
0x3c7: {  	v40 =	vld [tilespmem:$0x230];
	_ =	sdelay $0x4  }
0x3c8: {  	[tilespmem:v31+s30+$0x0] =	vst.idx.msk $0xffff, v40  }
0x3c9: {  	v40 =	vld [tilespmem:$0x100];
	_ =	sdelay $0x4  }
0x3ca: {  	[tilespmem:v32+s30+$0x0] =	vst.idx.msk $0xffff, v40  }
0x3cb: {  	v40 =	vld [tilespmem:$0x240];
	_ =	sdelay $0x4  }
0x3cc: {  	[tilespmem:v33+s30+$0x0] =	vst.idx.msk $0xffff, v40  }
0x3cd: {  	v40 =	vld [tilespmem:$0x110];
	_ =	sdelay $0x4  }
0x3ce: {  	[tilespmem:v34+s30+$0x0] =	vst.idx.msk $0xffff, v40  }
0x3cf: {  	v40 =	vld [tilespmem:$0x250];
	_ =	sdelay $0x4  }
0x3d0: {  	[tilespmem:v35+s30+$0x0] =	vst.idx.msk $0xffff, v40  }
0x3d1: {  	v40 =	vld [tilespmem:$0x120];
	_ =	sdelay $0x4  }
0x3d2: {  	[tilespmem:v36+s30+$0x0] =	vst.idx.msk $0xffff, v40  }
0x3d3: {  	v40 =	vld [tilespmem:$0x260];
	_ =	sdelay $0x4  }
0x3d4: {  	[tilespmem:v37+s30+$0x0] =	vst.idx.msk $0xffff, v40  }
0x3d5: {  	v40 =	vld [tilespmem:$0x130];
	_ =	sdelay $0x4  }
0x3d6: {  	[tilespmem:v38+s30+$0x0] =	vst.idx.msk $0xffff, v40  }
0x3d7: {  	v40 =	vld [tilespmem:$0x270];
	_ =	sdelay $0x4  }
0x3d8: {  	[tilespmem:v39+s30+$0x0] =	vst.idx.msk $0xffff, v40  }
0x3d9: {  	_ =	swait.ge [sflag:s1], $0xA000  }
0x3da: {  	[sflag:s1] =	ssyncset.done $0x0  }
0x3db: {  	[sflag:s1] =	ssyncadd.s32 $0xFFFF6000  }
0x3dc: {  	[tilespmem:s31], [sflag:$0x1] =	stream.indirect.gather [hbm4b:s3+s26], $0x40, s30, s26, $0xb8;
	[tilespmem:$0x14780] =	vst v63  }
0x3dd: {  	_ =	swait.ge [sflag:s29], $0xA000  }
0x3de: {  	[sflag:s29] =	ssyncset.done $0x0  }
0x3df: {  	[sflag:s29] =	ssyncadd.s32 $0xFFFF6000  }
0x3e0: {  	[hbm4b:s22+s2] =	stream.linear.scatter [tilespmem:s31], [sflag:$0x2], $0xA000, $0x38;
	[tilespmem:$0x14780] =	vst v63  }
0x3e1: {  	p0 =	sne.s32 s23, $0x1;
	_ =	swait.ge [sflag:s1], $0xA000  }
.Ltmp0:
0x3e2: {  	[sflag:s1] =	ssyncset.done $0x0;
	(pc) =	sbr.rel @p0 .LBB2_1-.Ltmp0, $4  }
0x3e3: {  	[sflag:s1] =	ssyncadd.s32 $0xFFFF6000  }
0x3e4: {  	_ =	swait.ge [sflag:s1], $0xA000  }
0x3e5: {  	[sflag:s1] =	ssyncset.done $0x0  }
0x3e6: {  	s23 =	sadd.s32 $0xFFFFFFFF, s23;
	[sflag:s1] =	ssyncadd.s32 $0xFFFF6000  }
0x3e7: {  	_ =	sfence.sel $0x180000  }
0x3e8: {  	[bflag:$0x0] =	sbarrier.arrive $0xFFFF  }
0x3e9: {  	_ =	strace $0x90000047  }
0x3ea: {  	s0 =	stileid.u32;
	[bflag:$0x2] =	sbarrier.arrive $0xFFFF  }
0x3eb: {  	p0 =	sne.s32 s0, $0x0;
	s0 =	rddreg [dreg:$0x1]  }
0x3ec: {  	s0 =	sadd.s32 @!p0 $0x100000, s0  }
0x3ed: {  	[sflag:s0] =	ssyncadd.tile.s32 @!p0 $0x1;
	_ =	shalt  }
.Lfunc_end2:
_tile_overlayer_lowered:
.L_overlay_start_2:
0x3ee: {  	(tag) =	ssettag $0x2  }
0x3ef: {  	s0 =	rddreg [dreg:$0x0];
	s2 =	stileid.u32  }
0x3f0: {  	s1 =	rddreg [dreg:$0x1];
	p0 =	sne.s32 s2, $0x0  }
0x3f1: {  	s3 =	rddreg [dreg:$0x2];
	[bflag:$0x3] =	sbarrier.arrive $0xFFFF;
	s2 =	simm.s32 @!p0 $0x1C03  }
0x3f2: {  	[timem:s3], [sflag:s2] =	dma.local @!p0 [hbm:s0], s1  }
0x3f3: {  	s0 =	simm.s32 @!p0 $0x3  }
0x3f4: {  	_ =	swait.ge @!p0 [sflag:s0], s1  }
0x3f5: {  	s1 =	ssub.s32 @!p0 $0x0, s1;
	[sflag:s0] =	ssyncset.done @!p0 $0x0  }
0x3f6: {  	[sflag:s0] =	ssyncadd.s32 @!p0 s1  }
0x3f7: {  	[bflag:$0x3] =	sbarrier.arrive $0xFFFF  }
0x3f8: {  	_ =	shalt  }

</sc_bundles>
